<compile_context>
chip_gen: v7x
topology: tpu7x:2x2x1
jax: 0.10.2.dev20260603
libtpu: 0.0.44.dev20260713+nightly
codegen_flags: <defaults>
</compile_context>

<pallas_src>
import functools

import jax
import jax.numpy as jnp
from jax import lax
from jax.experimental import pallas as pl
from jax.experimental.pallas import tpu as pltpu
from jax.experimental.pallas import tpu_sc as plsc

BEAM_WIDTH = 8
EOS_ID = 2
BATCH = 64
VOCAB = 100000
ROWS = BATCH * BEAM_WIDTH
NUM_CORES = 2
NUM_SUBCORES = 16
NW = NUM_CORES * NUM_SUBCORES
ROWS_PER_W = ROWS // NW
CW = 3328
VOCAB_SC = 99840
NCH = VOCAB_SC // CW
TAILW = VOCAB - VOCAB_SC
L = 16
GV = 8
NG = CW // (GV * L)
NEG_INF = float("-inf")


def _sc_scan_kernel(logits, tv_hbm, ti_hbm, m_hbm, s_hbm,
                    buf0, buf1, tv_v, ti_v, m_v, s_v, tmin_v, sem0, sem1):
    wid = lax.axis_index("s") * NUM_CORES + lax.axis_index("c")
    base = pl.multiple_of(wid * ROWS_PER_W, 8)
    lane = lax.iota(jnp.int32, L)

    def init_row(r, _):
        tv_v[r] = jnp.full((L,), NEG_INF, jnp.float32)
        ti_v[r] = jnp.zeros((L,), jnp.int32)
        m_v[r] = jnp.full((L,), NEG_INF, jnp.float32)
        s_v[r] = jnp.zeros((L,), jnp.float32)
        tmin_v[r] = jnp.full((L,), NEG_INF, jnp.float32)
        return 0

    lax.fori_loop(0, ROWS_PER_W, init_row, 0)

    def src_slice(c):
        coff = pl.multiple_of(c * CW, 128)
        return logits.at[pl.ds(base, ROWS_PER_W), pl.ds(coff, CW)]

    def process_buffered(src, cbase):
        def do_row(r, _):
            state = (m_v[r], s_v[r], tv_v[r], ti_v[r], tmin_v[r])

            def do_group(g, carry):
                m, s, tval, tidx, tminv = carry
                xs = [src[r, pl.ds((g * GV + k) * L, L)] for k in range(GV)]

                def tree(vals, op):
                    while len(vals) > 1:
                        vals = [op(vals[2 * k], vals[2 * k + 1])
                                for k in range(len(vals) // 2)]
                    return vals[0]

                gm = tree(xs, jnp.maximum)
                mn = jnp.maximum(m, gm)
                es = [jnp.exp(x - mn) for x in xs]
                s = s * jnp.exp(m - mn) + tree(es, jnp.add)

                def merge_one(k, x, tval, tidx, tminv):
                    idx = (cbase + (g * GV + k) * L) + lane
                    xsrt, jsrt = plsc.sort_key_val(x, idx)
                    xr = lax.rev(xsrt, (0,))
                    jr = lax.rev(jsrt, (0,))
                    keep = tval >= xr
                    nv = jnp.where(keep, tval, xr)
                    ni = jnp.where(keep, tidx, jr)
                    tval2, tidx2 = plsc.sort_key_val(nv, ni)
                    tmin2 = jnp.broadcast_to(tval2[L - BEAM_WIDTH], (L,))
                    return tval2, tidx2, tmin2

                def rescan(args):
                    tval, tidx, tminv = args
                    for k in range(GV):
                        tval, tidx, tminv = lax.cond(
                            jnp.any(xs[k] > tminv),
                            lambda a, k=k: merge_one(k, xs[k], *a),
                            lambda a: a,
                            (tval, tidx, tminv))
                    return tval, tidx, tminv

                tval, tidx, tminv = lax.cond(
                    jnp.any(gm > tminv), rescan, lambda a: a,
                    (tval, tidx, tminv))
                return mn, s, tval, tidx, tminv

            m, s, tval, tidx, tminv = lax.fori_loop(
                0, NG, do_group, state, unroll=2)
            m_v[r] = m
            s_v[r] = s
            tv_v[r] = tval
            ti_v[r] = tidx
            tmin_v[r] = tminv
            return 0

        lax.fori_loop(0, ROWS_PER_W, do_row, 0)

    pltpu.async_copy(src_slice(0), buf0, sem0)

    def macro(i, _):
        c0 = 2 * i
        pltpu.async_copy(src_slice(c0 + 1), buf1, sem1)
        pltpu.make_async_copy(src_slice(c0), buf0, sem0).wait()
        process_buffered(buf0, c0 * CW)

        @pl.when(c0 + 2 < NCH)
        def _():
            pltpu.async_copy(src_slice(c0 + 2), buf0, sem0)

        pltpu.make_async_copy(src_slice(c0 + 1), buf1, sem1).wait()
        process_buffered(buf1, (c0 + 1) * CW)
        return 0

    lax.fori_loop(0, NCH // 2, macro, 0)

    pltpu.sync_copy(tv_v, tv_hbm.at[pl.ds(base, ROWS_PER_W)])
    pltpu.sync_copy(ti_v, ti_hbm.at[pl.ds(base, ROWS_PER_W)])
    pltpu.sync_copy(m_v, m_hbm.at[pl.ds(base, ROWS_PER_W)])
    pltpu.sync_copy(s_v, s_hbm.at[pl.ds(base, ROWS_PER_W)])


_sc_scan = functools.partial(
    pl.kernel,
    out_type=[
        jax.ShapeDtypeStruct((ROWS, L), jnp.float32),
        jax.ShapeDtypeStruct((ROWS, L), jnp.int32),
        jax.ShapeDtypeStruct((ROWS, L), jnp.float32),
        jax.ShapeDtypeStruct((ROWS, L), jnp.float32),
    ],
    mesh=plsc.VectorSubcoreMesh(
        core_axis_name="c", subcore_axis_name="s",
        num_cores=NUM_CORES, num_subcores=NUM_SUBCORES),
    compiler_params=pltpu.CompilerParams(needs_layout_passes=False),
    scratch_types=[
        pltpu.VMEM((ROWS_PER_W, CW), jnp.float32),
        pltpu.VMEM((ROWS_PER_W, CW), jnp.float32),
        pltpu.VMEM((ROWS_PER_W, L), jnp.float32),
        pltpu.VMEM((ROWS_PER_W, L), jnp.int32),
        pltpu.VMEM((ROWS_PER_W, L), jnp.float32),
        pltpu.VMEM((ROWS_PER_W, L), jnp.float32),
        pltpu.VMEM((ROWS_PER_W, L), jnp.float32),
        pltpu.SemaphoreType.DMA,
        pltpu.SemaphoreType.DMA,
    ],
)(_sc_scan_kernel)


def _tail_kernel(x_ref, vt_ref, it_ref, mt_ref, st_ref):
    x = x_ref[...]
    r, w = x.shape
    mt = jnp.max(x, axis=1, keepdims=True)
    st = jnp.sum(jnp.exp(x - mt), axis=1, keepdims=True)
    mt_ref[...] = jnp.broadcast_to(mt, (r, BEAM_WIDTH))
    st_ref[...] = jnp.broadcast_to(st, (r, BEAM_WIDTH))
    cols = jax.lax.broadcasted_iota(jnp.int32, (r, w), 1)
    y = x
    vals, idxs = [], []
    for _ in range(BEAM_WIDTH):
        mj = jnp.max(y, axis=1, keepdims=True)
        ij = jnp.min(jnp.where(y == mj, cols, w), axis=1, keepdims=True)
        vals.append(mj)
        idxs.append(VOCAB_SC + ij)
        y = jnp.where(cols == ij, NEG_INF, y)
    vt_ref[...] = jnp.concatenate(vals, axis=1)
    it_ref[...] = jnp.concatenate(idxs, axis=1)


NCAND = L + BEAM_WIDTH


def _finalize_kernel(tv_ref, ti_ref, m_ref, s_ref, vt_ref, it_ref, mt_ref,
                     st_ref, bs_ref, fin_ref, cand_ref, tok_ref):
    tv = tv_ref[...]
    ti = ti_ref[...]
    m = m_ref[...]
    s = s_ref[...]
    vt = vt_ref[...]
    it = it_ref[...]
    mt = mt_ref[:, :1]
    st = st_ref[:, :1]
    bs = bs_ref[:, :1]
    fin = fin_ref[:, :1]

    mm = jnp.maximum(jnp.max(m, axis=1, keepdims=True), mt)
    tot = (jnp.sum(s * jnp.exp(m - mm), axis=1, keepdims=True)
           + st * jnp.exp(mt - mm))
    lse = mm + jnp.log(tot)
    cand24 = jnp.concatenate([tv, vt], axis=1)
    tok24 = jnp.concatenate([ti, it], axis=1)
    live = bs + cand24 - lse
    cols = jax.lax.broadcasted_iota(jnp.int32, (tv.shape[0], NCAND), 1)
    fin_score = jnp.where(cols == 0, bs, NEG_INF)
    cand_ref[...] = jnp.where(fin == 1, fin_score, live)
    tok_ref[...] = jnp.where(fin == 1, EOS_ID, tok24)


def _merge_kernel(cand_ref, tok_ref, fin_ref,
                  score_ref, otok_ref, par_ref, nf_ref):
    cand = cand_ref[...]
    tok = tok_ref[...]
    fin = fin_ref[...]

    n = BEAM_WIDTH * NCAND
    cols = jax.lax.broadcasted_iota(jnp.int32, (BATCH, n), 1)
    bkey = (cols // NCAND) * VOCAB + tok
    big = jnp.int32(0x7FFFFFFF)
    scores, toks, pars, nfs = [], [], [], []
    y = cand
    for _ in range(BEAM_WIDTH):
        mj = jnp.max(y, axis=1, keepdims=True)
        kj = jnp.min(jnp.where(y == mj, bkey, big), axis=1, keepdims=True)
        sel = (y == mj) & (bkey == kj)
        pj = kj // VOCAB
        tj = kj - pj * VOCAB
        fj = jnp.sum(jnp.where(sel, fin, 0), axis=1, keepdims=True)
        scores.append(mj)
        toks.append(tj)
        pars.append(pj)
        nfs.append(jnp.where((fj == 1) | (tj == EOS_ID), 1, 0))
        y = jnp.where(sel, NEG_INF, y)
    score_ref[...] = jnp.concatenate(scores, axis=1)
    otok_ref[...] = jnp.concatenate(toks, axis=1)
    par_ref[...] = jnp.concatenate(pars, axis=1)
    nf_ref[...] = jnp.concatenate(nfs, axis=1)


@jax.jit
def kernel(logits, beam_scores, finished):
    tv, ti, m, s = _sc_scan(logits)

    tail = lax.slice(logits, (0, VOCAB_SC), (ROWS, VOCAB))
    vt, it, mt, st = pl.pallas_call(
        _tail_kernel,
        out_shape=[
            jax.ShapeDtypeStruct((ROWS, BEAM_WIDTH), jnp.float32),
            jax.ShapeDtypeStruct((ROWS, BEAM_WIDTH), jnp.int32),
            jax.ShapeDtypeStruct((ROWS, BEAM_WIDTH), jnp.float32),
            jax.ShapeDtypeStruct((ROWS, BEAM_WIDTH), jnp.float32),
        ],
    )(tail)

    bs24 = jnp.repeat(beam_scores.reshape(ROWS, 1), NCAND, axis=1)
    fin24 = jnp.repeat(
        finished.astype(jnp.int32).reshape(ROWS, 1), NCAND, axis=1)

    cand, tok = pl.pallas_call(
        _finalize_kernel,
        out_shape=[
            jax.ShapeDtypeStruct((ROWS, NCAND), jnp.float32),
            jax.ShapeDtypeStruct((ROWS, NCAND), jnp.int32),
        ],
    )(tv, ti, m, s, vt, it, mt, st, bs24, fin24)

    n = BEAM_WIDTH * NCAND
    scores, toks, pars, nf = pl.pallas_call(
        _merge_kernel,
        out_shape=[
            jax.ShapeDtypeStruct((BATCH, BEAM_WIDTH), jnp.float32),
            jax.ShapeDtypeStruct((BATCH, BEAM_WIDTH), jnp.int32),
            jax.ShapeDtypeStruct((BATCH, BEAM_WIDTH), jnp.int32),
            jax.ShapeDtypeStruct((BATCH, BEAM_WIDTH), jnp.int32),
        ],
    )(cand.reshape(BATCH, n), tok.reshape(BATCH, n), fin24.reshape(BATCH, n))
    return scores, toks, pars, nf.astype(bool)

# --- scband reference (transcript-rebuilt; emitter-appended) ---
"""Pipeline reference for scband-beam-search-optim-45947560132904 (READ-ONLY COPY).

The authoritative reference and input builder live on the scoring server;
editing this copy changes nothing except your own understanding.
"""

import jax, jax.numpy as jnp
import numpy as np

BEAM_WIDTH = 8
EOS_ID = 2
PER_BEAM_K = 32
BATCH = 64
VOCAB = 100000


def setup_inputs(seed: int = 0) -> dict:
    key = jax.random.key(seed)
    k1, k2 = jax.random.split(key)
    logits = jax.random.normal(k1, (BATCH * BEAM_WIDTH, VOCAB), dtype=jnp.float32)
    beam_scores = jax.random.normal(k2, (BATCH, BEAM_WIDTH), dtype=jnp.float32)
    finished = jnp.zeros((BATCH, BEAM_WIDTH), dtype=bool)
    return {"logits": logits, "beam_scores": beam_scores, "finished": finished}


def reference(logits, beam_scores, finished):
    # One beam-search expansion step (the topk-masking core of BeamSearchOptim.batch_translate)
    batch, B = beam_scores.shape
    vocab = logits.shape[-1]
    log_probs = jax.nn.log_softmax(logits, axis=-1).reshape(batch, B, vocab)
    # finished beams: -inf everywhere except eos gets 0.0
    lp = jnp.where(finished[:, :, None], -jnp.inf, log_probs)
    eos_col = jnp.where(finished, 0.0, lp[:, :, EOS_ID])
    lp = lp.at[:, :, EOS_ID].set(eos_col)
    k = PER_BEAM_K
    # per-beam top-k over vocab
    topk_vals, topk_ids = jax.lax.top_k(lp, k)
    # combine with running beam scores and re-topk over flattened candidates
    cand_scores = beam_scores[:, :, None] + topk_vals
    flat_scores = cand_scores.reshape(batch, B * k)
    topk_flat_scores, topk_flat_indices = jax.lax.top_k(flat_scores, B)
    parent_beam_indices = topk_flat_indices // k
    chosen_token_indices = jnp.take_along_axis(
        topk_ids.reshape(batch, B * k), topk_flat_indices, axis=1
    )
    is_eos = chosen_token_indices == EOS_ID
    new_finished = jnp.take_along_axis(finished, parent_beam_indices, axis=1) | is_eos
    return topk_flat_scores, chosen_token_indices, parent_beam_indices, new_finished

if __name__ == "__main__":
    import jax
    _d = setup_inputs()
    print(jax.jit(kernel)(*tuple(_d.values())))

</pallas_src>

<mosaic_0001>
#map = affine_map<(d0, d1) -> (0, 0)>
module attributes {stable_mosaic.version = 14 : i64} {
  func.func @_sc_scan_kernel(%arg0: i32, %arg1: i32, %arg2: memref<512x100000xf32, #tpu.memory_space<hbm>>, %arg3: memref<512x16xf32, #tpu.memory_space<hbm>>, %arg4: memref<512x16xi32, #tpu.memory_space<hbm>>, %arg5: memref<512x16xf32, #tpu.memory_space<hbm>>, %arg6: memref<512x16xf32, #tpu.memory_space<hbm>>, %arg7: memref<16x3328xf32, #tpu.memory_space<vmem>>, %arg8: memref<16x3328xf32, #tpu.memory_space<vmem>>, %arg9: memref<16x16xf32, #tpu.memory_space<vmem>>, %arg10: memref<16x16xi32, #tpu.memory_space<vmem>>, %arg11: memref<16x16xf32, #tpu.memory_space<vmem>>, %arg12: memref<16x16xf32, #tpu.memory_space<vmem>>, %arg13: memref<16x16xf32, #tpu.memory_space<vmem>>, %arg14: memref<!tpu.dma_semaphore, #tpu.memory_space<semaphore_mem>>, %arg15: memref<!tpu.dma_semaphore, #tpu.memory_space<semaphore_mem>>) attributes {dimension_semantics = [#tpu.dimension_semantics<core_parallel>, #tpu.dimension_semantics<subcore_parallel>], iteration_bounds = array<i64: 2, 16>, scalar_prefetch = 0 : i64, scratch_operands = 9 : i64, tpu.core_type = #tpu.core_type<sc_vector_subcore>, window_params = [{transform_indices = #map}, {transform_indices = #map}, {transform_indices = #map}, {transform_indices = #map}, {transform_indices = #map}]} {
    %mul3A = arith.constant 2 : i32
    %mul3A_0 = arith.muli %arg1, %mul3A : i32
    %add3A = arith.addi %mul3A_0, %arg0 : i32
    %mul3A_1 = arith.constant 16 : i32
    %mul3A_2 = arith.muli %add3A, %mul3A_1 : i32
    %multiple_of3A = tpu.assume_multiple %mul3A_2, 8 : i32
    %iota3A = tpu.iota {dimensions = array<i32: 0>} : vector<16xi32>
    %scan3A = arith.constant 0 : i32
    %scan3A_3 = arith.constant 0 : i32
    %scan3A_4 = arith.constant 16 : i32
    %scan3A_5 = arith.addi %scan3A_3, %scan3A_4 : i32
    %scan3A_6 = arith.constant 1 : i32
    %scan3A_7 = scf.for %scan3A_19 = %scan3A_3 to %scan3A_5 step %scan3A_6 iter_args(%scan3A_20 = %scan3A) -> (i32)  : i32 {
      %broadcast_in_dim3A = arith.constant 0xFF800000 : f32
      %broadcast_in_dim3A_21 = vector.broadcast %broadcast_in_dim3A : f32 to vector<16xf32>
      %swap3A = arith.index_cast %scan3A_19 : i32 to index
      %swap3A_22 = arith.constant 0 : index
      %swap3A_23 = tpu.vector_load %arg9[%swap3A, %swap3A_22] {strides = array<i32>} : memref<16x16xf32, #tpu.memory_space<vmem>>, vector<16xf32>,
      tpu.vector_store %arg9[%swap3A, %swap3A_22], %broadcast_in_dim3A_21 {strides = array<i32>} : memref<16x16xf32, #tpu.memory_space<vmem>>, vector<16xf32>,
      %broadcast_in_dim3A_24 = arith.constant 0 : i32
      %broadcast_in_dim3A_25 = vector.broadcast %broadcast_in_dim3A_24 : i32 to vector<16xi32>
      %swap3A_26 = arith.index_cast %scan3A_19 : i32 to index
      %swap3A_27 = arith.constant 0 : index
      %swap3A_28 = tpu.vector_load %arg10[%swap3A_26, %swap3A_27] {strides = array<i32>} : memref<16x16xi32, #tpu.memory_space<vmem>>, vector<16xi32>,
      tpu.vector_store %arg10[%swap3A_26, %swap3A_27], %broadcast_in_dim3A_25 {strides = array<i32>} : memref<16x16xi32, #tpu.memory_space<vmem>>, vector<16xi32>,
      %broadcast_in_dim3A_29 = arith.constant 0xFF800000 : f32
      %broadcast_in_dim3A_30 = vector.broadcast %broadcast_in_dim3A_29 : f32 to vector<16xf32>
      %swap3A_31 = arith.index_cast %scan3A_19 : i32 to index
      %swap3A_32 = arith.constant 0 : index
      %swap3A_33 = tpu.vector_load %arg11[%swap3A_31, %swap3A_32] {strides = array<i32>} : memref<16x16xf32, #tpu.memory_space<vmem>>, vector<16xf32>,
      tpu.vector_store %arg11[%swap3A_31, %swap3A_32], %broadcast_in_dim3A_30 {strides = array<i32>} : memref<16x16xf32, #tpu.memory_space<vmem>>, vector<16xf32>,
      %broadcast_in_dim3A_34 = arith.constant 0.000000e+00 : f32
      %broadcast_in_dim3A_35 = vector.broadcast %broadcast_in_dim3A_34 : f32 to vector<16xf32>
      %swap3A_36 = arith.index_cast %scan3A_19 : i32 to index
      %swap3A_37 = arith.constant 0 : index
      %swap3A_38 = tpu.vector_load %arg12[%swap3A_36, %swap3A_37] {strides = array<i32>} : memref<16x16xf32, #tpu.memory_space<vmem>>, vector<16xf32>,
      tpu.vector_store %arg12[%swap3A_36, %swap3A_37], %broadcast_in_dim3A_35 {strides = array<i32>} : memref<16x16xf32, #tpu.memory_space<vmem>>, vector<16xf32>,
      %broadcast_in_dim3A_39 = arith.constant 0xFF800000 : f32
      %broadcast_in_dim3A_40 = vector.broadcast %broadcast_in_dim3A_39 : f32 to vector<16xf32>
      %swap3A_41 = arith.index_cast %scan3A_19 : i32 to index
      %swap3A_42 = arith.constant 0 : index
      %swap3A_43 = tpu.vector_load %arg13[%swap3A_41, %swap3A_42] {strides = array<i32>} : memref<16x16xf32, #tpu.memory_space<vmem>>, vector<16xf32>,
      tpu.vector_store %arg13[%swap3A_41, %swap3A_42], %broadcast_in_dim3A_40 {strides = array<i32>} : memref<16x16xf32, #tpu.memory_space<vmem>>, vector<16xf32>,
      %scan3A_44 = arith.constant 0 : i32
      scf.yield %scan3A_44 : i32
    }
    %scan3A_8 = arith.constant 16 : i32
    %multiple_of3A_9 = arith.constant 0 : i32
    %multiple_of3A_10 = tpu.assume_multiple %multiple_of3A_9, 128 : i32
    %dma_start3A = tpu.memref_slice %arg2[%multiple_of3A, %multiple_of3A_10] : memref<512x100000xf32, #tpu.memory_space<hbm>> -> memref<16x3328xf32, #tpu.memory_space<hbm>>
    %dma_start3A_11 = tpu.memref_slice %arg2[%multiple_of3A, %multiple_of3A_10] : memref<512x100000xf32, #tpu.memory_space<hbm>> -> memref<16x3328xf32, #tpu.memory_space<hbm>>
    tpu.enqueue_dma source(%dma_start3A_11 : memref<16x3328xf32, #tpu.memory_space<hbm>>) target(%arg7 : memref<16x3328xf32, #tpu.memory_space<vmem>>) target_semaphore(%arg14 : memref<!tpu.dma_semaphore, #tpu.memory_space<semaphore_mem>>)
    %scan3A_12 = arith.constant 0 : i32
    %scan3A_13 = arith.constant 0 : i32
    %scan3A_14 = arith.constant 15 : i32
    %scan3A_15 = arith.addi %scan3A_13, %scan3A_14 : i32
    %scan3A_16 = arith.constant 1 : i32
    %scan3A_17 = scf.for %scan3A_19 = %scan3A_13 to %scan3A_15 step %scan3A_16 iter_args(%scan3A_20 = %scan3A_12) -> (i32)  : i32 {
      %mul3A_21 = arith.constant 2 : i32
      %mul3A_22 = arith.muli %mul3A_21, %scan3A_19 : i32
      %add3A_23 = arith.constant 1 : i32
      %add3A_24 = arith.addi %mul3A_22, %add3A_23 : i32
      %mul3A_25 = arith.constant 3328 : i32
      %mul3A_26 = arith.muli %add3A_24, %mul3A_25 : i32
      %multiple_of3A_27 = tpu.assume_multiple %mul3A_26, 128 : i32
      %dma_start3A_28 = tpu.memref_slice %arg2[%multiple_of3A, %multiple_of3A_27] : memref<512x100000xf32, #tpu.memory_space<hbm>> -> memref<16x3328xf32, #tpu.memory_space<hbm>>
      %dma_start3A_29 = tpu.memref_slice %arg2[%multiple_of3A, %multiple_of3A_27] : memref<512x100000xf32, #tpu.memory_space<hbm>> -> memref<16x3328xf32, #tpu.memory_space<hbm>>
      tpu.enqueue_dma source(%dma_start3A_29 : memref<16x3328xf32, #tpu.memory_space<hbm>>) target(%arg8 : memref<16x3328xf32, #tpu.memory_space<vmem>>) target_semaphore(%arg15 : memref<!tpu.dma_semaphore, #tpu.memory_space<semaphore_mem>>)
      %mul3A_30 = arith.constant 3328 : i32
      %mul3A_31 = arith.muli %mul3A_22, %mul3A_30 : i32
      %multiple_of3A_32 = tpu.assume_multiple %mul3A_31, 128 : i32
      %dma_wait3A = tpu.memref_slice %arg2[%multiple_of3A, %multiple_of3A_32] : memref<512x100000xf32, #tpu.memory_space<hbm>> -> memref<16x3328xf32, #tpu.memory_space<hbm>>
      %dma_wait3A_33 = tpu.memref_slice %arg2[%multiple_of3A, %multiple_of3A_32] : memref<512x100000xf32, #tpu.memory_space<hbm>> -> memref<16x3328xf32, #tpu.memory_space<hbm>>
      tpu.wait_dma2 semaphore(%arg14 : memref<!tpu.dma_semaphore, #tpu.memory_space<semaphore_mem>>) src(%dma_wait3A_33 : memref<16x3328xf32, #tpu.memory_space<hbm>>) dst(%arg7 : memref<16x3328xf32, #tpu.memory_space<vmem>>)
      %mul3A_34 = arith.constant 3328 : i32
      %mul3A_35 = arith.muli %mul3A_22, %mul3A_34 : i32
      %scan3A_36 = arith.constant 0 : i32
      %scan3A_37 = arith.constant 0 : i32
      %scan3A_38 = arith.constant 16 : i32
      %scan3A_39 = arith.addi %scan3A_37, %scan3A_38 : i32
      %scan3A_40 = arith.constant 1 : i32
      %scan3A_41 = scf.for %scan3A_66 = %scan3A_37 to %scan3A_39 step %scan3A_40 iter_args(%scan3A_67 = %scan3A_36) -> (i32)  : i32 {
        %get3A = arith.index_cast %scan3A_66 : i32 to index
        %get3A_68 = arith.constant 0 : index
        %get3A_69 = tpu.vector_load %arg11[%get3A, %get3A_68] {strides = array<i32>} : memref<16x16xf32, #tpu.memory_space<vmem>>, vector<16xf32>,
        %get3A_70 = arith.index_cast %scan3A_66 : i32 to index
        %get3A_71 = arith.constant 0 : index
        %get3A_72 = tpu.vector_load %arg12[%get3A_70, %get3A_71] {strides = array<i32>} : memref<16x16xf32, #tpu.memory_space<vmem>>, vector<16xf32>,
        %get3A_73 = arith.index_cast %scan3A_66 : i32 to index
        %get3A_74 = arith.constant 0 : index
        %get3A_75 = tpu.vector_load %arg9[%get3A_73, %get3A_74] {strides = array<i32>} : memref<16x16xf32, #tpu.memory_space<vmem>>, vector<16xf32>,
        %get3A_76 = arith.index_cast %scan3A_66 : i32 to index
        %get3A_77 = arith.constant 0 : index
        %get3A_78 = tpu.vector_load %arg10[%get3A_76, %get3A_77] {strides = array<i32>} : memref<16x16xi32, #tpu.memory_space<vmem>>, vector<16xi32>,
        %get3A_79 = arith.index_cast %scan3A_66 : i32 to index
        %get3A_80 = arith.constant 0 : index
        %get3A_81 = tpu.vector_load %arg13[%get3A_79, %get3A_80] {strides = array<i32>} : memref<16x16xf32, #tpu.memory_space<vmem>>, vector<16xf32>,
        %scan3A_82 = arith.constant 0 : i32
        %scan3A_83 = arith.constant 26 : i32
        %scan3A_84 = arith.addi %scan3A_82, %scan3A_83 : i32
        %scan3A_85 = arith.constant 2 : i32
        %scan3A_86:5 = scf.for %scan3A_103 = %scan3A_82 to %scan3A_84 step %scan3A_85 iter_args(%scan3A_104 = %get3A_69, %scan3A_105 = %get3A_72, %scan3A_106 = %get3A_75, %scan3A_107 = %get3A_78, %scan3A_108 = %get3A_81) -> (vector<16xf32>, vector<16xf32>, vector<16xf32>, vector<16xi32>, vector<16xf32>)  : i32 {
          %mul3A_109 = arith.constant 8 : i32
          %mul3A_110 = arith.muli %scan3A_103, %mul3A_109 : i32
          %add3A_111 = arith.constant 0 : i32
          %add3A_112 = arith.addi %mul3A_110, %add3A_111 : i32
          %mul3A_113 = arith.constant 16 : i32
          %mul3A_114 = arith.muli %add3A_112, %mul3A_113 : i32
          %get3A_115 = arith.index_cast %scan3A_66 : i32 to index
          %get3A_116 = arith.index_cast %mul3A_114 : i32 to index
          %get3A_117 = tpu.vector_load %arg7[%get3A_115, %get3A_116] {strides = array<i32>} : memref<16x3328xf32, #tpu.memory_space<vmem>>, vector<16xf32>,
          %mul3A_118 = arith.constant 8 : i32
          %mul3A_119 = arith.muli %scan3A_103, %mul3A_118 : i32
          %add3A_120 = arith.constant 1 : i32
          %add3A_121 = arith.addi %mul3A_119, %add3A_120 : i32
          %mul3A_122 = arith.constant 16 : i32
          %mul3A_123 = arith.muli %add3A_121, %mul3A_122 : i32
          %get3A_124 = arith.index_cast %scan3A_66 : i32 to index
          %get3A_125 = arith.index_cast %mul3A_123 : i32 to index
          %get3A_126 = tpu.vector_load %arg7[%get3A_124, %get3A_125] {strides = array<i32>} : memref<16x3328xf32, #tpu.memory_space<vmem>>, vector<16xf32>,
          %mul3A_127 = arith.constant 8 : i32
          %mul3A_128 = arith.muli %scan3A_103, %mul3A_127 : i32
          %add3A_129 = arith.constant 2 : i32
          %add3A_130 = arith.addi %mul3A_128, %add3A_129 : i32
          %mul3A_131 = arith.constant 16 : i32
          %mul3A_132 = arith.muli %add3A_130, %mul3A_131 : i32
          %get3A_133 = arith.index_cast %scan3A_66 : i32 to index
          %get3A_134 = arith.index_cast %mul3A_132 : i32 to index
          %get3A_135 = tpu.vector_load %arg7[%get3A_133, %get3A_134] {strides = array<i32>} : memref<16x3328xf32, #tpu.memory_space<vmem>>, vector<16xf32>,
          %mul3A_136 = arith.constant 8 : i32
          %mul3A_137 = arith.muli %scan3A_103, %mul3A_136 : i32
          %add3A_138 = arith.constant 3 : i32
          %add3A_139 = arith.addi %mul3A_137, %add3A_138 : i32
          %mul3A_140 = arith.constant 16 : i32
          %mul3A_141 = arith.muli %add3A_139, %mul3A_140 : i32
          %get3A_142 = arith.index_cast %scan3A_66 : i32 to index
          %get3A_143 = arith.index_cast %mul3A_141 : i32 to index
          %get3A_144 = tpu.vector_load %arg7[%get3A_142, %get3A_143] {strides = array<i32>} : memref<16x3328xf32, #tpu.memory_space<vmem>>, vector<16xf32>,
          %mul3A_145 = arith.constant 8 : i32
          %mul3A_146 = arith.muli %scan3A_103, %mul3A_145 : i32
          %add3A_147 = arith.constant 4 : i32
          %add3A_148 = arith.addi %mul3A_146, %add3A_147 : i32
          %mul3A_149 = arith.constant 16 : i32
          %mul3A_150 = arith.muli %add3A_148, %mul3A_149 : i32
          %get3A_151 = arith.index_cast %scan3A_66 : i32 to index
          %get3A_152 = arith.index_cast %mul3A_150 : i32 to index
          %get3A_153 = tpu.vector_load %arg7[%get3A_151, %get3A_152] {strides = array<i32>} : memref<16x3328xf32, #tpu.memory_space<vmem>>, vector<16xf32>,
          %mul3A_154 = arith.constant 8 : i32
          %mul3A_155 = arith.muli %scan3A_103, %mul3A_154 : i32
          %add3A_156 = arith.constant 5 : i32
          %add3A_157 = arith.addi %mul3A_155, %add3A_156 : i32
          %mul3A_158 = arith.constant 16 : i32
          %mul3A_159 = arith.muli %add3A_157, %mul3A_158 : i32
          %get3A_160 = arith.index_cast %scan3A_66 : i32 to index
          %get3A_161 = arith.index_cast %mul3A_159 : i32 to index
          %get3A_162 = tpu.vector_load %arg7[%get3A_160, %get3A_161] {strides = array<i32>} : memref<16x3328xf32, #tpu.memory_space<vmem>>, vector<16xf32>,
          %mul3A_163 = arith.constant 8 : i32
          %mul3A_164 = arith.muli %scan3A_103, %mul3A_163 : i32
          %add3A_165 = arith.constant 6 : i32
          %add3A_166 = arith.addi %mul3A_164, %add3A_165 : i32
          %mul3A_167 = arith.constant 16 : i32
          %mul3A_168 = arith.muli %add3A_166, %mul3A_167 : i32
          %get3A_169 = arith.index_cast %scan3A_66 : i32 to index
          %get3A_170 = arith.index_cast %mul3A_168 : i32 to index
          %get3A_171 = tpu.vector_load %arg7[%get3A_169, %get3A_170] {strides = array<i32>} : memref<16x3328xf32, #tpu.memory_space<vmem>>, vector<16xf32>,
          %mul3A_172 = arith.constant 8 : i32
          %mul3A_173 = arith.muli %scan3A_103, %mul3A_172 : i32
          %add3A_174 = arith.constant 7 : i32
          %add3A_175 = arith.addi %mul3A_173, %add3A_174 : i32
          %mul3A_176 = arith.constant 16 : i32
          %mul3A_177 = arith.muli %add3A_175, %mul3A_176 : i32
          %get3A_178 = arith.index_cast %scan3A_66 : i32 to index
          %get3A_179 = arith.index_cast %mul3A_177 : i32 to index
          %get3A_180 = tpu.vector_load %arg7[%get3A_178, %get3A_179] {strides = array<i32>} : memref<16x3328xf32, #tpu.memory_space<vmem>>, vector<16xf32>,
          %max3A = arith.maximumf %get3A_117, %get3A_126 : vector<16xf32>
          %max3A_181 = arith.maximumf %get3A_135, %get3A_144 : vector<16xf32>
          %max3A_182 = arith.maximumf %get3A_153, %get3A_162 : vector<16xf32>
          %max3A_183 = arith.maximumf %get3A_171, %get3A_180 : vector<16xf32>
          %max3A_184 = arith.maximumf %max3A, %max3A_181 : vector<16xf32>
          %max3A_185 = arith.maximumf %max3A_182, %max3A_183 : vector<16xf32>
          %max3A_186 = arith.maximumf %max3A_184, %max3A_185 : vector<16xf32>
          %max3A_187 = arith.maximumf %scan3A_104, %max3A_186 : vector<16xf32>
          %sub3A = arith.subf %get3A_117, %max3A_187 : vector<16xf32>
          %exp3A = math.exp %sub3A : vector<16xf32>
          %sub3A_188 = arith.subf %get3A_126, %max3A_187 : vector<16xf32>
          %exp3A_189 = math.exp %sub3A_188 : vector<16xf32>
          %sub3A_190 = arith.subf %get3A_135, %max3A_187 : vector<16xf32>
          %exp3A_191 = math.exp %sub3A_190 : vector<16xf32>
          %sub3A_192 = arith.subf %get3A_144, %max3A_187 : vector<16xf32>
          %exp3A_193 = math.exp %sub3A_192 : vector<16xf32>
          %sub3A_194 = arith.subf %get3A_153, %max3A_187 : vector<16xf32>
          %exp3A_195 = math.exp %sub3A_194 : vector<16xf32>
          %sub3A_196 = arith.subf %get3A_162, %max3A_187 : vector<16xf32>
          %exp3A_197 = math.exp %sub3A_196 : vector<16xf32>
          %sub3A_198 = arith.subf %get3A_171, %max3A_187 : vector<16xf32>
          %exp3A_199 = math.exp %sub3A_198 : vector<16xf32>
          %sub3A_200 = arith.subf %get3A_180, %max3A_187 : vector<16xf32>
          %exp3A_201 = math.exp %sub3A_200 : vector<16xf32>
          %sub3A_202 = arith.subf %scan3A_104, %max3A_187 : vector<16xf32>
          %exp3A_203 = math.exp %sub3A_202 : vector<16xf32>
          %mul3A_204 = arith.mulf %scan3A_105, %exp3A_203 : vector<16xf32>
          %add3A_205 = arith.addf %exp3A, %exp3A_189 : vector<16xf32>
          %add3A_206 = arith.addf %exp3A_191, %exp3A_193 : vector<16xf32>
          %add3A_207 = arith.addf %exp3A_195, %exp3A_197 : vector<16xf32>
          %add3A_208 = arith.addf %exp3A_199, %exp3A_201 : vector<16xf32>
          %add3A_209 = arith.addf %add3A_205, %add3A_206 : vector<16xf32>
          %add3A_210 = arith.addf %add3A_207, %add3A_208 : vector<16xf32>
          %add3A_211 = arith.addf %add3A_209, %add3A_210 : vector<16xf32>
          %add3A_212 = arith.addf %mul3A_204, %add3A_211 : vector<16xf32>
          %gt3A = arith.cmpf ogt, %max3A_186, %scan3A_108 : vector<16xf32>
          %reduce_or3A = arith.constant 1.000000e+00 : f32
          %reduce_or3A_213 = arith.constant 0.000000e+00 : f32
          %reduce_or3A_214 = vector.broadcast %reduce_or3A : f32 to vector<16xf32>
          %reduce_or3A_215 = vector.broadcast %reduce_or3A_213 : f32 to vector<16xf32>
          %reduce_or3A_216 = arith.select %gt3A, %reduce_or3A_214, %reduce_or3A_215 : vector<16xi1>, vector<16xf32>
          %reduce_or3A_217 = arith.constant true
          %reduce_or3A_218 = vector.broadcast %reduce_or3A_217 : i1 to vector<16xi1>
          %reduce_or3A_219 = tpu.scan <max>, %reduce_or3A_216 masked %reduce_or3A_218 : vector<16xf32>, vector<16xi1> -> vector<16xf32>
          %reduce_or3A_220 = vector.extract %reduce_or3A_219[15] : f32 from vector<16xf32>
          %reduce_or3A_221 = arith.constant 0.000000e+00 : f32
          %reduce_or3A_222 = arith.cmpf ogt, %reduce_or3A_220, %reduce_or3A_221 : f32
          %convert_element_type3A_223 = arith.extui %reduce_or3A_222 : i1 to i32
          %cond3A_224 = arith.constant 0 : i32
          %cond3A_225 = arith.cmpi ne, %convert_element_type3A_223, %cond3A_224 : i32
          %cond3A_226:3 = scf.if %cond3A_225 -> (vector<16xf32>, vector<16xi32>, vector<16xf32>) {
            %gt3A_352 = arith.cmpf ogt, %get3A_117, %scan3A_108 : vector<16xf32>
            %reduce_or3A_353 = arith.constant 1.000000e+00 : f32
            %reduce_or3A_354 = arith.constant 0.000000e+00 : f32
            %reduce_or3A_355 = vector.broadcast %reduce_or3A_353 : f32 to vector<16xf32>
            %reduce_or3A_356 = vector.broadcast %reduce_or3A_354 : f32 to vector<16xf32>
            %reduce_or3A_357 = arith.select %gt3A_352, %reduce_or3A_355, %reduce_or3A_356 : vector<16xi1>, vector<16xf32>
            %reduce_or3A_358 = arith.constant true
            %reduce_or3A_359 = vector.broadcast %reduce_or3A_358 : i1 to vector<16xi1>
            %reduce_or3A_360 = tpu.scan <max>, %reduce_or3A_357 masked %reduce_or3A_359 : vector<16xf32>, vector<16xi1> -> vector<16xf32>
            %reduce_or3A_361 = vector.extract %reduce_or3A_360[15] : f32 from vector<16xf32>
            %reduce_or3A_362 = arith.constant 0.000000e+00 : f32
            %reduce_or3A_363 = arith.cmpf ogt, %reduce_or3A_361, %reduce_or3A_362 : f32
            %convert_element_type3A_364 = arith.extui %reduce_or3A_363 : i1 to i32
            %cond3A_365 = arith.constant 0 : i32
            %cond3A_366 = arith.cmpi ne, %convert_element_type3A_364, %cond3A_365 : i32
            %cond3A_367:3 = scf.if %cond3A_366 -> (vector<16xf32>, vector<16xi32>, vector<16xf32>) {
              %mul3A_480 = arith.constant 8 : i32
              %mul3A_481 = arith.muli %scan3A_103, %mul3A_480 : i32
              %add3A_482 = arith.constant 0 : i32
              %add3A_483 = arith.addi %mul3A_481, %add3A_482 : i32
              %mul3A_484 = arith.constant 16 : i32
              %mul3A_485 = arith.muli %add3A_483, %mul3A_484 : i32
              %add3A_486 = arith.addi %mul3A_35, %mul3A_485 : i32
              %add3A_487 = vector.broadcast %add3A_486 : i32 to vector<16xi32>
              %add3A_488 = arith.addi %add3A_487, %iota3A : vector<16xi32>
              %masked_sort3A = arith.constant dense<true> : vector<16xi1>
              %masked_sort3A_489, %masked_sort3A_490, %masked_sort3A_491 = tpu.sort %get3A_117, %add3A_488 masked %masked_sort3A : (vector<16xf32>, vector<16xi32>, vector<16xi1>) -> (vector<16xi1>, vector<16xf32>, vector<16xi32>)
              %rev3A = arith.constant 15 : i32
              %rev3A_492 = vector.broadcast %rev3A : i32 to vector<16xi32>
              %rev3A_493 = tpu.iota {dimensions = array<i32: 0>} : vector<16xi32>
              %rev3A_494 = arith.subi %rev3A_492, %rev3A_493 : vector<16xi32>
              %rev3A_495 = tpu.dynamic_gather %masked_sort3A_490[%rev3A_494] in [0] : vector<16xf32>, vector<16xi32> -> vector<16xf32>
              %rev3A_496 = arith.constant 15 : i32
              %rev3A_497 = vector.broadcast %rev3A_496 : i32 to vector<16xi32>
              %rev3A_498 = tpu.iota {dimensions = array<i32: 0>} : vector<16xi32>
              %rev3A_499 = arith.subi %rev3A_497, %rev3A_498 : vector<16xi32>
              %rev3A_500 = tpu.dynamic_gather %masked_sort3A_491[%rev3A_499] in [0] : vector<16xi32>, vector<16xi32> -> vector<16xi32>
              %ge3A = arith.cmpf oge, %scan3A_106, %rev3A_495 : vector<16xf32>
              %select_n3A = arith.select %ge3A, %scan3A_106, %rev3A_495 : vector<16xi1>, vector<16xf32>
              %select_n3A_501 = arith.select %ge3A, %scan3A_107, %rev3A_500 : vector<16xi1>, vector<16xi32>
              %masked_sort3A_502 = arith.constant dense<true> : vector<16xi1>
              %masked_sort3A_503, %masked_sort3A_504, %masked_sort3A_505 = tpu.sort %select_n3A, %select_n3A_501 masked %masked_sort3A_502 : (vector<16xf32>, vector<16xi32>, vector<16xi1>) -> (vector<16xi1>, vector<16xf32>, vector<16xi32>)
              %slice3A = vector.extract_strided_slice %masked_sort3A_504 {offsets = [8], sizes = [1], strides = [1]} : vector<16xf32> to vector<1xf32>
              %squeeze3A = vector.extract %slice3A[0] : f32 from vector<1xf32>
              %broadcast_in_dim3A = vector.broadcast %squeeze3A : f32 to vector<16xf32>
              scf.yield %masked_sort3A_504, %masked_sort3A_505, %broadcast_in_dim3A : vector<16xf32>, vector<16xi32>, vector<16xf32>
            } else {
              scf.yield %scan3A_106, %scan3A_107, %scan3A_108 : vector<16xf32>, vector<16xi32>, vector<16xf32>
            }
            %gt3A_368 = arith.cmpf ogt, %get3A_126, %cond3A_367#2 : vector<16xf32>
            %reduce_or3A_369 = arith.constant 1.000000e+00 : f32
            %reduce_or3A_370 = arith.constant 0.000000e+00 : f32
            %reduce_or3A_371 = vector.broadcast %reduce_or3A_369 : f32 to vector<16xf32>
            %reduce_or3A_372 = vector.broadcast %reduce_or3A_370 : f32 to vector<16xf32>
            %reduce_or3A_373 = arith.select %gt3A_368, %reduce_or3A_371, %reduce_or3A_372 : vector<16xi1>, vector<16xf32>
            %reduce_or3A_374 = arith.constant true
            %reduce_or3A_375 = vector.broadcast %reduce_or3A_374 : i1 to vector<16xi1>
            %reduce_or3A_376 = tpu.scan <max>, %reduce_or3A_373 masked %reduce_or3A_375 : vector<16xf32>, vector<16xi1> -> vector<16xf32>
            %reduce_or3A_377 = vector.extract %reduce_or3A_376[15] : f32 from vector<16xf32>
            %reduce_or3A_378 = arith.constant 0.000000e+00 : f32
            %reduce_or3A_379 = arith.cmpf ogt, %reduce_or3A_377, %reduce_or3A_378 : f32
            %convert_element_type3A_380 = arith.extui %reduce_or3A_379 : i1 to i32
            %cond3A_381 = arith.constant 0 : i32
            %cond3A_382 = arith.cmpi ne, %convert_element_type3A_380, %cond3A_381 : i32
            %cond3A_383:3 = scf.if %cond3A_382 -> (vector<16xf32>, vector<16xi32>, vector<16xf32>) {
              %mul3A_480 = arith.constant 8 : i32
              %mul3A_481 = arith.muli %scan3A_103, %mul3A_480 : i32
              %add3A_482 = arith.constant 1 : i32
              %add3A_483 = arith.addi %mul3A_481, %add3A_482 : i32
              %mul3A_484 = arith.constant 16 : i32
              %mul3A_485 = arith.muli %add3A_483, %mul3A_484 : i32
              %add3A_486 = arith.addi %mul3A_35, %mul3A_485 : i32
              %add3A_487 = vector.broadcast %add3A_486 : i32 to vector<16xi32>
              %add3A_488 = arith.addi %add3A_487, %iota3A : vector<16xi32>
              %masked_sort3A = arith.constant dense<true> : vector<16xi1>
              %masked_sort3A_489, %masked_sort3A_490, %masked_sort3A_491 = tpu.sort %get3A_126, %add3A_488 masked %masked_sort3A : (vector<16xf32>, vector<16xi32>, vector<16xi1>) -> (vector<16xi1>, vector<16xf32>, vector<16xi32>)
              %rev3A = arith.constant 15 : i32
              %rev3A_492 = vector.broadcast %rev3A : i32 to vector<16xi32>
              %rev3A_493 = tpu.iota {dimensions = array<i32: 0>} : vector<16xi32>
              %rev3A_494 = arith.subi %rev3A_492, %rev3A_493 : vector<16xi32>
              %rev3A_495 = tpu.dynamic_gather %masked_sort3A_490[%rev3A_494] in [0] : vector<16xf32>, vector<16xi32> -> vector<16xf32>
              %rev3A_496 = arith.constant 15 : i32
              %rev3A_497 = vector.broadcast %rev3A_496 : i32 to vector<16xi32>
              %rev3A_498 = tpu.iota {dimensions = array<i32: 0>} : vector<16xi32>
              %rev3A_499 = arith.subi %rev3A_497, %rev3A_498 : vector<16xi32>
              %rev3A_500 = tpu.dynamic_gather %masked_sort3A_491[%rev3A_499] in [0] : vector<16xi32>, vector<16xi32> -> vector<16xi32>
              %ge3A = arith.cmpf oge, %cond3A_367#0, %rev3A_495 : vector<16xf32>
              %select_n3A = arith.select %ge3A, %cond3A_367#0, %rev3A_495 : vector<16xi1>, vector<16xf32>
              %select_n3A_501 = arith.select %ge3A, %cond3A_367#1, %rev3A_500 : vector<16xi1>, vector<16xi32>
              %masked_sort3A_502 = arith.constant dense<true> : vector<16xi1>
              %masked_sort3A_503, %masked_sort3A_504, %masked_sort3A_505 = tpu.sort %select_n3A, %select_n3A_501 masked %masked_sort3A_502 : (vector<16xf32>, vector<16xi32>, vector<16xi1>) -> (vector<16xi1>, vector<16xf32>, vector<16xi32>)
              %slice3A = vector.extract_strided_slice %masked_sort3A_504 {offsets = [8], sizes = [1], strides = [1]} : vector<16xf32> to vector<1xf32>
              %squeeze3A = vector.extract %slice3A[0] : f32 from vector<1xf32>
              %broadcast_in_dim3A = vector.broadcast %squeeze3A : f32 to vector<16xf32>
              scf.yield %masked_sort3A_504, %masked_sort3A_505, %broadcast_in_dim3A : vector<16xf32>, vector<16xi32>, vector<16xf32>
            } else {
              scf.yield %cond3A_367#0, %cond3A_367#1, %cond3A_367#2 : vector<16xf32>, vector<16xi32>, vector<16xf32>
            }
            %gt3A_384 = arith.cmpf ogt, %get3A_135, %cond3A_383#2 : vector<16xf32>
            %reduce_or3A_385 = arith.constant 1.000000e+00 : f32
            %reduce_or3A_386 = arith.constant 0.000000e+00 : f32
            %reduce_or3A_387 = vector.broadcast %reduce_or3A_385 : f32 to vector<16xf32>
            %reduce_or3A_388 = vector.broadcast %reduce_or3A_386 : f32 to vector<16xf32>
            %reduce_or3A_389 = arith.select %gt3A_384, %reduce_or3A_387, %reduce_or3A_388 : vector<16xi1>, vector<16xf32>
            %reduce_or3A_390 = arith.constant true
            %reduce_or3A_391 = vector.broadcast %reduce_or3A_390 : i1 to vector<16xi1>
            %reduce_or3A_392 = tpu.scan <max>, %reduce_or3A_389 masked %reduce_or3A_391 : vector<16xf32>, vector<16xi1> -> vector<16xf32>
            %reduce_or3A_393 = vector.extract %reduce_or3A_392[15] : f32 from vector<16xf32>
            %reduce_or3A_394 = arith.constant 0.000000e+00 : f32
            %reduce_or3A_395 = arith.cmpf ogt, %reduce_or3A_393, %reduce_or3A_394 : f32
            %convert_element_type3A_396 = arith.extui %reduce_or3A_395 : i1 to i32
            %cond3A_397 = arith.constant 0 : i32
            %cond3A_398 = arith.cmpi ne, %convert_element_type3A_396, %cond3A_397 : i32
            %cond3A_399:3 = scf.if %cond3A_398 -> (vector<16xf32>, vector<16xi32>, vector<16xf32>) {
              %mul3A_480 = arith.constant 8 : i32
              %mul3A_481 = arith.muli %scan3A_103, %mul3A_480 : i32
              %add3A_482 = arith.constant 2 : i32
              %add3A_483 = arith.addi %mul3A_481, %add3A_482 : i32
              %mul3A_484 = arith.constant 16 : i32
              %mul3A_485 = arith.muli %add3A_483, %mul3A_484 : i32
              %add3A_486 = arith.addi %mul3A_35, %mul3A_485 : i32
              %add3A_487 = vector.broadcast %add3A_486 : i32 to vector<16xi32>
              %add3A_488 = arith.addi %add3A_487, %iota3A : vector<16xi32>
              %masked_sort3A = arith.constant dense<true> : vector<16xi1>
              %masked_sort3A_489, %masked_sort3A_490, %masked_sort3A_491 = tpu.sort %get3A_135, %add3A_488 masked %masked_sort3A : (vector<16xf32>, vector<16xi32>, vector<16xi1>) -> (vector<16xi1>, vector<16xf32>, vector<16xi32>)
              %rev3A = arith.constant 15 : i32
              %rev3A_492 = vector.broadcast %rev3A : i32 to vector<16xi32>
              %rev3A_493 = tpu.iota {dimensions = array<i32: 0>} : vector<16xi32>
              %rev3A_494 = arith.subi %rev3A_492, %rev3A_493 : vector<16xi32>
              %rev3A_495 = tpu.dynamic_gather %masked_sort3A_490[%rev3A_494] in [0] : vector<16xf32>, vector<16xi32> -> vector<16xf32>
              %rev3A_496 = arith.constant 15 : i32
              %rev3A_497 = vector.broadcast %rev3A_496 : i32 to vector<16xi32>
              %rev3A_498 = tpu.iota {dimensions = array<i32: 0>} : vector<16xi32>
              %rev3A_499 = arith.subi %rev3A_497, %rev3A_498 : vector<16xi32>
              %rev3A_500 = tpu.dynamic_gather %masked_sort3A_491[%rev3A_499] in [0] : vector<16xi32>, vector<16xi32> -> vector<16xi32>
              %ge3A = arith.cmpf oge, %cond3A_383#0, %rev3A_495 : vector<16xf32>
              %select_n3A = arith.select %ge3A, %cond3A_383#0, %rev3A_495 : vector<16xi1>, vector<16xf32>
              %select_n3A_501 = arith.select %ge3A, %cond3A_383#1, %rev3A_500 : vector<16xi1>, vector<16xi32>
              %masked_sort3A_502 = arith.constant dense<true> : vector<16xi1>
              %masked_sort3A_503, %masked_sort3A_504, %masked_sort3A_505 = tpu.sort %select_n3A, %select_n3A_501 masked %masked_sort3A_502 : (vector<16xf32>, vector<16xi32>, vector<16xi1>) -> (vector<16xi1>, vector<16xf32>, vector<16xi32>)
              %slice3A = vector.extract_strided_slice %masked_sort3A_504 {offsets = [8], sizes = [1], strides = [1]} : vector<16xf32> to vector<1xf32>
              %squeeze3A = vector.extract %slice3A[0] : f32 from vector<1xf32>
              %broadcast_in_dim3A = vector.broadcast %squeeze3A : f32 to vector<16xf32>
              scf.yield %masked_sort3A_504, %masked_sort3A_505, %broadcast_in_dim3A : vector<16xf32>, vector<16xi32>, vector<16xf32>
            } else {
              scf.yield %cond3A_383#0, %cond3A_383#1, %cond3A_383#2 : vector<16xf32>, vector<16xi32>, vector<16xf32>
            }
            %gt3A_400 = arith.cmpf ogt, %get3A_144, %cond3A_399#2 : vector<16xf32>
            %reduce_or3A_401 = arith.constant 1.000000e+00 : f32
            %reduce_or3A_402 = arith.constant 0.000000e+00 : f32
            %reduce_or3A_403 = vector.broadcast %reduce_or3A_401 : f32 to vector<16xf32>
            %reduce_or3A_404 = vector.broadcast %reduce_or3A_402 : f32 to vector<16xf32>
            %reduce_or3A_405 = arith.select %gt3A_400, %reduce_or3A_403, %reduce_or3A_404 : vector<16xi1>, vector<16xf32>
            %reduce_or3A_406 = arith.constant true
            %reduce_or3A_407 = vector.broadcast %reduce_or3A_406 : i1 to vector<16xi1>
            %reduce_or3A_408 = tpu.scan <max>, %reduce_or3A_405 masked %reduce_or3A_407 : vector<16xf32>, vector<16xi1> -> vector<16xf32>
            %reduce_or3A_409 = vector.extract %reduce_or3A_408[15] : f32 from vector<16xf32>
            %reduce_or3A_410 = arith.constant 0.000000e+00 : f32
            %reduce_or3A_411 = arith.cmpf ogt, %reduce_or3A_409, %reduce_or3A_410 : f32
            %convert_element_type3A_412 = arith.extui %reduce_or3A_411 : i1 to i32
            %cond3A_413 = arith.constant 0 : i32
            %cond3A_414 = arith.cmpi ne, %convert_element_type3A_412, %cond3A_413 : i32
            %cond3A_415:3 = scf.if %cond3A_414 -> (vector<16xf32>, vector<16xi32>, vector<16xf32>) {
              %mul3A_480 = arith.constant 8 : i32
              %mul3A_481 = arith.muli %scan3A_103, %mul3A_480 : i32
              %add3A_482 = arith.constant 3 : i32
              %add3A_483 = arith.addi %mul3A_481, %add3A_482 : i32
              %mul3A_484 = arith.constant 16 : i32
              %mul3A_485 = arith.muli %add3A_483, %mul3A_484 : i32
              %add3A_486 = arith.addi %mul3A_35, %mul3A_485 : i32
              %add3A_487 = vector.broadcast %add3A_486 : i32 to vector<16xi32>
              %add3A_488 = arith.addi %add3A_487, %iota3A : vector<16xi32>
              %masked_sort3A = arith.constant dense<true> : vector<16xi1>
              %masked_sort3A_489, %masked_sort3A_490, %masked_sort3A_491 = tpu.sort %get3A_144, %add3A_488 masked %masked_sort3A : (vector<16xf32>, vector<16xi32>, vector<16xi1>) -> (vector<16xi1>, vector<16xf32>, vector<16xi32>)
              %rev3A = arith.constant 15 : i32
              %rev3A_492 = vector.broadcast %rev3A : i32 to vector<16xi32>
              %rev3A_493 = tpu.iota {dimensions = array<i32: 0>} : vector<16xi32>
              %rev3A_494 = arith.subi %rev3A_492, %rev3A_493 : vector<16xi32>
              %rev3A_495 = tpu.dynamic_gather %masked_sort3A_490[%rev3A_494] in [0] : vector<16xf32>, vector<16xi32> -> vector<16xf32>
              %rev3A_496 = arith.constant 15 : i32
              %rev3A_497 = vector.broadcast %rev3A_496 : i32 to vector<16xi32>
              %rev3A_498 = tpu.iota {dimensions = array<i32: 0>} : vector<16xi32>
              %rev3A_499 = arith.subi %rev3A_497, %rev3A_498 : vector<16xi32>
              %rev3A_500 = tpu.dynamic_gather %masked_sort3A_491[%rev3A_499] in [0] : vector<16xi32>, vector<16xi32> -> vector<16xi32>
              %ge3A = arith.cmpf oge, %cond3A_399#0, %rev3A_495 : vector<16xf32>
              %select_n3A = arith.select %ge3A, %cond3A_399#0, %rev3A_495 : vector<16xi1>, vector<16xf32>
              %select_n3A_501 = arith.select %ge3A, %cond3A_399#1, %rev3A_500 : vector<16xi1>, vector<16xi32>
              %masked_sort3A_502 = arith.constant dense<true> : vector<16xi1>
              %masked_sort3A_503, %masked_sort3A_504, %masked_sort3A_505 = tpu.sort %select_n3A, %select_n3A_501 masked %masked_sort3A_502 : (vector<16xf32>, vector<16xi32>, vector<16xi1>) -> (vector<16xi1>, vector<16xf32>, vector<16xi32>)
              %slice3A = vector.extract_strided_slice %masked_sort3A_504 {offsets = [8], sizes = [1], strides = [1]} : vector<16xf32> to vector<1xf32>
              %squeeze3A = vector.extract %slice3A[0] : f32 from vector<1xf32>
              %broadcast_in_dim3A = vector.broadcast %squeeze3A : f32 to vector<16xf32>
              scf.yield %masked_sort3A_504, %masked_sort3A_505, %broadcast_in_dim3A : vector<16xf32>, vector<16xi32>, vector<16xf32>
            } else {
              scf.yield %cond3A_399#0, %cond3A_399#1, %cond3A_399#2 : vector<16xf32>, vector<16xi32>, vector<16xf32>
            }
            %gt3A_416 = arith.cmpf ogt, %get3A_153, %cond3A_415#2 : vector<16xf32>
            %reduce_or3A_417 = arith.constant 1.000000e+00 : f32
            %reduce_or3A_418 = arith.constant 0.000000e+00 : f32
            %reduce_or3A_419 = vector.broadcast %reduce_or3A_417 : f32 to vector<16xf32>
            %reduce_or3A_420 = vector.broadcast %reduce_or3A_418 : f32 to vector<16xf32>
            %reduce_or3A_421 = arith.select %gt3A_416, %reduce_or3A_419, %reduce_or3A_420 : vector<16xi1>, vector<16xf32>
            %reduce_or3A_422 = arith.constant true
            %reduce_or3A_423 = vector.broadcast %reduce_or3A_422 : i1 to vector<16xi1>
            %reduce_or3A_424 = tpu.scan <max>, %reduce_or3A_421 masked %reduce_or3A_423 : vector<16xf32>, vector<16xi1> -> vector<16xf32>
            %reduce_or3A_425 = vector.extract %reduce_or3A_424[15] : f32 from vector<16xf32>
            %reduce_or3A_426 = arith.constant 0.000000e+00 : f32
            %reduce_or3A_427 = arith.cmpf ogt, %reduce_or3A_425, %reduce_or3A_426 : f32
            %convert_element_type3A_428 = arith.extui %reduce_or3A_427 : i1 to i32
            %cond3A_429 = arith.constant 0 : i32
            %cond3A_430 = arith.cmpi ne, %convert_element_type3A_428, %cond3A_429 : i32
            %cond3A_431:3 = scf.if %cond3A_430 -> (vector<16xf32>, vector<16xi32>, vector<16xf32>) {
              %mul3A_480 = arith.constant 8 : i32
              %mul3A_481 = arith.muli %scan3A_103, %mul3A_480 : i32
              %add3A_482 = arith.constant 4 : i32
              %add3A_483 = arith.addi %mul3A_481, %add3A_482 : i32
              %mul3A_484 = arith.constant 16 : i32
              %mul3A_485 = arith.muli %add3A_483, %mul3A_484 : i32
              %add3A_486 = arith.addi %mul3A_35, %mul3A_485 : i32
              %add3A_487 = vector.broadcast %add3A_486 : i32 to vector<16xi32>
              %add3A_488 = arith.addi %add3A_487, %iota3A : vector<16xi32>
              %masked_sort3A = arith.constant dense<true> : vector<16xi1>
              %masked_sort3A_489, %masked_sort3A_490, %masked_sort3A_491 = tpu.sort %get3A_153, %add3A_488 masked %masked_sort3A : (vector<16xf32>, vector<16xi32>, vector<16xi1>) -> (vector<16xi1>, vector<16xf32>, vector<16xi32>)
              %rev3A = arith.constant 15 : i32
              %rev3A_492 = vector.broadcast %rev3A : i32 to vector<16xi32>
              %rev3A_493 = tpu.iota {dimensions = array<i32: 0>} : vector<16xi32>
              %rev3A_494 = arith.subi %rev3A_492, %rev3A_493 : vector<16xi32>
              %rev3A_495 = tpu.dynamic_gather %masked_sort3A_490[%rev3A_494] in [0] : vector<16xf32>, vector<16xi32> -> vector<16xf32>
              %rev3A_496 = arith.constant 15 : i32
              %rev3A_497 = vector.broadcast %rev3A_496 : i32 to vector<16xi32>
              %rev3A_498 = tpu.iota {dimensions = array<i32: 0>} : vector<16xi32>
              %rev3A_499 = arith.subi %rev3A_497, %rev3A_498 : vector<16xi32>
              %rev3A_500 = tpu.dynamic_gather %masked_sort3A_491[%rev3A_499] in [0] : vector<16xi32>, vector<16xi32> -> vector<16xi32>
              %ge3A = arith.cmpf oge, %cond3A_415#0, %rev3A_495 : vector<16xf32>
              %select_n3A = arith.select %ge3A, %cond3A_415#0, %rev3A_495 : vector<16xi1>, vector<16xf32>
              %select_n3A_501 = arith.select %ge3A, %cond3A_415#1, %rev3A_500 : vector<16xi1>, vector<16xi32>
              %masked_sort3A_502 = arith.constant dense<true> : vector<16xi1>
              %masked_sort3A_503, %masked_sort3A_504, %masked_sort3A_505 = tpu.sort %select_n3A, %select_n3A_501 masked %masked_sort3A_502 : (vector<16xf32>, vector<16xi32>, vector<16xi1>) -> (vector<16xi1>, vector<16xf32>, vector<16xi32>)
              %slice3A = vector.extract_strided_slice %masked_sort3A_504 {offsets = [8], sizes = [1], strides = [1]} : vector<16xf32> to vector<1xf32>
              %squeeze3A = vector.extract %slice3A[0] : f32 from vector<1xf32>
              %broadcast_in_dim3A = vector.broadcast %squeeze3A : f32 to vector<16xf32>
              scf.yield %masked_sort3A_504, %masked_sort3A_505, %broadcast_in_dim3A : vector<16xf32>, vector<16xi32>, vector<16xf32>
            } else {
              scf.yield %cond3A_415#0, %cond3A_415#1, %cond3A_415#2 : vector<16xf32>, vector<16xi32>, vector<16xf32>
            }
            %gt3A_432 = arith.cmpf ogt, %get3A_162, %cond3A_431#2 : vector<16xf32>
            %reduce_or3A_433 = arith.constant 1.000000e+00 : f32
            %reduce_or3A_434 = arith.constant 0.000000e+00 : f32
            %reduce_or3A_435 = vector.broadcast %reduce_or3A_433 : f32 to vector<16xf32>
            %reduce_or3A_436 = vector.broadcast %reduce_or3A_434 : f32 to vector<16xf32>
            %reduce_or3A_437 = arith.select %gt3A_432, %reduce_or3A_435, %reduce_or3A_436 : vector<16xi1>, vector<16xf32>
            %reduce_or3A_438 = arith.constant true
            %reduce_or3A_439 = vector.broadcast %reduce_or3A_438 : i1 to vector<16xi1>
            %reduce_or3A_440 = tpu.scan <max>, %reduce_or3A_437 masked %reduce_or3A_439 : vector<16xf32>, vector<16xi1> -> vector<16xf32>
            %reduce_or3A_441 = vector.extract %reduce_or3A_440[15] : f32 from vector<16xf32>
            %reduce_or3A_442 = arith.constant 0.000000e+00 : f32
            %reduce_or3A_443 = arith.cmpf ogt, %reduce_or3A_441, %reduce_or3A_442 : f32
            %convert_element_type3A_444 = arith.extui %reduce_or3A_443 : i1 to i32
            %cond3A_445 = arith.constant 0 : i32
            %cond3A_446 = arith.cmpi ne, %convert_element_type3A_444, %cond3A_445 : i32
            %cond3A_447:3 = scf.if %cond3A_446 -> (vector<16xf32>, vector<16xi32>, vector<16xf32>) {
              %mul3A_480 = arith.constant 8 : i32
              %mul3A_481 = arith.muli %scan3A_103, %mul3A_480 : i32
              %add3A_482 = arith.constant 5 : i32
              %add3A_483 = arith.addi %mul3A_481, %add3A_482 : i32
              %mul3A_484 = arith.constant 16 : i32
              %mul3A_485 = arith.muli %add3A_483, %mul3A_484 : i32
              %add3A_486 = arith.addi %mul3A_35, %mul3A_485 : i32
              %add3A_487 = vector.broadcast %add3A_486 : i32 to vector<16xi32>
              %add3A_488 = arith.addi %add3A_487, %iota3A : vector<16xi32>
              %masked_sort3A = arith.constant dense<true> : vector<16xi1>
              %masked_sort3A_489, %masked_sort3A_490, %masked_sort3A_491 = tpu.sort %get3A_162, %add3A_488 masked %masked_sort3A : (vector<16xf32>, vector<16xi32>, vector<16xi1>) -> (vector<16xi1>, vector<16xf32>, vector<16xi32>)
              %rev3A = arith.constant 15 : i32
              %rev3A_492 = vector.broadcast %rev3A : i32 to vector<16xi32>
              %rev3A_493 = tpu.iota {dimensions = array<i32: 0>} : vector<16xi32>
              %rev3A_494 = arith.subi %rev3A_492, %rev3A_493 : vector<16xi32>
              %rev3A_495 = tpu.dynamic_gather %masked_sort3A_490[%rev3A_494] in [0] : vector<16xf32>, vector<16xi32> -> vector<16xf32>
              %rev3A_496 = arith.constant 15 : i32
              %rev3A_497 = vector.broadcast %rev3A_496 : i32 to vector<16xi32>
              %rev3A_498 = tpu.iota {dimensions = array<i32: 0>} : vector<16xi32>
              %rev3A_499 = arith.subi %rev3A_497, %rev3A_498 : vector<16xi32>
              %rev3A_500 = tpu.dynamic_gather %masked_sort3A_491[%rev3A_499] in [0] : vector<16xi32>, vector<16xi32> -> vector<16xi32>
              %ge3A = arith.cmpf oge, %cond3A_431#0, %rev3A_495 : vector<16xf32>
              %select_n3A = arith.select %ge3A, %cond3A_431#0, %rev3A_495 : vector<16xi1>, vector<16xf32>
              %select_n3A_501 = arith.select %ge3A, %cond3A_431#1, %rev3A_500 : vector<16xi1>, vector<16xi32>
              %masked_sort3A_502 = arith.constant dense<true> : vector<16xi1>
              %masked_sort3A_503, %masked_sort3A_504, %masked_sort3A_505 = tpu.sort %select_n3A, %select_n3A_501 masked %masked_sort3A_502 : (vector<16xf32>, vector<16xi32>, vector<16xi1>) -> (vector<16xi1>, vector<16xf32>, vector<16xi32>)
              %slice3A = vector.extract_strided_slice %masked_sort3A_504 {offsets = [8], sizes = [1], strides = [1]} : vector<16xf32> to vector<1xf32>
              %squeeze3A = vector.extract %slice3A[0] : f32 from vector<1xf32>
              %broadcast_in_dim3A = vector.broadcast %squeeze3A : f32 to vector<16xf32>
              scf.yield %masked_sort3A_504, %masked_sort3A_505, %broadcast_in_dim3A : vector<16xf32>, vector<16xi32>, vector<16xf32>
            } else {
              scf.yield %cond3A_431#0, %cond3A_431#1, %cond3A_431#2 : vector<16xf32>, vector<16xi32>, vector<16xf32>
            }
            %gt3A_448 = arith.cmpf ogt, %get3A_171, %cond3A_447#2 : vector<16xf32>
            %reduce_or3A_449 = arith.constant 1.000000e+00 : f32
            %reduce_or3A_450 = arith.constant 0.000000e+00 : f32
            %reduce_or3A_451 = vector.broadcast %reduce_or3A_449 : f32 to vector<16xf32>
            %reduce_or3A_452 = vector.broadcast %reduce_or3A_450 : f32 to vector<16xf32>
            %reduce_or3A_453 = arith.select %gt3A_448, %reduce_or3A_451, %reduce_or3A_452 : vector<16xi1>, vector<16xf32>
            %reduce_or3A_454 = arith.constant true
            %reduce_or3A_455 = vector.broadcast %reduce_or3A_454 : i1 to vector<16xi1>
            %reduce_or3A_456 = tpu.scan <max>, %reduce_or3A_453 masked %reduce_or3A_455 : vector<16xf32>, vector<16xi1> -> vector<16xf32>
            %reduce_or3A_457 = vector.extract %reduce_or3A_456[15] : f32 from vector<16xf32>
            %reduce_or3A_458 = arith.constant 0.000000e+00 : f32
            %reduce_or3A_459 = arith.cmpf ogt, %reduce_or3A_457, %reduce_or3A_458 : f32
            %convert_element_type3A_460 = arith.extui %reduce_or3A_459 : i1 to i32
            %cond3A_461 = arith.constant 0 : i32
            %cond3A_462 = arith.cmpi ne, %convert_element_type3A_460, %cond3A_461 : i32
            %cond3A_463:3 = scf.if %cond3A_462 -> (vector<16xf32>, vector<16xi32>, vector<16xf32>) {
              %mul3A_480 = arith.constant 8 : i32
              %mul3A_481 = arith.muli %scan3A_103, %mul3A_480 : i32
              %add3A_482 = arith.constant 6 : i32
              %add3A_483 = arith.addi %mul3A_481, %add3A_482 : i32
              %mul3A_484 = arith.constant 16 : i32
              %mul3A_485 = arith.muli %add3A_483, %mul3A_484 : i32
              %add3A_486 = arith.addi %mul3A_35, %mul3A_485 : i32
              %add3A_487 = vector.broadcast %add3A_486 : i32 to vector<16xi32>
              %add3A_488 = arith.addi %add3A_487, %iota3A : vector<16xi32>
              %masked_sort3A = arith.constant dense<true> : vector<16xi1>
              %masked_sort3A_489, %masked_sort3A_490, %masked_sort3A_491 = tpu.sort %get3A_171, %add3A_488 masked %masked_sort3A : (vector<16xf32>, vector<16xi32>, vector<16xi1>) -> (vector<16xi1>, vector<16xf32>, vector<16xi32>)
              %rev3A = arith.constant 15 : i32
              %rev3A_492 = vector.broadcast %rev3A : i32 to vector<16xi32>
              %rev3A_493 = tpu.iota {dimensions = array<i32: 0>} : vector<16xi32>
              %rev3A_494 = arith.subi %rev3A_492, %rev3A_493 : vector<16xi32>
              %rev3A_495 = tpu.dynamic_gather %masked_sort3A_490[%rev3A_494] in [0] : vector<16xf32>, vector<16xi32> -> vector<16xf32>
              %rev3A_496 = arith.constant 15 : i32
              %rev3A_497 = vector.broadcast %rev3A_496 : i32 to vector<16xi32>
              %rev3A_498 = tpu.iota {dimensions = array<i32: 0>} : vector<16xi32>
              %rev3A_499 = arith.subi %rev3A_497, %rev3A_498 : vector<16xi32>
              %rev3A_500 = tpu.dynamic_gather %masked_sort3A_491[%rev3A_499] in [0] : vector<16xi32>, vector<16xi32> -> vector<16xi32>
              %ge3A = arith.cmpf oge, %cond3A_447#0, %rev3A_495 : vector<16xf32>
              %select_n3A = arith.select %ge3A, %cond3A_447#0, %rev3A_495 : vector<16xi1>, vector<16xf32>
              %select_n3A_501 = arith.select %ge3A, %cond3A_447#1, %rev3A_500 : vector<16xi1>, vector<16xi32>
              %masked_sort3A_502 = arith.constant dense<true> : vector<16xi1>
              %masked_sort3A_503, %masked_sort3A_504, %masked_sort3A_505 = tpu.sort %select_n3A, %select_n3A_501 masked %masked_sort3A_502 : (vector<16xf32>, vector<16xi32>, vector<16xi1>) -> (vector<16xi1>, vector<16xf32>, vector<16xi32>)
              %slice3A = vector.extract_strided_slice %masked_sort3A_504 {offsets = [8], sizes = [1], strides = [1]} : vector<16xf32> to vector<1xf32>
              %squeeze3A = vector.extract %slice3A[0] : f32 from vector<1xf32>
              %broadcast_in_dim3A = vector.broadcast %squeeze3A : f32 to vector<16xf32>
              scf.yield %masked_sort3A_504, %masked_sort3A_505, %broadcast_in_dim3A : vector<16xf32>, vector<16xi32>, vector<16xf32>
            } else {
              scf.yield %cond3A_447#0, %cond3A_447#1, %cond3A_447#2 : vector<16xf32>, vector<16xi32>, vector<16xf32>
            }
            %gt3A_464 = arith.cmpf ogt, %get3A_180, %cond3A_463#2 : vector<16xf32>
            %reduce_or3A_465 = arith.constant 1.000000e+00 : f32
            %reduce_or3A_466 = arith.constant 0.000000e+00 : f32
            %reduce_or3A_467 = vector.broadcast %reduce_or3A_465 : f32 to vector<16xf32>
            %reduce_or3A_468 = vector.broadcast %reduce_or3A_466 : f32 to vector<16xf32>
            %reduce_or3A_469 = arith.select %gt3A_464, %reduce_or3A_467, %reduce_or3A_468 : vector<16xi1>, vector<16xf32>
            %reduce_or3A_470 = arith.constant true
            %reduce_or3A_471 = vector.broadcast %reduce_or3A_470 : i1 to vector<16xi1>
            %reduce_or3A_472 = tpu.scan <max>, %reduce_or3A_469 masked %reduce_or3A_471 : vector<16xf32>, vector<16xi1> -> vector<16xf32>
            %reduce_or3A_473 = vector.extract %reduce_or3A_472[15] : f32 from vector<16xf32>
            %reduce_or3A_474 = arith.constant 0.000000e+00 : f32
            %reduce_or3A_475 = arith.cmpf ogt, %reduce_or3A_473, %reduce_or3A_474 : f32
            %convert_element_type3A_476 = arith.extui %reduce_or3A_475 : i1 to i32
            %cond3A_477 = arith.constant 0 : i32
            %cond3A_478 = arith.cmpi ne, %convert_element_type3A_476, %cond3A_477 : i32
            %cond3A_479:3 = scf.if %cond3A_478 -> (vector<16xf32>, vector<16xi32>, vector<16xf32>) {
              %mul3A_480 = arith.constant 8 : i32
              %mul3A_481 = arith.muli %scan3A_103, %mul3A_480 : i32
              %add3A_482 = arith.constant 7 : i32
              %add3A_483 = arith.addi %mul3A_481, %add3A_482 : i32
              %mul3A_484 = arith.constant 16 : i32
              %mul3A_485 = arith.muli %add3A_483, %mul3A_484 : i32
              %add3A_486 = arith.addi %mul3A_35, %mul3A_485 : i32
              %add3A_487 = vector.broadcast %add3A_486 : i32 to vector<16xi32>
              %add3A_488 = arith.addi %add3A_487, %iota3A : vector<16xi32>
              %masked_sort3A = arith.constant dense<true> : vector<16xi1>
              %masked_sort3A_489, %masked_sort3A_490, %masked_sort3A_491 = tpu.sort %get3A_180, %add3A_488 masked %masked_sort3A : (vector<16xf32>, vector<16xi32>, vector<16xi1>) -> (vector<16xi1>, vector<16xf32>, vector<16xi32>)
              %rev3A = arith.constant 15 : i32
              %rev3A_492 = vector.broadcast %rev3A : i32 to vector<16xi32>
              %rev3A_493 = tpu.iota {dimensions = array<i32: 0>} : vector<16xi32>
              %rev3A_494 = arith.subi %rev3A_492, %rev3A_493 : vector<16xi32>
              %rev3A_495 = tpu.dynamic_gather %masked_sort3A_490[%rev3A_494] in [0] : vector<16xf32>, vector<16xi32> -> vector<16xf32>
              %rev3A_496 = arith.constant 15 : i32
              %rev3A_497 = vector.broadcast %rev3A_496 : i32 to vector<16xi32>
              %rev3A_498 = tpu.iota {dimensions = array<i32: 0>} : vector<16xi32>
              %rev3A_499 = arith.subi %rev3A_497, %rev3A_498 : vector<16xi32>
              %rev3A_500 = tpu.dynamic_gather %masked_sort3A_491[%rev3A_499] in [0] : vector<16xi32>, vector<16xi32> -> vector<16xi32>
              %ge3A = arith.cmpf oge, %cond3A_463#0, %rev3A_495 : vector<16xf32>
              %select_n3A = arith.select %ge3A, %cond3A_463#0, %rev3A_495 : vector<16xi1>, vector<16xf32>
              %select_n3A_501 = arith.select %ge3A, %cond3A_463#1, %rev3A_500 : vector<16xi1>, vector<16xi32>
              %masked_sort3A_502 = arith.constant dense<true> : vector<16xi1>
              %masked_sort3A_503, %masked_sort3A_504, %masked_sort3A_505 = tpu.sort %select_n3A, %select_n3A_501 masked %masked_sort3A_502 : (vector<16xf32>, vector<16xi32>, vector<16xi1>) -> (vector<16xi1>, vector<16xf32>, vector<16xi32>)
              %slice3A = vector.extract_strided_slice %masked_sort3A_504 {offsets = [8], sizes = [1], strides = [1]} : vector<16xf32> to vector<1xf32>
              %squeeze3A = vector.extract %slice3A[0] : f32 from vector<1xf32>
              %broadcast_in_dim3A = vector.broadcast %squeeze3A : f32 to vector<16xf32>
              scf.yield %masked_sort3A_504, %masked_sort3A_505, %broadcast_in_dim3A : vector<16xf32>, vector<16xi32>, vector<16xf32>
            } else {
              scf.yield %cond3A_463#0, %cond3A_463#1, %cond3A_463#2 : vector<16xf32>, vector<16xi32>, vector<16xf32>
            }
            scf.yield %cond3A_479#0, %cond3A_479#1, %cond3A_479#2 : vector<16xf32>, vector<16xi32>, vector<16xf32>
          } else {
            scf.yield %scan3A_106, %scan3A_107, %scan3A_108 : vector<16xf32>, vector<16xi32>, vector<16xf32>
          }
          %scan3A_227 = arith.constant 1 : i32
          %scan3A_228 = arith.addi %scan3A_103, %scan3A_227 : i32
          %mul3A_229 = arith.constant 8 : i32
          %mul3A_230 = arith.muli %scan3A_228, %mul3A_229 : i32
          %add3A_231 = arith.constant 0 : i32
          %add3A_232 = arith.addi %mul3A_230, %add3A_231 : i32
          %mul3A_233 = arith.constant 16 : i32
          %mul3A_234 = arith.muli %add3A_232, %mul3A_233 : i32
          %get3A_235 = arith.index_cast %scan3A_66 : i32 to index
          %get3A_236 = arith.index_cast %mul3A_234 : i32 to index
          %get3A_237 = tpu.vector_load %arg7[%get3A_235, %get3A_236] {strides = array<i32>} : memref<16x3328xf32, #tpu.memory_space<vmem>>, vector<16xf32>,
          %mul3A_238 = arith.constant 8 : i32
          %mul3A_239 = arith.muli %scan3A_228, %mul3A_238 : i32
          %add3A_240 = arith.constant 1 : i32
          %add3A_241 = arith.addi %mul3A_239, %add3A_240 : i32
          %mul3A_242 = arith.constant 16 : i32
          %mul3A_243 = arith.muli %add3A_241, %mul3A_242 : i32
          %get3A_244 = arith.index_cast %scan3A_66 : i32 to index
          %get3A_245 = arith.index_cast %mul3A_243 : i32 to index
          %get3A_246 = tpu.vector_load %arg7[%get3A_244, %get3A_245] {strides = array<i32>} : memref<16x3328xf32, #tpu.memory_space<vmem>>, vector<16xf32>,
          %mul3A_247 = arith.constant 8 : i32
          %mul3A_248 = arith.muli %scan3A_228, %mul3A_247 : i32
          %add3A_249 = arith.constant 2 : i32
          %add3A_250 = arith.addi %mul3A_248, %add3A_249 : i32
          %mul3A_251 = arith.constant 16 : i32
          %mul3A_252 = arith.muli %add3A_250, %mul3A_251 : i32
          %get3A_253 = arith.index_cast %scan3A_66 : i32 to index
          %get3A_254 = arith.index_cast %mul3A_252 : i32 to index
          %get3A_255 = tpu.vector_load %arg7[%get3A_253, %get3A_254] {strides = array<i32>} : memref<16x3328xf32, #tpu.memory_space<vmem>>, vector<16xf32>,
          %mul3A_256 = arith.constant 8 : i32
          %mul3A_257 = arith.muli %scan3A_228, %mul3A_256 : i32
          %add3A_258 = arith.constant 3 : i32
          %add3A_259 = arith.addi %mul3A_257, %add3A_258 : i32
          %mul3A_260 = arith.constant 16 : i32
          %mul3A_261 = arith.muli %add3A_259, %mul3A_260 : i32
          %get3A_262 = arith.index_cast %scan3A_66 : i32 to index
          %get3A_263 = arith.index_cast %mul3A_261 : i32 to index
          %get3A_264 = tpu.vector_load %arg7[%get3A_262, %get3A_263] {strides = array<i32>} : memref<16x3328xf32, #tpu.memory_space<vmem>>, vector<16xf32>,
          %mul3A_265 = arith.constant 8 : i32
          %mul3A_266 = arith.muli %scan3A_228, %mul3A_265 : i32
          %add3A_267 = arith.constant 4 : i32
          %add3A_268 = arith.addi %mul3A_266, %add3A_267 : i32
          %mul3A_269 = arith.constant 16 : i32
          %mul3A_270 = arith.muli %add3A_268, %mul3A_269 : i32
          %get3A_271 = arith.index_cast %scan3A_66 : i32 to index
          %get3A_272 = arith.index_cast %mul3A_270 : i32 to index
          %get3A_273 = tpu.vector_load %arg7[%get3A_271, %get3A_272] {strides = array<i32>} : memref<16x3328xf32, #tpu.memory_space<vmem>>, vector<16xf32>,
          %mul3A_274 = arith.constant 8 : i32
          %mul3A_275 = arith.muli %scan3A_228, %mul3A_274 : i32
          %add3A_276 = arith.constant 5 : i32
          %add3A_277 = arith.addi %mul3A_275, %add3A_276 : i32
          %mul3A_278 = arith.constant 16 : i32
          %mul3A_279 = arith.muli %add3A_277, %mul3A_278 : i32
          %get3A_280 = arith.index_cast %scan3A_66 : i32 to index
          %get3A_281 = arith.index_cast %mul3A_279 : i32 to index
          %get3A_282 = tpu.vector_load %arg7[%get3A_280, %get3A_281] {strides = array<i32>} : memref<16x3328xf32, #tpu.memory_space<vmem>>, vector<16xf32>,
          %mul3A_283 = arith.constant 8 : i32
          %mul3A_284 = arith.muli %scan3A_228, %mul3A_283 : i32
          %add3A_285 = arith.constant 6 : i32
          %add3A_286 = arith.addi %mul3A_284, %add3A_285 : i32
          %mul3A_287 = arith.constant 16 : i32
          %mul3A_288 = arith.muli %add3A_286, %mul3A_287 : i32
          %get3A_289 = arith.index_cast %scan3A_66 : i32 to index
          %get3A_290 = arith.index_cast %mul3A_288 : i32 to index
          %get3A_291 = tpu.vector_load %arg7[%get3A_289, %get3A_290] {strides = array<i32>} : memref<16x3328xf32, #tpu.memory_space<vmem>>, vector<16xf32>,
          %mul3A_292 = arith.constant 8 : i32
          %mul3A_293 = arith.muli %scan3A_228, %mul3A_292 : i32
          %add3A_294 = arith.constant 7 : i32
          %add3A_295 = arith.addi %mul3A_293, %add3A_294 : i32
          %mul3A_296 = arith.constant 16 : i32
          %mul3A_297 = arith.muli %add3A_295, %mul3A_296 : i32
          %get3A_298 = arith.index_cast %scan3A_66 : i32 to index
          %get3A_299 = arith.index_cast %mul3A_297 : i32 to index
          %get3A_300 = tpu.vector_load %arg7[%get3A_298, %get3A_299] {strides = array<i32>} : memref<16x3328xf32, #tpu.memory_space<vmem>>, vector<16xf32>,
          %max3A_301 = arith.maximumf %get3A_237, %get3A_246 : vector<16xf32>
          %max3A_302 = arith.maximumf %get3A_255, %get3A_264 : vector<16xf32>
          %max3A_303 = arith.maximumf %get3A_273, %get3A_282 : vector<16xf32>
          %max3A_304 = arith.maximumf %get3A_291, %get3A_300 : vector<16xf32>
          %max3A_305 = arith.maximumf %max3A_301, %max3A_302 : vector<16xf32>
          %max3A_306 = arith.maximumf %max3A_303, %max3A_304 : vector<16xf32>
          %max3A_307 = arith.maximumf %max3A_305, %max3A_306 : vector<16xf32>
          %max3A_308 = arith.maximumf %max3A_187, %max3A_307 : vector<16xf32>
          %sub3A_309 = arith.subf %get3A_237, %max3A_308 : vector<16xf32>
          %exp3A_310 = math.exp %sub3A_309 : vector<16xf32>
          %sub3A_311 = arith.subf %get3A_246, %max3A_308 : vector<16xf32>
          %exp3A_312 = math.exp %sub3A_311 : vector<16xf32>
          %sub3A_313 = arith.subf %get3A_255, %max3A_308 : vector<16xf32>
          %exp3A_314 = math.exp %sub3A_313 : vector<16xf32>
          %sub3A_315 = arith.subf %get3A_264, %max3A_308 : vector<16xf32>
          %exp3A_316 = math.exp %sub3A_315 : vector<16xf32>
          %sub3A_317 = arith.subf %get3A_273, %max3A_308 : vector<16xf32>
          %exp3A_318 = math.exp %sub3A_317 : vector<16xf32>
          %sub3A_319 = arith.subf %get3A_282, %max3A_308 : vector<16xf32>
          %exp3A_320 = math.exp %sub3A_319 : vector<16xf32>
          %sub3A_321 = arith.subf %get3A_291, %max3A_308 : vector<16xf32>
          %exp3A_322 = math.exp %sub3A_321 : vector<16xf32>
          %sub3A_323 = arith.subf %get3A_300, %max3A_308 : vector<16xf32>
          %exp3A_324 = math.exp %sub3A_323 : vector<16xf32>
          %sub3A_325 = arith.subf %max3A_187, %max3A_308 : vector<16xf32>
          %exp3A_326 = math.exp %sub3A_325 : vector<16xf32>
          %mul3A_327 = arith.mulf %add3A_212, %exp3A_326 : vector<16xf32>
          %add3A_328 = arith.addf %exp3A_310, %exp3A_312 : vector<16xf32>
          %add3A_329 = arith.addf %exp3A_314, %exp3A_316 : vector<16xf32>
          %add3A_330 = arith.addf %exp3A_318, %exp3A_320 : vector<16xf32>
          %add3A_331 = arith.addf %exp3A_322, %exp3A_324 : vector<16xf32>
          %add3A_332 = arith.addf %add3A_328, %add3A_329 : vector<16xf32>
          %add3A_333 = arith.addf %add3A_330, %add3A_331 : vector<16xf32>
          %add3A_334 = arith.addf %add3A_332, %add3A_333 : vector<16xf32>
          %add3A_335 = arith.addf %mul3A_327, %add3A_334 : vector<16xf32>
          %gt3A_336 = arith.cmpf ogt, %max3A_307, %cond3A_226#2 : vector<16xf32>
          %reduce_or3A_337 = arith.constant 1.000000e+00 : f32
          %reduce_or3A_338 = arith.constant 0.000000e+00 : f32
          %reduce_or3A_339 = vector.broadcast %reduce_or3A_337 : f32 to vector<16xf32>
          %reduce_or3A_340 = vector.broadcast %reduce_or3A_338 : f32 to vector<16xf32>
          %reduce_or3A_341 = arith.select %gt3A_336, %reduce_or3A_339, %reduce_or3A_340 : vector<16xi1>, vector<16xf32>
          %reduce_or3A_342 = arith.constant true
          %reduce_or3A_343 = vector.broadcast %reduce_or3A_342 : i1 to vector<16xi1>
          %reduce_or3A_344 = tpu.scan <max>, %reduce_or3A_341 masked %reduce_or3A_343 : vector<16xf32>, vector<16xi1> -> vector<16xf32>
          %reduce_or3A_345 = vector.extract %reduce_or3A_344[15] : f32 from vector<16xf32>
          %reduce_or3A_346 = arith.constant 0.000000e+00 : f32
          %reduce_or3A_347 = arith.cmpf ogt, %reduce_or3A_345, %reduce_or3A_346 : f32
          %convert_element_type3A_348 = arith.extui %reduce_or3A_347 : i1 to i32
          %cond3A_349 = arith.constant 0 : i32
          %cond3A_350 = arith.cmpi ne, %convert_element_type3A_348, %cond3A_349 : i32
          %cond3A_351:3 = scf.if %cond3A_350 -> (vector<16xf32>, vector<16xi32>, vector<16xf32>) {
            %gt3A_352 = arith.cmpf ogt, %get3A_237, %cond3A_226#2 : vector<16xf32>
            %reduce_or3A_353 = arith.constant 1.000000e+00 : f32
            %reduce_or3A_354 = arith.constant 0.000000e+00 : f32
            %reduce_or3A_355 = vector.broadcast %reduce_or3A_353 : f32 to vector<16xf32>
            %reduce_or3A_356 = vector.broadcast %reduce_or3A_354 : f32 to vector<16xf32>
            %reduce_or3A_357 = arith.select %gt3A_352, %reduce_or3A_355, %reduce_or3A_356 : vector<16xi1>, vector<16xf32>
            %reduce_or3A_358 = arith.constant true
            %reduce_or3A_359 = vector.broadcast %reduce_or3A_358 : i1 to vector<16xi1>
            %reduce_or3A_360 = tpu.scan <max>, %reduce_or3A_357 masked %reduce_or3A_359 : vector<16xf32>, vector<16xi1> -> vector<16xf32>
            %reduce_or3A_361 = vector.extract %reduce_or3A_360[15] : f32 from vector<16xf32>
            %reduce_or3A_362 = arith.constant 0.000000e+00 : f32
            %reduce_or3A_363 = arith.cmpf ogt, %reduce_or3A_361, %reduce_or3A_362 : f32
            %convert_element_type3A_364 = arith.extui %reduce_or3A_363 : i1 to i32
            %cond3A_365 = arith.constant 0 : i32
            %cond3A_366 = arith.cmpi ne, %convert_element_type3A_364, %cond3A_365 : i32
            %cond3A_367:3 = scf.if %cond3A_366 -> (vector<16xf32>, vector<16xi32>, vector<16xf32>) {
              %mul3A_480 = arith.constant 8 : i32
              %mul3A_481 = arith.muli %scan3A_228, %mul3A_480 : i32
              %add3A_482 = arith.constant 0 : i32
              %add3A_483 = arith.addi %mul3A_481, %add3A_482 : i32
              %mul3A_484 = arith.constant 16 : i32
              %mul3A_485 = arith.muli %add3A_483, %mul3A_484 : i32
              %add3A_486 = arith.addi %mul3A_35, %mul3A_485 : i32
              %add3A_487 = vector.broadcast %add3A_486 : i32 to vector<16xi32>
              %add3A_488 = arith.addi %add3A_487, %iota3A : vector<16xi32>
              %masked_sort3A = arith.constant dense<true> : vector<16xi1>
              %masked_sort3A_489, %masked_sort3A_490, %masked_sort3A_491 = tpu.sort %get3A_237, %add3A_488 masked %masked_sort3A : (vector<16xf32>, vector<16xi32>, vector<16xi1>) -> (vector<16xi1>, vector<16xf32>, vector<16xi32>)
              %rev3A = arith.constant 15 : i32
              %rev3A_492 = vector.broadcast %rev3A : i32 to vector<16xi32>
              %rev3A_493 = tpu.iota {dimensions = array<i32: 0>} : vector<16xi32>
              %rev3A_494 = arith.subi %rev3A_492, %rev3A_493 : vector<16xi32>
              %rev3A_495 = tpu.dynamic_gather %masked_sort3A_490[%rev3A_494] in [0] : vector<16xf32>, vector<16xi32> -> vector<16xf32>
              %rev3A_496 = arith.constant 15 : i32
              %rev3A_497 = vector.broadcast %rev3A_496 : i32 to vector<16xi32>
              %rev3A_498 = tpu.iota {dimensions = array<i32: 0>} : vector<16xi32>
              %rev3A_499 = arith.subi %rev3A_497, %rev3A_498 : vector<16xi32>
              %rev3A_500 = tpu.dynamic_gather %masked_sort3A_491[%rev3A_499] in [0] : vector<16xi32>, vector<16xi32> -> vector<16xi32>
              %ge3A = arith.cmpf oge, %cond3A_226#0, %rev3A_495 : vector<16xf32>
              %select_n3A = arith.select %ge3A, %cond3A_226#0, %rev3A_495 : vector<16xi1>, vector<16xf32>
              %select_n3A_501 = arith.select %ge3A, %cond3A_226#1, %rev3A_500 : vector<16xi1>, vector<16xi32>
              %masked_sort3A_502 = arith.constant dense<true> : vector<16xi1>
              %masked_sort3A_503, %masked_sort3A_504, %masked_sort3A_505 = tpu.sort %select_n3A, %select_n3A_501 masked %masked_sort3A_502 : (vector<16xf32>, vector<16xi32>, vector<16xi1>) -> (vector<16xi1>, vector<16xf32>, vector<16xi32>)
              %slice3A = vector.extract_strided_slice %masked_sort3A_504 {offsets = [8], sizes = [1], strides = [1]} : vector<16xf32> to vector<1xf32>
              %squeeze3A = vector.extract %slice3A[0] : f32 from vector<1xf32>
              %broadcast_in_dim3A = vector.broadcast %squeeze3A : f32 to vector<16xf32>
              scf.yield %masked_sort3A_504, %masked_sort3A_505, %broadcast_in_dim3A : vector<16xf32>, vector<16xi32>, vector<16xf32>
            } else {
              scf.yield %cond3A_226#0, %cond3A_226#1, %cond3A_226#2 : vector<16xf32>, vector<16xi32>, vector<16xf32>
            }
            %gt3A_368 = arith.cmpf ogt, %get3A_246, %cond3A_367#2 : vector<16xf32>
            %reduce_or3A_369 = arith.constant 1.000000e+00 : f32
            %reduce_or3A_370 = arith.constant 0.000000e+00 : f32
            %reduce_or3A_371 = vector.broadcast %reduce_or3A_369 : f32 to vector<16xf32>
            %reduce_or3A_372 = vector.broadcast %reduce_or3A_370 : f32 to vector<16xf32>
            %reduce_or3A_373 = arith.select %gt3A_368, %reduce_or3A_371, %reduce_or3A_372 : vector<16xi1>, vector<16xf32>
            %reduce_or3A_374 = arith.constant true
            %reduce_or3A_375 = vector.broadcast %reduce_or3A_374 : i1 to vector<16xi1>
            %reduce_or3A_376 = tpu.scan <max>, %reduce_or3A_373 masked %reduce_or3A_375 : vector<16xf32>, vector<16xi1> -> vector<16xf32>
            %reduce_or3A_377 = vector.extract %reduce_or3A_376[15] : f32 from vector<16xf32>
            %reduce_or3A_378 = arith.constant 0.000000e+00 : f32
            %reduce_or3A_379 = arith.cmpf ogt, %reduce_or3A_377, %reduce_or3A_378 : f32
            %convert_element_type3A_380 = arith.extui %reduce_or3A_379 : i1 to i32
            %cond3A_381 = arith.constant 0 : i32
            %cond3A_382 = arith.cmpi ne, %convert_element_type3A_380, %cond3A_381 : i32
            %cond3A_383:3 = scf.if %cond3A_382 -> (vector<16xf32>, vector<16xi32>, vector<16xf32>) {
              %mul3A_480 = arith.constant 8 : i32
              %mul3A_481 = arith.muli %scan3A_228, %mul3A_480 : i32
              %add3A_482 = arith.constant 1 : i32
              %add3A_483 = arith.addi %mul3A_481, %add3A_482 : i32
              %mul3A_484 = arith.constant 16 : i32
              %mul3A_485 = arith.muli %add3A_483, %mul3A_484 : i32
              %add3A_486 = arith.addi %mul3A_35, %mul3A_485 : i32
              %add3A_487 = vector.broadcast %add3A_486 : i32 to vector<16xi32>
              %add3A_488 = arith.addi %add3A_487, %iota3A : vector<16xi32>
              %masked_sort3A = arith.constant dense<true> : vector<16xi1>
              %masked_sort3A_489, %masked_sort3A_490, %masked_sort3A_491 = tpu.sort %get3A_246, %add3A_488 masked %masked_sort3A : (vector<16xf32>, vector<16xi32>, vector<16xi1>) -> (vector<16xi1>, vector<16xf32>, vector<16xi32>)
              %rev3A = arith.constant 15 : i32
              %rev3A_492 = vector.broadcast %rev3A : i32 to vector<16xi32>
              %rev3A_493 = tpu.iota {dimensions = array<i32: 0>} : vector<16xi32>
              %rev3A_494 = arith.subi %rev3A_492, %rev3A_493 : vector<16xi32>
              %rev3A_495 = tpu.dynamic_gather %masked_sort3A_490[%rev3A_494] in [0] : vector<16xf32>, vector<16xi32> -> vector<16xf32>
              %rev3A_496 = arith.constant 15 : i32
              %rev3A_497 = vector.broadcast %rev3A_496 : i32 to vector<16xi32>
              %rev3A_498 = tpu.iota {dimensions = array<i32: 0>} : vector<16xi32>
              %rev3A_499 = arith.subi %rev3A_497, %rev3A_498 : vector<16xi32>
              %rev3A_500 = tpu.dynamic_gather %masked_sort3A_491[%rev3A_499] in [0] : vector<16xi32>, vector<16xi32> -> vector<16xi32>
              %ge3A = arith.cmpf oge, %cond3A_367#0, %rev3A_495 : vector<16xf32>
              %select_n3A = arith.select %ge3A, %cond3A_367#0, %rev3A_495 : vector<16xi1>, vector<16xf32>
              %select_n3A_501 = arith.select %ge3A, %cond3A_367#1, %rev3A_500 : vector<16xi1>, vector<16xi32>
              %masked_sort3A_502 = arith.constant dense<true> : vector<16xi1>
              %masked_sort3A_503, %masked_sort3A_504, %masked_sort3A_505 = tpu.sort %select_n3A, %select_n3A_501 masked %masked_sort3A_502 : (vector<16xf32>, vector<16xi32>, vector<16xi1>) -> (vector<16xi1>, vector<16xf32>, vector<16xi32>)
              %slice3A = vector.extract_strided_slice %masked_sort3A_504 {offsets = [8], sizes = [1], strides = [1]} : vector<16xf32> to vector<1xf32>
              %squeeze3A = vector.extract %slice3A[0] : f32 from vector<1xf32>
              %broadcast_in_dim3A = vector.broadcast %squeeze3A : f32 to vector<16xf32>
              scf.yield %masked_sort3A_504, %masked_sort3A_505, %broadcast_in_dim3A : vector<16xf32>, vector<16xi32>, vector<16xf32>
            } else {
              scf.yield %cond3A_367#0, %cond3A_367#1, %cond3A_367#2 : vector<16xf32>, vector<16xi32>, vector<16xf32>
            }
            %gt3A_384 = arith.cmpf ogt, %get3A_255, %cond3A_383#2 : vector<16xf32>
            %reduce_or3A_385 = arith.constant 1.000000e+00 : f32
            %reduce_or3A_386 = arith.constant 0.000000e+00 : f32
            %reduce_or3A_387 = vector.broadcast %reduce_or3A_385 : f32 to vector<16xf32>
            %reduce_or3A_388 = vector.broadcast %reduce_or3A_386 : f32 to vector<16xf32>
            %reduce_or3A_389 = arith.select %gt3A_384, %reduce_or3A_387, %reduce_or3A_388 : vector<16xi1>, vector<16xf32>
            %reduce_or3A_390 = arith.constant true
            %reduce_or3A_391 = vector.broadcast %reduce_or3A_390 : i1 to vector<16xi1>
            %reduce_or3A_392 = tpu.scan <max>, %reduce_or3A_389 masked %reduce_or3A_391 : vector<16xf32>, vector<16xi1> -> vector<16xf32>
            %reduce_or3A_393 = vector.extract %reduce_or3A_392[15] : f32 from vector<16xf32>
            %reduce_or3A_394 = arith.constant 0.000000e+00 : f32
            %reduce_or3A_395 = arith.cmpf ogt, %reduce_or3A_393, %reduce_or3A_394 : f32
            %convert_element_type3A_396 = arith.extui %reduce_or3A_395 : i1 to i32
            %cond3A_397 = arith.constant 0 : i32
            %cond3A_398 = arith.cmpi ne, %convert_element_type3A_396, %cond3A_397 : i32
            %cond3A_399:3 = scf.if %cond3A_398 -> (vector<16xf32>, vector<16xi32>, vector<16xf32>) {
              %mul3A_480 = arith.constant 8 : i32
              %mul3A_481 = arith.muli %scan3A_228, %mul3A_480 : i32
              %add3A_482 = arith.constant 2 : i32
              %add3A_483 = arith.addi %mul3A_481, %add3A_482 : i32
              %mul3A_484 = arith.constant 16 : i32
              %mul3A_485 = arith.muli %add3A_483, %mul3A_484 : i32
              %add3A_486 = arith.addi %mul3A_35, %mul3A_485 : i32
              %add3A_487 = vector.broadcast %add3A_486 : i32 to vector<16xi32>
              %add3A_488 = arith.addi %add3A_487, %iota3A : vector<16xi32>
              %masked_sort3A = arith.constant dense<true> : vector<16xi1>
              %masked_sort3A_489, %masked_sort3A_490, %masked_sort3A_491 = tpu.sort %get3A_255, %add3A_488 masked %masked_sort3A : (vector<16xf32>, vector<16xi32>, vector<16xi1>) -> (vector<16xi1>, vector<16xf32>, vector<16xi32>)
              %rev3A = arith.constant 15 : i32
              %rev3A_492 = vector.broadcast %rev3A : i32 to vector<16xi32>
              %rev3A_493 = tpu.iota {dimensions = array<i32: 0>} : vector<16xi32>
              %rev3A_494 = arith.subi %rev3A_492, %rev3A_493 : vector<16xi32>
              %rev3A_495 = tpu.dynamic_gather %masked_sort3A_490[%rev3A_494] in [0] : vector<16xf32>, vector<16xi32> -> vector<16xf32>
              %rev3A_496 = arith.constant 15 : i32
              %rev3A_497 = vector.broadcast %rev3A_496 : i32 to vector<16xi32>
              %rev3A_498 = tpu.iota {dimensions = array<i32: 0>} : vector<16xi32>
              %rev3A_499 = arith.subi %rev3A_497, %rev3A_498 : vector<16xi32>
              %rev3A_500 = tpu.dynamic_gather %masked_sort3A_491[%rev3A_499] in [0] : vector<16xi32>, vector<16xi32> -> vector<16xi32>
              %ge3A = arith.cmpf oge, %cond3A_383#0, %rev3A_495 : vector<16xf32>
              %select_n3A = arith.select %ge3A, %cond3A_383#0, %rev3A_495 : vector<16xi1>, vector<16xf32>
              %select_n3A_501 = arith.select %ge3A, %cond3A_383#1, %rev3A_500 : vector<16xi1>, vector<16xi32>
              %masked_sort3A_502 = arith.constant dense<true> : vector<16xi1>
              %masked_sort3A_503, %masked_sort3A_504, %masked_sort3A_505 = tpu.sort %select_n3A, %select_n3A_501 masked %masked_sort3A_502 : (vector<16xf32>, vector<16xi32>, vector<16xi1>) -> (vector<16xi1>, vector<16xf32>, vector<16xi32>)
              %slice3A = vector.extract_strided_slice %masked_sort3A_504 {offsets = [8], sizes = [1], strides = [1]} : vector<16xf32> to vector<1xf32>
              %squeeze3A = vector.extract %slice3A[0] : f32 from vector<1xf32>
              %broadcast_in_dim3A = vector.broadcast %squeeze3A : f32 to vector<16xf32>
              scf.yield %masked_sort3A_504, %masked_sort3A_505, %broadcast_in_dim3A : vector<16xf32>, vector<16xi32>, vector<16xf32>
            } else {
              scf.yield %cond3A_383#0, %cond3A_383#1, %cond3A_383#2 : vector<16xf32>, vector<16xi32>, vector<16xf32>
            }
            %gt3A_400 = arith.cmpf ogt, %get3A_264, %cond3A_399#2 : vector<16xf32>
            %reduce_or3A_401 = arith.constant 1.000000e+00 : f32
            %reduce_or3A_402 = arith.constant 0.000000e+00 : f32
            %reduce_or3A_403 = vector.broadcast %reduce_or3A_401 : f32 to vector<16xf32>
            %reduce_or3A_404 = vector.broadcast %reduce_or3A_402 : f32 to vector<16xf32>
            %reduce_or3A_405 = arith.select %gt3A_400, %reduce_or3A_403, %reduce_or3A_404 : vector<16xi1>, vector<16xf32>
            %reduce_or3A_406 = arith.constant true
            %reduce_or3A_407 = vector.broadcast %reduce_or3A_406 : i1 to vector<16xi1>
            %reduce_or3A_408 = tpu.scan <max>, %reduce_or3A_405 masked %reduce_or3A_407 : vector<16xf32>, vector<16xi1> -> vector<16xf32>
            %reduce_or3A_409 = vector.extract %reduce_or3A_408[15] : f32 from vector<16xf32>
            %reduce_or3A_410 = arith.constant 0.000000e+00 : f32
            %reduce_or3A_411 = arith.cmpf ogt, %reduce_or3A_409, %reduce_or3A_410 : f32
            %convert_element_type3A_412 = arith.extui %reduce_or3A_411 : i1 to i32
            %cond3A_413 = arith.constant 0 : i32
            %cond3A_414 = arith.cmpi ne, %convert_element_type3A_412, %cond3A_413 : i32
            %cond3A_415:3 = scf.if %cond3A_414 -> (vector<16xf32>, vector<16xi32>, vector<16xf32>) {
              %mul3A_480 = arith.constant 8 : i32
              %mul3A_481 = arith.muli %scan3A_228, %mul3A_480 : i32
              %add3A_482 = arith.constant 3 : i32
              %add3A_483 = arith.addi %mul3A_481, %add3A_482 : i32
              %mul3A_484 = arith.constant 16 : i32
              %mul3A_485 = arith.muli %add3A_483, %mul3A_484 : i32
              %add3A_486 = arith.addi %mul3A_35, %mul3A_485 : i32
              %add3A_487 = vector.broadcast %add3A_486 : i32 to vector<16xi32>
              %add3A_488 = arith.addi %add3A_487, %iota3A : vector<16xi32>
              %masked_sort3A = arith.constant dense<true> : vector<16xi1>
              %masked_sort3A_489, %masked_sort3A_490, %masked_sort3A_491 = tpu.sort %get3A_264, %add3A_488 masked %masked_sort3A : (vector<16xf32>, vector<16xi32>, vector<16xi1>) -> (vector<16xi1>, vector<16xf32>, vector<16xi32>)
              %rev3A = arith.constant 15 : i32
              %rev3A_492 = vector.broadcast %rev3A : i32 to vector<16xi32>
              %rev3A_493 = tpu.iota {dimensions = array<i32: 0>} : vector<16xi32>
              %rev3A_494 = arith.subi %rev3A_492, %rev3A_493 : vector<16xi32>
              %rev3A_495 = tpu.dynamic_gather %masked_sort3A_490[%rev3A_494] in [0] : vector<16xf32>, vector<16xi32> -> vector<16xf32>
              %rev3A_496 = arith.constant 15 : i32
              %rev3A_497 = vector.broadcast %rev3A_496 : i32 to vector<16xi32>
              %rev3A_498 = tpu.iota {dimensions = array<i32: 0>} : vector<16xi32>
              %rev3A_499 = arith.subi %rev3A_497, %rev3A_498 : vector<16xi32>
              %rev3A_500 = tpu.dynamic_gather %masked_sort3A_491[%rev3A_499] in [0] : vector<16xi32>, vector<16xi32> -> vector<16xi32>
              %ge3A = arith.cmpf oge, %cond3A_399#0, %rev3A_495 : vector<16xf32>
              %select_n3A = arith.select %ge3A, %cond3A_399#0, %rev3A_495 : vector<16xi1>, vector<16xf32>
              %select_n3A_501 = arith.select %ge3A, %cond3A_399#1, %rev3A_500 : vector<16xi1>, vector<16xi32>
              %masked_sort3A_502 = arith.constant dense<true> : vector<16xi1>
              %masked_sort3A_503, %masked_sort3A_504, %masked_sort3A_505 = tpu.sort %select_n3A, %select_n3A_501 masked %masked_sort3A_502 : (vector<16xf32>, vector<16xi32>, vector<16xi1>) -> (vector<16xi1>, vector<16xf32>, vector<16xi32>)
              %slice3A = vector.extract_strided_slice %masked_sort3A_504 {offsets = [8], sizes = [1], strides = [1]} : vector<16xf32> to vector<1xf32>
              %squeeze3A = vector.extract %slice3A[0] : f32 from vector<1xf32>
              %broadcast_in_dim3A = vector.broadcast %squeeze3A : f32 to vector<16xf32>
              scf.yield %masked_sort3A_504, %masked_sort3A_505, %broadcast_in_dim3A : vector<16xf32>, vector<16xi32>, vector<16xf32>
            } else {
              scf.yield %cond3A_399#0, %cond3A_399#1, %cond3A_399#2 : vector<16xf32>, vector<16xi32>, vector<16xf32>
            }
            %gt3A_416 = arith.cmpf ogt, %get3A_273, %cond3A_415#2 : vector<16xf32>
            %reduce_or3A_417 = arith.constant 1.000000e+00 : f32
            %reduce_or3A_418 = arith.constant 0.000000e+00 : f32
            %reduce_or3A_419 = vector.broadcast %reduce_or3A_417 : f32 to vector<16xf32>
            %reduce_or3A_420 = vector.broadcast %reduce_or3A_418 : f32 to vector<16xf32>
            %reduce_or3A_421 = arith.select %gt3A_416, %reduce_or3A_419, %reduce_or3A_420 : vector<16xi1>, vector<16xf32>
            %reduce_or3A_422 = arith.constant true
            %reduce_or3A_423 = vector.broadcast %reduce_or3A_422 : i1 to vector<16xi1>
            %reduce_or3A_424 = tpu.scan <max>, %reduce_or3A_421 masked %reduce_or3A_423 : vector<16xf32>, vector<16xi1> -> vector<16xf32>
            %reduce_or3A_425 = vector.extract %reduce_or3A_424[15] : f32 from vector<16xf32>
            %reduce_or3A_426 = arith.constant 0.000000e+00 : f32
            %reduce_or3A_427 = arith.cmpf ogt, %reduce_or3A_425, %reduce_or3A_426 : f32
            %convert_element_type3A_428 = arith.extui %reduce_or3A_427 : i1 to i32
            %cond3A_429 = arith.constant 0 : i32
            %cond3A_430 = arith.cmpi ne, %convert_element_type3A_428, %cond3A_429 : i32
            %cond3A_431:3 = scf.if %cond3A_430 -> (vector<16xf32>, vector<16xi32>, vector<16xf32>) {
              %mul3A_480 = arith.constant 8 : i32
              %mul3A_481 = arith.muli %scan3A_228, %mul3A_480 : i32
              %add3A_482 = arith.constant 4 : i32
              %add3A_483 = arith.addi %mul3A_481, %add3A_482 : i32
              %mul3A_484 = arith.constant 16 : i32
              %mul3A_485 = arith.muli %add3A_483, %mul3A_484 : i32
              %add3A_486 = arith.addi %mul3A_35, %mul3A_485 : i32
              %add3A_487 = vector.broadcast %add3A_486 : i32 to vector<16xi32>
              %add3A_488 = arith.addi %add3A_487, %iota3A : vector<16xi32>
              %masked_sort3A = arith.constant dense<true> : vector<16xi1>
              %masked_sort3A_489, %masked_sort3A_490, %masked_sort3A_491 = tpu.sort %get3A_273, %add3A_488 masked %masked_sort3A : (vector<16xf32>, vector<16xi32>, vector<16xi1>) -> (vector<16xi1>, vector<16xf32>, vector<16xi32>)
              %rev3A = arith.constant 15 : i32
              %rev3A_492 = vector.broadcast %rev3A : i32 to vector<16xi32>
              %rev3A_493 = tpu.iota {dimensions = array<i32: 0>} : vector<16xi32>
              %rev3A_494 = arith.subi %rev3A_492, %rev3A_493 : vector<16xi32>
              %rev3A_495 = tpu.dynamic_gather %masked_sort3A_490[%rev3A_494] in [0] : vector<16xf32>, vector<16xi32> -> vector<16xf32>
              %rev3A_496 = arith.constant 15 : i32
              %rev3A_497 = vector.broadcast %rev3A_496 : i32 to vector<16xi32>
              %rev3A_498 = tpu.iota {dimensions = array<i32: 0>} : vector<16xi32>
              %rev3A_499 = arith.subi %rev3A_497, %rev3A_498 : vector<16xi32>
              %rev3A_500 = tpu.dynamic_gather %masked_sort3A_491[%rev3A_499] in [0] : vector<16xi32>, vector<16xi32> -> vector<16xi32>
              %ge3A = arith.cmpf oge, %cond3A_415#0, %rev3A_495 : vector<16xf32>
              %select_n3A = arith.select %ge3A, %cond3A_415#0, %rev3A_495 : vector<16xi1>, vector<16xf32>
              %select_n3A_501 = arith.select %ge3A, %cond3A_415#1, %rev3A_500 : vector<16xi1>, vector<16xi32>
              %masked_sort3A_502 = arith.constant dense<true> : vector<16xi1>
              %masked_sort3A_503, %masked_sort3A_504, %masked_sort3A_505 = tpu.sort %select_n3A, %select_n3A_501 masked %masked_sort3A_502 : (vector<16xf32>, vector<16xi32>, vector<16xi1>) -> (vector<16xi1>, vector<16xf32>, vector<16xi32>)
              %slice3A = vector.extract_strided_slice %masked_sort3A_504 {offsets = [8], sizes = [1], strides = [1]} : vector<16xf32> to vector<1xf32>
              %squeeze3A = vector.extract %slice3A[0] : f32 from vector<1xf32>
              %broadcast_in_dim3A = vector.broadcast %squeeze3A : f32 to vector<16xf32>
              scf.yield %masked_sort3A_504, %masked_sort3A_505, %broadcast_in_dim3A : vector<16xf32>, vector<16xi32>, vector<16xf32>
            } else {
              scf.yield %cond3A_415#0, %cond3A_415#1, %cond3A_415#2 : vector<16xf32>, vector<16xi32>, vector<16xf32>
            }
            %gt3A_432 = arith.cmpf ogt, %get3A_282, %cond3A_431#2 : vector<16xf32>
            %reduce_or3A_433 = arith.constant 1.000000e+00 : f32
            %reduce_or3A_434 = arith.constant 0.000000e+00 : f32
            %reduce_or3A_435 = vector.broadcast %reduce_or3A_433 : f32 to vector<16xf32>
            %reduce_or3A_436 = vector.broadcast %reduce_or3A_434 : f32 to vector<16xf32>
            %reduce_or3A_437 = arith.select %gt3A_432, %reduce_or3A_435, %reduce_or3A_436 : vector<16xi1>, vector<16xf32>
            %reduce_or3A_438 = arith.constant true
            %reduce_or3A_439 = vector.broadcast %reduce_or3A_438 : i1 to vector<16xi1>
            %reduce_or3A_440 = tpu.scan <max>, %reduce_or3A_437 masked %reduce_or3A_439 : vector<16xf32>, vector<16xi1> -> vector<16xf32>
            %reduce_or3A_441 = vector.extract %reduce_or3A_440[15] : f32 from vector<16xf32>
            %reduce_or3A_442 = arith.constant 0.000000e+00 : f32
            %reduce_or3A_443 = arith.cmpf ogt, %reduce_or3A_441, %reduce_or3A_442 : f32
            %convert_element_type3A_444 = arith.extui %reduce_or3A_443 : i1 to i32
            %cond3A_445 = arith.constant 0 : i32
            %cond3A_446 = arith.cmpi ne, %convert_element_type3A_444, %cond3A_445 : i32
            %cond3A_447:3 = scf.if %cond3A_446 -> (vector<16xf32>, vector<16xi32>, vector<16xf32>) {
              %mul3A_480 = arith.constant 8 : i32
              %mul3A_481 = arith.muli %scan3A_228, %mul3A_480 : i32
              %add3A_482 = arith.constant 5 : i32
              %add3A_483 = arith.addi %mul3A_481, %add3A_482 : i32
              %mul3A_484 = arith.constant 16 : i32
              %mul3A_485 = arith.muli %add3A_483, %mul3A_484 : i32
              %add3A_486 = arith.addi %mul3A_35, %mul3A_485 : i32
              %add3A_487 = vector.broadcast %add3A_486 : i32 to vector<16xi32>
              %add3A_488 = arith.addi %add3A_487, %iota3A : vector<16xi32>
              %masked_sort3A = arith.constant dense<true> : vector<16xi1>
              %masked_sort3A_489, %masked_sort3A_490, %masked_sort3A_491 = tpu.sort %get3A_282, %add3A_488 masked %masked_sort3A : (vector<16xf32>, vector<16xi32>, vector<16xi1>) -> (vector<16xi1>, vector<16xf32>, vector<16xi32>)
              %rev3A = arith.constant 15 : i32
              %rev3A_492 = vector.broadcast %rev3A : i32 to vector<16xi32>
              %rev3A_493 = tpu.iota {dimensions = array<i32: 0>} : vector<16xi32>
              %rev3A_494 = arith.subi %rev3A_492, %rev3A_493 : vector<16xi32>
              %rev3A_495 = tpu.dynamic_gather %masked_sort3A_490[%rev3A_494] in [0] : vector<16xf32>, vector<16xi32> -> vector<16xf32>
              %rev3A_496 = arith.constant 15 : i32
              %rev3A_497 = vector.broadcast %rev3A_496 : i32 to vector<16xi32>
              %rev3A_498 = tpu.iota {dimensions = array<i32: 0>} : vector<16xi32>
              %rev3A_499 = arith.subi %rev3A_497, %rev3A_498 : vector<16xi32>
              %rev3A_500 = tpu.dynamic_gather %masked_sort3A_491[%rev3A_499] in [0] : vector<16xi32>, vector<16xi32> -> vector<16xi32>
              %ge3A = arith.cmpf oge, %cond3A_431#0, %rev3A_495 : vector<16xf32>
              %select_n3A = arith.select %ge3A, %cond3A_431#0, %rev3A_495 : vector<16xi1>, vector<16xf32>
              %select_n3A_501 = arith.select %ge3A, %cond3A_431#1, %rev3A_500 : vector<16xi1>, vector<16xi32>
              %masked_sort3A_502 = arith.constant dense<true> : vector<16xi1>
              %masked_sort3A_503, %masked_sort3A_504, %masked_sort3A_505 = tpu.sort %select_n3A, %select_n3A_501 masked %masked_sort3A_502 : (vector<16xf32>, vector<16xi32>, vector<16xi1>) -> (vector<16xi1>, vector<16xf32>, vector<16xi32>)
              %slice3A = vector.extract_strided_slice %masked_sort3A_504 {offsets = [8], sizes = [1], strides = [1]} : vector<16xf32> to vector<1xf32>
              %squeeze3A = vector.extract %slice3A[0] : f32 from vector<1xf32>
              %broadcast_in_dim3A = vector.broadcast %squeeze3A : f32 to vector<16xf32>
              scf.yield %masked_sort3A_504, %masked_sort3A_505, %broadcast_in_dim3A : vector<16xf32>, vector<16xi32>, vector<16xf32>
            } else {
              scf.yield %cond3A_431#0, %cond3A_431#1, %cond3A_431#2 : vector<16xf32>, vector<16xi32>, vector<16xf32>
            }
            %gt3A_448 = arith.cmpf ogt, %get3A_291, %cond3A_447#2 : vector<16xf32>
            %reduce_or3A_449 = arith.constant 1.000000e+00 : f32
            %reduce_or3A_450 = arith.constant 0.000000e+00 : f32
            %reduce_or3A_451 = vector.broadcast %reduce_or3A_449 : f32 to vector<16xf32>
            %reduce_or3A_452 = vector.broadcast %reduce_or3A_450 : f32 to vector<16xf32>
            %reduce_or3A_453 = arith.select %gt3A_448, %reduce_or3A_451, %reduce_or3A_452 : vector<16xi1>, vector<16xf32>
            %reduce_or3A_454 = arith.constant true
            %reduce_or3A_455 = vector.broadcast %reduce_or3A_454 : i1 to vector<16xi1>
            %reduce_or3A_456 = tpu.scan <max>, %reduce_or3A_453 masked %reduce_or3A_455 : vector<16xf32>, vector<16xi1> -> vector<16xf32>
            %reduce_or3A_457 = vector.extract %reduce_or3A_456[15] : f32 from vector<16xf32>
            %reduce_or3A_458 = arith.constant 0.000000e+00 : f32
            %reduce_or3A_459 = arith.cmpf ogt, %reduce_or3A_457, %reduce_or3A_458 : f32
            %convert_element_type3A_460 = arith.extui %reduce_or3A_459 : i1 to i32
            %cond3A_461 = arith.constant 0 : i32
            %cond3A_462 = arith.cmpi ne, %convert_element_type3A_460, %cond3A_461 : i32
            %cond3A_463:3 = scf.if %cond3A_462 -> (vector<16xf32>, vector<16xi32>, vector<16xf32>) {
              %mul3A_480 = arith.constant 8 : i32
              %mul3A_481 = arith.muli %scan3A_228, %mul3A_480 : i32
              %add3A_482 = arith.constant 6 : i32
              %add3A_483 = arith.addi %mul3A_481, %add3A_482 : i32
              %mul3A_484 = arith.constant 16 : i32
              %mul3A_485 = arith.muli %add3A_483, %mul3A_484 : i32
              %add3A_486 = arith.addi %mul3A_35, %mul3A_485 : i32
              %add3A_487 = vector.broadcast %add3A_486 : i32 to vector<16xi32>
              %add3A_488 = arith.addi %add3A_487, %iota3A : vector<16xi32>
              %masked_sort3A = arith.constant dense<true> : vector<16xi1>
              %masked_sort3A_489, %masked_sort3A_490, %masked_sort3A_491 = tpu.sort %get3A_291, %add3A_488 masked %masked_sort3A : (vector<16xf32>, vector<16xi32>, vector<16xi1>) -> (vector<16xi1>, vector<16xf32>, vector<16xi32>)
              %rev3A = arith.constant 15 : i32
              %rev3A_492 = vector.broadcast %rev3A : i32 to vector<16xi32>
              %rev3A_493 = tpu.iota {dimensions = array<i32: 0>} : vector<16xi32>
              %rev3A_494 = arith.subi %rev3A_492, %rev3A_493 : vector<16xi32>
              %rev3A_495 = tpu.dynamic_gather %masked_sort3A_490[%rev3A_494] in [0] : vector<16xf32>, vector<16xi32> -> vector<16xf32>
              %rev3A_496 = arith.constant 15 : i32
              %rev3A_497 = vector.broadcast %rev3A_496 : i32 to vector<16xi32>
              %rev3A_498 = tpu.iota {dimensions = array<i32: 0>} : vector<16xi32>
              %rev3A_499 = arith.subi %rev3A_497, %rev3A_498 : vector<16xi32>
              %rev3A_500 = tpu.dynamic_gather %masked_sort3A_491[%rev3A_499] in [0] : vector<16xi32>, vector<16xi32> -> vector<16xi32>
              %ge3A = arith.cmpf oge, %cond3A_447#0, %rev3A_495 : vector<16xf32>
              %select_n3A = arith.select %ge3A, %cond3A_447#0, %rev3A_495 : vector<16xi1>, vector<16xf32>
              %select_n3A_501 = arith.select %ge3A, %cond3A_447#1, %rev3A_500 : vector<16xi1>, vector<16xi32>
              %masked_sort3A_502 = arith.constant dense<true> : vector<16xi1>
              %masked_sort3A_503, %masked_sort3A_504, %masked_sort3A_505 = tpu.sort %select_n3A, %select_n3A_501 masked %masked_sort3A_502 : (vector<16xf32>, vector<16xi32>, vector<16xi1>) -> (vector<16xi1>, vector<16xf32>, vector<16xi32>)
              %slice3A = vector.extract_strided_slice %masked_sort3A_504 {offsets = [8], sizes = [1], strides = [1]} : vector<16xf32> to vector<1xf32>
              %squeeze3A = vector.extract %slice3A[0] : f32 from vector<1xf32>
              %broadcast_in_dim3A = vector.broadcast %squeeze3A : f32 to vector<16xf32>
              scf.yield %masked_sort3A_504, %masked_sort3A_505, %broadcast_in_dim3A : vector<16xf32>, vector<16xi32>, vector<16xf32>
            } else {
              scf.yield %cond3A_447#0, %cond3A_447#1, %cond3A_447#2 : vector<16xf32>, vector<16xi32>, vector<16xf32>
            }
            %gt3A_464 = arith.cmpf ogt, %get3A_300, %cond3A_463#2 : vector<16xf32>
            %reduce_or3A_465 = arith.constant 1.000000e+00 : f32
            %reduce_or3A_466 = arith.constant 0.000000e+00 : f32
            %reduce_or3A_467 = vector.broadcast %reduce_or3A_465 : f32 to vector<16xf32>
            %reduce_or3A_468 = vector.broadcast %reduce_or3A_466 : f32 to vector<16xf32>
            %reduce_or3A_469 = arith.select %gt3A_464, %reduce_or3A_467, %reduce_or3A_468 : vector<16xi1>, vector<16xf32>
            %reduce_or3A_470 = arith.constant true
            %reduce_or3A_471 = vector.broadcast %reduce_or3A_470 : i1 to vector<16xi1>
            %reduce_or3A_472 = tpu.scan <max>, %reduce_or3A_469 masked %reduce_or3A_471 : vector<16xf32>, vector<16xi1> -> vector<16xf32>
            %reduce_or3A_473 = vector.extract %reduce_or3A_472[15] : f32 from vector<16xf32>
            %reduce_or3A_474 = arith.constant 0.000000e+00 : f32
            %reduce_or3A_475 = arith.cmpf ogt, %reduce_or3A_473, %reduce_or3A_474 : f32
            %convert_element_type3A_476 = arith.extui %reduce_or3A_475 : i1 to i32
            %cond3A_477 = arith.constant 0 : i32
            %cond3A_478 = arith.cmpi ne, %convert_element_type3A_476, %cond3A_477 : i32
            %cond3A_479:3 = scf.if %cond3A_478 -> (vector<16xf32>, vector<16xi32>, vector<16xf32>) {
              %mul3A_480 = arith.constant 8 : i32
              %mul3A_481 = arith.muli %scan3A_228, %mul3A_480 : i32
              %add3A_482 = arith.constant 7 : i32
              %add3A_483 = arith.addi %mul3A_481, %add3A_482 : i32
              %mul3A_484 = arith.constant 16 : i32
              %mul3A_485 = arith.muli %add3A_483, %mul3A_484 : i32
              %add3A_486 = arith.addi %mul3A_35, %mul3A_485 : i32
              %add3A_487 = vector.broadcast %add3A_486 : i32 to vector<16xi32>
              %add3A_488 = arith.addi %add3A_487, %iota3A : vector<16xi32>
              %masked_sort3A = arith.constant dense<true> : vector<16xi1>
              %masked_sort3A_489, %masked_sort3A_490, %masked_sort3A_491 = tpu.sort %get3A_300, %add3A_488 masked %masked_sort3A : (vector<16xf32>, vector<16xi32>, vector<16xi1>) -> (vector<16xi1>, vector<16xf32>, vector<16xi32>)
              %rev3A = arith.constant 15 : i32
              %rev3A_492 = vector.broadcast %rev3A : i32 to vector<16xi32>
              %rev3A_493 = tpu.iota {dimensions = array<i32: 0>} : vector<16xi32>
              %rev3A_494 = arith.subi %rev3A_492, %rev3A_493 : vector<16xi32>
              %rev3A_495 = tpu.dynamic_gather %masked_sort3A_490[%rev3A_494] in [0] : vector<16xf32>, vector<16xi32> -> vector<16xf32>
              %rev3A_496 = arith.constant 15 : i32
              %rev3A_497 = vector.broadcast %rev3A_496 : i32 to vector<16xi32>
              %rev3A_498 = tpu.iota {dimensions = array<i32: 0>} : vector<16xi32>
              %rev3A_499 = arith.subi %rev3A_497, %rev3A_498 : vector<16xi32>
              %rev3A_500 = tpu.dynamic_gather %masked_sort3A_491[%rev3A_499] in [0] : vector<16xi32>, vector<16xi32> -> vector<16xi32>
              %ge3A = arith.cmpf oge, %cond3A_463#0, %rev3A_495 : vector<16xf32>
              %select_n3A = arith.select %ge3A, %cond3A_463#0, %rev3A_495 : vector<16xi1>, vector<16xf32>
              %select_n3A_501 = arith.select %ge3A, %cond3A_463#1, %rev3A_500 : vector<16xi1>, vector<16xi32>
              %masked_sort3A_502 = arith.constant dense<true> : vector<16xi1>
              %masked_sort3A_503, %masked_sort3A_504, %masked_sort3A_505 = tpu.sort %select_n3A, %select_n3A_501 masked %masked_sort3A_502 : (vector<16xf32>, vector<16xi32>, vector<16xi1>) -> (vector<16xi1>, vector<16xf32>, vector<16xi32>)
              %slice3A = vector.extract_strided_slice %masked_sort3A_504 {offsets = [8], sizes = [1], strides = [1]} : vector<16xf32> to vector<1xf32>
              %squeeze3A = vector.extract %slice3A[0] : f32 from vector<1xf32>
              %broadcast_in_dim3A = vector.broadcast %squeeze3A : f32 to vector<16xf32>
              scf.yield %masked_sort3A_504, %masked_sort3A_505, %broadcast_in_dim3A : vector<16xf32>, vector<16xi32>, vector<16xf32>
            } else {
              scf.yield %cond3A_463#0, %cond3A_463#1, %cond3A_463#2 : vector<16xf32>, vector<16xi32>, vector<16xf32>
            }
            scf.yield %cond3A_479#0, %cond3A_479#1, %cond3A_479#2 : vector<16xf32>, vector<16xi32>, vector<16xf32>
          } else {
            scf.yield %cond3A_226#0, %cond3A_226#1, %cond3A_226#2 : vector<16xf32>, vector<16xi32>, vector<16xf32>
          }
          scf.yield %max3A_308, %add3A_335, %cond3A_351#0, %cond3A_351#1, %cond3A_351#2 : vector<16xf32>, vector<16xf32>, vector<16xf32>, vector<16xi32>, vector<16xf32>
        }
        %scan3A_87 = arith.constant 26 : i32
        %swap3A = arith.index_cast %scan3A_66 : i32 to index
        %swap3A_88 = arith.constant 0 : index
        %swap3A_89 = tpu.vector_load %arg11[%swap3A, %swap3A_88] {strides = array<i32>} : memref<16x16xf32, #tpu.memory_space<vmem>>, vector<16xf32>,
        tpu.vector_store %arg11[%swap3A, %swap3A_88], %scan3A_86#0 {strides = array<i32>} : memref<16x16xf32, #tpu.memory_space<vmem>>, vector<16xf32>,
        %swap3A_90 = arith.index_cast %scan3A_66 : i32 to index
        %swap3A_91 = arith.constant 0 : index
        %swap3A_92 = tpu.vector_load %arg12[%swap3A_90, %swap3A_91] {strides = array<i32>} : memref<16x16xf32, #tpu.memory_space<vmem>>, vector<16xf32>,
        tpu.vector_store %arg12[%swap3A_90, %swap3A_91], %scan3A_86#1 {strides = array<i32>} : memref<16x16xf32, #tpu.memory_space<vmem>>, vector<16xf32>,
        %swap3A_93 = arith.index_cast %scan3A_66 : i32 to index
        %swap3A_94 = arith.constant 0 : index
        %swap3A_95 = tpu.vector_load %arg9[%swap3A_93, %swap3A_94] {strides = array<i32>} : memref<16x16xf32, #tpu.memory_space<vmem>>, vector<16xf32>,
        tpu.vector_store %arg9[%swap3A_93, %swap3A_94], %scan3A_86#2 {strides = array<i32>} : memref<16x16xf32, #tpu.memory_space<vmem>>, vector<16xf32>,
        %swap3A_96 = arith.index_cast %scan3A_66 : i32 to index
        %swap3A_97 = arith.constant 0 : index
        %swap3A_98 = tpu.vector_load %arg10[%swap3A_96, %swap3A_97] {strides = array<i32>} : memref<16x16xi32, #tpu.memory_space<vmem>>, vector<16xi32>,
        tpu.vector_store %arg10[%swap3A_96, %swap3A_97], %scan3A_86#3 {strides = array<i32>} : memref<16x16xi32, #tpu.memory_space<vmem>>, vector<16xi32>,
        %swap3A_99 = arith.index_cast %scan3A_66 : i32 to index
        %swap3A_100 = arith.constant 0 : index
        %swap3A_101 = tpu.vector_load %arg13[%swap3A_99, %swap3A_100] {strides = array<i32>} : memref<16x16xf32, #tpu.memory_space<vmem>>, vector<16xf32>,
        tpu.vector_store %arg13[%swap3A_99, %swap3A_100], %scan3A_86#4 {strides = array<i32>} : memref<16x16xf32, #tpu.memory_space<vmem>>, vector<16xf32>,
        %scan3A_102 = arith.constant 0 : i32
        scf.yield %scan3A_102 : i32
      }
      %scan3A_42 = arith.constant 16 : i32
      %add3A_43 = arith.constant 2 : i32
      %add3A_44 = arith.addi %mul3A_22, %add3A_43 : i32
      %lt3A = arith.constant 30 : i32
      %lt3A_45 = arith.cmpi slt, %add3A_44, %lt3A : i32
      %convert_element_type3A = arith.extui %lt3A_45 : i1 to i32
      %cond3A = arith.constant 0 : i32
      %cond3A_46 = arith.cmpi ne, %convert_element_type3A, %cond3A : i32
      scf.if %cond3A_46 {
        %add3A_66 = arith.constant 2 : i32
        %add3A_67 = arith.addi %mul3A_22, %add3A_66 : i32
        %mul3A_68 = arith.constant 3328 : i32
        %mul3A_69 = arith.muli %add3A_67, %mul3A_68 : i32
        %multiple_of3A_70 = tpu.assume_multiple %mul3A_69, 128 : i32
        %dma_start3A_71 = tpu.memref_slice %arg2[%multiple_of3A, %multiple_of3A_70] : memref<512x100000xf32, #tpu.memory_space<hbm>> -> memref<16x3328xf32, #tpu.memory_space<hbm>>
        %dma_start3A_72 = tpu.memref_slice %arg2[%multiple_of3A, %multiple_of3A_70] : memref<512x100000xf32, #tpu.memory_space<hbm>> -> memref<16x3328xf32, #tpu.memory_space<hbm>>
        tpu.enqueue_dma source(%dma_start3A_72 : memref<16x3328xf32, #tpu.memory_space<hbm>>) target(%arg7 : memref<16x3328xf32, #tpu.memory_space<vmem>>) target_semaphore(%arg14 : memref<!tpu.dma_semaphore, #tpu.memory_space<semaphore_mem>>)
      } else {
      }
      %add3A_47 = arith.constant 1 : i32
      %add3A_48 = arith.addi %mul3A_22, %add3A_47 : i32
      %mul3A_49 = arith.constant 3328 : i32
      %mul3A_50 = arith.muli %add3A_48, %mul3A_49 : i32
      %multiple_of3A_51 = tpu.assume_multiple %mul3A_50, 128 : i32
      %dma_wait3A_52 = tpu.memref_slice %arg2[%multiple_of3A, %multiple_of3A_51] : memref<512x100000xf32, #tpu.memory_space<hbm>> -> memref<16x3328xf32, #tpu.memory_space<hbm>>
      %dma_wait3A_53 = tpu.memref_slice %arg2[%multiple_of3A, %multiple_of3A_51] : memref<512x100000xf32, #tpu.memory_space<hbm>> -> memref<16x3328xf32, #tpu.memory_space<hbm>>
      tpu.wait_dma2 semaphore(%arg15 : memref<!tpu.dma_semaphore, #tpu.memory_space<semaphore_mem>>) src(%dma_wait3A_53 : memref<16x3328xf32, #tpu.memory_space<hbm>>) dst(%arg8 : memref<16x3328xf32, #tpu.memory_space<vmem>>)
      %add3A_54 = arith.constant 1 : i32
      %add3A_55 = arith.addi %mul3A_22, %add3A_54 : i32
      %mul3A_56 = arith.constant 3328 : i32
      %mul3A_57 = arith.muli %add3A_55, %mul3A_56 : i32
      %scan3A_58 = arith.constant 0 : i32
      %scan3A_59 = arith.constant 0 : i32
      %scan3A_60 = arith.constant 16 : i32
      %scan3A_61 = arith.addi %scan3A_59, %scan3A_60 : i32
      %scan3A_62 = arith.constant 1 : i32
      %scan3A_63 = scf.for %scan3A_66 = %scan3A_59 to %scan3A_61 step %scan3A_62 iter_args(%scan3A_67 = %scan3A_58) -> (i32)  : i32 {
        %get3A = arith.index_cast %scan3A_66 : i32 to index
        %get3A_68 = arith.constant 0 : index
        %get3A_69 = tpu.vector_load %arg11[%get3A, %get3A_68] {strides = array<i32>} : memref<16x16xf32, #tpu.memory_space<vmem>>, vector<16xf32>,
        %get3A_70 = arith.index_cast %scan3A_66 : i32 to index
        %get3A_71 = arith.constant 0 : index
        %get3A_72 = tpu.vector_load %arg12[%get3A_70, %get3A_71] {strides = array<i32>} : memref<16x16xf32, #tpu.memory_space<vmem>>, vector<16xf32>,
        %get3A_73 = arith.index_cast %scan3A_66 : i32 to index
        %get3A_74 = arith.constant 0 : index
        %get3A_75 = tpu.vector_load %arg9[%get3A_73, %get3A_74] {strides = array<i32>} : memref<16x16xf32, #tpu.memory_space<vmem>>, vector<16xf32>,
        %get3A_76 = arith.index_cast %scan3A_66 : i32 to index
        %get3A_77 = arith.constant 0 : index
        %get3A_78 = tpu.vector_load %arg10[%get3A_76, %get3A_77] {strides = array<i32>} : memref<16x16xi32, #tpu.memory_space<vmem>>, vector<16xi32>,
        %get3A_79 = arith.index_cast %scan3A_66 : i32 to index
        %get3A_80 = arith.constant 0 : index
        %get3A_81 = tpu.vector_load %arg13[%get3A_79, %get3A_80] {strides = array<i32>} : memref<16x16xf32, #tpu.memory_space<vmem>>, vector<16xf32>,
        %scan3A_82 = arith.constant 0 : i32
        %scan3A_83 = arith.constant 26 : i32
        %scan3A_84 = arith.addi %scan3A_82, %scan3A_83 : i32
        %scan3A_85 = arith.constant 2 : i32
        %scan3A_86:5 = scf.for %scan3A_103 = %scan3A_82 to %scan3A_84 step %scan3A_85 iter_args(%scan3A_104 = %get3A_69, %scan3A_105 = %get3A_72, %scan3A_106 = %get3A_75, %scan3A_107 = %get3A_78, %scan3A_108 = %get3A_81) -> (vector<16xf32>, vector<16xf32>, vector<16xf32>, vector<16xi32>, vector<16xf32>)  : i32 {
          %mul3A_109 = arith.constant 8 : i32
          %mul3A_110 = arith.muli %scan3A_103, %mul3A_109 : i32
          %add3A_111 = arith.constant 0 : i32
          %add3A_112 = arith.addi %mul3A_110, %add3A_111 : i32
          %mul3A_113 = arith.constant 16 : i32
          %mul3A_114 = arith.muli %add3A_112, %mul3A_113 : i32
          %get3A_115 = arith.index_cast %scan3A_66 : i32 to index
          %get3A_116 = arith.index_cast %mul3A_114 : i32 to index
          %get3A_117 = tpu.vector_load %arg8[%get3A_115, %get3A_116] {strides = array<i32>} : memref<16x3328xf32, #tpu.memory_space<vmem>>, vector<16xf32>,
          %mul3A_118 = arith.constant 8 : i32
          %mul3A_119 = arith.muli %scan3A_103, %mul3A_118 : i32
          %add3A_120 = arith.constant 1 : i32
          %add3A_121 = arith.addi %mul3A_119, %add3A_120 : i32
          %mul3A_122 = arith.constant 16 : i32
          %mul3A_123 = arith.muli %add3A_121, %mul3A_122 : i32
          %get3A_124 = arith.index_cast %scan3A_66 : i32 to index
          %get3A_125 = arith.index_cast %mul3A_123 : i32 to index
          %get3A_126 = tpu.vector_load %arg8[%get3A_124, %get3A_125] {strides = array<i32>} : memref<16x3328xf32, #tpu.memory_space<vmem>>, vector<16xf32>,
          %mul3A_127 = arith.constant 8 : i32
          %mul3A_128 = arith.muli %scan3A_103, %mul3A_127 : i32
          %add3A_129 = arith.constant 2 : i32
          %add3A_130 = arith.addi %mul3A_128, %add3A_129 : i32
          %mul3A_131 = arith.constant 16 : i32
          %mul3A_132 = arith.muli %add3A_130, %mul3A_131 : i32
          %get3A_133 = arith.index_cast %scan3A_66 : i32 to index
          %get3A_134 = arith.index_cast %mul3A_132 : i32 to index
          %get3A_135 = tpu.vector_load %arg8[%get3A_133, %get3A_134] {strides = array<i32>} : memref<16x3328xf32, #tpu.memory_space<vmem>>, vector<16xf32>,
          %mul3A_136 = arith.constant 8 : i32
          %mul3A_137 = arith.muli %scan3A_103, %mul3A_136 : i32
          %add3A_138 = arith.constant 3 : i32
          %add3A_139 = arith.addi %mul3A_137, %add3A_138 : i32
          %mul3A_140 = arith.constant 16 : i32
          %mul3A_141 = arith.muli %add3A_139, %mul3A_140 : i32
          %get3A_142 = arith.index_cast %scan3A_66 : i32 to index
          %get3A_143 = arith.index_cast %mul3A_141 : i32 to index
          %get3A_144 = tpu.vector_load %arg8[%get3A_142, %get3A_143] {strides = array<i32>} : memref<16x3328xf32, #tpu.memory_space<vmem>>, vector<16xf32>,
          %mul3A_145 = arith.constant 8 : i32
          %mul3A_146 = arith.muli %scan3A_103, %mul3A_145 : i32
          %add3A_147 = arith.constant 4 : i32
          %add3A_148 = arith.addi %mul3A_146, %add3A_147 : i32
          %mul3A_149 = arith.constant 16 : i32
          %mul3A_150 = arith.muli %add3A_148, %mul3A_149 : i32
          %get3A_151 = arith.index_cast %scan3A_66 : i32 to index
          %get3A_152 = arith.index_cast %mul3A_150 : i32 to index
          %get3A_153 = tpu.vector_load %arg8[%get3A_151, %get3A_152] {strides = array<i32>} : memref<16x3328xf32, #tpu.memory_space<vmem>>, vector<16xf32>,
          %mul3A_154 = arith.constant 8 : i32
          %mul3A_155 = arith.muli %scan3A_103, %mul3A_154 : i32
          %add3A_156 = arith.constant 5 : i32
          %add3A_157 = arith.addi %mul3A_155, %add3A_156 : i32
          %mul3A_158 = arith.constant 16 : i32
          %mul3A_159 = arith.muli %add3A_157, %mul3A_158 : i32
          %get3A_160 = arith.index_cast %scan3A_66 : i32 to index
          %get3A_161 = arith.index_cast %mul3A_159 : i32 to index
          %get3A_162 = tpu.vector_load %arg8[%get3A_160, %get3A_161] {strides = array<i32>} : memref<16x3328xf32, #tpu.memory_space<vmem>>, vector<16xf32>,
          %mul3A_163 = arith.constant 8 : i32
          %mul3A_164 = arith.muli %scan3A_103, %mul3A_163 : i32
          %add3A_165 = arith.constant 6 : i32
          %add3A_166 = arith.addi %mul3A_164, %add3A_165 : i32
          %mul3A_167 = arith.constant 16 : i32
          %mul3A_168 = arith.muli %add3A_166, %mul3A_167 : i32
          %get3A_169 = arith.index_cast %scan3A_66 : i32 to index
          %get3A_170 = arith.index_cast %mul3A_168 : i32 to index
          %get3A_171 = tpu.vector_load %arg8[%get3A_169, %get3A_170] {strides = array<i32>} : memref<16x3328xf32, #tpu.memory_space<vmem>>, vector<16xf32>,
          %mul3A_172 = arith.constant 8 : i32
          %mul3A_173 = arith.muli %scan3A_103, %mul3A_172 : i32
          %add3A_174 = arith.constant 7 : i32
          %add3A_175 = arith.addi %mul3A_173, %add3A_174 : i32
          %mul3A_176 = arith.constant 16 : i32
          %mul3A_177 = arith.muli %add3A_175, %mul3A_176 : i32
          %get3A_178 = arith.index_cast %scan3A_66 : i32 to index
          %get3A_179 = arith.index_cast %mul3A_177 : i32 to index
          %get3A_180 = tpu.vector_load %arg8[%get3A_178, %get3A_179] {strides = array<i32>} : memref<16x3328xf32, #tpu.memory_space<vmem>>, vector<16xf32>,
          %max3A = arith.maximumf %get3A_117, %get3A_126 : vector<16xf32>
          %max3A_181 = arith.maximumf %get3A_135, %get3A_144 : vector<16xf32>
          %max3A_182 = arith.maximumf %get3A_153, %get3A_162 : vector<16xf32>
          %max3A_183 = arith.maximumf %get3A_171, %get3A_180 : vector<16xf32>
          %max3A_184 = arith.maximumf %max3A, %max3A_181 : vector<16xf32>
          %max3A_185 = arith.maximumf %max3A_182, %max3A_183 : vector<16xf32>
          %max3A_186 = arith.maximumf %max3A_184, %max3A_185 : vector<16xf32>
          %max3A_187 = arith.maximumf %scan3A_104, %max3A_186 : vector<16xf32>
          %sub3A = arith.subf %get3A_117, %max3A_187 : vector<16xf32>
          %exp3A = math.exp %sub3A : vector<16xf32>
          %sub3A_188 = arith.subf %get3A_126, %max3A_187 : vector<16xf32>
          %exp3A_189 = math.exp %sub3A_188 : vector<16xf32>
          %sub3A_190 = arith.subf %get3A_135, %max3A_187 : vector<16xf32>
          %exp3A_191 = math.exp %sub3A_190 : vector<16xf32>
          %sub3A_192 = arith.subf %get3A_144, %max3A_187 : vector<16xf32>
          %exp3A_193 = math.exp %sub3A_192 : vector<16xf32>
          %sub3A_194 = arith.subf %get3A_153, %max3A_187 : vector<16xf32>
          %exp3A_195 = math.exp %sub3A_194 : vector<16xf32>
          %sub3A_196 = arith.subf %get3A_162, %max3A_187 : vector<16xf32>
          %exp3A_197 = math.exp %sub3A_196 : vector<16xf32>
          %sub3A_198 = arith.subf %get3A_171, %max3A_187 : vector<16xf32>
          %exp3A_199 = math.exp %sub3A_198 : vector<16xf32>
          %sub3A_200 = arith.subf %get3A_180, %max3A_187 : vector<16xf32>
          %exp3A_201 = math.exp %sub3A_200 : vector<16xf32>
          %sub3A_202 = arith.subf %scan3A_104, %max3A_187 : vector<16xf32>
          %exp3A_203 = math.exp %sub3A_202 : vector<16xf32>
          %mul3A_204 = arith.mulf %scan3A_105, %exp3A_203 : vector<16xf32>
          %add3A_205 = arith.addf %exp3A, %exp3A_189 : vector<16xf32>
          %add3A_206 = arith.addf %exp3A_191, %exp3A_193 : vector<16xf32>
          %add3A_207 = arith.addf %exp3A_195, %exp3A_197 : vector<16xf32>
          %add3A_208 = arith.addf %exp3A_199, %exp3A_201 : vector<16xf32>
          %add3A_209 = arith.addf %add3A_205, %add3A_206 : vector<16xf32>
          %add3A_210 = arith.addf %add3A_207, %add3A_208 : vector<16xf32>
          %add3A_211 = arith.addf %add3A_209, %add3A_210 : vector<16xf32>
          %add3A_212 = arith.addf %mul3A_204, %add3A_211 : vector<16xf32>
          %gt3A = arith.cmpf ogt, %max3A_186, %scan3A_108 : vector<16xf32>
          %reduce_or3A = arith.constant 1.000000e+00 : f32
          %reduce_or3A_213 = arith.constant 0.000000e+00 : f32
          %reduce_or3A_214 = vector.broadcast %reduce_or3A : f32 to vector<16xf32>
          %reduce_or3A_215 = vector.broadcast %reduce_or3A_213 : f32 to vector<16xf32>
          %reduce_or3A_216 = arith.select %gt3A, %reduce_or3A_214, %reduce_or3A_215 : vector<16xi1>, vector<16xf32>
          %reduce_or3A_217 = arith.constant true
          %reduce_or3A_218 = vector.broadcast %reduce_or3A_217 : i1 to vector<16xi1>
          %reduce_or3A_219 = tpu.scan <max>, %reduce_or3A_216 masked %reduce_or3A_218 : vector<16xf32>, vector<16xi1> -> vector<16xf32>
          %reduce_or3A_220 = vector.extract %reduce_or3A_219[15] : f32 from vector<16xf32>
          %reduce_or3A_221 = arith.constant 0.000000e+00 : f32
          %reduce_or3A_222 = arith.cmpf ogt, %reduce_or3A_220, %reduce_or3A_221 : f32
          %convert_element_type3A_223 = arith.extui %reduce_or3A_222 : i1 to i32
          %cond3A_224 = arith.constant 0 : i32
          %cond3A_225 = arith.cmpi ne, %convert_element_type3A_223, %cond3A_224 : i32
          %cond3A_226:3 = scf.if %cond3A_225 -> (vector<16xf32>, vector<16xi32>, vector<16xf32>) {
            %gt3A_352 = arith.cmpf ogt, %get3A_117, %scan3A_108 : vector<16xf32>
            %reduce_or3A_353 = arith.constant 1.000000e+00 : f32
            %reduce_or3A_354 = arith.constant 0.000000e+00 : f32
            %reduce_or3A_355 = vector.broadcast %reduce_or3A_353 : f32 to vector<16xf32>
            %reduce_or3A_356 = vector.broadcast %reduce_or3A_354 : f32 to vector<16xf32>
            %reduce_or3A_357 = arith.select %gt3A_352, %reduce_or3A_355, %reduce_or3A_356 : vector<16xi1>, vector<16xf32>
            %reduce_or3A_358 = arith.constant true
            %reduce_or3A_359 = vector.broadcast %reduce_or3A_358 : i1 to vector<16xi1>
            %reduce_or3A_360 = tpu.scan <max>, %reduce_or3A_357 masked %reduce_or3A_359 : vector<16xf32>, vector<16xi1> -> vector<16xf32>
            %reduce_or3A_361 = vector.extract %reduce_or3A_360[15] : f32 from vector<16xf32>
            %reduce_or3A_362 = arith.constant 0.000000e+00 : f32
            %reduce_or3A_363 = arith.cmpf ogt, %reduce_or3A_361, %reduce_or3A_362 : f32
            %convert_element_type3A_364 = arith.extui %reduce_or3A_363 : i1 to i32
            %cond3A_365 = arith.constant 0 : i32
            %cond3A_366 = arith.cmpi ne, %convert_element_type3A_364, %cond3A_365 : i32
            %cond3A_367:3 = scf.if %cond3A_366 -> (vector<16xf32>, vector<16xi32>, vector<16xf32>) {
              %mul3A_480 = arith.constant 8 : i32
              %mul3A_481 = arith.muli %scan3A_103, %mul3A_480 : i32
              %add3A_482 = arith.constant 0 : i32
              %add3A_483 = arith.addi %mul3A_481, %add3A_482 : i32
              %mul3A_484 = arith.constant 16 : i32
              %mul3A_485 = arith.muli %add3A_483, %mul3A_484 : i32
              %add3A_486 = arith.addi %mul3A_57, %mul3A_485 : i32
              %add3A_487 = vector.broadcast %add3A_486 : i32 to vector<16xi32>
              %add3A_488 = arith.addi %add3A_487, %iota3A : vector<16xi32>
              %masked_sort3A = arith.constant dense<true> : vector<16xi1>
              %masked_sort3A_489, %masked_sort3A_490, %masked_sort3A_491 = tpu.sort %get3A_117, %add3A_488 masked %masked_sort3A : (vector<16xf32>, vector<16xi32>, vector<16xi1>) -> (vector<16xi1>, vector<16xf32>, vector<16xi32>)
              %rev3A = arith.constant 15 : i32
              %rev3A_492 = vector.broadcast %rev3A : i32 to vector<16xi32>
              %rev3A_493 = tpu.iota {dimensions = array<i32: 0>} : vector<16xi32>
              %rev3A_494 = arith.subi %rev3A_492, %rev3A_493 : vector<16xi32>
              %rev3A_495 = tpu.dynamic_gather %masked_sort3A_490[%rev3A_494] in [0] : vector<16xf32>, vector<16xi32> -> vector<16xf32>
              %rev3A_496 = arith.constant 15 : i32
              %rev3A_497 = vector.broadcast %rev3A_496 : i32 to vector<16xi32>
              %rev3A_498 = tpu.iota {dimensions = array<i32: 0>} : vector<16xi32>
              %rev3A_499 = arith.subi %rev3A_497, %rev3A_498 : vector<16xi32>
              %rev3A_500 = tpu.dynamic_gather %masked_sort3A_491[%rev3A_499] in [0] : vector<16xi32>, vector<16xi32> -> vector<16xi32>
              %ge3A = arith.cmpf oge, %scan3A_106, %rev3A_495 : vector<16xf32>
              %select_n3A = arith.select %ge3A, %scan3A_106, %rev3A_495 : vector<16xi1>, vector<16xf32>
              %select_n3A_501 = arith.select %ge3A, %scan3A_107, %rev3A_500 : vector<16xi1>, vector<16xi32>
              %masked_sort3A_502 = arith.constant dense<true> : vector<16xi1>
              %masked_sort3A_503, %masked_sort3A_504, %masked_sort3A_505 = tpu.sort %select_n3A, %select_n3A_501 masked %masked_sort3A_502 : (vector<16xf32>, vector<16xi32>, vector<16xi1>) -> (vector<16xi1>, vector<16xf32>, vector<16xi32>)
              %slice3A = vector.extract_strided_slice %masked_sort3A_504 {offsets = [8], sizes = [1], strides = [1]} : vector<16xf32> to vector<1xf32>
              %squeeze3A = vector.extract %slice3A[0] : f32 from vector<1xf32>
              %broadcast_in_dim3A = vector.broadcast %squeeze3A : f32 to vector<16xf32>
              scf.yield %masked_sort3A_504, %masked_sort3A_505, %broadcast_in_dim3A : vector<16xf32>, vector<16xi32>, vector<16xf32>
            } else {
              scf.yield %scan3A_106, %scan3A_107, %scan3A_108 : vector<16xf32>, vector<16xi32>, vector<16xf32>
            }
            %gt3A_368 = arith.cmpf ogt, %get3A_126, %cond3A_367#2 : vector<16xf32>
            %reduce_or3A_369 = arith.constant 1.000000e+00 : f32
            %reduce_or3A_370 = arith.constant 0.000000e+00 : f32
            %reduce_or3A_371 = vector.broadcast %reduce_or3A_369 : f32 to vector<16xf32>
            %reduce_or3A_372 = vector.broadcast %reduce_or3A_370 : f32 to vector<16xf32>
            %reduce_or3A_373 = arith.select %gt3A_368, %reduce_or3A_371, %reduce_or3A_372 : vector<16xi1>, vector<16xf32>
            %reduce_or3A_374 = arith.constant true
            %reduce_or3A_375 = vector.broadcast %reduce_or3A_374 : i1 to vector<16xi1>
            %reduce_or3A_376 = tpu.scan <max>, %reduce_or3A_373 masked %reduce_or3A_375 : vector<16xf32>, vector<16xi1> -> vector<16xf32>
            %reduce_or3A_377 = vector.extract %reduce_or3A_376[15] : f32 from vector<16xf32>
            %reduce_or3A_378 = arith.constant 0.000000e+00 : f32
            %reduce_or3A_379 = arith.cmpf ogt, %reduce_or3A_377, %reduce_or3A_378 : f32
            %convert_element_type3A_380 = arith.extui %reduce_or3A_379 : i1 to i32
            %cond3A_381 = arith.constant 0 : i32
            %cond3A_382 = arith.cmpi ne, %convert_element_type3A_380, %cond3A_381 : i32
            %cond3A_383:3 = scf.if %cond3A_382 -> (vector<16xf32>, vector<16xi32>, vector<16xf32>) {
              %mul3A_480 = arith.constant 8 : i32
              %mul3A_481 = arith.muli %scan3A_103, %mul3A_480 : i32
              %add3A_482 = arith.constant 1 : i32
              %add3A_483 = arith.addi %mul3A_481, %add3A_482 : i32
              %mul3A_484 = arith.constant 16 : i32
              %mul3A_485 = arith.muli %add3A_483, %mul3A_484 : i32
              %add3A_486 = arith.addi %mul3A_57, %mul3A_485 : i32
              %add3A_487 = vector.broadcast %add3A_486 : i32 to vector<16xi32>
              %add3A_488 = arith.addi %add3A_487, %iota3A : vector<16xi32>
              %masked_sort3A = arith.constant dense<true> : vector<16xi1>
              %masked_sort3A_489, %masked_sort3A_490, %masked_sort3A_491 = tpu.sort %get3A_126, %add3A_488 masked %masked_sort3A : (vector<16xf32>, vector<16xi32>, vector<16xi1>) -> (vector<16xi1>, vector<16xf32>, vector<16xi32>)
              %rev3A = arith.constant 15 : i32
              %rev3A_492 = vector.broadcast %rev3A : i32 to vector<16xi32>
              %rev3A_493 = tpu.iota {dimensions = array<i32: 0>} : vector<16xi32>
              %rev3A_494 = arith.subi %rev3A_492, %rev3A_493 : vector<16xi32>
              %rev3A_495 = tpu.dynamic_gather %masked_sort3A_490[%rev3A_494] in [0] : vector<16xf32>, vector<16xi32> -> vector<16xf32>
              %rev3A_496 = arith.constant 15 : i32
              %rev3A_497 = vector.broadcast %rev3A_496 : i32 to vector<16xi32>
              %rev3A_498 = tpu.iota {dimensions = array<i32: 0>} : vector<16xi32>
              %rev3A_499 = arith.subi %rev3A_497, %rev3A_498 : vector<16xi32>
              %rev3A_500 = tpu.dynamic_gather %masked_sort3A_491[%rev3A_499] in [0] : vector<16xi32>, vector<16xi32> -> vector<16xi32>
              %ge3A = arith.cmpf oge, %cond3A_367#0, %rev3A_495 : vector<16xf32>
              %select_n3A = arith.select %ge3A, %cond3A_367#0, %rev3A_495 : vector<16xi1>, vector<16xf32>
              %select_n3A_501 = arith.select %ge3A, %cond3A_367#1, %rev3A_500 : vector<16xi1>, vector<16xi32>
              %masked_sort3A_502 = arith.constant dense<true> : vector<16xi1>
              %masked_sort3A_503, %masked_sort3A_504, %masked_sort3A_505 = tpu.sort %select_n3A, %select_n3A_501 masked %masked_sort3A_502 : (vector<16xf32>, vector<16xi32>, vector<16xi1>) -> (vector<16xi1>, vector<16xf32>, vector<16xi32>)
              %slice3A = vector.extract_strided_slice %masked_sort3A_504 {offsets = [8], sizes = [1], strides = [1]} : vector<16xf32> to vector<1xf32>
              %squeeze3A = vector.extract %slice3A[0] : f32 from vector<1xf32>
              %broadcast_in_dim3A = vector.broadcast %squeeze3A : f32 to vector<16xf32>
              scf.yield %masked_sort3A_504, %masked_sort3A_505, %broadcast_in_dim3A : vector<16xf32>, vector<16xi32>, vector<16xf32>
            } else {
              scf.yield %cond3A_367#0, %cond3A_367#1, %cond3A_367#2 : vector<16xf32>, vector<16xi32>, vector<16xf32>
            }
            %gt3A_384 = arith.cmpf ogt, %get3A_135, %cond3A_383#2 : vector<16xf32>
            %reduce_or3A_385 = arith.constant 1.000000e+00 : f32
            %reduce_or3A_386 = arith.constant 0.000000e+00 : f32
            %reduce_or3A_387 = vector.broadcast %reduce_or3A_385 : f32 to vector<16xf32>
            %reduce_or3A_388 = vector.broadcast %reduce_or3A_386 : f32 to vector<16xf32>
            %reduce_or3A_389 = arith.select %gt3A_384, %reduce_or3A_387, %reduce_or3A_388 : vector<16xi1>, vector<16xf32>
            %reduce_or3A_390 = arith.constant true
            %reduce_or3A_391 = vector.broadcast %reduce_or3A_390 : i1 to vector<16xi1>
            %reduce_or3A_392 = tpu.scan <max>, %reduce_or3A_389 masked %reduce_or3A_391 : vector<16xf32>, vector<16xi1> -> vector<16xf32>
            %reduce_or3A_393 = vector.extract %reduce_or3A_392[15] : f32 from vector<16xf32>
            %reduce_or3A_394 = arith.constant 0.000000e+00 : f32
            %reduce_or3A_395 = arith.cmpf ogt, %reduce_or3A_393, %reduce_or3A_394 : f32
            %convert_element_type3A_396 = arith.extui %reduce_or3A_395 : i1 to i32
            %cond3A_397 = arith.constant 0 : i32
            %cond3A_398 = arith.cmpi ne, %convert_element_type3A_396, %cond3A_397 : i32
            %cond3A_399:3 = scf.if %cond3A_398 -> (vector<16xf32>, vector<16xi32>, vector<16xf32>) {
              %mul3A_480 = arith.constant 8 : i32
              %mul3A_481 = arith.muli %scan3A_103, %mul3A_480 : i32
              %add3A_482 = arith.constant 2 : i32
              %add3A_483 = arith.addi %mul3A_481, %add3A_482 : i32
              %mul3A_484 = arith.constant 16 : i32
              %mul3A_485 = arith.muli %add3A_483, %mul3A_484 : i32
              %add3A_486 = arith.addi %mul3A_57, %mul3A_485 : i32
              %add3A_487 = vector.broadcast %add3A_486 : i32 to vector<16xi32>
              %add3A_488 = arith.addi %add3A_487, %iota3A : vector<16xi32>
              %masked_sort3A = arith.constant dense<true> : vector<16xi1>
              %masked_sort3A_489, %masked_sort3A_490, %masked_sort3A_491 = tpu.sort %get3A_135, %add3A_488 masked %masked_sort3A : (vector<16xf32>, vector<16xi32>, vector<16xi1>) -> (vector<16xi1>, vector<16xf32>, vector<16xi32>)
              %rev3A = arith.constant 15 : i32
              %rev3A_492 = vector.broadcast %rev3A : i32 to vector<16xi32>
              %rev3A_493 = tpu.iota {dimensions = array<i32: 0>} : vector<16xi32>
              %rev3A_494 = arith.subi %rev3A_492, %rev3A_493 : vector<16xi32>
              %rev3A_495 = tpu.dynamic_gather %masked_sort3A_490[%rev3A_494] in [0] : vector<16xf32>, vector<16xi32> -> vector<16xf32>
              %rev3A_496 = arith.constant 15 : i32
              %rev3A_497 = vector.broadcast %rev3A_496 : i32 to vector<16xi32>
              %rev3A_498 = tpu.iota {dimensions = array<i32: 0>} : vector<16xi32>
              %rev3A_499 = arith.subi %rev3A_497, %rev3A_498 : vector<16xi32>
              %rev3A_500 = tpu.dynamic_gather %masked_sort3A_491[%rev3A_499] in [0] : vector<16xi32>, vector<16xi32> -> vector<16xi32>
              %ge3A = arith.cmpf oge, %cond3A_383#0, %rev3A_495 : vector<16xf32>
              %select_n3A = arith.select %ge3A, %cond3A_383#0, %rev3A_495 : vector<16xi1>, vector<16xf32>
              %select_n3A_501 = arith.select %ge3A, %cond3A_383#1, %rev3A_500 : vector<16xi1>, vector<16xi32>
              %masked_sort3A_502 = arith.constant dense<true> : vector<16xi1>
              %masked_sort3A_503, %masked_sort3A_504, %masked_sort3A_505 = tpu.sort %select_n3A, %select_n3A_501 masked %masked_sort3A_502 : (vector<16xf32>, vector<16xi32>, vector<16xi1>) -> (vector<16xi1>, vector<16xf32>, vector<16xi32>)
              %slice3A = vector.extract_strided_slice %masked_sort3A_504 {offsets = [8], sizes = [1], strides = [1]} : vector<16xf32> to vector<1xf32>
              %squeeze3A = vector.extract %slice3A[0] : f32 from vector<1xf32>
              %broadcast_in_dim3A = vector.broadcast %squeeze3A : f32 to vector<16xf32>
              scf.yield %masked_sort3A_504, %masked_sort3A_505, %broadcast_in_dim3A : vector<16xf32>, vector<16xi32>, vector<16xf32>
            } else {
              scf.yield %cond3A_383#0, %cond3A_383#1, %cond3A_383#2 : vector<16xf32>, vector<16xi32>, vector<16xf32>
            }
            %gt3A_400 = arith.cmpf ogt, %get3A_144, %cond3A_399#2 : vector<16xf32>
            %reduce_or3A_401 = arith.constant 1.000000e+00 : f32
            %reduce_or3A_402 = arith.constant 0.000000e+00 : f32
            %reduce_or3A_403 = vector.broadcast %reduce_or3A_401 : f32 to vector<16xf32>
            %reduce_or3A_404 = vector.broadcast %reduce_or3A_402 : f32 to vector<16xf32>
            %reduce_or3A_405 = arith.select %gt3A_400, %reduce_or3A_403, %reduce_or3A_404 : vector<16xi1>, vector<16xf32>
            %reduce_or3A_406 = arith.constant true
            %reduce_or3A_407 = vector.broadcast %reduce_or3A_406 : i1 to vector<16xi1>
            %reduce_or3A_408 = tpu.scan <max>, %reduce_or3A_405 masked %reduce_or3A_407 : vector<16xf32>, vector<16xi1> -> vector<16xf32>
            %reduce_or3A_409 = vector.extract %reduce_or3A_408[15] : f32 from vector<16xf32>
            %reduce_or3A_410 = arith.constant 0.000000e+00 : f32
            %reduce_or3A_411 = arith.cmpf ogt, %reduce_or3A_409, %reduce_or3A_410 : f32
            %convert_element_type3A_412 = arith.extui %reduce_or3A_411 : i1 to i32
            %cond3A_413 = arith.constant 0 : i32
            %cond3A_414 = arith.cmpi ne, %convert_element_type3A_412, %cond3A_413 : i32
            %cond3A_415:3 = scf.if %cond3A_414 -> (vector<16xf32>, vector<16xi32>, vector<16xf32>) {
              %mul3A_480 = arith.constant 8 : i32
              %mul3A_481 = arith.muli %scan3A_103, %mul3A_480 : i32
              %add3A_482 = arith.constant 3 : i32
              %add3A_483 = arith.addi %mul3A_481, %add3A_482 : i32
              %mul3A_484 = arith.constant 16 : i32
              %mul3A_485 = arith.muli %add3A_483, %mul3A_484 : i32
              %add3A_486 = arith.addi %mul3A_57, %mul3A_485 : i32
              %add3A_487 = vector.broadcast %add3A_486 : i32 to vector<16xi32>
              %add3A_488 = arith.addi %add3A_487, %iota3A : vector<16xi32>
              %masked_sort3A = arith.constant dense<true> : vector<16xi1>
              %masked_sort3A_489, %masked_sort3A_490, %masked_sort3A_491 = tpu.sort %get3A_144, %add3A_488 masked %masked_sort3A : (vector<16xf32>, vector<16xi32>, vector<16xi1>) -> (vector<16xi1>, vector<16xf32>, vector<16xi32>)
              %rev3A = arith.constant 15 : i32
              %rev3A_492 = vector.broadcast %rev3A : i32 to vector<16xi32>
              %rev3A_493 = tpu.iota {dimensions = array<i32: 0>} : vector<16xi32>
              %rev3A_494 = arith.subi %rev3A_492, %rev3A_493 : vector<16xi32>
              %rev3A_495 = tpu.dynamic_gather %masked_sort3A_490[%rev3A_494] in [0] : vector<16xf32>, vector<16xi32> -> vector<16xf32>
              %rev3A_496 = arith.constant 15 : i32
              %rev3A_497 = vector.broadcast %rev3A_496 : i32 to vector<16xi32>
              %rev3A_498 = tpu.iota {dimensions = array<i32: 0>} : vector<16xi32>
              %rev3A_499 = arith.subi %rev3A_497, %rev3A_498 : vector<16xi32>
              %rev3A_500 = tpu.dynamic_gather %masked_sort3A_491[%rev3A_499] in [0] : vector<16xi32>, vector<16xi32> -> vector<16xi32>
              %ge3A = arith.cmpf oge, %cond3A_399#0, %rev3A_495 : vector<16xf32>
              %select_n3A = arith.select %ge3A, %cond3A_399#0, %rev3A_495 : vector<16xi1>, vector<16xf32>
              %select_n3A_501 = arith.select %ge3A, %cond3A_399#1, %rev3A_500 : vector<16xi1>, vector<16xi32>
              %masked_sort3A_502 = arith.constant dense<true> : vector<16xi1>
              %masked_sort3A_503, %masked_sort3A_504, %masked_sort3A_505 = tpu.sort %select_n3A, %select_n3A_501 masked %masked_sort3A_502 : (vector<16xf32>, vector<16xi32>, vector<16xi1>) -> (vector<16xi1>, vector<16xf32>, vector<16xi32>)
              %slice3A = vector.extract_strided_slice %masked_sort3A_504 {offsets = [8], sizes = [1], strides = [1]} : vector<16xf32> to vector<1xf32>
              %squeeze3A = vector.extract %slice3A[0] : f32 from vector<1xf32>
              %broadcast_in_dim3A = vector.broadcast %squeeze3A : f32 to vector<16xf32>
              scf.yield %masked_sort3A_504, %masked_sort3A_505, %broadcast_in_dim3A : vector<16xf32>, vector<16xi32>, vector<16xf32>
            } else {
              scf.yield %cond3A_399#0, %cond3A_399#1, %cond3A_399#2 : vector<16xf32>, vector<16xi32>, vector<16xf32>
            }
            %gt3A_416 = arith.cmpf ogt, %get3A_153, %cond3A_415#2 : vector<16xf32>
            %reduce_or3A_417 = arith.constant 1.000000e+00 : f32
            %reduce_or3A_418 = arith.constant 0.000000e+00 : f32
            %reduce_or3A_419 = vector.broadcast %reduce_or3A_417 : f32 to vector<16xf32>
            %reduce_or3A_420 = vector.broadcast %reduce_or3A_418 : f32 to vector<16xf32>
            %reduce_or3A_421 = arith.select %gt3A_416, %reduce_or3A_419, %reduce_or3A_420 : vector<16xi1>, vector<16xf32>
            %reduce_or3A_422 = arith.constant true
            %reduce_or3A_423 = vector.broadcast %reduce_or3A_422 : i1 to vector<16xi1>
            %reduce_or3A_424 = tpu.scan <max>, %reduce_or3A_421 masked %reduce_or3A_423 : vector<16xf32>, vector<16xi1> -> vector<16xf32>
            %reduce_or3A_425 = vector.extract %reduce_or3A_424[15] : f32 from vector<16xf32>
            %reduce_or3A_426 = arith.constant 0.000000e+00 : f32
            %reduce_or3A_427 = arith.cmpf ogt, %reduce_or3A_425, %reduce_or3A_426 : f32
            %convert_element_type3A_428 = arith.extui %reduce_or3A_427 : i1 to i32
            %cond3A_429 = arith.constant 0 : i32
            %cond3A_430 = arith.cmpi ne, %convert_element_type3A_428, %cond3A_429 : i32
            %cond3A_431:3 = scf.if %cond3A_430 -> (vector<16xf32>, vector<16xi32>, vector<16xf32>) {
              %mul3A_480 = arith.constant 8 : i32
              %mul3A_481 = arith.muli %scan3A_103, %mul3A_480 : i32
              %add3A_482 = arith.constant 4 : i32
              %add3A_483 = arith.addi %mul3A_481, %add3A_482 : i32
              %mul3A_484 = arith.constant 16 : i32
              %mul3A_485 = arith.muli %add3A_483, %mul3A_484 : i32
              %add3A_486 = arith.addi %mul3A_57, %mul3A_485 : i32
              %add3A_487 = vector.broadcast %add3A_486 : i32 to vector<16xi32>
              %add3A_488 = arith.addi %add3A_487, %iota3A : vector<16xi32>
              %masked_sort3A = arith.constant dense<true> : vector<16xi1>
              %masked_sort3A_489, %masked_sort3A_490, %masked_sort3A_491 = tpu.sort %get3A_153, %add3A_488 masked %masked_sort3A : (vector<16xf32>, vector<16xi32>, vector<16xi1>) -> (vector<16xi1>, vector<16xf32>, vector<16xi32>)
              %rev3A = arith.constant 15 : i32
              %rev3A_492 = vector.broadcast %rev3A : i32 to vector<16xi32>
              %rev3A_493 = tpu.iota {dimensions = array<i32: 0>} : vector<16xi32>
              %rev3A_494 = arith.subi %rev3A_492, %rev3A_493 : vector<16xi32>
              %rev3A_495 = tpu.dynamic_gather %masked_sort3A_490[%rev3A_494] in [0] : vector<16xf32>, vector<16xi32> -> vector<16xf32>
              %rev3A_496 = arith.constant 15 : i32
              %rev3A_497 = vector.broadcast %rev3A_496 : i32 to vector<16xi32>
              %rev3A_498 = tpu.iota {dimensions = array<i32: 0>} : vector<16xi32>
              %rev3A_499 = arith.subi %rev3A_497, %rev3A_498 : vector<16xi32>
              %rev3A_500 = tpu.dynamic_gather %masked_sort3A_491[%rev3A_499] in [0] : vector<16xi32>, vector<16xi32> -> vector<16xi32>
              %ge3A = arith.cmpf oge, %cond3A_415#0, %rev3A_495 : vector<16xf32>
              %select_n3A = arith.select %ge3A, %cond3A_415#0, %rev3A_495 : vector<16xi1>, vector<16xf32>
              %select_n3A_501 = arith.select %ge3A, %cond3A_415#1, %rev3A_500 : vector<16xi1>, vector<16xi32>
              %masked_sort3A_502 = arith.constant dense<true> : vector<16xi1>
              %masked_sort3A_503, %masked_sort3A_504, %masked_sort3A_505 = tpu.sort %select_n3A, %select_n3A_501 masked %masked_sort3A_502 : (vector<16xf32>, vector<16xi32>, vector<16xi1>) -> (vector<16xi1>, vector<16xf32>, vector<16xi32>)
              %slice3A = vector.extract_strided_slice %masked_sort3A_504 {offsets = [8], sizes = [1], strides = [1]} : vector<16xf32> to vector<1xf32>
              %squeeze3A = vector.extract %slice3A[0] : f32 from vector<1xf32>
              %broadcast_in_dim3A = vector.broadcast %squeeze3A : f32 to vector<16xf32>
              scf.yield %masked_sort3A_504, %masked_sort3A_505, %broadcast_in_dim3A : vector<16xf32>, vector<16xi32>, vector<16xf32>
            } else {
              scf.yield %cond3A_415#0, %cond3A_415#1, %cond3A_415#2 : vector<16xf32>, vector<16xi32>, vector<16xf32>
            }
            %gt3A_432 = arith.cmpf ogt, %get3A_162, %cond3A_431#2 : vector<16xf32>
            %reduce_or3A_433 = arith.constant 1.000000e+00 : f32
            %reduce_or3A_434 = arith.constant 0.000000e+00 : f32
            %reduce_or3A_435 = vector.broadcast %reduce_or3A_433 : f32 to vector<16xf32>
            %reduce_or3A_436 = vector.broadcast %reduce_or3A_434 : f32 to vector<16xf32>
            %reduce_or3A_437 = arith.select %gt3A_432, %reduce_or3A_435, %reduce_or3A_436 : vector<16xi1>, vector<16xf32>
            %reduce_or3A_438 = arith.constant true
            %reduce_or3A_439 = vector.broadcast %reduce_or3A_438 : i1 to vector<16xi1>
            %reduce_or3A_440 = tpu.scan <max>, %reduce_or3A_437 masked %reduce_or3A_439 : vector<16xf32>, vector<16xi1> -> vector<16xf32>
            %reduce_or3A_441 = vector.extract %reduce_or3A_440[15] : f32 from vector<16xf32>
            %reduce_or3A_442 = arith.constant 0.000000e+00 : f32
            %reduce_or3A_443 = arith.cmpf ogt, %reduce_or3A_441, %reduce_or3A_442 : f32
            %convert_element_type3A_444 = arith.extui %reduce_or3A_443 : i1 to i32
            %cond3A_445 = arith.constant 0 : i32
            %cond3A_446 = arith.cmpi ne, %convert_element_type3A_444, %cond3A_445 : i32
            %cond3A_447:3 = scf.if %cond3A_446 -> (vector<16xf32>, vector<16xi32>, vector<16xf32>) {
              %mul3A_480 = arith.constant 8 : i32
              %mul3A_481 = arith.muli %scan3A_103, %mul3A_480 : i32
              %add3A_482 = arith.constant 5 : i32
              %add3A_483 = arith.addi %mul3A_481, %add3A_482 : i32
              %mul3A_484 = arith.constant 16 : i32
              %mul3A_485 = arith.muli %add3A_483, %mul3A_484 : i32
              %add3A_486 = arith.addi %mul3A_57, %mul3A_485 : i32
              %add3A_487 = vector.broadcast %add3A_486 : i32 to vector<16xi32>
              %add3A_488 = arith.addi %add3A_487, %iota3A : vector<16xi32>
              %masked_sort3A = arith.constant dense<true> : vector<16xi1>
              %masked_sort3A_489, %masked_sort3A_490, %masked_sort3A_491 = tpu.sort %get3A_162, %add3A_488 masked %masked_sort3A : (vector<16xf32>, vector<16xi32>, vector<16xi1>) -> (vector<16xi1>, vector<16xf32>, vector<16xi32>)
              %rev3A = arith.constant 15 : i32
              %rev3A_492 = vector.broadcast %rev3A : i32 to vector<16xi32>
              %rev3A_493 = tpu.iota {dimensions = array<i32: 0>} : vector<16xi32>
              %rev3A_494 = arith.subi %rev3A_492, %rev3A_493 : vector<16xi32>
              %rev3A_495 = tpu.dynamic_gather %masked_sort3A_490[%rev3A_494] in [0] : vector<16xf32>, vector<16xi32> -> vector<16xf32>
              %rev3A_496 = arith.constant 15 : i32
              %rev3A_497 = vector.broadcast %rev3A_496 : i32 to vector<16xi32>
              %rev3A_498 = tpu.iota {dimensions = array<i32: 0>} : vector<16xi32>
              %rev3A_499 = arith.subi %rev3A_497, %rev3A_498 : vector<16xi32>
              %rev3A_500 = tpu.dynamic_gather %masked_sort3A_491[%rev3A_499] in [0] : vector<16xi32>, vector<16xi32> -> vector<16xi32>
              %ge3A = arith.cmpf oge, %cond3A_431#0, %rev3A_495 : vector<16xf32>
              %select_n3A = arith.select %ge3A, %cond3A_431#0, %rev3A_495 : vector<16xi1>, vector<16xf32>
              %select_n3A_501 = arith.select %ge3A, %cond3A_431#1, %rev3A_500 : vector<16xi1>, vector<16xi32>
              %masked_sort3A_502 = arith.constant dense<true> : vector<16xi1>
              %masked_sort3A_503, %masked_sort3A_504, %masked_sort3A_505 = tpu.sort %select_n3A, %select_n3A_501 masked %masked_sort3A_502 : (vector<16xf32>, vector<16xi32>, vector<16xi1>) -> (vector<16xi1>, vector<16xf32>, vector<16xi32>)
              %slice3A = vector.extract_strided_slice %masked_sort3A_504 {offsets = [8], sizes = [1], strides = [1]} : vector<16xf32> to vector<1xf32>
              %squeeze3A = vector.extract %slice3A[0] : f32 from vector<1xf32>
              %broadcast_in_dim3A = vector.broadcast %squeeze3A : f32 to vector<16xf32>
              scf.yield %masked_sort3A_504, %masked_sort3A_505, %broadcast_in_dim3A : vector<16xf32>, vector<16xi32>, vector<16xf32>
            } else {
              scf.yield %cond3A_431#0, %cond3A_431#1, %cond3A_431#2 : vector<16xf32>, vector<16xi32>, vector<16xf32>
            }
            %gt3A_448 = arith.cmpf ogt, %get3A_171, %cond3A_447#2 : vector<16xf32>
            %reduce_or3A_449 = arith.constant 1.000000e+00 : f32
            %reduce_or3A_450 = arith.constant 0.000000e+00 : f32
            %reduce_or3A_451 = vector.broadcast %reduce_or3A_449 : f32 to vector<16xf32>
            %reduce_or3A_452 = vector.broadcast %reduce_or3A_450 : f32 to vector<16xf32>
            %reduce_or3A_453 = arith.select %gt3A_448, %reduce_or3A_451, %reduce_or3A_452 : vector<16xi1>, vector<16xf32>
            %reduce_or3A_454 = arith.constant true
            %reduce_or3A_455 = vector.broadcast %reduce_or3A_454 : i1 to vector<16xi1>
            %reduce_or3A_456 = tpu.scan <max>, %reduce_or3A_453 masked %reduce_or3A_455 : vector<16xf32>, vector<16xi1> -> vector<16xf32>
            %reduce_or3A_457 = vector.extract %reduce_or3A_456[15] : f32 from vector<16xf32>
            %reduce_or3A_458 = arith.constant 0.000000e+00 : f32
            %reduce_or3A_459 = arith.cmpf ogt, %reduce_or3A_457, %reduce_or3A_458 : f32
            %convert_element_type3A_460 = arith.extui %reduce_or3A_459 : i1 to i32
            %cond3A_461 = arith.constant 0 : i32
            %cond3A_462 = arith.cmpi ne, %convert_element_type3A_460, %cond3A_461 : i32
            %cond3A_463:3 = scf.if %cond3A_462 -> (vector<16xf32>, vector<16xi32>, vector<16xf32>) {
              %mul3A_480 = arith.constant 8 : i32
              %mul3A_481 = arith.muli %scan3A_103, %mul3A_480 : i32
              %add3A_482 = arith.constant 6 : i32
              %add3A_483 = arith.addi %mul3A_481, %add3A_482 : i32
              %mul3A_484 = arith.constant 16 : i32
              %mul3A_485 = arith.muli %add3A_483, %mul3A_484 : i32
              %add3A_486 = arith.addi %mul3A_57, %mul3A_485 : i32
              %add3A_487 = vector.broadcast %add3A_486 : i32 to vector<16xi32>
              %add3A_488 = arith.addi %add3A_487, %iota3A : vector<16xi32>
              %masked_sort3A = arith.constant dense<true> : vector<16xi1>
              %masked_sort3A_489, %masked_sort3A_490, %masked_sort3A_491 = tpu.sort %get3A_171, %add3A_488 masked %masked_sort3A : (vector<16xf32>, vector<16xi32>, vector<16xi1>) -> (vector<16xi1>, vector<16xf32>, vector<16xi32>)
              %rev3A = arith.constant 15 : i32
              %rev3A_492 = vector.broadcast %rev3A : i32 to vector<16xi32>
              %rev3A_493 = tpu.iota {dimensions = array<i32: 0>} : vector<16xi32>
              %rev3A_494 = arith.subi %rev3A_492, %rev3A_493 : vector<16xi32>
              %rev3A_495 = tpu.dynamic_gather %masked_sort3A_490[%rev3A_494] in [0] : vector<16xf32>, vector<16xi32> -> vector<16xf32>
              %rev3A_496 = arith.constant 15 : i32
              %rev3A_497 = vector.broadcast %rev3A_496 : i32 to vector<16xi32>
              %rev3A_498 = tpu.iota {dimensions = array<i32: 0>} : vector<16xi32>
              %rev3A_499 = arith.subi %rev3A_497, %rev3A_498 : vector<16xi32>
              %rev3A_500 = tpu.dynamic_gather %masked_sort3A_491[%rev3A_499] in [0] : vector<16xi32>, vector<16xi32> -> vector<16xi32>
              %ge3A = arith.cmpf oge, %cond3A_447#0, %rev3A_495 : vector<16xf32>
              %select_n3A = arith.select %ge3A, %cond3A_447#0, %rev3A_495 : vector<16xi1>, vector<16xf32>
              %select_n3A_501 = arith.select %ge3A, %cond3A_447#1, %rev3A_500 : vector<16xi1>, vector<16xi32>
              %masked_sort3A_502 = arith.constant dense<true> : vector<16xi1>
              %masked_sort3A_503, %masked_sort3A_504, %masked_sort3A_505 = tpu.sort %select_n3A, %select_n3A_501 masked %masked_sort3A_502 : (vector<16xf32>, vector<16xi32>, vector<16xi1>) -> (vector<16xi1>, vector<16xf32>, vector<16xi32>)
              %slice3A = vector.extract_strided_slice %masked_sort3A_504 {offsets = [8], sizes = [1], strides = [1]} : vector<16xf32> to vector<1xf32>
              %squeeze3A = vector.extract %slice3A[0] : f32 from vector<1xf32>
              %broadcast_in_dim3A = vector.broadcast %squeeze3A : f32 to vector<16xf32>
              scf.yield %masked_sort3A_504, %masked_sort3A_505, %broadcast_in_dim3A : vector<16xf32>, vector<16xi32>, vector<16xf32>
            } else {
              scf.yield %cond3A_447#0, %cond3A_447#1, %cond3A_447#2 : vector<16xf32>, vector<16xi32>, vector<16xf32>
            }
            %gt3A_464 = arith.cmpf ogt, %get3A_180, %cond3A_463#2 : vector<16xf32>
            %reduce_or3A_465 = arith.constant 1.000000e+00 : f32
            %reduce_or3A_466 = arith.constant 0.000000e+00 : f32
            %reduce_or3A_467 = vector.broadcast %reduce_or3A_465 : f32 to vector<16xf32>
            %reduce_or3A_468 = vector.broadcast %reduce_or3A_466 : f32 to vector<16xf32>
            %reduce_or3A_469 = arith.select %gt3A_464, %reduce_or3A_467, %reduce_or3A_468 : vector<16xi1>, vector<16xf32>
            %reduce_or3A_470 = arith.constant true
            %reduce_or3A_471 = vector.broadcast %reduce_or3A_470 : i1 to vector<16xi1>
            %reduce_or3A_472 = tpu.scan <max>, %reduce_or3A_469 masked %reduce_or3A_471 : vector<16xf32>, vector<16xi1> -> vector<16xf32>
            %reduce_or3A_473 = vector.extract %reduce_or3A_472[15] : f32 from vector<16xf32>
            %reduce_or3A_474 = arith.constant 0.000000e+00 : f32
            %reduce_or3A_475 = arith.cmpf ogt, %reduce_or3A_473, %reduce_or3A_474 : f32
            %convert_element_type3A_476 = arith.extui %reduce_or3A_475 : i1 to i32
            %cond3A_477 = arith.constant 0 : i32
            %cond3A_478 = arith.cmpi ne, %convert_element_type3A_476, %cond3A_477 : i32
            %cond3A_479:3 = scf.if %cond3A_478 -> (vector<16xf32>, vector<16xi32>, vector<16xf32>) {
              %mul3A_480 = arith.constant 8 : i32
              %mul3A_481 = arith.muli %scan3A_103, %mul3A_480 : i32
              %add3A_482 = arith.constant 7 : i32
              %add3A_483 = arith.addi %mul3A_481, %add3A_482 : i32
              %mul3A_484 = arith.constant 16 : i32
              %mul3A_485 = arith.muli %add3A_483, %mul3A_484 : i32
              %add3A_486 = arith.addi %mul3A_57, %mul3A_485 : i32
              %add3A_487 = vector.broadcast %add3A_486 : i32 to vector<16xi32>
              %add3A_488 = arith.addi %add3A_487, %iota3A : vector<16xi32>
              %masked_sort3A = arith.constant dense<true> : vector<16xi1>
              %masked_sort3A_489, %masked_sort3A_490, %masked_sort3A_491 = tpu.sort %get3A_180, %add3A_488 masked %masked_sort3A : (vector<16xf32>, vector<16xi32>, vector<16xi1>) -> (vector<16xi1>, vector<16xf32>, vector<16xi32>)
              %rev3A = arith.constant 15 : i32
              %rev3A_492 = vector.broadcast %rev3A : i32 to vector<16xi32>
              %rev3A_493 = tpu.iota {dimensions = array<i32: 0>} : vector<16xi32>
              %rev3A_494 = arith.subi %rev3A_492, %rev3A_493 : vector<16xi32>
              %rev3A_495 = tpu.dynamic_gather %masked_sort3A_490[%rev3A_494] in [0] : vector<16xf32>, vector<16xi32> -> vector<16xf32>
              %rev3A_496 = arith.constant 15 : i32
              %rev3A_497 = vector.broadcast %rev3A_496 : i32 to vector<16xi32>
              %rev3A_498 = tpu.iota {dimensions = array<i32: 0>} : vector<16xi32>
              %rev3A_499 = arith.subi %rev3A_497, %rev3A_498 : vector<16xi32>
              %rev3A_500 = tpu.dynamic_gather %masked_sort3A_491[%rev3A_499] in [0] : vector<16xi32>, vector<16xi32> -> vector<16xi32>
              %ge3A = arith.cmpf oge, %cond3A_463#0, %rev3A_495 : vector<16xf32>
              %select_n3A = arith.select %ge3A, %cond3A_463#0, %rev3A_495 : vector<16xi1>, vector<16xf32>
              %select_n3A_501 = arith.select %ge3A, %cond3A_463#1, %rev3A_500 : vector<16xi1>, vector<16xi32>
              %masked_sort3A_502 = arith.constant dense<true> : vector<16xi1>
              %masked_sort3A_503, %masked_sort3A_504, %masked_sort3A_505 = tpu.sort %select_n3A, %select_n3A_501 masked %masked_sort3A_502 : (vector<16xf32>, vector<16xi32>, vector<16xi1>) -> (vector<16xi1>, vector<16xf32>, vector<16xi32>)
              %slice3A = vector.extract_strided_slice %masked_sort3A_504 {offsets = [8], sizes = [1], strides = [1]} : vector<16xf32> to vector<1xf32>
              %squeeze3A = vector.extract %slice3A[0] : f32 from vector<1xf32>
              %broadcast_in_dim3A = vector.broadcast %squeeze3A : f32 to vector<16xf32>
              scf.yield %masked_sort3A_504, %masked_sort3A_505, %broadcast_in_dim3A : vector<16xf32>, vector<16xi32>, vector<16xf32>
            } else {
              scf.yield %cond3A_463#0, %cond3A_463#1, %cond3A_463#2 : vector<16xf32>, vector<16xi32>, vector<16xf32>
            }
            scf.yield %cond3A_479#0, %cond3A_479#1, %cond3A_479#2 : vector<16xf32>, vector<16xi32>, vector<16xf32>
          } else {
            scf.yield %scan3A_106, %scan3A_107, %scan3A_108 : vector<16xf32>, vector<16xi32>, vector<16xf32>
          }
          %scan3A_227 = arith.constant 1 : i32
          %scan3A_228 = arith.addi %scan3A_103, %scan3A_227 : i32
          %mul3A_229 = arith.constant 8 : i32
          %mul3A_230 = arith.muli %scan3A_228, %mul3A_229 : i32
          %add3A_231 = arith.constant 0 : i32
          %add3A_232 = arith.addi %mul3A_230, %add3A_231 : i32
          %mul3A_233 = arith.constant 16 : i32
          %mul3A_234 = arith.muli %add3A_232, %mul3A_233 : i32
          %get3A_235 = arith.index_cast %scan3A_66 : i32 to index
          %get3A_236 = arith.index_cast %mul3A_234 : i32 to index
          %get3A_237 = tpu.vector_load %arg8[%get3A_235, %get3A_236] {strides = array<i32>} : memref<16x3328xf32, #tpu.memory_space<vmem>>, vector<16xf32>,
          %mul3A_238 = arith.constant 8 : i32
          %mul3A_239 = arith.muli %scan3A_228, %mul3A_238 : i32
          %add3A_240 = arith.constant 1 : i32
          %add3A_241 = arith.addi %mul3A_239, %add3A_240 : i32
          %mul3A_242 = arith.constant 16 : i32
          %mul3A_243 = arith.muli %add3A_241, %mul3A_242 : i32
          %get3A_244 = arith.index_cast %scan3A_66 : i32 to index
          %get3A_245 = arith.index_cast %mul3A_243 : i32 to index
          %get3A_246 = tpu.vector_load %arg8[%get3A_244, %get3A_245] {strides = array<i32>} : memref<16x3328xf32, #tpu.memory_space<vmem>>, vector<16xf32>,
          %mul3A_247 = arith.constant 8 : i32
          %mul3A_248 = arith.muli %scan3A_228, %mul3A_247 : i32
          %add3A_249 = arith.constant 2 : i32
          %add3A_250 = arith.addi %mul3A_248, %add3A_249 : i32
          %mul3A_251 = arith.constant 16 : i32
          %mul3A_252 = arith.muli %add3A_250, %mul3A_251 : i32
          %get3A_253 = arith.index_cast %scan3A_66 : i32 to index
          %get3A_254 = arith.index_cast %mul3A_252 : i32 to index
          %get3A_255 = tpu.vector_load %arg8[%get3A_253, %get3A_254] {strides = array<i32>} : memref<16x3328xf32, #tpu.memory_space<vmem>>, vector<16xf32>,
          %mul3A_256 = arith.constant 8 : i32
          %mul3A_257 = arith.muli %scan3A_228, %mul3A_256 : i32
          %add3A_258 = arith.constant 3 : i32
          %add3A_259 = arith.addi %mul3A_257, %add3A_258 : i32
          %mul3A_260 = arith.constant 16 : i32
          %mul3A_261 = arith.muli %add3A_259, %mul3A_260 : i32
          %get3A_262 = arith.index_cast %scan3A_66 : i32 to index
          %get3A_263 = arith.index_cast %mul3A_261 : i32 to index
          %get3A_264 = tpu.vector_load %arg8[%get3A_262, %get3A_263] {strides = array<i32>} : memref<16x3328xf32, #tpu.memory_space<vmem>>, vector<16xf32>,
          %mul3A_265 = arith.constant 8 : i32
          %mul3A_266 = arith.muli %scan3A_228, %mul3A_265 : i32
          %add3A_267 = arith.constant 4 : i32
          %add3A_268 = arith.addi %mul3A_266, %add3A_267 : i32
          %mul3A_269 = arith.constant 16 : i32
          %mul3A_270 = arith.muli %add3A_268, %mul3A_269 : i32
          %get3A_271 = arith.index_cast %scan3A_66 : i32 to index
          %get3A_272 = arith.index_cast %mul3A_270 : i32 to index
          %get3A_273 = tpu.vector_load %arg8[%get3A_271, %get3A_272] {strides = array<i32>} : memref<16x3328xf32, #tpu.memory_space<vmem>>, vector<16xf32>,
          %mul3A_274 = arith.constant 8 : i32
          %mul3A_275 = arith.muli %scan3A_228, %mul3A_274 : i32
          %add3A_276 = arith.constant 5 : i32
          %add3A_277 = arith.addi %mul3A_275, %add3A_276 : i32
          %mul3A_278 = arith.constant 16 : i32
          %mul3A_279 = arith.muli %add3A_277, %mul3A_278 : i32
          %get3A_280 = arith.index_cast %scan3A_66 : i32 to index
          %get3A_281 = arith.index_cast %mul3A_279 : i32 to index
          %get3A_282 = tpu.vector_load %arg8[%get3A_280, %get3A_281] {strides = array<i32>} : memref<16x3328xf32, #tpu.memory_space<vmem>>, vector<16xf32>,
          %mul3A_283 = arith.constant 8 : i32
          %mul3A_284 = arith.muli %scan3A_228, %mul3A_283 : i32
          %add3A_285 = arith.constant 6 : i32
          %add3A_286 = arith.addi %mul3A_284, %add3A_285 : i32
          %mul3A_287 = arith.constant 16 : i32
          %mul3A_288 = arith.muli %add3A_286, %mul3A_287 : i32
          %get3A_289 = arith.index_cast %scan3A_66 : i32 to index
          %get3A_290 = arith.index_cast %mul3A_288 : i32 to index
          %get3A_291 = tpu.vector_load %arg8[%get3A_289, %get3A_290] {strides = array<i32>} : memref<16x3328xf32, #tpu.memory_space<vmem>>, vector<16xf32>,
          %mul3A_292 = arith.constant 8 : i32
          %mul3A_293 = arith.muli %scan3A_228, %mul3A_292 : i32
          %add3A_294 = arith.constant 7 : i32
          %add3A_295 = arith.addi %mul3A_293, %add3A_294 : i32
          %mul3A_296 = arith.constant 16 : i32
          %mul3A_297 = arith.muli %add3A_295, %mul3A_296 : i32
          %get3A_298 = arith.index_cast %scan3A_66 : i32 to index
          %get3A_299 = arith.index_cast %mul3A_297 : i32 to index
          %get3A_300 = tpu.vector_load %arg8[%get3A_298, %get3A_299] {strides = array<i32>} : memref<16x3328xf32, #tpu.memory_space<vmem>>, vector<16xf32>,
          %max3A_301 = arith.maximumf %get3A_237, %get3A_246 : vector<16xf32>
          %max3A_302 = arith.maximumf %get3A_255, %get3A_264 : vector<16xf32>
          %max3A_303 = arith.maximumf %get3A_273, %get3A_282 : vector<16xf32>
          %max3A_304 = arith.maximumf %get3A_291, %get3A_300 : vector<16xf32>
          %max3A_305 = arith.maximumf %max3A_301, %max3A_302 : vector<16xf32>
          %max3A_306 = arith.maximumf %max3A_303, %max3A_304 : vector<16xf32>
          %max3A_307 = arith.maximumf %max3A_305, %max3A_306 : vector<16xf32>
          %max3A_308 = arith.maximumf %max3A_187, %max3A_307 : vector<16xf32>
          %sub3A_309 = arith.subf %get3A_237, %max3A_308 : vector<16xf32>
          %exp3A_310 = math.exp %sub3A_309 : vector<16xf32>
          %sub3A_311 = arith.subf %get3A_246, %max3A_308 : vector<16xf32>
          %exp3A_312 = math.exp %sub3A_311 : vector<16xf32>
          %sub3A_313 = arith.subf %get3A_255, %max3A_308 : vector<16xf32>
          %exp3A_314 = math.exp %sub3A_313 : vector<16xf32>
          %sub3A_315 = arith.subf %get3A_264, %max3A_308 : vector<16xf32>
          %exp3A_316 = math.exp %sub3A_315 : vector<16xf32>
          %sub3A_317 = arith.subf %get3A_273, %max3A_308 : vector<16xf32>
          %exp3A_318 = math.exp %sub3A_317 : vector<16xf32>
          %sub3A_319 = arith.subf %get3A_282, %max3A_308 : vector<16xf32>
          %exp3A_320 = math.exp %sub3A_319 : vector<16xf32>
          %sub3A_321 = arith.subf %get3A_291, %max3A_308 : vector<16xf32>
          %exp3A_322 = math.exp %sub3A_321 : vector<16xf32>
          %sub3A_323 = arith.subf %get3A_300, %max3A_308 : vector<16xf32>
          %exp3A_324 = math.exp %sub3A_323 : vector<16xf32>
          %sub3A_325 = arith.subf %max3A_187, %max3A_308 : vector<16xf32>
          %exp3A_326 = math.exp %sub3A_325 : vector<16xf32>
          %mul3A_327 = arith.mulf %add3A_212, %exp3A_326 : vector<16xf32>
          %add3A_328 = arith.addf %exp3A_310, %exp3A_312 : vector<16xf32>
          %add3A_329 = arith.addf %exp3A_314, %exp3A_316 : vector<16xf32>
          %add3A_330 = arith.addf %exp3A_318, %exp3A_320 : vector<16xf32>
          %add3A_331 = arith.addf %exp3A_322, %exp3A_324 : vector<16xf32>
          %add3A_332 = arith.addf %add3A_328, %add3A_329 : vector<16xf32>
          %add3A_333 = arith.addf %add3A_330, %add3A_331 : vector<16xf32>
          %add3A_334 = arith.addf %add3A_332, %add3A_333 : vector<16xf32>
          %add3A_335 = arith.addf %mul3A_327, %add3A_334 : vector<16xf32>
          %gt3A_336 = arith.cmpf ogt, %max3A_307, %cond3A_226#2 : vector<16xf32>
          %reduce_or3A_337 = arith.constant 1.000000e+00 : f32
          %reduce_or3A_338 = arith.constant 0.000000e+00 : f32
          %reduce_or3A_339 = vector.broadcast %reduce_or3A_337 : f32 to vector<16xf32>
          %reduce_or3A_340 = vector.broadcast %reduce_or3A_338 : f32 to vector<16xf32>
          %reduce_or3A_341 = arith.select %gt3A_336, %reduce_or3A_339, %reduce_or3A_340 : vector<16xi1>, vector<16xf32>
          %reduce_or3A_342 = arith.constant true
          %reduce_or3A_343 = vector.broadcast %reduce_or3A_342 : i1 to vector<16xi1>
          %reduce_or3A_344 = tpu.scan <max>, %reduce_or3A_341 masked %reduce_or3A_343 : vector<16xf32>, vector<16xi1> -> vector<16xf32>
          %reduce_or3A_345 = vector.extract %reduce_or3A_344[15] : f32 from vector<16xf32>
          %reduce_or3A_346 = arith.constant 0.000000e+00 : f32
          %reduce_or3A_347 = arith.cmpf ogt, %reduce_or3A_345, %reduce_or3A_346 : f32
          %convert_element_type3A_348 = arith.extui %reduce_or3A_347 : i1 to i32
          %cond3A_349 = arith.constant 0 : i32
          %cond3A_350 = arith.cmpi ne, %convert_element_type3A_348, %cond3A_349 : i32
          %cond3A_351:3 = scf.if %cond3A_350 -> (vector<16xf32>, vector<16xi32>, vector<16xf32>) {
            %gt3A_352 = arith.cmpf ogt, %get3A_237, %cond3A_226#2 : vector<16xf32>
            %reduce_or3A_353 = arith.constant 1.000000e+00 : f32
            %reduce_or3A_354 = arith.constant 0.000000e+00 : f32
            %reduce_or3A_355 = vector.broadcast %reduce_or3A_353 : f32 to vector<16xf32>
            %reduce_or3A_356 = vector.broadcast %reduce_or3A_354 : f32 to vector<16xf32>
            %reduce_or3A_357 = arith.select %gt3A_352, %reduce_or3A_355, %reduce_or3A_356 : vector<16xi1>, vector<16xf32>
            %reduce_or3A_358 = arith.constant true
            %reduce_or3A_359 = vector.broadcast %reduce_or3A_358 : i1 to vector<16xi1>
            %reduce_or3A_360 = tpu.scan <max>, %reduce_or3A_357 masked %reduce_or3A_359 : vector<16xf32>, vector<16xi1> -> vector<16xf32>
            %reduce_or3A_361 = vector.extract %reduce_or3A_360[15] : f32 from vector<16xf32>
            %reduce_or3A_362 = arith.constant 0.000000e+00 : f32
            %reduce_or3A_363 = arith.cmpf ogt, %reduce_or3A_361, %reduce_or3A_362 : f32
            %convert_element_type3A_364 = arith.extui %reduce_or3A_363 : i1 to i32
            %cond3A_365 = arith.constant 0 : i32
            %cond3A_366 = arith.cmpi ne, %convert_element_type3A_364, %cond3A_365 : i32
            %cond3A_367:3 = scf.if %cond3A_366 -> (vector<16xf32>, vector<16xi32>, vector<16xf32>) {
              %mul3A_480 = arith.constant 8 : i32
              %mul3A_481 = arith.muli %scan3A_228, %mul3A_480 : i32
              %add3A_482 = arith.constant 0 : i32
              %add3A_483 = arith.addi %mul3A_481, %add3A_482 : i32
              %mul3A_484 = arith.constant 16 : i32
              %mul3A_485 = arith.muli %add3A_483, %mul3A_484 : i32
              %add3A_486 = arith.addi %mul3A_57, %mul3A_485 : i32
              %add3A_487 = vector.broadcast %add3A_486 : i32 to vector<16xi32>
              %add3A_488 = arith.addi %add3A_487, %iota3A : vector<16xi32>
              %masked_sort3A = arith.constant dense<true> : vector<16xi1>
              %masked_sort3A_489, %masked_sort3A_490, %masked_sort3A_491 = tpu.sort %get3A_237, %add3A_488 masked %masked_sort3A : (vector<16xf32>, vector<16xi32>, vector<16xi1>) -> (vector<16xi1>, vector<16xf32>, vector<16xi32>)
              %rev3A = arith.constant 15 : i32
              %rev3A_492 = vector.broadcast %rev3A : i32 to vector<16xi32>
              %rev3A_493 = tpu.iota {dimensions = array<i32: 0>} : vector<16xi32>
              %rev3A_494 = arith.subi %rev3A_492, %rev3A_493 : vector<16xi32>
              %rev3A_495 = tpu.dynamic_gather %masked_sort3A_490[%rev3A_494] in [0] : vector<16xf32>, vector<16xi32> -> vector<16xf32>
              %rev3A_496 = arith.constant 15 : i32
              %rev3A_497 = vector.broadcast %rev3A_496 : i32 to vector<16xi32>
              %rev3A_498 = tpu.iota {dimensions = array<i32: 0>} : vector<16xi32>
              %rev3A_499 = arith.subi %rev3A_497, %rev3A_498 : vector<16xi32>
              %rev3A_500 = tpu.dynamic_gather %masked_sort3A_491[%rev3A_499] in [0] : vector<16xi32>, vector<16xi32> -> vector<16xi32>
              %ge3A = arith.cmpf oge, %cond3A_226#0, %rev3A_495 : vector<16xf32>
              %select_n3A = arith.select %ge3A, %cond3A_226#0, %rev3A_495 : vector<16xi1>, vector<16xf32>
              %select_n3A_501 = arith.select %ge3A, %cond3A_226#1, %rev3A_500 : vector<16xi1>, vector<16xi32>
              %masked_sort3A_502 = arith.constant dense<true> : vector<16xi1>
              %masked_sort3A_503, %masked_sort3A_504, %masked_sort3A_505 = tpu.sort %select_n3A, %select_n3A_501 masked %masked_sort3A_502 : (vector<16xf32>, vector<16xi32>, vector<16xi1>) -> (vector<16xi1>, vector<16xf32>, vector<16xi32>)
              %slice3A = vector.extract_strided_slice %masked_sort3A_504 {offsets = [8], sizes = [1], strides = [1]} : vector<16xf32> to vector<1xf32>
              %squeeze3A = vector.extract %slice3A[0] : f32 from vector<1xf32>
              %broadcast_in_dim3A = vector.broadcast %squeeze3A : f32 to vector<16xf32>
              scf.yield %masked_sort3A_504, %masked_sort3A_505, %broadcast_in_dim3A : vector<16xf32>, vector<16xi32>, vector<16xf32>
            } else {
              scf.yield %cond3A_226#0, %cond3A_226#1, %cond3A_226#2 : vector<16xf32>, vector<16xi32>, vector<16xf32>
            }
            %gt3A_368 = arith.cmpf ogt, %get3A_246, %cond3A_367#2 : vector<16xf32>
            %reduce_or3A_369 = arith.constant 1.000000e+00 : f32
            %reduce_or3A_370 = arith.constant 0.000000e+00 : f32
            %reduce_or3A_371 = vector.broadcast %reduce_or3A_369 : f32 to vector<16xf32>
            %reduce_or3A_372 = vector.broadcast %reduce_or3A_370 : f32 to vector<16xf32>
            %reduce_or3A_373 = arith.select %gt3A_368, %reduce_or3A_371, %reduce_or3A_372 : vector<16xi1>, vector<16xf32>
            %reduce_or3A_374 = arith.constant true
            %reduce_or3A_375 = vector.broadcast %reduce_or3A_374 : i1 to vector<16xi1>
            %reduce_or3A_376 = tpu.scan <max>, %reduce_or3A_373 masked %reduce_or3A_375 : vector<16xf32>, vector<16xi1> -> vector<16xf32>
            %reduce_or3A_377 = vector.extract %reduce_or3A_376[15] : f32 from vector<16xf32>
            %reduce_or3A_378 = arith.constant 0.000000e+00 : f32
            %reduce_or3A_379 = arith.cmpf ogt, %reduce_or3A_377, %reduce_or3A_378 : f32
            %convert_element_type3A_380 = arith.extui %reduce_or3A_379 : i1 to i32
            %cond3A_381 = arith.constant 0 : i32
            %cond3A_382 = arith.cmpi ne, %convert_element_type3A_380, %cond3A_381 : i32
            %cond3A_383:3 = scf.if %cond3A_382 -> (vector<16xf32>, vector<16xi32>, vector<16xf32>) {
              %mul3A_480 = arith.constant 8 : i32
              %mul3A_481 = arith.muli %scan3A_228, %mul3A_480 : i32
              %add3A_482 = arith.constant 1 : i32
              %add3A_483 = arith.addi %mul3A_481, %add3A_482 : i32
              %mul3A_484 = arith.constant 16 : i32
              %mul3A_485 = arith.muli %add3A_483, %mul3A_484 : i32
              %add3A_486 = arith.addi %mul3A_57, %mul3A_485 : i32
              %add3A_487 = vector.broadcast %add3A_486 : i32 to vector<16xi32>
              %add3A_488 = arith.addi %add3A_487, %iota3A : vector<16xi32>
              %masked_sort3A = arith.constant dense<true> : vector<16xi1>
              %masked_sort3A_489, %masked_sort3A_490, %masked_sort3A_491 = tpu.sort %get3A_246, %add3A_488 masked %masked_sort3A : (vector<16xf32>, vector<16xi32>, vector<16xi1>) -> (vector<16xi1>, vector<16xf32>, vector<16xi32>)
              %rev3A = arith.constant 15 : i32
              %rev3A_492 = vector.broadcast %rev3A : i32 to vector<16xi32>
              %rev3A_493 = tpu.iota {dimensions = array<i32: 0>} : vector<16xi32>
              %rev3A_494 = arith.subi %rev3A_492, %rev3A_493 : vector<16xi32>
              %rev3A_495 = tpu.dynamic_gather %masked_sort3A_490[%rev3A_494] in [0] : vector<16xf32>, vector<16xi32> -> vector<16xf32>
              %rev3A_496 = arith.constant 15 : i32
              %rev3A_497 = vector.broadcast %rev3A_496 : i32 to vector<16xi32>
              %rev3A_498 = tpu.iota {dimensions = array<i32: 0>} : vector<16xi32>
              %rev3A_499 = arith.subi %rev3A_497, %rev3A_498 : vector<16xi32>
              %rev3A_500 = tpu.dynamic_gather %masked_sort3A_491[%rev3A_499] in [0] : vector<16xi32>, vector<16xi32> -> vector<16xi32>
              %ge3A = arith.cmpf oge, %cond3A_367#0, %rev3A_495 : vector<16xf32>
              %select_n3A = arith.select %ge3A, %cond3A_367#0, %rev3A_495 : vector<16xi1>, vector<16xf32>
              %select_n3A_501 = arith.select %ge3A, %cond3A_367#1, %rev3A_500 : vector<16xi1>, vector<16xi32>
              %masked_sort3A_502 = arith.constant dense<true> : vector<16xi1>
              %masked_sort3A_503, %masked_sort3A_504, %masked_sort3A_505 = tpu.sort %select_n3A, %select_n3A_501 masked %masked_sort3A_502 : (vector<16xf32>, vector<16xi32>, vector<16xi1>) -> (vector<16xi1>, vector<16xf32>, vector<16xi32>)
              %slice3A = vector.extract_strided_slice %masked_sort3A_504 {offsets = [8], sizes = [1], strides = [1]} : vector<16xf32> to vector<1xf32>
              %squeeze3A = vector.extract %slice3A[0] : f32 from vector<1xf32>
              %broadcast_in_dim3A = vector.broadcast %squeeze3A : f32 to vector<16xf32>
              scf.yield %masked_sort3A_504, %masked_sort3A_505, %broadcast_in_dim3A : vector<16xf32>, vector<16xi32>, vector<16xf32>
            } else {
              scf.yield %cond3A_367#0, %cond3A_367#1, %cond3A_367#2 : vector<16xf32>, vector<16xi32>, vector<16xf32>
            }
            %gt3A_384 = arith.cmpf ogt, %get3A_255, %cond3A_383#2 : vector<16xf32>
            %reduce_or3A_385 = arith.constant 1.000000e+00 : f32
            %reduce_or3A_386 = arith.constant 0.000000e+00 : f32
            %reduce_or3A_387 = vector.broadcast %reduce_or3A_385 : f32 to vector<16xf32>
            %reduce_or3A_388 = vector.broadcast %reduce_or3A_386 : f32 to vector<16xf32>
            %reduce_or3A_389 = arith.select %gt3A_384, %reduce_or3A_387, %reduce_or3A_388 : vector<16xi1>, vector<16xf32>
            %reduce_or3A_390 = arith.constant true
            %reduce_or3A_391 = vector.broadcast %reduce_or3A_390 : i1 to vector<16xi1>
            %reduce_or3A_392 = tpu.scan <max>, %reduce_or3A_389 masked %reduce_or3A_391 : vector<16xf32>, vector<16xi1> -> vector<16xf32>
            %reduce_or3A_393 = vector.extract %reduce_or3A_392[15] : f32 from vector<16xf32>
            %reduce_or3A_394 = arith.constant 0.000000e+00 : f32
            %reduce_or3A_395 = arith.cmpf ogt, %reduce_or3A_393, %reduce_or3A_394 : f32
            %convert_element_type3A_396 = arith.extui %reduce_or3A_395 : i1 to i32
            %cond3A_397 = arith.constant 0 : i32
            %cond3A_398 = arith.cmpi ne, %convert_element_type3A_396, %cond3A_397 : i32
            %cond3A_399:3 = scf.if %cond3A_398 -> (vector<16xf32>, vector<16xi32>, vector<16xf32>) {
              %mul3A_480 = arith.constant 8 : i32
              %mul3A_481 = arith.muli %scan3A_228, %mul3A_480 : i32
              %add3A_482 = arith.constant 2 : i32
              %add3A_483 = arith.addi %mul3A_481, %add3A_482 : i32
              %mul3A_484 = arith.constant 16 : i32
              %mul3A_485 = arith.muli %add3A_483, %mul3A_484 : i32
              %add3A_486 = arith.addi %mul3A_57, %mul3A_485 : i32
              %add3A_487 = vector.broadcast %add3A_486 : i32 to vector<16xi32>
              %add3A_488 = arith.addi %add3A_487, %iota3A : vector<16xi32>
              %masked_sort3A = arith.constant dense<true> : vector<16xi1>
              %masked_sort3A_489, %masked_sort3A_490, %masked_sort3A_491 = tpu.sort %get3A_255, %add3A_488 masked %masked_sort3A : (vector<16xf32>, vector<16xi32>, vector<16xi1>) -> (vector<16xi1>, vector<16xf32>, vector<16xi32>)
              %rev3A = arith.constant 15 : i32
              %rev3A_492 = vector.broadcast %rev3A : i32 to vector<16xi32>
              %rev3A_493 = tpu.iota {dimensions = array<i32: 0>} : vector<16xi32>
              %rev3A_494 = arith.subi %rev3A_492, %rev3A_493 : vector<16xi32>
              %rev3A_495 = tpu.dynamic_gather %masked_sort3A_490[%rev3A_494] in [0] : vector<16xf32>, vector<16xi32> -> vector<16xf32>
              %rev3A_496 = arith.constant 15 : i32
              %rev3A_497 = vector.broadcast %rev3A_496 : i32 to vector<16xi32>
              %rev3A_498 = tpu.iota {dimensions = array<i32: 0>} : vector<16xi32>
              %rev3A_499 = arith.subi %rev3A_497, %rev3A_498 : vector<16xi32>
              %rev3A_500 = tpu.dynamic_gather %masked_sort3A_491[%rev3A_499] in [0] : vector<16xi32>, vector<16xi32> -> vector<16xi32>
              %ge3A = arith.cmpf oge, %cond3A_383#0, %rev3A_495 : vector<16xf32>
              %select_n3A = arith.select %ge3A, %cond3A_383#0, %rev3A_495 : vector<16xi1>, vector<16xf32>
              %select_n3A_501 = arith.select %ge3A, %cond3A_383#1, %rev3A_500 : vector<16xi1>, vector<16xi32>
              %masked_sort3A_502 = arith.constant dense<true> : vector<16xi1>
              %masked_sort3A_503, %masked_sort3A_504, %masked_sort3A_505 = tpu.sort %select_n3A, %select_n3A_501 masked %masked_sort3A_502 : (vector<16xf32>, vector<16xi32>, vector<16xi1>) -> (vector<16xi1>, vector<16xf32>, vector<16xi32>)
              %slice3A = vector.extract_strided_slice %masked_sort3A_504 {offsets = [8], sizes = [1], strides = [1]} : vector<16xf32> to vector<1xf32>
              %squeeze3A = vector.extract %slice3A[0] : f32 from vector<1xf32>
              %broadcast_in_dim3A = vector.broadcast %squeeze3A : f32 to vector<16xf32>
              scf.yield %masked_sort3A_504, %masked_sort3A_505, %broadcast_in_dim3A : vector<16xf32>, vector<16xi32>, vector<16xf32>
            } else {
              scf.yield %cond3A_383#0, %cond3A_383#1, %cond3A_383#2 : vector<16xf32>, vector<16xi32>, vector<16xf32>
            }
            %gt3A_400 = arith.cmpf ogt, %get3A_264, %cond3A_399#2 : vector<16xf32>
            %reduce_or3A_401 = arith.constant 1.000000e+00 : f32
            %reduce_or3A_402 = arith.constant 0.000000e+00 : f32
            %reduce_or3A_403 = vector.broadcast %reduce_or3A_401 : f32 to vector<16xf32>
            %reduce_or3A_404 = vector.broadcast %reduce_or3A_402 : f32 to vector<16xf32>
            %reduce_or3A_405 = arith.select %gt3A_400, %reduce_or3A_403, %reduce_or3A_404 : vector<16xi1>, vector<16xf32>
            %reduce_or3A_406 = arith.constant true
            %reduce_or3A_407 = vector.broadcast %reduce_or3A_406 : i1 to vector<16xi1>
            %reduce_or3A_408 = tpu.scan <max>, %reduce_or3A_405 masked %reduce_or3A_407 : vector<16xf32>, vector<16xi1> -> vector<16xf32>
            %reduce_or3A_409 = vector.extract %reduce_or3A_408[15] : f32 from vector<16xf32>
            %reduce_or3A_410 = arith.constant 0.000000e+00 : f32
            %reduce_or3A_411 = arith.cmpf ogt, %reduce_or3A_409, %reduce_or3A_410 : f32
            %convert_element_type3A_412 = arith.extui %reduce_or3A_411 : i1 to i32
            %cond3A_413 = arith.constant 0 : i32
            %cond3A_414 = arith.cmpi ne, %convert_element_type3A_412, %cond3A_413 : i32
            %cond3A_415:3 = scf.if %cond3A_414 -> (vector<16xf32>, vector<16xi32>, vector<16xf32>) {
              %mul3A_480 = arith.constant 8 : i32
              %mul3A_481 = arith.muli %scan3A_228, %mul3A_480 : i32
              %add3A_482 = arith.constant 3 : i32
              %add3A_483 = arith.addi %mul3A_481, %add3A_482 : i32
              %mul3A_484 = arith.constant 16 : i32
              %mul3A_485 = arith.muli %add3A_483, %mul3A_484 : i32
              %add3A_486 = arith.addi %mul3A_57, %mul3A_485 : i32
              %add3A_487 = vector.broadcast %add3A_486 : i32 to vector<16xi32>
              %add3A_488 = arith.addi %add3A_487, %iota3A : vector<16xi32>
              %masked_sort3A = arith.constant dense<true> : vector<16xi1>
              %masked_sort3A_489, %masked_sort3A_490, %masked_sort3A_491 = tpu.sort %get3A_264, %add3A_488 masked %masked_sort3A : (vector<16xf32>, vector<16xi32>, vector<16xi1>) -> (vector<16xi1>, vector<16xf32>, vector<16xi32>)
              %rev3A = arith.constant 15 : i32
              %rev3A_492 = vector.broadcast %rev3A : i32 to vector<16xi32>
              %rev3A_493 = tpu.iota {dimensions = array<i32: 0>} : vector<16xi32>
              %rev3A_494 = arith.subi %rev3A_492, %rev3A_493 : vector<16xi32>
              %rev3A_495 = tpu.dynamic_gather %masked_sort3A_490[%rev3A_494] in [0] : vector<16xf32>, vector<16xi32> -> vector<16xf32>
              %rev3A_496 = arith.constant 15 : i32
              %rev3A_497 = vector.broadcast %rev3A_496 : i32 to vector<16xi32>
              %rev3A_498 = tpu.iota {dimensions = array<i32: 0>} : vector<16xi32>
              %rev3A_499 = arith.subi %rev3A_497, %rev3A_498 : vector<16xi32>
              %rev3A_500 = tpu.dynamic_gather %masked_sort3A_491[%rev3A_499] in [0] : vector<16xi32>, vector<16xi32> -> vector<16xi32>
              %ge3A = arith.cmpf oge, %cond3A_399#0, %rev3A_495 : vector<16xf32>
              %select_n3A = arith.select %ge3A, %cond3A_399#0, %rev3A_495 : vector<16xi1>, vector<16xf32>
              %select_n3A_501 = arith.select %ge3A, %cond3A_399#1, %rev3A_500 : vector<16xi1>, vector<16xi32>
              %masked_sort3A_502 = arith.constant dense<true> : vector<16xi1>
              %masked_sort3A_503, %masked_sort3A_504, %masked_sort3A_505 = tpu.sort %select_n3A, %select_n3A_501 masked %masked_sort3A_502 : (vector<16xf32>, vector<16xi32>, vector<16xi1>) -> (vector<16xi1>, vector<16xf32>, vector<16xi32>)
              %slice3A = vector.extract_strided_slice %masked_sort3A_504 {offsets = [8], sizes = [1], strides = [1]} : vector<16xf32> to vector<1xf32>
              %squeeze3A = vector.extract %slice3A[0] : f32 from vector<1xf32>
              %broadcast_in_dim3A = vector.broadcast %squeeze3A : f32 to vector<16xf32>
              scf.yield %masked_sort3A_504, %masked_sort3A_505, %broadcast_in_dim3A : vector<16xf32>, vector<16xi32>, vector<16xf32>
            } else {
              scf.yield %cond3A_399#0, %cond3A_399#1, %cond3A_399#2 : vector<16xf32>, vector<16xi32>, vector<16xf32>
            }
            %gt3A_416 = arith.cmpf ogt, %get3A_273, %cond3A_415#2 : vector<16xf32>
            %reduce_or3A_417 = arith.constant 1.000000e+00 : f32
            %reduce_or3A_418 = arith.constant 0.000000e+00 : f32
            %reduce_or3A_419 = vector.broadcast %reduce_or3A_417 : f32 to vector<16xf32>
            %reduce_or3A_420 = vector.broadcast %reduce_or3A_418 : f32 to vector<16xf32>
            %reduce_or3A_421 = arith.select %gt3A_416, %reduce_or3A_419, %reduce_or3A_420 : vector<16xi1>, vector<16xf32>
            %reduce_or3A_422 = arith.constant true
            %reduce_or3A_423 = vector.broadcast %reduce_or3A_422 : i1 to vector<16xi1>
            %reduce_or3A_424 = tpu.scan <max>, %reduce_or3A_421 masked %reduce_or3A_423 : vector<16xf32>, vector<16xi1> -> vector<16xf32>
            %reduce_or3A_425 = vector.extract %reduce_or3A_424[15] : f32 from vector<16xf32>
            %reduce_or3A_426 = arith.constant 0.000000e+00 : f32
            %reduce_or3A_427 = arith.cmpf ogt, %reduce_or3A_425, %reduce_or3A_426 : f32
            %convert_element_type3A_428 = arith.extui %reduce_or3A_427 : i1 to i32
            %cond3A_429 = arith.constant 0 : i32
            %cond3A_430 = arith.cmpi ne, %convert_element_type3A_428, %cond3A_429 : i32
            %cond3A_431:3 = scf.if %cond3A_430 -> (vector<16xf32>, vector<16xi32>, vector<16xf32>) {
              %mul3A_480 = arith.constant 8 : i32
              %mul3A_481 = arith.muli %scan3A_228, %mul3A_480 : i32
              %add3A_482 = arith.constant 4 : i32
              %add3A_483 = arith.addi %mul3A_481, %add3A_482 : i32
              %mul3A_484 = arith.constant 16 : i32
              %mul3A_485 = arith.muli %add3A_483, %mul3A_484 : i32
              %add3A_486 = arith.addi %mul3A_57, %mul3A_485 : i32
              %add3A_487 = vector.broadcast %add3A_486 : i32 to vector<16xi32>
              %add3A_488 = arith.addi %add3A_487, %iota3A : vector<16xi32>
              %masked_sort3A = arith.constant dense<true> : vector<16xi1>
              %masked_sort3A_489, %masked_sort3A_490, %masked_sort3A_491 = tpu.sort %get3A_273, %add3A_488 masked %masked_sort3A : (vector<16xf32>, vector<16xi32>, vector<16xi1>) -> (vector<16xi1>, vector<16xf32>, vector<16xi32>)
              %rev3A = arith.constant 15 : i32
              %rev3A_492 = vector.broadcast %rev3A : i32 to vector<16xi32>
              %rev3A_493 = tpu.iota {dimensions = array<i32: 0>} : vector<16xi32>
              %rev3A_494 = arith.subi %rev3A_492, %rev3A_493 : vector<16xi32>
              %rev3A_495 = tpu.dynamic_gather %masked_sort3A_490[%rev3A_494] in [0] : vector<16xf32>, vector<16xi32> -> vector<16xf32>
              %rev3A_496 = arith.constant 15 : i32
              %rev3A_497 = vector.broadcast %rev3A_496 : i32 to vector<16xi32>
              %rev3A_498 = tpu.iota {dimensions = array<i32: 0>} : vector<16xi32>
              %rev3A_499 = arith.subi %rev3A_497, %rev3A_498 : vector<16xi32>
              %rev3A_500 = tpu.dynamic_gather %masked_sort3A_491[%rev3A_499] in [0] : vector<16xi32>, vector<16xi32> -> vector<16xi32>
              %ge3A = arith.cmpf oge, %cond3A_415#0, %rev3A_495 : vector<16xf32>
              %select_n3A = arith.select %ge3A, %cond3A_415#0, %rev3A_495 : vector<16xi1>, vector<16xf32>
              %select_n3A_501 = arith.select %ge3A, %cond3A_415#1, %rev3A_500 : vector<16xi1>, vector<16xi32>
              %masked_sort3A_502 = arith.constant dense<true> : vector<16xi1>
              %masked_sort3A_503, %masked_sort3A_504, %masked_sort3A_505 = tpu.sort %select_n3A, %select_n3A_501 masked %masked_sort3A_502 : (vector<16xf32>, vector<16xi32>, vector<16xi1>) -> (vector<16xi1>, vector<16xf32>, vector<16xi32>)
              %slice3A = vector.extract_strided_slice %masked_sort3A_504 {offsets = [8], sizes = [1], strides = [1]} : vector<16xf32> to vector<1xf32>
              %squeeze3A = vector.extract %slice3A[0] : f32 from vector<1xf32>
              %broadcast_in_dim3A = vector.broadcast %squeeze3A : f32 to vector<16xf32>
              scf.yield %masked_sort3A_504, %masked_sort3A_505, %broadcast_in_dim3A : vector<16xf32>, vector<16xi32>, vector<16xf32>
            } else {
              scf.yield %cond3A_415#0, %cond3A_415#1, %cond3A_415#2 : vector<16xf32>, vector<16xi32>, vector<16xf32>
            }
            %gt3A_432 = arith.cmpf ogt, %get3A_282, %cond3A_431#2 : vector<16xf32>
            %reduce_or3A_433 = arith.constant 1.000000e+00 : f32
            %reduce_or3A_434 = arith.constant 0.000000e+00 : f32
            %reduce_or3A_435 = vector.broadcast %reduce_or3A_433 : f32 to vector<16xf32>
            %reduce_or3A_436 = vector.broadcast %reduce_or3A_434 : f32 to vector<16xf32>
            %reduce_or3A_437 = arith.select %gt3A_432, %reduce_or3A_435, %reduce_or3A_436 : vector<16xi1>, vector<16xf32>
            %reduce_or3A_438 = arith.constant true
            %reduce_or3A_439 = vector.broadcast %reduce_or3A_438 : i1 to vector<16xi1>
            %reduce_or3A_440 = tpu.scan <max>, %reduce_or3A_437 masked %reduce_or3A_439 : vector<16xf32>, vector<16xi1> -> vector<16xf32>
            %reduce_or3A_441 = vector.extract %reduce_or3A_440[15] : f32 from vector<16xf32>
            %reduce_or3A_442 = arith.constant 0.000000e+00 : f32
            %reduce_or3A_443 = arith.cmpf ogt, %reduce_or3A_441, %reduce_or3A_442 : f32
            %convert_element_type3A_444 = arith.extui %reduce_or3A_443 : i1 to i32
            %cond3A_445 = arith.constant 0 : i32
            %cond3A_446 = arith.cmpi ne, %convert_element_type3A_444, %cond3A_445 : i32
            %cond3A_447:3 = scf.if %cond3A_446 -> (vector<16xf32>, vector<16xi32>, vector<16xf32>) {
              %mul3A_480 = arith.constant 8 : i32
              %mul3A_481 = arith.muli %scan3A_228, %mul3A_480 : i32
              %add3A_482 = arith.constant 5 : i32
              %add3A_483 = arith.addi %mul3A_481, %add3A_482 : i32
              %mul3A_484 = arith.constant 16 : i32
              %mul3A_485 = arith.muli %add3A_483, %mul3A_484 : i32
              %add3A_486 = arith.addi %mul3A_57, %mul3A_485 : i32
              %add3A_487 = vector.broadcast %add3A_486 : i32 to vector<16xi32>
              %add3A_488 = arith.addi %add3A_487, %iota3A : vector<16xi32>
              %masked_sort3A = arith.constant dense<true> : vector<16xi1>
              %masked_sort3A_489, %masked_sort3A_490, %masked_sort3A_491 = tpu.sort %get3A_282, %add3A_488 masked %masked_sort3A : (vector<16xf32>, vector<16xi32>, vector<16xi1>) -> (vector<16xi1>, vector<16xf32>, vector<16xi32>)
              %rev3A = arith.constant 15 : i32
              %rev3A_492 = vector.broadcast %rev3A : i32 to vector<16xi32>
              %rev3A_493 = tpu.iota {dimensions = array<i32: 0>} : vector<16xi32>
              %rev3A_494 = arith.subi %rev3A_492, %rev3A_493 : vector<16xi32>
              %rev3A_495 = tpu.dynamic_gather %masked_sort3A_490[%rev3A_494] in [0] : vector<16xf32>, vector<16xi32> -> vector<16xf32>
              %rev3A_496 = arith.constant 15 : i32
              %rev3A_497 = vector.broadcast %rev3A_496 : i32 to vector<16xi32>
              %rev3A_498 = tpu.iota {dimensions = array<i32: 0>} : vector<16xi32>
              %rev3A_499 = arith.subi %rev3A_497, %rev3A_498 : vector<16xi32>
              %rev3A_500 = tpu.dynamic_gather %masked_sort3A_491[%rev3A_499] in [0] : vector<16xi32>, vector<16xi32> -> vector<16xi32>
              %ge3A = arith.cmpf oge, %cond3A_431#0, %rev3A_495 : vector<16xf32>
              %select_n3A = arith.select %ge3A, %cond3A_431#0, %rev3A_495 : vector<16xi1>, vector<16xf32>
              %select_n3A_501 = arith.select %ge3A, %cond3A_431#1, %rev3A_500 : vector<16xi1>, vector<16xi32>
              %masked_sort3A_502 = arith.constant dense<true> : vector<16xi1>
              %masked_sort3A_503, %masked_sort3A_504, %masked_sort3A_505 = tpu.sort %select_n3A, %select_n3A_501 masked %masked_sort3A_502 : (vector<16xf32>, vector<16xi32>, vector<16xi1>) -> (vector<16xi1>, vector<16xf32>, vector<16xi32>)
              %slice3A = vector.extract_strided_slice %masked_sort3A_504 {offsets = [8], sizes = [1], strides = [1]} : vector<16xf32> to vector<1xf32>
              %squeeze3A = vector.extract %slice3A[0] : f32 from vector<1xf32>
              %broadcast_in_dim3A = vector.broadcast %squeeze3A : f32 to vector<16xf32>
              scf.yield %masked_sort3A_504, %masked_sort3A_505, %broadcast_in_dim3A : vector<16xf32>, vector<16xi32>, vector<16xf32>
            } else {
              scf.yield %cond3A_431#0, %cond3A_431#1, %cond3A_431#2 : vector<16xf32>, vector<16xi32>, vector<16xf32>
            }
            %gt3A_448 = arith.cmpf ogt, %get3A_291, %cond3A_447#2 : vector<16xf32>
            %reduce_or3A_449 = arith.constant 1.000000e+00 : f32
            %reduce_or3A_450 = arith.constant 0.000000e+00 : f32
            %reduce_or3A_451 = vector.broadcast %reduce_or3A_449 : f32 to vector<16xf32>
            %reduce_or3A_452 = vector.broadcast %reduce_or3A_450 : f32 to vector<16xf32>
            %reduce_or3A_453 = arith.select %gt3A_448, %reduce_or3A_451, %reduce_or3A_452 : vector<16xi1>, vector<16xf32>
            %reduce_or3A_454 = arith.constant true
            %reduce_or3A_455 = vector.broadcast %reduce_or3A_454 : i1 to vector<16xi1>
            %reduce_or3A_456 = tpu.scan <max>, %reduce_or3A_453 masked %reduce_or3A_455 : vector<16xf32>, vector<16xi1> -> vector<16xf32>
            %reduce_or3A_457 = vector.extract %reduce_or3A_456[15] : f32 from vector<16xf32>
            %reduce_or3A_458 = arith.constant 0.000000e+00 : f32
            %reduce_or3A_459 = arith.cmpf ogt, %reduce_or3A_457, %reduce_or3A_458 : f32
            %convert_element_type3A_460 = arith.extui %reduce_or3A_459 : i1 to i32
            %cond3A_461 = arith.constant 0 : i32
            %cond3A_462 = arith.cmpi ne, %convert_element_type3A_460, %cond3A_461 : i32
            %cond3A_463:3 = scf.if %cond3A_462 -> (vector<16xf32>, vector<16xi32>, vector<16xf32>) {
              %mul3A_480 = arith.constant 8 : i32
              %mul3A_481 = arith.muli %scan3A_228, %mul3A_480 : i32
              %add3A_482 = arith.constant 6 : i32
              %add3A_483 = arith.addi %mul3A_481, %add3A_482 : i32
              %mul3A_484 = arith.constant 16 : i32
              %mul3A_485 = arith.muli %add3A_483, %mul3A_484 : i32
              %add3A_486 = arith.addi %mul3A_57, %mul3A_485 : i32
              %add3A_487 = vector.broadcast %add3A_486 : i32 to vector<16xi32>
              %add3A_488 = arith.addi %add3A_487, %iota3A : vector<16xi32>
              %masked_sort3A = arith.constant dense<true> : vector<16xi1>
              %masked_sort3A_489, %masked_sort3A_490, %masked_sort3A_491 = tpu.sort %get3A_291, %add3A_488 masked %masked_sort3A : (vector<16xf32>, vector<16xi32>, vector<16xi1>) -> (vector<16xi1>, vector<16xf32>, vector<16xi32>)
              %rev3A = arith.constant 15 : i32
              %rev3A_492 = vector.broadcast %rev3A : i32 to vector<16xi32>
              %rev3A_493 = tpu.iota {dimensions = array<i32: 0>} : vector<16xi32>
              %rev3A_494 = arith.subi %rev3A_492, %rev3A_493 : vector<16xi32>
              %rev3A_495 = tpu.dynamic_gather %masked_sort3A_490[%rev3A_494] in [0] : vector<16xf32>, vector<16xi32> -> vector<16xf32>
              %rev3A_496 = arith.constant 15 : i32
              %rev3A_497 = vector.broadcast %rev3A_496 : i32 to vector<16xi32>
              %rev3A_498 = tpu.iota {dimensions = array<i32: 0>} : vector<16xi32>
              %rev3A_499 = arith.subi %rev3A_497, %rev3A_498 : vector<16xi32>
              %rev3A_500 = tpu.dynamic_gather %masked_sort3A_491[%rev3A_499] in [0] : vector<16xi32>, vector<16xi32> -> vector<16xi32>
              %ge3A = arith.cmpf oge, %cond3A_447#0, %rev3A_495 : vector<16xf32>
              %select_n3A = arith.select %ge3A, %cond3A_447#0, %rev3A_495 : vector<16xi1>, vector<16xf32>
              %select_n3A_501 = arith.select %ge3A, %cond3A_447#1, %rev3A_500 : vector<16xi1>, vector<16xi32>
              %masked_sort3A_502 = arith.constant dense<true> : vector<16xi1>
              %masked_sort3A_503, %masked_sort3A_504, %masked_sort3A_505 = tpu.sort %select_n3A, %select_n3A_501 masked %masked_sort3A_502 : (vector<16xf32>, vector<16xi32>, vector<16xi1>) -> (vector<16xi1>, vector<16xf32>, vector<16xi32>)
              %slice3A = vector.extract_strided_slice %masked_sort3A_504 {offsets = [8], sizes = [1], strides = [1]} : vector<16xf32> to vector<1xf32>
              %squeeze3A = vector.extract %slice3A[0] : f32 from vector<1xf32>
              %broadcast_in_dim3A = vector.broadcast %squeeze3A : f32 to vector<16xf32>
              scf.yield %masked_sort3A_504, %masked_sort3A_505, %broadcast_in_dim3A : vector<16xf32>, vector<16xi32>, vector<16xf32>
            } else {
              scf.yield %cond3A_447#0, %cond3A_447#1, %cond3A_447#2 : vector<16xf32>, vector<16xi32>, vector<16xf32>
            }
            %gt3A_464 = arith.cmpf ogt, %get3A_300, %cond3A_463#2 : vector<16xf32>
            %reduce_or3A_465 = arith.constant 1.000000e+00 : f32
            %reduce_or3A_466 = arith.constant 0.000000e+00 : f32
            %reduce_or3A_467 = vector.broadcast %reduce_or3A_465 : f32 to vector<16xf32>
            %reduce_or3A_468 = vector.broadcast %reduce_or3A_466 : f32 to vector<16xf32>
            %reduce_or3A_469 = arith.select %gt3A_464, %reduce_or3A_467, %reduce_or3A_468 : vector<16xi1>, vector<16xf32>
            %reduce_or3A_470 = arith.constant true
            %reduce_or3A_471 = vector.broadcast %reduce_or3A_470 : i1 to vector<16xi1>
            %reduce_or3A_472 = tpu.scan <max>, %reduce_or3A_469 masked %reduce_or3A_471 : vector<16xf32>, vector<16xi1> -> vector<16xf32>
            %reduce_or3A_473 = vector.extract %reduce_or3A_472[15] : f32 from vector<16xf32>
            %reduce_or3A_474 = arith.constant 0.000000e+00 : f32
            %reduce_or3A_475 = arith.cmpf ogt, %reduce_or3A_473, %reduce_or3A_474 : f32
            %convert_element_type3A_476 = arith.extui %reduce_or3A_475 : i1 to i32
            %cond3A_477 = arith.constant 0 : i32
            %cond3A_478 = arith.cmpi ne, %convert_element_type3A_476, %cond3A_477 : i32
            %cond3A_479:3 = scf.if %cond3A_478 -> (vector<16xf32>, vector<16xi32>, vector<16xf32>) {
              %mul3A_480 = arith.constant 8 : i32
              %mul3A_481 = arith.muli %scan3A_228, %mul3A_480 : i32
              %add3A_482 = arith.constant 7 : i32
              %add3A_483 = arith.addi %mul3A_481, %add3A_482 : i32
              %mul3A_484 = arith.constant 16 : i32
              %mul3A_485 = arith.muli %add3A_483, %mul3A_484 : i32
              %add3A_486 = arith.addi %mul3A_57, %mul3A_485 : i32
              %add3A_487 = vector.broadcast %add3A_486 : i32 to vector<16xi32>
              %add3A_488 = arith.addi %add3A_487, %iota3A : vector<16xi32>
              %masked_sort3A = arith.constant dense<true> : vector<16xi1>
              %masked_sort3A_489, %masked_sort3A_490, %masked_sort3A_491 = tpu.sort %get3A_300, %add3A_488 masked %masked_sort3A : (vector<16xf32>, vector<16xi32>, vector<16xi1>) -> (vector<16xi1>, vector<16xf32>, vector<16xi32>)
              %rev3A = arith.constant 15 : i32
              %rev3A_492 = vector.broadcast %rev3A : i32 to vector<16xi32>
              %rev3A_493 = tpu.iota {dimensions = array<i32: 0>} : vector<16xi32>
              %rev3A_494 = arith.subi %rev3A_492, %rev3A_493 : vector<16xi32>
              %rev3A_495 = tpu.dynamic_gather %masked_sort3A_490[%rev3A_494] in [0] : vector<16xf32>, vector<16xi32> -> vector<16xf32>
              %rev3A_496 = arith.constant 15 : i32
              %rev3A_497 = vector.broadcast %rev3A_496 : i32 to vector<16xi32>
              %rev3A_498 = tpu.iota {dimensions = array<i32: 0>} : vector<16xi32>
              %rev3A_499 = arith.subi %rev3A_497, %rev3A_498 : vector<16xi32>
              %rev3A_500 = tpu.dynamic_gather %masked_sort3A_491[%rev3A_499] in [0] : vector<16xi32>, vector<16xi32> -> vector<16xi32>
              %ge3A = arith.cmpf oge, %cond3A_463#0, %rev3A_495 : vector<16xf32>
              %select_n3A = arith.select %ge3A, %cond3A_463#0, %rev3A_495 : vector<16xi1>, vector<16xf32>
              %select_n3A_501 = arith.select %ge3A, %cond3A_463#1, %rev3A_500 : vector<16xi1>, vector<16xi32>
              %masked_sort3A_502 = arith.constant dense<true> : vector<16xi1>
              %masked_sort3A_503, %masked_sort3A_504, %masked_sort3A_505 = tpu.sort %select_n3A, %select_n3A_501 masked %masked_sort3A_502 : (vector<16xf32>, vector<16xi32>, vector<16xi1>) -> (vector<16xi1>, vector<16xf32>, vector<16xi32>)
              %slice3A = vector.extract_strided_slice %masked_sort3A_504 {offsets = [8], sizes = [1], strides = [1]} : vector<16xf32> to vector<1xf32>
              %squeeze3A = vector.extract %slice3A[0] : f32 from vector<1xf32>
              %broadcast_in_dim3A = vector.broadcast %squeeze3A : f32 to vector<16xf32>
              scf.yield %masked_sort3A_504, %masked_sort3A_505, %broadcast_in_dim3A : vector<16xf32>, vector<16xi32>, vector<16xf32>
            } else {
              scf.yield %cond3A_463#0, %cond3A_463#1, %cond3A_463#2 : vector<16xf32>, vector<16xi32>, vector<16xf32>
            }
            scf.yield %cond3A_479#0, %cond3A_479#1, %cond3A_479#2 : vector<16xf32>, vector<16xi32>, vector<16xf32>
          } else {
            scf.yield %cond3A_226#0, %cond3A_226#1, %cond3A_226#2 : vector<16xf32>, vector<16xi32>, vector<16xf32>
          }
          scf.yield %max3A_308, %add3A_335, %cond3A_351#0, %cond3A_351#1, %cond3A_351#2 : vector<16xf32>, vector<16xf32>, vector<16xf32>, vector<16xi32>, vector<16xf32>
        }
        %scan3A_87 = arith.constant 26 : i32
        %swap3A = arith.index_cast %scan3A_66 : i32 to index
        %swap3A_88 = arith.constant 0 : index
        %swap3A_89 = tpu.vector_load %arg11[%swap3A, %swap3A_88] {strides = array<i32>} : memref<16x16xf32, #tpu.memory_space<vmem>>, vector<16xf32>,
        tpu.vector_store %arg11[%swap3A, %swap3A_88], %scan3A_86#0 {strides = array<i32>} : memref<16x16xf32, #tpu.memory_space<vmem>>, vector<16xf32>,
        %swap3A_90 = arith.index_cast %scan3A_66 : i32 to index
        %swap3A_91 = arith.constant 0 : index
        %swap3A_92 = tpu.vector_load %arg12[%swap3A_90, %swap3A_91] {strides = array<i32>} : memref<16x16xf32, #tpu.memory_space<vmem>>, vector<16xf32>,
        tpu.vector_store %arg12[%swap3A_90, %swap3A_91], %scan3A_86#1 {strides = array<i32>} : memref<16x16xf32, #tpu.memory_space<vmem>>, vector<16xf32>,
        %swap3A_93 = arith.index_cast %scan3A_66 : i32 to index
        %swap3A_94 = arith.constant 0 : index
        %swap3A_95 = tpu.vector_load %arg9[%swap3A_93, %swap3A_94] {strides = array<i32>} : memref<16x16xf32, #tpu.memory_space<vmem>>, vector<16xf32>,
        tpu.vector_store %arg9[%swap3A_93, %swap3A_94], %scan3A_86#2 {strides = array<i32>} : memref<16x16xf32, #tpu.memory_space<vmem>>, vector<16xf32>,
        %swap3A_96 = arith.index_cast %scan3A_66 : i32 to index
        %swap3A_97 = arith.constant 0 : index
        %swap3A_98 = tpu.vector_load %arg10[%swap3A_96, %swap3A_97] {strides = array<i32>} : memref<16x16xi32, #tpu.memory_space<vmem>>, vector<16xi32>,
        tpu.vector_store %arg10[%swap3A_96, %swap3A_97], %scan3A_86#3 {strides = array<i32>} : memref<16x16xi32, #tpu.memory_space<vmem>>, vector<16xi32>,
        %swap3A_99 = arith.index_cast %scan3A_66 : i32 to index
        %swap3A_100 = arith.constant 0 : index
        %swap3A_101 = tpu.vector_load %arg13[%swap3A_99, %swap3A_100] {strides = array<i32>} : memref<16x16xf32, #tpu.memory_space<vmem>>, vector<16xf32>,
        tpu.vector_store %arg13[%swap3A_99, %swap3A_100], %scan3A_86#4 {strides = array<i32>} : memref<16x16xf32, #tpu.memory_space<vmem>>, vector<16xf32>,
        %scan3A_102 = arith.constant 0 : i32
        scf.yield %scan3A_102 : i32
      }
      %scan3A_64 = arith.constant 16 : i32
      %scan3A_65 = arith.constant 0 : i32
      scf.yield %scan3A_65 : i32
    }
    %scan3A_18 = arith.constant 15 : i32
    "tpu.region"() ({
      %run_scoped3A = tpu.sem_alloc : memref<!tpu.dma_semaphore, #tpu.memory_space<semaphore_mem>>
      %dma_start3A_19 = arith.constant 0 : i32
      %dma_start3A_20 = tpu.memref_slice %arg3[%multiple_of3A, %dma_start3A_19] : memref<512x16xf32, #tpu.memory_space<hbm>> -> memref<16x16xf32, #tpu.memory_space<hbm>>
      %dma_start3A_21 = arith.constant 0 : i32
      %dma_start3A_22 = tpu.memref_slice %arg3[%multiple_of3A, %dma_start3A_21] : memref<512x16xf32, #tpu.memory_space<hbm>> -> memref<16x16xf32, #tpu.memory_space<hbm>>
      tpu.enqueue_dma source(%arg9 : memref<16x16xf32, #tpu.memory_space<vmem>>) target(%dma_start3A_22 : memref<16x16xf32, #tpu.memory_space<hbm>>) target_semaphore(%run_scoped3A : memref<!tpu.dma_semaphore, #tpu.memory_space<semaphore_mem>>)
      %dma_wait3A = arith.constant 0 : i32
      %dma_wait3A_23 = tpu.memref_slice %arg3[%multiple_of3A, %dma_wait3A] : memref<512x16xf32, #tpu.memory_space<hbm>> -> memref<16x16xf32, #tpu.memory_space<hbm>>
      %dma_wait3A_24 = arith.constant 0 : i32
      %dma_wait3A_25 = tpu.memref_slice %arg3[%multiple_of3A, %dma_wait3A_24] : memref<512x16xf32, #tpu.memory_space<hbm>> -> memref<16x16xf32, #tpu.memory_space<hbm>>
      tpu.wait_dma2 semaphore(%run_scoped3A : memref<!tpu.dma_semaphore, #tpu.memory_space<semaphore_mem>>) src(%arg9 : memref<16x16xf32, #tpu.memory_space<vmem>>) dst(%dma_wait3A_25 : memref<16x16xf32, #tpu.memory_space<hbm>>)
      tpu.yield
    }) : () -> ()
    "tpu.region"() ({
      %run_scoped3A = tpu.sem_alloc : memref<!tpu.dma_semaphore, #tpu.memory_space<semaphore_mem>>
      %dma_start3A_19 = arith.constant 0 : i32
      %dma_start3A_20 = tpu.memref_slice %arg4[%multiple_of3A, %dma_start3A_19] : memref<512x16xi32, #tpu.memory_space<hbm>> -> memref<16x16xi32, #tpu.memory_space<hbm>>
      %dma_start3A_21 = arith.constant 0 : i32
      %dma_start3A_22 = tpu.memref_slice %arg4[%multiple_of3A, %dma_start3A_21] : memref<512x16xi32, #tpu.memory_space<hbm>> -> memref<16x16xi32, #tpu.memory_space<hbm>>
      tpu.enqueue_dma source(%arg10 : memref<16x16xi32, #tpu.memory_space<vmem>>) target(%dma_start3A_22 : memref<16x16xi32, #tpu.memory_space<hbm>>) target_semaphore(%run_scoped3A : memref<!tpu.dma_semaphore, #tpu.memory_space<semaphore_mem>>)
      %dma_wait3A = arith.constant 0 : i32
      %dma_wait3A_23 = tpu.memref_slice %arg4[%multiple_of3A, %dma_wait3A] : memref<512x16xi32, #tpu.memory_space<hbm>> -> memref<16x16xi32, #tpu.memory_space<hbm>>
      %dma_wait3A_24 = arith.constant 0 : i32
      %dma_wait3A_25 = tpu.memref_slice %arg4[%multiple_of3A, %dma_wait3A_24] : memref<512x16xi32, #tpu.memory_space<hbm>> -> memref<16x16xi32, #tpu.memory_space<hbm>>
      tpu.wait_dma2 semaphore(%run_scoped3A : memref<!tpu.dma_semaphore, #tpu.memory_space<semaphore_mem>>) src(%arg10 : memref<16x16xi32, #tpu.memory_space<vmem>>) dst(%dma_wait3A_25 : memref<16x16xi32, #tpu.memory_space<hbm>>)
      tpu.yield
    }) : () -> ()
    "tpu.region"() ({
      %run_scoped3A = tpu.sem_alloc : memref<!tpu.dma_semaphore, #tpu.memory_space<semaphore_mem>>
      %dma_start3A_19 = arith.constant 0 : i32
      %dma_start3A_20 = tpu.memref_slice %arg5[%multiple_of3A, %dma_start3A_19] : memref<512x16xf32, #tpu.memory_space<hbm>> -> memref<16x16xf32, #tpu.memory_space<hbm>>
      %dma_start3A_21 = arith.constant 0 : i32
      %dma_start3A_22 = tpu.memref_slice %arg5[%multiple_of3A, %dma_start3A_21] : memref<512x16xf32, #tpu.memory_space<hbm>> -> memref<16x16xf32, #tpu.memory_space<hbm>>
      tpu.enqueue_dma source(%arg11 : memref<16x16xf32, #tpu.memory_space<vmem>>) target(%dma_start3A_22 : memref<16x16xf32, #tpu.memory_space<hbm>>) target_semaphore(%run_scoped3A : memref<!tpu.dma_semaphore, #tpu.memory_space<semaphore_mem>>)
      %dma_wait3A = arith.constant 0 : i32
      %dma_wait3A_23 = tpu.memref_slice %arg5[%multiple_of3A, %dma_wait3A] : memref<512x16xf32, #tpu.memory_space<hbm>> -> memref<16x16xf32, #tpu.memory_space<hbm>>
      %dma_wait3A_24 = arith.constant 0 : i32
      %dma_wait3A_25 = tpu.memref_slice %arg5[%multiple_of3A, %dma_wait3A_24] : memref<512x16xf32, #tpu.memory_space<hbm>> -> memref<16x16xf32, #tpu.memory_space<hbm>>
      tpu.wait_dma2 semaphore(%run_scoped3A : memref<!tpu.dma_semaphore, #tpu.memory_space<semaphore_mem>>) src(%arg11 : memref<16x16xf32, #tpu.memory_space<vmem>>) dst(%dma_wait3A_25 : memref<16x16xf32, #tpu.memory_space<hbm>>)
      tpu.yield
    }) : () -> ()
    "tpu.region"() ({
      %run_scoped3A = tpu.sem_alloc : memref<!tpu.dma_semaphore, #tpu.memory_space<semaphore_mem>>
      %dma_start3A_19 = arith.constant 0 : i32
      %dma_start3A_20 = tpu.memref_slice %arg6[%multiple_of3A, %dma_start3A_19] : memref<512x16xf32, #tpu.memory_space<hbm>> -> memref<16x16xf32, #tpu.memory_space<hbm>>
      %dma_start3A_21 = arith.constant 0 : i32
      %dma_start3A_22 = tpu.memref_slice %arg6[%multiple_of3A, %dma_start3A_21] : memref<512x16xf32, #tpu.memory_space<hbm>> -> memref<16x16xf32, #tpu.memory_space<hbm>>
      tpu.enqueue_dma source(%arg12 : memref<16x16xf32, #tpu.memory_space<vmem>>) target(%dma_start3A_22 : memref<16x16xf32, #tpu.memory_space<hbm>>) target_semaphore(%run_scoped3A : memref<!tpu.dma_semaphore, #tpu.memory_space<semaphore_mem>>)
      %dma_wait3A = arith.constant 0 : i32
      %dma_wait3A_23 = tpu.memref_slice %arg6[%multiple_of3A, %dma_wait3A] : memref<512x16xf32, #tpu.memory_space<hbm>> -> memref<16x16xf32, #tpu.memory_space<hbm>>
      %dma_wait3A_24 = arith.constant 0 : i32
      %dma_wait3A_25 = tpu.memref_slice %arg6[%multiple_of3A, %dma_wait3A_24] : memref<512x16xf32, #tpu.memory_space<hbm>> -> memref<16x16xf32, #tpu.memory_space<hbm>>
      tpu.wait_dma2 semaphore(%run_scoped3A : memref<!tpu.dma_semaphore, #tpu.memory_space<semaphore_mem>>) src(%arg12 : memref<16x16xf32, #tpu.memory_space<vmem>>) dst(%dma_wait3A_25 : memref<16x16xf32, #tpu.memory_space<hbm>>)
      tpu.yield
    }) : () -> ()
    return
  }
}

module attributes {stable_mosaic.version = 14 : i64} {
  func.func @_tail_kernel(%arg0: memref<512x160xf32, #tpu.memory_space<vmem>>, %arg1: memref<512x8xf32, #tpu.memory_space<vmem>>, %arg2: memref<512x8xi32, #tpu.memory_space<vmem>>, %arg3: memref<512x8xf32, #tpu.memory_space<vmem>>, %arg4: memref<512x8xf32, #tpu.memory_space<vmem>>) attributes {dimension_semantics = [], scalar_prefetch = 0 : i64, scratch_operands = 0 : i64, tpu.core_type = #tpu.core_type<tc>} {
    %get3A = arith.constant 0 : index
    %get3A_0 = arith.constant 0 : index
    %get3A_1 = vector.load %arg0[%get3A, %get3A_0] : memref<512x160xf32, #tpu.memory_space<vmem>>, vector<512x160xf32>
    %reduce_max3A = arith.constant dense<0xFF800000> : vector<512xf32>
    %reduce_max3A_2 = vector.multi_reduction <maximumf>, %get3A_1, %reduce_max3A [1] : vector<512x160xf32> to vector<512xf32>
    %broadcast_in_dim3A = vector.shape_cast %reduce_max3A_2 : vector<512xf32> to vector<512x1xf32>
    %sub3A = vector.broadcast %broadcast_in_dim3A : vector<512x1xf32> to vector<512x160xf32>
    %sub3A_3 = arith.subf %get3A_1, %sub3A : vector<512x160xf32>
    %exp3A = math.exp %sub3A_3 : vector<512x160xf32>
    %reduce_sum3A = arith.constant dense<0.000000e+00> : vector<512xf32>
    %reduce_sum3A_4 = vector.multi_reduction <add>, %exp3A, %reduce_sum3A [1] : vector<512x160xf32> to vector<512xf32>
    %broadcast_in_dim3A_5 = vector.shape_cast %reduce_sum3A_4 : vector<512xf32> to vector<512x1xf32>
    %broadcast_in_dim3A_6 = vector.shape_cast %broadcast_in_dim3A : vector<512x1xf32> to vector<512x1xf32>
    %broadcast_in_dim3A_7 = vector.broadcast %broadcast_in_dim3A_6 : vector<512x1xf32> to vector<512x8xf32>
    %swap3A = arith.constant 0 : index
    %swap3A_8 = arith.constant 0 : index
    %swap3A_9 = vector.load %arg3[%swap3A, %swap3A_8] : memref<512x8xf32, #tpu.memory_space<vmem>>, vector<512x8xf32>
    tpu.vector_store %arg3[%swap3A, %swap3A_8], %broadcast_in_dim3A_7 {strides = array<i32>} : memref<512x8xf32, #tpu.memory_space<vmem>>, vector<512x8xf32>,
    %broadcast_in_dim3A_10 = vector.shape_cast %broadcast_in_dim3A_5 : vector<512x1xf32> to vector<512x1xf32>
    %broadcast_in_dim3A_11 = vector.broadcast %broadcast_in_dim3A_10 : vector<512x1xf32> to vector<512x8xf32>
    %swap3A_12 = arith.constant 0 : index
    %swap3A_13 = arith.constant 0 : index
    %swap3A_14 = vector.load %arg4[%swap3A_12, %swap3A_13] : memref<512x8xf32, #tpu.memory_space<vmem>>, vector<512x8xf32>
    tpu.vector_store %arg4[%swap3A_12, %swap3A_13], %broadcast_in_dim3A_11 {strides = array<i32>} : memref<512x8xf32, #tpu.memory_space<vmem>>, vector<512x8xf32>,
    %iota3A = tpu.iota {dimensions = array<i32: 1>} : vector<512x160xi32>
    %reduce_max3A_15 = arith.constant dense<0xFF800000> : vector<512xf32>
    %reduce_max3A_16 = vector.multi_reduction <maximumf>, %get3A_1, %reduce_max3A_15 [1] : vector<512x160xf32> to vector<512xf32>
    %broadcast_in_dim3A_17 = vector.shape_cast %reduce_max3A_16 : vector<512xf32> to vector<512x1xf32>
    %eq3A = vector.broadcast %broadcast_in_dim3A_17 : vector<512x1xf32> to vector<512x160xf32>
    %eq3A_18 = arith.cmpf oeq, %get3A_1, %eq3A : vector<512x160xf32>
    %jit3A = arith.constant 160 : i32
    %broadcast_in_dim3A_19 = vector.broadcast %jit3A : i32 to vector<512x160xi32>
    %select_n3A = arith.select %eq3A_18, %iota3A, %broadcast_in_dim3A_19 : vector<512x160xi1>, vector<512x160xi32>
    %reduce_min3A = arith.constant dense<2147483647> : vector<512xi32>
    %reduce_min3A_20 = vector.multi_reduction <minsi>, %select_n3A, %reduce_min3A [1] : vector<512x160xi32> to vector<512xi32>
    %broadcast_in_dim3A_21 = vector.shape_cast %reduce_min3A_20 : vector<512xi32> to vector<512x1xi32>
    %add3A = arith.constant 99840 : i32
    %add3A_22 = vector.broadcast %add3A : i32 to vector<512x1xi32>
    %add3A_23 = arith.addi %add3A_22, %broadcast_in_dim3A_21 : vector<512x1xi32>
    %eq3A_24 = vector.broadcast %broadcast_in_dim3A_21 : vector<512x1xi32> to vector<512x160xi32>
    %eq3A_25 = arith.cmpi eq, %iota3A, %eq3A_24 : vector<512x160xi32>
    %jit3A_26 = arith.constant 0xFF800000 : f32
    %broadcast_in_dim3A_27 = vector.broadcast %jit3A_26 : f32 to vector<512x160xf32>
    %select_n3A_28 = arith.select %eq3A_25, %broadcast_in_dim3A_27, %get3A_1 : vector<512x160xi1>, vector<512x160xf32>
    %reduce_max3A_29 = arith.constant dense<0xFF800000> : vector<512xf32>
    %reduce_max3A_30 = vector.multi_reduction <maximumf>, %select_n3A_28, %reduce_max3A_29 [1] : vector<512x160xf32> to vector<512xf32>
    %broadcast_in_dim3A_31 = vector.shape_cast %reduce_max3A_30 : vector<512xf32> to vector<512x1xf32>
    %eq3A_32 = vector.broadcast %broadcast_in_dim3A_31 : vector<512x1xf32> to vector<512x160xf32>
    %eq3A_33 = arith.cmpf oeq, %select_n3A_28, %eq3A_32 : vector<512x160xf32>
    %jit3A_34 = arith.constant 160 : i32
    %broadcast_in_dim3A_35 = vector.broadcast %jit3A_34 : i32 to vector<512x160xi32>
    %select_n3A_36 = arith.select %eq3A_33, %iota3A, %broadcast_in_dim3A_35 : vector<512x160xi1>, vector<512x160xi32>
    %reduce_min3A_37 = arith.constant dense<2147483647> : vector<512xi32>
    %reduce_min3A_38 = vector.multi_reduction <minsi>, %select_n3A_36, %reduce_min3A_37 [1] : vector<512x160xi32> to vector<512xi32>
    %broadcast_in_dim3A_39 = vector.shape_cast %reduce_min3A_38 : vector<512xi32> to vector<512x1xi32>
    %add3A_40 = arith.constant 99840 : i32
    %add3A_41 = vector.broadcast %add3A_40 : i32 to vector<512x1xi32>
    %add3A_42 = arith.addi %add3A_41, %broadcast_in_dim3A_39 : vector<512x1xi32>
    %eq3A_43 = vector.broadcast %broadcast_in_dim3A_39 : vector<512x1xi32> to vector<512x160xi32>
    %eq3A_44 = arith.cmpi eq, %iota3A, %eq3A_43 : vector<512x160xi32>
    %jit3A_45 = arith.constant 0xFF800000 : f32
    %broadcast_in_dim3A_46 = vector.broadcast %jit3A_45 : f32 to vector<512x160xf32>
    %select_n3A_47 = arith.select %eq3A_44, %broadcast_in_dim3A_46, %select_n3A_28 : vector<512x160xi1>, vector<512x160xf32>
    %reduce_max3A_48 = arith.constant dense<0xFF800000> : vector<512xf32>
    %reduce_max3A_49 = vector.multi_reduction <maximumf>, %select_n3A_47, %reduce_max3A_48 [1] : vector<512x160xf32> to vector<512xf32>
    %broadcast_in_dim3A_50 = vector.shape_cast %reduce_max3A_49 : vector<512xf32> to vector<512x1xf32>
    %eq3A_51 = vector.broadcast %broadcast_in_dim3A_50 : vector<512x1xf32> to vector<512x160xf32>
    %eq3A_52 = arith.cmpf oeq, %select_n3A_47, %eq3A_51 : vector<512x160xf32>
    %jit3A_53 = arith.constant 160 : i32
    %broadcast_in_dim3A_54 = vector.broadcast %jit3A_53 : i32 to vector<512x160xi32>
    %select_n3A_55 = arith.select %eq3A_52, %iota3A, %broadcast_in_dim3A_54 : vector<512x160xi1>, vector<512x160xi32>
    %reduce_min3A_56 = arith.constant dense<2147483647> : vector<512xi32>
    %reduce_min3A_57 = vector.multi_reduction <minsi>, %select_n3A_55, %reduce_min3A_56 [1] : vector<512x160xi32> to vector<512xi32>
    %broadcast_in_dim3A_58 = vector.shape_cast %reduce_min3A_57 : vector<512xi32> to vector<512x1xi32>
    %add3A_59 = arith.constant 99840 : i32
    %add3A_60 = vector.broadcast %add3A_59 : i32 to vector<512x1xi32>
    %add3A_61 = arith.addi %add3A_60, %broadcast_in_dim3A_58 : vector<512x1xi32>
    %eq3A_62 = vector.broadcast %broadcast_in_dim3A_58 : vector<512x1xi32> to vector<512x160xi32>
    %eq3A_63 = arith.cmpi eq, %iota3A, %eq3A_62 : vector<512x160xi32>
    %jit3A_64 = arith.constant 0xFF800000 : f32
    %broadcast_in_dim3A_65 = vector.broadcast %jit3A_64 : f32 to vector<512x160xf32>
    %select_n3A_66 = arith.select %eq3A_63, %broadcast_in_dim3A_65, %select_n3A_47 : vector<512x160xi1>, vector<512x160xf32>
    %reduce_max3A_67 = arith.constant dense<0xFF800000> : vector<512xf32>
    %reduce_max3A_68 = vector.multi_reduction <maximumf>, %select_n3A_66, %reduce_max3A_67 [1] : vector<512x160xf32> to vector<512xf32>
    %broadcast_in_dim3A_69 = vector.shape_cast %reduce_max3A_68 : vector<512xf32> to vector<512x1xf32>
    %eq3A_70 = vector.broadcast %broadcast_in_dim3A_69 : vector<512x1xf32> to vector<512x160xf32>
    %eq3A_71 = arith.cmpf oeq, %select_n3A_66, %eq3A_70 : vector<512x160xf32>
    %jit3A_72 = arith.constant 160 : i32
    %broadcast_in_dim3A_73 = vector.broadcast %jit3A_72 : i32 to vector<512x160xi32>
    %select_n3A_74 = arith.select %eq3A_71, %iota3A, %broadcast_in_dim3A_73 : vector<512x160xi1>, vector<512x160xi32>
    %reduce_min3A_75 = arith.constant dense<2147483647> : vector<512xi32>
    %reduce_min3A_76 = vector.multi_reduction <minsi>, %select_n3A_74, %reduce_min3A_75 [1] : vector<512x160xi32> to vector<512xi32>
    %broadcast_in_dim3A_77 = vector.shape_cast %reduce_min3A_76 : vector<512xi32> to vector<512x1xi32>
    %add3A_78 = arith.constant 99840 : i32
    %add3A_79 = vector.broadcast %add3A_78 : i32 to vector<512x1xi32>
    %add3A_80 = arith.addi %add3A_79, %broadcast_in_dim3A_77 : vector<512x1xi32>
    %eq3A_81 = vector.broadcast %broadcast_in_dim3A_77 : vector<512x1xi32> to vector<512x160xi32>
    %eq3A_82 = arith.cmpi eq, %iota3A, %eq3A_81 : vector<512x160xi32>
    %jit3A_83 = arith.constant 0xFF800000 : f32
    %broadcast_in_dim3A_84 = vector.broadcast %jit3A_83 : f32 to vector<512x160xf32>
    %select_n3A_85 = arith.select %eq3A_82, %broadcast_in_dim3A_84, %select_n3A_66 : vector<512x160xi1>, vector<512x160xf32>
    %reduce_max3A_86 = arith.constant dense<0xFF800000> : vector<512xf32>
    %reduce_max3A_87 = vector.multi_reduction <maximumf>, %select_n3A_85, %reduce_max3A_86 [1] : vector<512x160xf32> to vector<512xf32>
    %broadcast_in_dim3A_88 = vector.shape_cast %reduce_max3A_87 : vector<512xf32> to vector<512x1xf32>
    %eq3A_89 = vector.broadcast %broadcast_in_dim3A_88 : vector<512x1xf32> to vector<512x160xf32>
    %eq3A_90 = arith.cmpf oeq, %select_n3A_85, %eq3A_89 : vector<512x160xf32>
    %jit3A_91 = arith.constant 160 : i32
    %broadcast_in_dim3A_92 = vector.broadcast %jit3A_91 : i32 to vector<512x160xi32>
    %select_n3A_93 = arith.select %eq3A_90, %iota3A, %broadcast_in_dim3A_92 : vector<512x160xi1>, vector<512x160xi32>
    %reduce_min3A_94 = arith.constant dense<2147483647> : vector<512xi32>
    %reduce_min3A_95 = vector.multi_reduction <minsi>, %select_n3A_93, %reduce_min3A_94 [1] : vector<512x160xi32> to vector<512xi32>
    %broadcast_in_dim3A_96 = vector.shape_cast %reduce_min3A_95 : vector<512xi32> to vector<512x1xi32>
    %add3A_97 = arith.constant 99840 : i32
    %add3A_98 = vector.broadcast %add3A_97 : i32 to vector<512x1xi32>
    %add3A_99 = arith.addi %add3A_98, %broadcast_in_dim3A_96 : vector<512x1xi32>
    %eq3A_100 = vector.broadcast %broadcast_in_dim3A_96 : vector<512x1xi32> to vector<512x160xi32>
    %eq3A_101 = arith.cmpi eq, %iota3A, %eq3A_100 : vector<512x160xi32>
    %jit3A_102 = arith.constant 0xFF800000 : f32
    %broadcast_in_dim3A_103 = vector.broadcast %jit3A_102 : f32 to vector<512x160xf32>
    %select_n3A_104 = arith.select %eq3A_101, %broadcast_in_dim3A_103, %select_n3A_85 : vector<512x160xi1>, vector<512x160xf32>
    %reduce_max3A_105 = arith.constant dense<0xFF800000> : vector<512xf32>
    %reduce_max3A_106 = vector.multi_reduction <maximumf>, %select_n3A_104, %reduce_max3A_105 [1] : vector<512x160xf32> to vector<512xf32>
    %broadcast_in_dim3A_107 = vector.shape_cast %reduce_max3A_106 : vector<512xf32> to vector<512x1xf32>
    %eq3A_108 = vector.broadcast %broadcast_in_dim3A_107 : vector<512x1xf32> to vector<512x160xf32>
    %eq3A_109 = arith.cmpf oeq, %select_n3A_104, %eq3A_108 : vector<512x160xf32>
    %jit3A_110 = arith.constant 160 : i32
    %broadcast_in_dim3A_111 = vector.broadcast %jit3A_110 : i32 to vector<512x160xi32>
    %select_n3A_112 = arith.select %eq3A_109, %iota3A, %broadcast_in_dim3A_111 : vector<512x160xi1>, vector<512x160xi32>
    %reduce_min3A_113 = arith.constant dense<2147483647> : vector<512xi32>
    %reduce_min3A_114 = vector.multi_reduction <minsi>, %select_n3A_112, %reduce_min3A_113 [1] : vector<512x160xi32> to vector<512xi32>
    %broadcast_in_dim3A_115 = vector.shape_cast %reduce_min3A_114 : vector<512xi32> to vector<512x1xi32>
    %add3A_116 = arith.constant 99840 : i32
    %add3A_117 = vector.broadcast %add3A_116 : i32 to vector<512x1xi32>
    %add3A_118 = arith.addi %add3A_117, %broadcast_in_dim3A_115 : vector<512x1xi32>
    %eq3A_119 = vector.broadcast %broadcast_in_dim3A_115 : vector<512x1xi32> to vector<512x160xi32>
    %eq3A_120 = arith.cmpi eq, %iota3A, %eq3A_119 : vector<512x160xi32>
    %jit3A_121 = arith.constant 0xFF800000 : f32
    %broadcast_in_dim3A_122 = vector.broadcast %jit3A_121 : f32 to vector<512x160xf32>
    %select_n3A_123 = arith.select %eq3A_120, %broadcast_in_dim3A_122, %select_n3A_104 : vector<512x160xi1>, vector<512x160xf32>
    %reduce_max3A_124 = arith.constant dense<0xFF800000> : vector<512xf32>
    %reduce_max3A_125 = vector.multi_reduction <maximumf>, %select_n3A_123, %reduce_max3A_124 [1] : vector<512x160xf32> to vector<512xf32>
    %broadcast_in_dim3A_126 = vector.shape_cast %reduce_max3A_125 : vector<512xf32> to vector<512x1xf32>
    %eq3A_127 = vector.broadcast %broadcast_in_dim3A_126 : vector<512x1xf32> to vector<512x160xf32>
    %eq3A_128 = arith.cmpf oeq, %select_n3A_123, %eq3A_127 : vector<512x160xf32>
    %jit3A_129 = arith.constant 160 : i32
    %broadcast_in_dim3A_130 = vector.broadcast %jit3A_129 : i32 to vector<512x160xi32>
    %select_n3A_131 = arith.select %eq3A_128, %iota3A, %broadcast_in_dim3A_130 : vector<512x160xi1>, vector<512x160xi32>
    %reduce_min3A_132 = arith.constant dense<2147483647> : vector<512xi32>
    %reduce_min3A_133 = vector.multi_reduction <minsi>, %select_n3A_131, %reduce_min3A_132 [1] : vector<512x160xi32> to vector<512xi32>
    %broadcast_in_dim3A_134 = vector.shape_cast %reduce_min3A_133 : vector<512xi32> to vector<512x1xi32>
    %add3A_135 = arith.constant 99840 : i32
    %add3A_136 = vector.broadcast %add3A_135 : i32 to vector<512x1xi32>
    %add3A_137 = arith.addi %add3A_136, %broadcast_in_dim3A_134 : vector<512x1xi32>
    %eq3A_138 = vector.broadcast %broadcast_in_dim3A_134 : vector<512x1xi32> to vector<512x160xi32>
    %eq3A_139 = arith.cmpi eq, %iota3A, %eq3A_138 : vector<512x160xi32>
    %jit3A_140 = arith.constant 0xFF800000 : f32
    %broadcast_in_dim3A_141 = vector.broadcast %jit3A_140 : f32 to vector<512x160xf32>
    %select_n3A_142 = arith.select %eq3A_139, %broadcast_in_dim3A_141, %select_n3A_123 : vector<512x160xi1>, vector<512x160xf32>
    %reduce_max3A_143 = arith.constant dense<0xFF800000> : vector<512xf32>
    %reduce_max3A_144 = vector.multi_reduction <maximumf>, %select_n3A_142, %reduce_max3A_143 [1] : vector<512x160xf32> to vector<512xf32>
    %broadcast_in_dim3A_145 = vector.shape_cast %reduce_max3A_144 : vector<512xf32> to vector<512x1xf32>
    %eq3A_146 = vector.broadcast %broadcast_in_dim3A_145 : vector<512x1xf32> to vector<512x160xf32>
    %eq3A_147 = arith.cmpf oeq, %select_n3A_142, %eq3A_146 : vector<512x160xf32>
    %jit3A_148 = arith.constant 160 : i32
    %broadcast_in_dim3A_149 = vector.broadcast %jit3A_148 : i32 to vector<512x160xi32>
    %select_n3A_150 = arith.select %eq3A_147, %iota3A, %broadcast_in_dim3A_149 : vector<512x160xi1>, vector<512x160xi32>
    %reduce_min3A_151 = arith.constant dense<2147483647> : vector<512xi32>
    %reduce_min3A_152 = vector.multi_reduction <minsi>, %select_n3A_150, %reduce_min3A_151 [1] : vector<512x160xi32> to vector<512xi32>
    %broadcast_in_dim3A_153 = vector.shape_cast %reduce_min3A_152 : vector<512xi32> to vector<512x1xi32>
    %add3A_154 = arith.constant 99840 : i32
    %add3A_155 = vector.broadcast %add3A_154 : i32 to vector<512x1xi32>
    %add3A_156 = arith.addi %add3A_155, %broadcast_in_dim3A_153 : vector<512x1xi32>
    %concatenate3A = tpu.concatenate %broadcast_in_dim3A_17, %broadcast_in_dim3A_31, %broadcast_in_dim3A_50, %broadcast_in_dim3A_69, %broadcast_in_dim3A_88, %broadcast_in_dim3A_107, %broadcast_in_dim3A_126, %broadcast_in_dim3A_145 in 1 : vector<512x1xf32>, vector<512x1xf32>, vector<512x1xf32>, vector<512x1xf32>, vector<512x1xf32>, vector<512x1xf32>, vector<512x1xf32>, vector<512x1xf32> -> vector<512x8xf32>
    %swap3A_157 = arith.constant 0 : index
    %swap3A_158 = arith.constant 0 : index
    %swap3A_159 = vector.load %arg1[%swap3A_157, %swap3A_158] : memref<512x8xf32, #tpu.memory_space<vmem>>, vector<512x8xf32>
    tpu.vector_store %arg1[%swap3A_157, %swap3A_158], %concatenate3A {strides = array<i32>} : memref<512x8xf32, #tpu.memory_space<vmem>>, vector<512x8xf32>,
    %concatenate3A_160 = tpu.concatenate %add3A_23, %add3A_42, %add3A_61, %add3A_80, %add3A_99, %add3A_118, %add3A_137, %add3A_156 in 1 : vector<512x1xi32>, vector<512x1xi32>, vector<512x1xi32>, vector<512x1xi32>, vector<512x1xi32>, vector<512x1xi32>, vector<512x1xi32>, vector<512x1xi32> -> vector<512x8xi32>
    %swap3A_161 = arith.constant 0 : index
    %swap3A_162 = arith.constant 0 : index
    %swap3A_163 = vector.load %arg2[%swap3A_161, %swap3A_162] : memref<512x8xi32, #tpu.memory_space<vmem>>, vector<512x8xi32>
    tpu.vector_store %arg2[%swap3A_161, %swap3A_162], %concatenate3A_160 {strides = array<i32>} : memref<512x8xi32, #tpu.memory_space<vmem>>, vector<512x8xi32>,
    return
  }
}

module attributes {stable_mosaic.version = 14 : i64} {
  func.func @_finalize_kernel(%arg0: memref<512x16xf32, #tpu.memory_space<vmem>>, %arg1: memref<512x16xi32, #tpu.memory_space<vmem>>, %arg2: memref<512x16xf32, #tpu.memory_space<vmem>>, %arg3: memref<512x16xf32, #tpu.memory_space<vmem>>, %arg4: memref<512x8xf32, #tpu.memory_space<vmem>>, %arg5: memref<512x8xi32, #tpu.memory_space<vmem>>, %arg6: memref<512x8xf32, #tpu.memory_space<vmem>>, %arg7: memref<512x8xf32, #tpu.memory_space<vmem>>, %arg8: memref<512x24xf32, #tpu.memory_space<vmem>>, %arg9: memref<512x24xi32, #tpu.memory_space<vmem>>, %arg10: memref<512x24xf32, #tpu.memory_space<vmem>>, %arg11: memref<512x24xi32, #tpu.memory_space<vmem>>) attributes {dimension_semantics = [], scalar_prefetch = 0 : i64, scratch_operands = 0 : i64, tpu.core_type = #tpu.core_type<tc>} {
    %get3A = arith.constant 0 : index
    %get3A_0 = arith.constant 0 : index
    %get3A_1 = vector.load %arg0[%get3A, %get3A_0] : memref<512x16xf32, #tpu.memory_space<vmem>>, vector<512x16xf32>
    %get3A_2 = arith.constant 0 : index
    %get3A_3 = arith.constant 0 : index
    %get3A_4 = vector.load %arg1[%get3A_2, %get3A_3] : memref<512x16xi32, #tpu.memory_space<vmem>>, vector<512x16xi32>
    %get3A_5 = arith.constant 0 : index
    %get3A_6 = arith.constant 0 : index
    %get3A_7 = vector.load %arg2[%get3A_5, %get3A_6] : memref<512x16xf32, #tpu.memory_space<vmem>>, vector<512x16xf32>
    %get3A_8 = arith.constant 0 : index
    %get3A_9 = arith.constant 0 : index
    %get3A_10 = vector.load %arg3[%get3A_8, %get3A_9] : memref<512x16xf32, #tpu.memory_space<vmem>>, vector<512x16xf32>
    %get3A_11 = arith.constant 0 : index
    %get3A_12 = arith.constant 0 : index
    %get3A_13 = vector.load %arg4[%get3A_11, %get3A_12] : memref<512x8xf32, #tpu.memory_space<vmem>>, vector<512x8xf32>
    %get3A_14 = arith.constant 0 : index
    %get3A_15 = arith.constant 0 : index
    %get3A_16 = vector.load %arg5[%get3A_14, %get3A_15] : memref<512x8xi32, #tpu.memory_space<vmem>>, vector<512x8xi32>
    %get3A_17 = arith.constant 0 : index
    %get3A_18 = arith.constant 0 : index
    %get3A_19 = vector.load %arg6[%get3A_17, %get3A_18] : memref<512x8xf32, #tpu.memory_space<vmem>>, vector<512x1xf32>
    %get3A_20 = arith.constant 0 : index
    %get3A_21 = arith.constant 0 : index
    %get3A_22 = vector.load %arg7[%get3A_20, %get3A_21] : memref<512x8xf32, #tpu.memory_space<vmem>>, vector<512x1xf32>
    %get3A_23 = arith.constant 0 : index
    %get3A_24 = arith.constant 0 : index
    %get3A_25 = vector.load %arg8[%get3A_23, %get3A_24] : memref<512x24xf32, #tpu.memory_space<vmem>>, vector<512x1xf32>
    %get3A_26 = arith.constant 0 : index
    %get3A_27 = arith.constant 0 : index
    %get3A_28 = vector.load %arg9[%get3A_26, %get3A_27] : memref<512x24xi32, #tpu.memory_space<vmem>>, vector<512x1xi32>
    %reduce_max3A = arith.constant dense<0xFF800000> : vector<512xf32>
    %reduce_max3A_29 = vector.multi_reduction <maximumf>, %get3A_7, %reduce_max3A [1] : vector<512x16xf32> to vector<512xf32>
    %broadcast_in_dim3A = vector.shape_cast %reduce_max3A_29 : vector<512xf32> to vector<512x1xf32>
    %max3A = arith.maximumf %broadcast_in_dim3A, %get3A_19 : vector<512x1xf32>
    %sub3A = vector.broadcast %max3A : vector<512x1xf32> to vector<512x16xf32>
    %sub3A_30 = arith.subf %get3A_7, %sub3A : vector<512x16xf32>
    %exp3A = math.exp %sub3A_30 : vector<512x16xf32>
    %mul3A = arith.mulf %get3A_10, %exp3A : vector<512x16xf32>
    %reduce_sum3A = arith.constant dense<0.000000e+00> : vector<512xf32>
    %reduce_sum3A_31 = vector.multi_reduction <add>, %mul3A, %reduce_sum3A [1] : vector<512x16xf32> to vector<512xf32>
    %broadcast_in_dim3A_32 = vector.shape_cast %reduce_sum3A_31 : vector<512xf32> to vector<512x1xf32>
    %sub3A_33 = arith.subf %get3A_19, %max3A : vector<512x1xf32>
    %exp3A_34 = math.exp %sub3A_33 : vector<512x1xf32>
    %mul3A_35 = arith.mulf %get3A_22, %exp3A_34 : vector<512x1xf32>
    %add3A = arith.addf %broadcast_in_dim3A_32, %mul3A_35 : vector<512x1xf32>
    %log3A = math.log %add3A : vector<512x1xf32>
    %add3A_36 = arith.addf %max3A, %log3A : vector<512x1xf32>
    %concatenate3A = tpu.concatenate %get3A_1, %get3A_13 in 1 : vector<512x16xf32>, vector<512x8xf32> -> vector<512x24xf32>
    %concatenate3A_37 = tpu.concatenate %get3A_4, %get3A_16 in 1 : vector<512x16xi32>, vector<512x8xi32> -> vector<512x24xi32>
    %add3A_38 = vector.broadcast %get3A_25 : vector<512x1xf32> to vector<512x24xf32>
    %add3A_39 = arith.addf %add3A_38, %concatenate3A : vector<512x24xf32>
    %sub3A_40 = vector.broadcast %add3A_36 : vector<512x1xf32> to vector<512x24xf32>
    %sub3A_41 = arith.subf %add3A_39, %sub3A_40 : vector<512x24xf32>
    %iota3A = tpu.iota {dimensions = array<i32: 1>} : vector<512x24xi32>
    %eq3A = arith.constant 0 : i32
    %eq3A_42 = vector.broadcast %eq3A : i32 to vector<512x24xi32>
    %eq3A_43 = arith.cmpi eq, %iota3A, %eq3A_42 : vector<512x24xi32>
    %jit3A = arith.constant 0xFF800000 : f32
    %broadcast_in_dim3A_44 = vector.shape_cast %get3A_25 : vector<512x1xf32> to vector<512x1xf32>
    %broadcast_in_dim3A_45 = vector.broadcast %broadcast_in_dim3A_44 : vector<512x1xf32> to vector<512x24xf32>
    %broadcast_in_dim3A_46 = vector.broadcast %jit3A : f32 to vector<512x24xf32>
    %select_n3A = arith.select %eq3A_43, %broadcast_in_dim3A_45, %broadcast_in_dim3A_46 : vector<512x24xi1>, vector<512x24xf32>
    %eq3A_47 = arith.constant 1 : i32
    %eq3A_48 = vector.broadcast %eq3A_47 : i32 to vector<512x1xi32>
    %eq3A_49 = arith.cmpi eq, %get3A_28, %eq3A_48 : vector<512x1xi32>
    %broadcast_in_dim3A_50 = vector.shape_cast %eq3A_49 : vector<512x1xi1> to vector<512x1xi1>
    %broadcast_in_dim3A_51 = vector.broadcast %broadcast_in_dim3A_50 : vector<512x1xi1> to vector<512x24xi1>
    %select_n3A_52 = arith.select %broadcast_in_dim3A_51, %select_n3A, %sub3A_41 : vector<512x24xi1>, vector<512x24xf32>
    %swap3A = arith.constant 0 : index
    %swap3A_53 = arith.constant 0 : index
    %swap3A_54 = vector.load %arg10[%swap3A, %swap3A_53] : memref<512x24xf32, #tpu.memory_space<vmem>>, vector<512x24xf32>
    tpu.vector_store %arg10[%swap3A, %swap3A_53], %select_n3A_52 {strides = array<i32>} : memref<512x24xf32, #tpu.memory_space<vmem>>, vector<512x24xf32>,
    %eq3A_55 = arith.constant 1 : i32
    %eq3A_56 = vector.broadcast %eq3A_55 : i32 to vector<512x1xi32>
    %eq3A_57 = arith.cmpi eq, %get3A_28, %eq3A_56 : vector<512x1xi32>
    %jit3A_58 = arith.constant 2 : i32
    %broadcast_in_dim3A_59 = vector.shape_cast %eq3A_57 : vector<512x1xi1> to vector<512x1xi1>
    %broadcast_in_dim3A_60 = vector.broadcast %broadcast_in_dim3A_59 : vector<512x1xi1> to vector<512x24xi1>
    %broadcast_in_dim3A_61 = vector.broadcast %jit3A_58 : i32 to vector<512x24xi32>
    %select_n3A_62 = arith.select %broadcast_in_dim3A_60, %broadcast_in_dim3A_61, %concatenate3A_37 : vector<512x24xi1>, vector<512x24xi32>
    %swap3A_63 = arith.constant 0 : index
    %swap3A_64 = arith.constant 0 : index
    %swap3A_65 = vector.load %arg11[%swap3A_63, %swap3A_64] : memref<512x24xi32, #tpu.memory_space<vmem>>, vector<512x24xi32>
    tpu.vector_store %arg11[%swap3A_63, %swap3A_64], %select_n3A_62 {strides = array<i32>} : memref<512x24xi32, #tpu.memory_space<vmem>>, vector<512x24xi32>,
    return
  }
}

module attributes {stable_mosaic.version = 14 : i64} {
  func.func @_merge_kernel(%arg0: memref<64x192xf32, #tpu.memory_space<vmem>>, %arg1: memref<64x192xi32, #tpu.memory_space<vmem>>, %arg2: memref<64x192xi32, #tpu.memory_space<vmem>>, %arg3: memref<64x8xf32, #tpu.memory_space<vmem>>, %arg4: memref<64x8xi32, #tpu.memory_space<vmem>>, %arg5: memref<64x8xi32, #tpu.memory_space<vmem>>, %arg6: memref<64x8xi32, #tpu.memory_space<vmem>>) attributes {dimension_semantics = [], scalar_prefetch = 0 : i64, scratch_operands = 0 : i64, tpu.core_type = #tpu.core_type<tc>} {
    %get3A = arith.constant 0 : index
    %get3A_0 = arith.constant 0 : index
    %get3A_1 = vector.load %arg0[%get3A, %get3A_0] : memref<64x192xf32, #tpu.memory_space<vmem>>, vector<64x192xf32>
    %get3A_2 = arith.constant 0 : index
    %get3A_3 = arith.constant 0 : index
    %get3A_4 = vector.load %arg1[%get3A_2, %get3A_3] : memref<64x192xi32, #tpu.memory_space<vmem>>, vector<64x192xi32>
    %get3A_5 = arith.constant 0 : index
    %get3A_6 = arith.constant 0 : index
    %get3A_7 = vector.load %arg2[%get3A_5, %get3A_6] : memref<64x192xi32, #tpu.memory_space<vmem>>, vector<64x192xi32>
    %iota3A = tpu.iota {dimensions = array<i32: 1>} : vector<64x192xi32>
    %jit3A = arith.constant 24 : i32
    %div3A = vector.broadcast %jit3A : i32 to vector<64x192xi32>
    %div3A_8 = arith.divsi %iota3A, %div3A : vector<64x192xi32>
    %sign3A = arith.constant 0 : i32
    %sign3A_9 = vector.broadcast %sign3A : i32 to vector<64x192xi32>
    %sign3A_10 = arith.cmpi sgt, %iota3A, %sign3A_9 : vector<64x192xi32>
    %sign3A_11 = arith.extui %sign3A_10 : vector<64x192xi1> to vector<64x192xi32>
    %sign3A_12 = arith.constant 0 : i32
    %sign3A_13 = vector.broadcast %sign3A_12 : i32 to vector<64x192xi32>
    %sign3A_14 = arith.cmpi slt, %iota3A, %sign3A_13 : vector<64x192xi32>
    %sign3A_15 = arith.extui %sign3A_14 : vector<64x192xi1> to vector<64x192xi32>
    %sign3A_16 = arith.subi %sign3A_11, %sign3A_15 : vector<64x192xi32>
    %sign3A_17 = arith.constant 0 : i32
    %sign3A_18 = arith.cmpi sgt, %jit3A, %sign3A_17 : i32
    %sign3A_19 = arith.extui %sign3A_18 : i1 to i32
    %sign3A_20 = arith.constant 0 : i32
    %sign3A_21 = arith.cmpi slt, %jit3A, %sign3A_20 : i32
    %sign3A_22 = arith.extui %sign3A_21 : i1 to i32
    %sign3A_23 = arith.subi %sign3A_19, %sign3A_22 : i32
    %ne3A = vector.broadcast %sign3A_23 : i32 to vector<64x192xi32>
    %ne3A_24 = arith.cmpi ne, %sign3A_16, %ne3A : vector<64x192xi32>
    %rem3A = vector.broadcast %jit3A : i32 to vector<64x192xi32>
    %rem3A_25 = arith.remsi %iota3A, %rem3A : vector<64x192xi32>
    %ne3A_26 = arith.constant 0 : i32
    %ne3A_27 = vector.broadcast %ne3A_26 : i32 to vector<64x192xi32>
    %ne3A_28 = arith.cmpi ne, %rem3A_25, %ne3A_27 : vector<64x192xi32>
    %and3A = arith.andi %ne3A_24, %ne3A_28 : vector<64x192xi1>
    %sub3A = arith.constant 1 : i32
    %sub3A_29 = vector.broadcast %sub3A : i32 to vector<64x192xi32>
    %sub3A_30 = arith.subi %div3A_8, %sub3A_29 : vector<64x192xi32>
    %select_n3A = arith.select %and3A, %sub3A_30, %div3A_8 : vector<64x192xi1>, vector<64x192xi32>
    %mul3A = arith.constant 100000 : i32
    %mul3A_31 = vector.broadcast %mul3A : i32 to vector<64x192xi32>
    %mul3A_32 = arith.muli %select_n3A, %mul3A_31 : vector<64x192xi32>
    %add3A = arith.addi %mul3A_32, %get3A_4 : vector<64x192xi32>
    %reduce_max3A = arith.constant dense<0xFF800000> : vector<64xf32>
    %reduce_max3A_33 = vector.multi_reduction <maximumf>, %get3A_1, %reduce_max3A [1] : vector<64x192xf32> to vector<64xf32>
    %broadcast_in_dim3A = vector.shape_cast %reduce_max3A_33 : vector<64xf32> to vector<64x1xf32>
    %eq3A = vector.broadcast %broadcast_in_dim3A : vector<64x1xf32> to vector<64x192xf32>
    %eq3A_34 = arith.cmpf oeq, %get3A_1, %eq3A : vector<64x192xf32>
    %jit3A_35 = arith.constant 2147483647 : i32
    %broadcast_in_dim3A_36 = vector.broadcast %jit3A_35 : i32 to vector<64x192xi32>
    %select_n3A_37 = arith.select %eq3A_34, %add3A, %broadcast_in_dim3A_36 : vector<64x192xi1>, vector<64x192xi32>
    %reduce_min3A = arith.constant dense<2147483647> : vector<64xi32>
    %reduce_min3A_38 = vector.multi_reduction <minsi>, %select_n3A_37, %reduce_min3A [1] : vector<64x192xi32> to vector<64xi32>
    %broadcast_in_dim3A_39 = vector.shape_cast %reduce_min3A_38 : vector<64xi32> to vector<64x1xi32>
    %eq3A_40 = vector.broadcast %broadcast_in_dim3A : vector<64x1xf32> to vector<64x192xf32>
    %eq3A_41 = arith.cmpf oeq, %get3A_1, %eq3A_40 : vector<64x192xf32>
    %eq3A_42 = vector.broadcast %broadcast_in_dim3A_39 : vector<64x1xi32> to vector<64x192xi32>
    %eq3A_43 = arith.cmpi eq, %add3A, %eq3A_42 : vector<64x192xi32>
    %and3A_44 = arith.andi %eq3A_41, %eq3A_43 : vector<64x192xi1>
    %jit3A_45 = arith.constant 100000 : i32
    %div3A_46 = vector.broadcast %jit3A_45 : i32 to vector<64x1xi32>
    %div3A_47 = arith.divsi %broadcast_in_dim3A_39, %div3A_46 : vector<64x1xi32>
    %sign3A_48 = arith.constant 0 : i32
    %sign3A_49 = vector.broadcast %sign3A_48 : i32 to vector<64x1xi32>
    %sign3A_50 = arith.cmpi sgt, %broadcast_in_dim3A_39, %sign3A_49 : vector<64x1xi32>
    %sign3A_51 = arith.extui %sign3A_50 : vector<64x1xi1> to vector<64x1xi32>
    %sign3A_52 = arith.constant 0 : i32
    %sign3A_53 = vector.broadcast %sign3A_52 : i32 to vector<64x1xi32>
    %sign3A_54 = arith.cmpi slt, %broadcast_in_dim3A_39, %sign3A_53 : vector<64x1xi32>
    %sign3A_55 = arith.extui %sign3A_54 : vector<64x1xi1> to vector<64x1xi32>
    %sign3A_56 = arith.subi %sign3A_51, %sign3A_55 : vector<64x1xi32>
    %sign3A_57 = arith.constant 0 : i32
    %sign3A_58 = arith.cmpi sgt, %jit3A_45, %sign3A_57 : i32
    %sign3A_59 = arith.extui %sign3A_58 : i1 to i32
    %sign3A_60 = arith.constant 0 : i32
    %sign3A_61 = arith.cmpi slt, %jit3A_45, %sign3A_60 : i32
    %sign3A_62 = arith.extui %sign3A_61 : i1 to i32
    %sign3A_63 = arith.subi %sign3A_59, %sign3A_62 : i32
    %ne3A_64 = vector.broadcast %sign3A_63 : i32 to vector<64x1xi32>
    %ne3A_65 = arith.cmpi ne, %sign3A_56, %ne3A_64 : vector<64x1xi32>
    %rem3A_66 = vector.broadcast %jit3A_45 : i32 to vector<64x1xi32>
    %rem3A_67 = arith.remsi %broadcast_in_dim3A_39, %rem3A_66 : vector<64x1xi32>
    %ne3A_68 = arith.constant 0 : i32
    %ne3A_69 = vector.broadcast %ne3A_68 : i32 to vector<64x1xi32>
    %ne3A_70 = arith.cmpi ne, %rem3A_67, %ne3A_69 : vector<64x1xi32>
    %and3A_71 = arith.andi %ne3A_65, %ne3A_70 : vector<64x1xi1>
    %sub3A_72 = arith.constant 1 : i32
    %sub3A_73 = vector.broadcast %sub3A_72 : i32 to vector<64x1xi32>
    %sub3A_74 = arith.subi %div3A_47, %sub3A_73 : vector<64x1xi32>
    %select_n3A_75 = arith.select %and3A_71, %sub3A_74, %div3A_47 : vector<64x1xi1>, vector<64x1xi32>
    %mul3A_76 = arith.constant 100000 : i32
    %mul3A_77 = vector.broadcast %mul3A_76 : i32 to vector<64x1xi32>
    %mul3A_78 = arith.muli %select_n3A_75, %mul3A_77 : vector<64x1xi32>
    %sub3A_79 = arith.subi %broadcast_in_dim3A_39, %mul3A_78 : vector<64x1xi32>
    %jit3A_80 = arith.constant 0 : i32
    %broadcast_in_dim3A_81 = vector.broadcast %jit3A_80 : i32 to vector<64x192xi32>
    %select_n3A_82 = arith.select %and3A_44, %get3A_7, %broadcast_in_dim3A_81 : vector<64x192xi1>, vector<64x192xi32>
    %reduce_sum3A = arith.constant dense<0> : vector<64xi32>
    %reduce_sum3A_83 = vector.multi_reduction <add>, %select_n3A_82, %reduce_sum3A [1] : vector<64x192xi32> to vector<64xi32>
    %broadcast_in_dim3A_84 = vector.shape_cast %reduce_sum3A_83 : vector<64xi32> to vector<64x1xi32>
    %eq3A_85 = arith.constant 1 : i32
    %eq3A_86 = vector.broadcast %eq3A_85 : i32 to vector<64x1xi32>
    %eq3A_87 = arith.cmpi eq, %broadcast_in_dim3A_84, %eq3A_86 : vector<64x1xi32>
    %eq3A_88 = arith.constant 2 : i32
    %eq3A_89 = vector.broadcast %eq3A_88 : i32 to vector<64x1xi32>
    %eq3A_90 = arith.cmpi eq, %sub3A_79, %eq3A_89 : vector<64x1xi32>
    %or3A = arith.ori %eq3A_87, %eq3A_90 : vector<64x1xi1>
    %jit3A_91 = arith.constant 1 : i32
    %jit3A_92 = arith.constant 0 : i32
    %broadcast_in_dim3A_93 = vector.broadcast %jit3A_91 : i32 to vector<64x1xi32>
    %broadcast_in_dim3A_94 = vector.broadcast %jit3A_92 : i32 to vector<64x1xi32>
    %select_n3A_95 = arith.select %or3A, %broadcast_in_dim3A_93, %broadcast_in_dim3A_94 : vector<64x1xi1>, vector<64x1xi32>
    %jit3A_96 = arith.constant 0xFF800000 : f32
    %broadcast_in_dim3A_97 = vector.broadcast %jit3A_96 : f32 to vector<64x192xf32>
    %select_n3A_98 = arith.select %and3A_44, %broadcast_in_dim3A_97, %get3A_1 : vector<64x192xi1>, vector<64x192xf32>
    %reduce_max3A_99 = arith.constant dense<0xFF800000> : vector<64xf32>
    %reduce_max3A_100 = vector.multi_reduction <maximumf>, %select_n3A_98, %reduce_max3A_99 [1] : vector<64x192xf32> to vector<64xf32>
    %broadcast_in_dim3A_101 = vector.shape_cast %reduce_max3A_100 : vector<64xf32> to vector<64x1xf32>
    %eq3A_102 = vector.broadcast %broadcast_in_dim3A_101 : vector<64x1xf32> to vector<64x192xf32>
    %eq3A_103 = arith.cmpf oeq, %select_n3A_98, %eq3A_102 : vector<64x192xf32>
    %jit3A_104 = arith.constant 2147483647 : i32
    %broadcast_in_dim3A_105 = vector.broadcast %jit3A_104 : i32 to vector<64x192xi32>
    %select_n3A_106 = arith.select %eq3A_103, %add3A, %broadcast_in_dim3A_105 : vector<64x192xi1>, vector<64x192xi32>
    %reduce_min3A_107 = arith.constant dense<2147483647> : vector<64xi32>
    %reduce_min3A_108 = vector.multi_reduction <minsi>, %select_n3A_106, %reduce_min3A_107 [1] : vector<64x192xi32> to vector<64xi32>
    %broadcast_in_dim3A_109 = vector.shape_cast %reduce_min3A_108 : vector<64xi32> to vector<64x1xi32>
    %eq3A_110 = vector.broadcast %broadcast_in_dim3A_101 : vector<64x1xf32> to vector<64x192xf32>
    %eq3A_111 = arith.cmpf oeq, %select_n3A_98, %eq3A_110 : vector<64x192xf32>
    %eq3A_112 = vector.broadcast %broadcast_in_dim3A_109 : vector<64x1xi32> to vector<64x192xi32>
    %eq3A_113 = arith.cmpi eq, %add3A, %eq3A_112 : vector<64x192xi32>
    %and3A_114 = arith.andi %eq3A_111, %eq3A_113 : vector<64x192xi1>
    %jit3A_115 = arith.constant 100000 : i32
    %div3A_116 = vector.broadcast %jit3A_115 : i32 to vector<64x1xi32>
    %div3A_117 = arith.divsi %broadcast_in_dim3A_109, %div3A_116 : vector<64x1xi32>
    %sign3A_118 = arith.constant 0 : i32
    %sign3A_119 = vector.broadcast %sign3A_118 : i32 to vector<64x1xi32>
    %sign3A_120 = arith.cmpi sgt, %broadcast_in_dim3A_109, %sign3A_119 : vector<64x1xi32>
    %sign3A_121 = arith.extui %sign3A_120 : vector<64x1xi1> to vector<64x1xi32>
    %sign3A_122 = arith.constant 0 : i32
    %sign3A_123 = vector.broadcast %sign3A_122 : i32 to vector<64x1xi32>
    %sign3A_124 = arith.cmpi slt, %broadcast_in_dim3A_109, %sign3A_123 : vector<64x1xi32>
    %sign3A_125 = arith.extui %sign3A_124 : vector<64x1xi1> to vector<64x1xi32>
    %sign3A_126 = arith.subi %sign3A_121, %sign3A_125 : vector<64x1xi32>
    %sign3A_127 = arith.constant 0 : i32
    %sign3A_128 = arith.cmpi sgt, %jit3A_115, %sign3A_127 : i32
    %sign3A_129 = arith.extui %sign3A_128 : i1 to i32
    %sign3A_130 = arith.constant 0 : i32
    %sign3A_131 = arith.cmpi slt, %jit3A_115, %sign3A_130 : i32
    %sign3A_132 = arith.extui %sign3A_131 : i1 to i32
    %sign3A_133 = arith.subi %sign3A_129, %sign3A_132 : i32
    %ne3A_134 = vector.broadcast %sign3A_133 : i32 to vector<64x1xi32>
    %ne3A_135 = arith.cmpi ne, %sign3A_126, %ne3A_134 : vector<64x1xi32>
    %rem3A_136 = vector.broadcast %jit3A_115 : i32 to vector<64x1xi32>
    %rem3A_137 = arith.remsi %broadcast_in_dim3A_109, %rem3A_136 : vector<64x1xi32>
    %ne3A_138 = arith.constant 0 : i32
    %ne3A_139 = vector.broadcast %ne3A_138 : i32 to vector<64x1xi32>
    %ne3A_140 = arith.cmpi ne, %rem3A_137, %ne3A_139 : vector<64x1xi32>
    %and3A_141 = arith.andi %ne3A_135, %ne3A_140 : vector<64x1xi1>
    %sub3A_142 = arith.constant 1 : i32
    %sub3A_143 = vector.broadcast %sub3A_142 : i32 to vector<64x1xi32>
    %sub3A_144 = arith.subi %div3A_117, %sub3A_143 : vector<64x1xi32>
    %select_n3A_145 = arith.select %and3A_141, %sub3A_144, %div3A_117 : vector<64x1xi1>, vector<64x1xi32>
    %mul3A_146 = arith.constant 100000 : i32
    %mul3A_147 = vector.broadcast %mul3A_146 : i32 to vector<64x1xi32>
    %mul3A_148 = arith.muli %select_n3A_145, %mul3A_147 : vector<64x1xi32>
    %sub3A_149 = arith.subi %broadcast_in_dim3A_109, %mul3A_148 : vector<64x1xi32>
    %jit3A_150 = arith.constant 0 : i32
    %broadcast_in_dim3A_151 = vector.broadcast %jit3A_150 : i32 to vector<64x192xi32>
    %select_n3A_152 = arith.select %and3A_114, %get3A_7, %broadcast_in_dim3A_151 : vector<64x192xi1>, vector<64x192xi32>
    %reduce_sum3A_153 = arith.constant dense<0> : vector<64xi32>
    %reduce_sum3A_154 = vector.multi_reduction <add>, %select_n3A_152, %reduce_sum3A_153 [1] : vector<64x192xi32> to vector<64xi32>
    %broadcast_in_dim3A_155 = vector.shape_cast %reduce_sum3A_154 : vector<64xi32> to vector<64x1xi32>
    %eq3A_156 = arith.constant 1 : i32
    %eq3A_157 = vector.broadcast %eq3A_156 : i32 to vector<64x1xi32>
    %eq3A_158 = arith.cmpi eq, %broadcast_in_dim3A_155, %eq3A_157 : vector<64x1xi32>
    %eq3A_159 = arith.constant 2 : i32
    %eq3A_160 = vector.broadcast %eq3A_159 : i32 to vector<64x1xi32>
    %eq3A_161 = arith.cmpi eq, %sub3A_149, %eq3A_160 : vector<64x1xi32>
    %or3A_162 = arith.ori %eq3A_158, %eq3A_161 : vector<64x1xi1>
    %jit3A_163 = arith.constant 1 : i32
    %jit3A_164 = arith.constant 0 : i32
    %broadcast_in_dim3A_165 = vector.broadcast %jit3A_163 : i32 to vector<64x1xi32>
    %broadcast_in_dim3A_166 = vector.broadcast %jit3A_164 : i32 to vector<64x1xi32>
    %select_n3A_167 = arith.select %or3A_162, %broadcast_in_dim3A_165, %broadcast_in_dim3A_166 : vector<64x1xi1>, vector<64x1xi32>
    %jit3A_168 = arith.constant 0xFF800000 : f32
    %broadcast_in_dim3A_169 = vector.broadcast %jit3A_168 : f32 to vector<64x192xf32>
    %select_n3A_170 = arith.select %and3A_114, %broadcast_in_dim3A_169, %select_n3A_98 : vector<64x192xi1>, vector<64x192xf32>
    %reduce_max3A_171 = arith.constant dense<0xFF800000> : vector<64xf32>
    %reduce_max3A_172 = vector.multi_reduction <maximumf>, %select_n3A_170, %reduce_max3A_171 [1] : vector<64x192xf32> to vector<64xf32>
    %broadcast_in_dim3A_173 = vector.shape_cast %reduce_max3A_172 : vector<64xf32> to vector<64x1xf32>
    %eq3A_174 = vector.broadcast %broadcast_in_dim3A_173 : vector<64x1xf32> to vector<64x192xf32>
    %eq3A_175 = arith.cmpf oeq, %select_n3A_170, %eq3A_174 : vector<64x192xf32>
    %jit3A_176 = arith.constant 2147483647 : i32
    %broadcast_in_dim3A_177 = vector.broadcast %jit3A_176 : i32 to vector<64x192xi32>
    %select_n3A_178 = arith.select %eq3A_175, %add3A, %broadcast_in_dim3A_177 : vector<64x192xi1>, vector<64x192xi32>
    %reduce_min3A_179 = arith.constant dense<2147483647> : vector<64xi32>
    %reduce_min3A_180 = vector.multi_reduction <minsi>, %select_n3A_178, %reduce_min3A_179 [1] : vector<64x192xi32> to vector<64xi32>
    %broadcast_in_dim3A_181 = vector.shape_cast %reduce_min3A_180 : vector<64xi32> to vector<64x1xi32>
    %eq3A_182 = vector.broadcast %broadcast_in_dim3A_173 : vector<64x1xf32> to vector<64x192xf32>
    %eq3A_183 = arith.cmpf oeq, %select_n3A_170, %eq3A_182 : vector<64x192xf32>
    %eq3A_184 = vector.broadcast %broadcast_in_dim3A_181 : vector<64x1xi32> to vector<64x192xi32>
    %eq3A_185 = arith.cmpi eq, %add3A, %eq3A_184 : vector<64x192xi32>
    %and3A_186 = arith.andi %eq3A_183, %eq3A_185 : vector<64x192xi1>
    %jit3A_187 = arith.constant 100000 : i32
    %div3A_188 = vector.broadcast %jit3A_187 : i32 to vector<64x1xi32>
    %div3A_189 = arith.divsi %broadcast_in_dim3A_181, %div3A_188 : vector<64x1xi32>
    %sign3A_190 = arith.constant 0 : i32
    %sign3A_191 = vector.broadcast %sign3A_190 : i32 to vector<64x1xi32>
    %sign3A_192 = arith.cmpi sgt, %broadcast_in_dim3A_181, %sign3A_191 : vector<64x1xi32>
    %sign3A_193 = arith.extui %sign3A_192 : vector<64x1xi1> to vector<64x1xi32>
    %sign3A_194 = arith.constant 0 : i32
    %sign3A_195 = vector.broadcast %sign3A_194 : i32 to vector<64x1xi32>
    %sign3A_196 = arith.cmpi slt, %broadcast_in_dim3A_181, %sign3A_195 : vector<64x1xi32>
    %sign3A_197 = arith.extui %sign3A_196 : vector<64x1xi1> to vector<64x1xi32>
    %sign3A_198 = arith.subi %sign3A_193, %sign3A_197 : vector<64x1xi32>
    %sign3A_199 = arith.constant 0 : i32
    %sign3A_200 = arith.cmpi sgt, %jit3A_187, %sign3A_199 : i32
    %sign3A_201 = arith.extui %sign3A_200 : i1 to i32
    %sign3A_202 = arith.constant 0 : i32
    %sign3A_203 = arith.cmpi slt, %jit3A_187, %sign3A_202 : i32
    %sign3A_204 = arith.extui %sign3A_203 : i1 to i32
    %sign3A_205 = arith.subi %sign3A_201, %sign3A_204 : i32
    %ne3A_206 = vector.broadcast %sign3A_205 : i32 to vector<64x1xi32>
    %ne3A_207 = arith.cmpi ne, %sign3A_198, %ne3A_206 : vector<64x1xi32>
    %rem3A_208 = vector.broadcast %jit3A_187 : i32 to vector<64x1xi32>
    %rem3A_209 = arith.remsi %broadcast_in_dim3A_181, %rem3A_208 : vector<64x1xi32>
    %ne3A_210 = arith.constant 0 : i32
    %ne3A_211 = vector.broadcast %ne3A_210 : i32 to vector<64x1xi32>
    %ne3A_212 = arith.cmpi ne, %rem3A_209, %ne3A_211 : vector<64x1xi32>
    %and3A_213 = arith.andi %ne3A_207, %ne3A_212 : vector<64x1xi1>
    %sub3A_214 = arith.constant 1 : i32
    %sub3A_215 = vector.broadcast %sub3A_214 : i32 to vector<64x1xi32>
    %sub3A_216 = arith.subi %div3A_189, %sub3A_215 : vector<64x1xi32>
    %select_n3A_217 = arith.select %and3A_213, %sub3A_216, %div3A_189 : vector<64x1xi1>, vector<64x1xi32>
    %mul3A_218 = arith.constant 100000 : i32
    %mul3A_219 = vector.broadcast %mul3A_218 : i32 to vector<64x1xi32>
    %mul3A_220 = arith.muli %select_n3A_217, %mul3A_219 : vector<64x1xi32>
    %sub3A_221 = arith.subi %broadcast_in_dim3A_181, %mul3A_220 : vector<64x1xi32>
    %jit3A_222 = arith.constant 0 : i32
    %broadcast_in_dim3A_223 = vector.broadcast %jit3A_222 : i32 to vector<64x192xi32>
    %select_n3A_224 = arith.select %and3A_186, %get3A_7, %broadcast_in_dim3A_223 : vector<64x192xi1>, vector<64x192xi32>
    %reduce_sum3A_225 = arith.constant dense<0> : vector<64xi32>
    %reduce_sum3A_226 = vector.multi_reduction <add>, %select_n3A_224, %reduce_sum3A_225 [1] : vector<64x192xi32> to vector<64xi32>
    %broadcast_in_dim3A_227 = vector.shape_cast %reduce_sum3A_226 : vector<64xi32> to vector<64x1xi32>
    %eq3A_228 = arith.constant 1 : i32
    %eq3A_229 = vector.broadcast %eq3A_228 : i32 to vector<64x1xi32>
    %eq3A_230 = arith.cmpi eq, %broadcast_in_dim3A_227, %eq3A_229 : vector<64x1xi32>
    %eq3A_231 = arith.constant 2 : i32
    %eq3A_232 = vector.broadcast %eq3A_231 : i32 to vector<64x1xi32>
    %eq3A_233 = arith.cmpi eq, %sub3A_221, %eq3A_232 : vector<64x1xi32>
    %or3A_234 = arith.ori %eq3A_230, %eq3A_233 : vector<64x1xi1>
    %jit3A_235 = arith.constant 1 : i32
    %jit3A_236 = arith.constant 0 : i32
    %broadcast_in_dim3A_237 = vector.broadcast %jit3A_235 : i32 to vector<64x1xi32>
    %broadcast_in_dim3A_238 = vector.broadcast %jit3A_236 : i32 to vector<64x1xi32>
    %select_n3A_239 = arith.select %or3A_234, %broadcast_in_dim3A_237, %broadcast_in_dim3A_238 : vector<64x1xi1>, vector<64x1xi32>
    %jit3A_240 = arith.constant 0xFF800000 : f32
    %broadcast_in_dim3A_241 = vector.broadcast %jit3A_240 : f32 to vector<64x192xf32>
    %select_n3A_242 = arith.select %and3A_186, %broadcast_in_dim3A_241, %select_n3A_170 : vector<64x192xi1>, vector<64x192xf32>
    %reduce_max3A_243 = arith.constant dense<0xFF800000> : vector<64xf32>
    %reduce_max3A_244 = vector.multi_reduction <maximumf>, %select_n3A_242, %reduce_max3A_243 [1] : vector<64x192xf32> to vector<64xf32>
    %broadcast_in_dim3A_245 = vector.shape_cast %reduce_max3A_244 : vector<64xf32> to vector<64x1xf32>
    %eq3A_246 = vector.broadcast %broadcast_in_dim3A_245 : vector<64x1xf32> to vector<64x192xf32>
    %eq3A_247 = arith.cmpf oeq, %select_n3A_242, %eq3A_246 : vector<64x192xf32>
    %jit3A_248 = arith.constant 2147483647 : i32
    %broadcast_in_dim3A_249 = vector.broadcast %jit3A_248 : i32 to vector<64x192xi32>
    %select_n3A_250 = arith.select %eq3A_247, %add3A, %broadcast_in_dim3A_249 : vector<64x192xi1>, vector<64x192xi32>
    %reduce_min3A_251 = arith.constant dense<2147483647> : vector<64xi32>
    %reduce_min3A_252 = vector.multi_reduction <minsi>, %select_n3A_250, %reduce_min3A_251 [1] : vector<64x192xi32> to vector<64xi32>
    %broadcast_in_dim3A_253 = vector.shape_cast %reduce_min3A_252 : vector<64xi32> to vector<64x1xi32>
    %eq3A_254 = vector.broadcast %broadcast_in_dim3A_245 : vector<64x1xf32> to vector<64x192xf32>
    %eq3A_255 = arith.cmpf oeq, %select_n3A_242, %eq3A_254 : vector<64x192xf32>
    %eq3A_256 = vector.broadcast %broadcast_in_dim3A_253 : vector<64x1xi32> to vector<64x192xi32>
    %eq3A_257 = arith.cmpi eq, %add3A, %eq3A_256 : vector<64x192xi32>
    %and3A_258 = arith.andi %eq3A_255, %eq3A_257 : vector<64x192xi1>
    %jit3A_259 = arith.constant 100000 : i32
    %div3A_260 = vector.broadcast %jit3A_259 : i32 to vector<64x1xi32>
    %div3A_261 = arith.divsi %broadcast_in_dim3A_253, %div3A_260 : vector<64x1xi32>
    %sign3A_262 = arith.constant 0 : i32
    %sign3A_263 = vector.broadcast %sign3A_262 : i32 to vector<64x1xi32>
    %sign3A_264 = arith.cmpi sgt, %broadcast_in_dim3A_253, %sign3A_263 : vector<64x1xi32>
    %sign3A_265 = arith.extui %sign3A_264 : vector<64x1xi1> to vector<64x1xi32>
    %sign3A_266 = arith.constant 0 : i32
    %sign3A_267 = vector.broadcast %sign3A_266 : i32 to vector<64x1xi32>
    %sign3A_268 = arith.cmpi slt, %broadcast_in_dim3A_253, %sign3A_267 : vector<64x1xi32>
    %sign3A_269 = arith.extui %sign3A_268 : vector<64x1xi1> to vector<64x1xi32>
    %sign3A_270 = arith.subi %sign3A_265, %sign3A_269 : vector<64x1xi32>
    %sign3A_271 = arith.constant 0 : i32
    %sign3A_272 = arith.cmpi sgt, %jit3A_259, %sign3A_271 : i32
    %sign3A_273 = arith.extui %sign3A_272 : i1 to i32
    %sign3A_274 = arith.constant 0 : i32
    %sign3A_275 = arith.cmpi slt, %jit3A_259, %sign3A_274 : i32
    %sign3A_276 = arith.extui %sign3A_275 : i1 to i32
    %sign3A_277 = arith.subi %sign3A_273, %sign3A_276 : i32
    %ne3A_278 = vector.broadcast %sign3A_277 : i32 to vector<64x1xi32>
    %ne3A_279 = arith.cmpi ne, %sign3A_270, %ne3A_278 : vector<64x1xi32>
    %rem3A_280 = vector.broadcast %jit3A_259 : i32 to vector<64x1xi32>
    %rem3A_281 = arith.remsi %broadcast_in_dim3A_253, %rem3A_280 : vector<64x1xi32>
    %ne3A_282 = arith.constant 0 : i32
    %ne3A_283 = vector.broadcast %ne3A_282 : i32 to vector<64x1xi32>
    %ne3A_284 = arith.cmpi ne, %rem3A_281, %ne3A_283 : vector<64x1xi32>
    %and3A_285 = arith.andi %ne3A_279, %ne3A_284 : vector<64x1xi1>
    %sub3A_286 = arith.constant 1 : i32
    %sub3A_287 = vector.broadcast %sub3A_286 : i32 to vector<64x1xi32>
    %sub3A_288 = arith.subi %div3A_261, %sub3A_287 : vector<64x1xi32>
    %select_n3A_289 = arith.select %and3A_285, %sub3A_288, %div3A_261 : vector<64x1xi1>, vector<64x1xi32>
    %mul3A_290 = arith.constant 100000 : i32
    %mul3A_291 = vector.broadcast %mul3A_290 : i32 to vector<64x1xi32>
    %mul3A_292 = arith.muli %select_n3A_289, %mul3A_291 : vector<64x1xi32>
    %sub3A_293 = arith.subi %broadcast_in_dim3A_253, %mul3A_292 : vector<64x1xi32>
    %jit3A_294 = arith.constant 0 : i32
    %broadcast_in_dim3A_295 = vector.broadcast %jit3A_294 : i32 to vector<64x192xi32>
    %select_n3A_296 = arith.select %and3A_258, %get3A_7, %broadcast_in_dim3A_295 : vector<64x192xi1>, vector<64x192xi32>
    %reduce_sum3A_297 = arith.constant dense<0> : vector<64xi32>
    %reduce_sum3A_298 = vector.multi_reduction <add>, %select_n3A_296, %reduce_sum3A_297 [1] : vector<64x192xi32> to vector<64xi32>
    %broadcast_in_dim3A_299 = vector.shape_cast %reduce_sum3A_298 : vector<64xi32> to vector<64x1xi32>
    %eq3A_300 = arith.constant 1 : i32
    %eq3A_301 = vector.broadcast %eq3A_300 : i32 to vector<64x1xi32>
    %eq3A_302 = arith.cmpi eq, %broadcast_in_dim3A_299, %eq3A_301 : vector<64x1xi32>
    %eq3A_303 = arith.constant 2 : i32
    %eq3A_304 = vector.broadcast %eq3A_303 : i32 to vector<64x1xi32>
    %eq3A_305 = arith.cmpi eq, %sub3A_293, %eq3A_304 : vector<64x1xi32>
    %or3A_306 = arith.ori %eq3A_302, %eq3A_305 : vector<64x1xi1>
    %jit3A_307 = arith.constant 1 : i32
    %jit3A_308 = arith.constant 0 : i32
    %broadcast_in_dim3A_309 = vector.broadcast %jit3A_307 : i32 to vector<64x1xi32>
    %broadcast_in_dim3A_310 = vector.broadcast %jit3A_308 : i32 to vector<64x1xi32>
    %select_n3A_311 = arith.select %or3A_306, %broadcast_in_dim3A_309, %broadcast_in_dim3A_310 : vector<64x1xi1>, vector<64x1xi32>
    %jit3A_312 = arith.constant 0xFF800000 : f32
    %broadcast_in_dim3A_313 = vector.broadcast %jit3A_312 : f32 to vector<64x192xf32>
    %select_n3A_314 = arith.select %and3A_258, %broadcast_in_dim3A_313, %select_n3A_242 : vector<64x192xi1>, vector<64x192xf32>
    %reduce_max3A_315 = arith.constant dense<0xFF800000> : vector<64xf32>
    %reduce_max3A_316 = vector.multi_reduction <maximumf>, %select_n3A_314, %reduce_max3A_315 [1] : vector<64x192xf32> to vector<64xf32>
    %broadcast_in_dim3A_317 = vector.shape_cast %reduce_max3A_316 : vector<64xf32> to vector<64x1xf32>
    %eq3A_318 = vector.broadcast %broadcast_in_dim3A_317 : vector<64x1xf32> to vector<64x192xf32>
    %eq3A_319 = arith.cmpf oeq, %select_n3A_314, %eq3A_318 : vector<64x192xf32>
    %jit3A_320 = arith.constant 2147483647 : i32
    %broadcast_in_dim3A_321 = vector.broadcast %jit3A_320 : i32 to vector<64x192xi32>
    %select_n3A_322 = arith.select %eq3A_319, %add3A, %broadcast_in_dim3A_321 : vector<64x192xi1>, vector<64x192xi32>
    %reduce_min3A_323 = arith.constant dense<2147483647> : vector<64xi32>
    %reduce_min3A_324 = vector.multi_reduction <minsi>, %select_n3A_322, %reduce_min3A_323 [1] : vector<64x192xi32> to vector<64xi32>
    %broadcast_in_dim3A_325 = vector.shape_cast %reduce_min3A_324 : vector<64xi32> to vector<64x1xi32>
    %eq3A_326 = vector.broadcast %broadcast_in_dim3A_317 : vector<64x1xf32> to vector<64x192xf32>
    %eq3A_327 = arith.cmpf oeq, %select_n3A_314, %eq3A_326 : vector<64x192xf32>
    %eq3A_328 = vector.broadcast %broadcast_in_dim3A_325 : vector<64x1xi32> to vector<64x192xi32>
    %eq3A_329 = arith.cmpi eq, %add3A, %eq3A_328 : vector<64x192xi32>
    %and3A_330 = arith.andi %eq3A_327, %eq3A_329 : vector<64x192xi1>
    %jit3A_331 = arith.constant 100000 : i32
    %div3A_332 = vector.broadcast %jit3A_331 : i32 to vector<64x1xi32>
    %div3A_333 = arith.divsi %broadcast_in_dim3A_325, %div3A_332 : vector<64x1xi32>
    %sign3A_334 = arith.constant 0 : i32
    %sign3A_335 = vector.broadcast %sign3A_334 : i32 to vector<64x1xi32>
    %sign3A_336 = arith.cmpi sgt, %broadcast_in_dim3A_325, %sign3A_335 : vector<64x1xi32>
    %sign3A_337 = arith.extui %sign3A_336 : vector<64x1xi1> to vector<64x1xi32>
    %sign3A_338 = arith.constant 0 : i32
    %sign3A_339 = vector.broadcast %sign3A_338 : i32 to vector<64x1xi32>
    %sign3A_340 = arith.cmpi slt, %broadcast_in_dim3A_325, %sign3A_339 : vector<64x1xi32>
    %sign3A_341 = arith.extui %sign3A_340 : vector<64x1xi1> to vector<64x1xi32>
    %sign3A_342 = arith.subi %sign3A_337, %sign3A_341 : vector<64x1xi32>
    %sign3A_343 = arith.constant 0 : i32
    %sign3A_344 = arith.cmpi sgt, %jit3A_331, %sign3A_343 : i32
    %sign3A_345 = arith.extui %sign3A_344 : i1 to i32
    %sign3A_346 = arith.constant 0 : i32
    %sign3A_347 = arith.cmpi slt, %jit3A_331, %sign3A_346 : i32
    %sign3A_348 = arith.extui %sign3A_347 : i1 to i32
    %sign3A_349 = arith.subi %sign3A_345, %sign3A_348 : i32
    %ne3A_350 = vector.broadcast %sign3A_349 : i32 to vector<64x1xi32>
    %ne3A_351 = arith.cmpi ne, %sign3A_342, %ne3A_350 : vector<64x1xi32>
    %rem3A_352 = vector.broadcast %jit3A_331 : i32 to vector<64x1xi32>
    %rem3A_353 = arith.remsi %broadcast_in_dim3A_325, %rem3A_352 : vector<64x1xi32>
    %ne3A_354 = arith.constant 0 : i32
    %ne3A_355 = vector.broadcast %ne3A_354 : i32 to vector<64x1xi32>
    %ne3A_356 = arith.cmpi ne, %rem3A_353, %ne3A_355 : vector<64x1xi32>
    %and3A_357 = arith.andi %ne3A_351, %ne3A_356 : vector<64x1xi1>
    %sub3A_358 = arith.constant 1 : i32
    %sub3A_359 = vector.broadcast %sub3A_358 : i32 to vector<64x1xi32>
    %sub3A_360 = arith.subi %div3A_333, %sub3A_359 : vector<64x1xi32>
    %select_n3A_361 = arith.select %and3A_357, %sub3A_360, %div3A_333 : vector<64x1xi1>, vector<64x1xi32>
    %mul3A_362 = arith.constant 100000 : i32
    %mul3A_363 = vector.broadcast %mul3A_362 : i32 to vector<64x1xi32>
    %mul3A_364 = arith.muli %select_n3A_361, %mul3A_363 : vector<64x1xi32>
    %sub3A_365 = arith.subi %broadcast_in_dim3A_325, %mul3A_364 : vector<64x1xi32>
    %jit3A_366 = arith.constant 0 : i32
    %broadcast_in_dim3A_367 = vector.broadcast %jit3A_366 : i32 to vector<64x192xi32>
    %select_n3A_368 = arith.select %and3A_330, %get3A_7, %broadcast_in_dim3A_367 : vector<64x192xi1>, vector<64x192xi32>
    %reduce_sum3A_369 = arith.constant dense<0> : vector<64xi32>
    %reduce_sum3A_370 = vector.multi_reduction <add>, %select_n3A_368, %reduce_sum3A_369 [1] : vector<64x192xi32> to vector<64xi32>
    %broadcast_in_dim3A_371 = vector.shape_cast %reduce_sum3A_370 : vector<64xi32> to vector<64x1xi32>
    %eq3A_372 = arith.constant 1 : i32
    %eq3A_373 = vector.broadcast %eq3A_372 : i32 to vector<64x1xi32>
    %eq3A_374 = arith.cmpi eq, %broadcast_in_dim3A_371, %eq3A_373 : vector<64x1xi32>
    %eq3A_375 = arith.constant 2 : i32
    %eq3A_376 = vector.broadcast %eq3A_375 : i32 to vector<64x1xi32>
    %eq3A_377 = arith.cmpi eq, %sub3A_365, %eq3A_376 : vector<64x1xi32>
    %or3A_378 = arith.ori %eq3A_374, %eq3A_377 : vector<64x1xi1>
    %jit3A_379 = arith.constant 1 : i32
    %jit3A_380 = arith.constant 0 : i32
    %broadcast_in_dim3A_381 = vector.broadcast %jit3A_379 : i32 to vector<64x1xi32>
    %broadcast_in_dim3A_382 = vector.broadcast %jit3A_380 : i32 to vector<64x1xi32>
    %select_n3A_383 = arith.select %or3A_378, %broadcast_in_dim3A_381, %broadcast_in_dim3A_382 : vector<64x1xi1>, vector<64x1xi32>
    %jit3A_384 = arith.constant 0xFF800000 : f32
    %broadcast_in_dim3A_385 = vector.broadcast %jit3A_384 : f32 to vector<64x192xf32>
    %select_n3A_386 = arith.select %and3A_330, %broadcast_in_dim3A_385, %select_n3A_314 : vector<64x192xi1>, vector<64x192xf32>
    %reduce_max3A_387 = arith.constant dense<0xFF800000> : vector<64xf32>
    %reduce_max3A_388 = vector.multi_reduction <maximumf>, %select_n3A_386, %reduce_max3A_387 [1] : vector<64x192xf32> to vector<64xf32>
    %broadcast_in_dim3A_389 = vector.shape_cast %reduce_max3A_388 : vector<64xf32> to vector<64x1xf32>
    %eq3A_390 = vector.broadcast %broadcast_in_dim3A_389 : vector<64x1xf32> to vector<64x192xf32>
    %eq3A_391 = arith.cmpf oeq, %select_n3A_386, %eq3A_390 : vector<64x192xf32>
    %jit3A_392 = arith.constant 2147483647 : i32
    %broadcast_in_dim3A_393 = vector.broadcast %jit3A_392 : i32 to vector<64x192xi32>
    %select_n3A_394 = arith.select %eq3A_391, %add3A, %broadcast_in_dim3A_393 : vector<64x192xi1>, vector<64x192xi32>
    %reduce_min3A_395 = arith.constant dense<2147483647> : vector<64xi32>
    %reduce_min3A_396 = vector.multi_reduction <minsi>, %select_n3A_394, %reduce_min3A_395 [1] : vector<64x192xi32> to vector<64xi32>
    %broadcast_in_dim3A_397 = vector.shape_cast %reduce_min3A_396 : vector<64xi32> to vector<64x1xi32>
    %eq3A_398 = vector.broadcast %broadcast_in_dim3A_389 : vector<64x1xf32> to vector<64x192xf32>
    %eq3A_399 = arith.cmpf oeq, %select_n3A_386, %eq3A_398 : vector<64x192xf32>
    %eq3A_400 = vector.broadcast %broadcast_in_dim3A_397 : vector<64x1xi32> to vector<64x192xi32>
    %eq3A_401 = arith.cmpi eq, %add3A, %eq3A_400 : vector<64x192xi32>
    %and3A_402 = arith.andi %eq3A_399, %eq3A_401 : vector<64x192xi1>
    %jit3A_403 = arith.constant 100000 : i32
    %div3A_404 = vector.broadcast %jit3A_403 : i32 to vector<64x1xi32>
    %div3A_405 = arith.divsi %broadcast_in_dim3A_397, %div3A_404 : vector<64x1xi32>
    %sign3A_406 = arith.constant 0 : i32
    %sign3A_407 = vector.broadcast %sign3A_406 : i32 to vector<64x1xi32>
    %sign3A_408 = arith.cmpi sgt, %broadcast_in_dim3A_397, %sign3A_407 : vector<64x1xi32>
    %sign3A_409 = arith.extui %sign3A_408 : vector<64x1xi1> to vector<64x1xi32>
    %sign3A_410 = arith.constant 0 : i32
    %sign3A_411 = vector.broadcast %sign3A_410 : i32 to vector<64x1xi32>
    %sign3A_412 = arith.cmpi slt, %broadcast_in_dim3A_397, %sign3A_411 : vector<64x1xi32>
    %sign3A_413 = arith.extui %sign3A_412 : vector<64x1xi1> to vector<64x1xi32>
    %sign3A_414 = arith.subi %sign3A_409, %sign3A_413 : vector<64x1xi32>
    %sign3A_415 = arith.constant 0 : i32
    %sign3A_416 = arith.cmpi sgt, %jit3A_403, %sign3A_415 : i32
    %sign3A_417 = arith.extui %sign3A_416 : i1 to i32
    %sign3A_418 = arith.constant 0 : i32
    %sign3A_419 = arith.cmpi slt, %jit3A_403, %sign3A_418 : i32
    %sign3A_420 = arith.extui %sign3A_419 : i1 to i32
    %sign3A_421 = arith.subi %sign3A_417, %sign3A_420 : i32
    %ne3A_422 = vector.broadcast %sign3A_421 : i32 to vector<64x1xi32>
    %ne3A_423 = arith.cmpi ne, %sign3A_414, %ne3A_422 : vector<64x1xi32>
    %rem3A_424 = vector.broadcast %jit3A_403 : i32 to vector<64x1xi32>
    %rem3A_425 = arith.remsi %broadcast_in_dim3A_397, %rem3A_424 : vector<64x1xi32>
    %ne3A_426 = arith.constant 0 : i32
    %ne3A_427 = vector.broadcast %ne3A_426 : i32 to vector<64x1xi32>
    %ne3A_428 = arith.cmpi ne, %rem3A_425, %ne3A_427 : vector<64x1xi32>
    %and3A_429 = arith.andi %ne3A_423, %ne3A_428 : vector<64x1xi1>
    %sub3A_430 = arith.constant 1 : i32
    %sub3A_431 = vector.broadcast %sub3A_430 : i32 to vector<64x1xi32>
    %sub3A_432 = arith.subi %div3A_405, %sub3A_431 : vector<64x1xi32>
    %select_n3A_433 = arith.select %and3A_429, %sub3A_432, %div3A_405 : vector<64x1xi1>, vector<64x1xi32>
    %mul3A_434 = arith.constant 100000 : i32
    %mul3A_435 = vector.broadcast %mul3A_434 : i32 to vector<64x1xi32>
    %mul3A_436 = arith.muli %select_n3A_433, %mul3A_435 : vector<64x1xi32>
    %sub3A_437 = arith.subi %broadcast_in_dim3A_397, %mul3A_436 : vector<64x1xi32>
    %jit3A_438 = arith.constant 0 : i32
    %broadcast_in_dim3A_439 = vector.broadcast %jit3A_438 : i32 to vector<64x192xi32>
    %select_n3A_440 = arith.select %and3A_402, %get3A_7, %broadcast_in_dim3A_439 : vector<64x192xi1>, vector<64x192xi32>
    %reduce_sum3A_441 = arith.constant dense<0> : vector<64xi32>
    %reduce_sum3A_442 = vector.multi_reduction <add>, %select_n3A_440, %reduce_sum3A_441 [1] : vector<64x192xi32> to vector<64xi32>
    %broadcast_in_dim3A_443 = vector.shape_cast %reduce_sum3A_442 : vector<64xi32> to vector<64x1xi32>
    %eq3A_444 = arith.constant 1 : i32
    %eq3A_445 = vector.broadcast %eq3A_444 : i32 to vector<64x1xi32>
    %eq3A_446 = arith.cmpi eq, %broadcast_in_dim3A_443, %eq3A_445 : vector<64x1xi32>
    %eq3A_447 = arith.constant 2 : i32
    %eq3A_448 = vector.broadcast %eq3A_447 : i32 to vector<64x1xi32>
    %eq3A_449 = arith.cmpi eq, %sub3A_437, %eq3A_448 : vector<64x1xi32>
    %or3A_450 = arith.ori %eq3A_446, %eq3A_449 : vector<64x1xi1>
    %jit3A_451 = arith.constant 1 : i32
    %jit3A_452 = arith.constant 0 : i32
    %broadcast_in_dim3A_453 = vector.broadcast %jit3A_451 : i32 to vector<64x1xi32>
    %broadcast_in_dim3A_454 = vector.broadcast %jit3A_452 : i32 to vector<64x1xi32>
    %select_n3A_455 = arith.select %or3A_450, %broadcast_in_dim3A_453, %broadcast_in_dim3A_454 : vector<64x1xi1>, vector<64x1xi32>
    %jit3A_456 = arith.constant 0xFF800000 : f32
    %broadcast_in_dim3A_457 = vector.broadcast %jit3A_456 : f32 to vector<64x192xf32>
    %select_n3A_458 = arith.select %and3A_402, %broadcast_in_dim3A_457, %select_n3A_386 : vector<64x192xi1>, vector<64x192xf32>
    %reduce_max3A_459 = arith.constant dense<0xFF800000> : vector<64xf32>
    %reduce_max3A_460 = vector.multi_reduction <maximumf>, %select_n3A_458, %reduce_max3A_459 [1] : vector<64x192xf32> to vector<64xf32>
    %broadcast_in_dim3A_461 = vector.shape_cast %reduce_max3A_460 : vector<64xf32> to vector<64x1xf32>
    %eq3A_462 = vector.broadcast %broadcast_in_dim3A_461 : vector<64x1xf32> to vector<64x192xf32>
    %eq3A_463 = arith.cmpf oeq, %select_n3A_458, %eq3A_462 : vector<64x192xf32>
    %jit3A_464 = arith.constant 2147483647 : i32
    %broadcast_in_dim3A_465 = vector.broadcast %jit3A_464 : i32 to vector<64x192xi32>
    %select_n3A_466 = arith.select %eq3A_463, %add3A, %broadcast_in_dim3A_465 : vector<64x192xi1>, vector<64x192xi32>
    %reduce_min3A_467 = arith.constant dense<2147483647> : vector<64xi32>
    %reduce_min3A_468 = vector.multi_reduction <minsi>, %select_n3A_466, %reduce_min3A_467 [1] : vector<64x192xi32> to vector<64xi32>
    %broadcast_in_dim3A_469 = vector.shape_cast %reduce_min3A_468 : vector<64xi32> to vector<64x1xi32>
    %eq3A_470 = vector.broadcast %broadcast_in_dim3A_461 : vector<64x1xf32> to vector<64x192xf32>
    %eq3A_471 = arith.cmpf oeq, %select_n3A_458, %eq3A_470 : vector<64x192xf32>
    %eq3A_472 = vector.broadcast %broadcast_in_dim3A_469 : vector<64x1xi32> to vector<64x192xi32>
    %eq3A_473 = arith.cmpi eq, %add3A, %eq3A_472 : vector<64x192xi32>
    %and3A_474 = arith.andi %eq3A_471, %eq3A_473 : vector<64x192xi1>
    %jit3A_475 = arith.constant 100000 : i32
    %div3A_476 = vector.broadcast %jit3A_475 : i32 to vector<64x1xi32>
    %div3A_477 = arith.divsi %broadcast_in_dim3A_469, %div3A_476 : vector<64x1xi32>
    %sign3A_478 = arith.constant 0 : i32
    %sign3A_479 = vector.broadcast %sign3A_478 : i32 to vector<64x1xi32>
    %sign3A_480 = arith.cmpi sgt, %broadcast_in_dim3A_469, %sign3A_479 : vector<64x1xi32>
    %sign3A_481 = arith.extui %sign3A_480 : vector<64x1xi1> to vector<64x1xi32>
    %sign3A_482 = arith.constant 0 : i32
    %sign3A_483 = vector.broadcast %sign3A_482 : i32 to vector<64x1xi32>
    %sign3A_484 = arith.cmpi slt, %broadcast_in_dim3A_469, %sign3A_483 : vector<64x1xi32>
    %sign3A_485 = arith.extui %sign3A_484 : vector<64x1xi1> to vector<64x1xi32>
    %sign3A_486 = arith.subi %sign3A_481, %sign3A_485 : vector<64x1xi32>
    %sign3A_487 = arith.constant 0 : i32
    %sign3A_488 = arith.cmpi sgt, %jit3A_475, %sign3A_487 : i32
    %sign3A_489 = arith.extui %sign3A_488 : i1 to i32
    %sign3A_490 = arith.constant 0 : i32
    %sign3A_491 = arith.cmpi slt, %jit3A_475, %sign3A_490 : i32
    %sign3A_492 = arith.extui %sign3A_491 : i1 to i32
    %sign3A_493 = arith.subi %sign3A_489, %sign3A_492 : i32
    %ne3A_494 = vector.broadcast %sign3A_493 : i32 to vector<64x1xi32>
    %ne3A_495 = arith.cmpi ne, %sign3A_486, %ne3A_494 : vector<64x1xi32>
    %rem3A_496 = vector.broadcast %jit3A_475 : i32 to vector<64x1xi32>
    %rem3A_497 = arith.remsi %broadcast_in_dim3A_469, %rem3A_496 : vector<64x1xi32>
    %ne3A_498 = arith.constant 0 : i32
    %ne3A_499 = vector.broadcast %ne3A_498 : i32 to vector<64x1xi32>
    %ne3A_500 = arith.cmpi ne, %rem3A_497, %ne3A_499 : vector<64x1xi32>
    %and3A_501 = arith.andi %ne3A_495, %ne3A_500 : vector<64x1xi1>
    %sub3A_502 = arith.constant 1 : i32
    %sub3A_503 = vector.broadcast %sub3A_502 : i32 to vector<64x1xi32>
    %sub3A_504 = arith.subi %div3A_477, %sub3A_503 : vector<64x1xi32>
    %select_n3A_505 = arith.select %and3A_501, %sub3A_504, %div3A_477 : vector<64x1xi1>, vector<64x1xi32>
    %mul3A_506 = arith.constant 100000 : i32
    %mul3A_507 = vector.broadcast %mul3A_506 : i32 to vector<64x1xi32>
    %mul3A_508 = arith.muli %select_n3A_505, %mul3A_507 : vector<64x1xi32>
    %sub3A_509 = arith.subi %broadcast_in_dim3A_469, %mul3A_508 : vector<64x1xi32>
    %jit3A_510 = arith.constant 0 : i32
    %broadcast_in_dim3A_511 = vector.broadcast %jit3A_510 : i32 to vector<64x192xi32>
    %select_n3A_512 = arith.select %and3A_474, %get3A_7, %broadcast_in_dim3A_511 : vector<64x192xi1>, vector<64x192xi32>
    %reduce_sum3A_513 = arith.constant dense<0> : vector<64xi32>
    %reduce_sum3A_514 = vector.multi_reduction <add>, %select_n3A_512, %reduce_sum3A_513 [1] : vector<64x192xi32> to vector<64xi32>
    %broadcast_in_dim3A_515 = vector.shape_cast %reduce_sum3A_514 : vector<64xi32> to vector<64x1xi32>
    %eq3A_516 = arith.constant 1 : i32
    %eq3A_517 = vector.broadcast %eq3A_516 : i32 to vector<64x1xi32>
    %eq3A_518 = arith.cmpi eq, %broadcast_in_dim3A_515, %eq3A_517 : vector<64x1xi32>
    %eq3A_519 = arith.constant 2 : i32
    %eq3A_520 = vector.broadcast %eq3A_519 : i32 to vector<64x1xi32>
    %eq3A_521 = arith.cmpi eq, %sub3A_509, %eq3A_520 : vector<64x1xi32>
    %or3A_522 = arith.ori %eq3A_518, %eq3A_521 : vector<64x1xi1>
    %jit3A_523 = arith.constant 1 : i32
    %jit3A_524 = arith.constant 0 : i32
    %broadcast_in_dim3A_525 = vector.broadcast %jit3A_523 : i32 to vector<64x1xi32>
    %broadcast_in_dim3A_526 = vector.broadcast %jit3A_524 : i32 to vector<64x1xi32>
    %select_n3A_527 = arith.select %or3A_522, %broadcast_in_dim3A_525, %broadcast_in_dim3A_526 : vector<64x1xi1>, vector<64x1xi32>
    %jit3A_528 = arith.constant 0xFF800000 : f32
    %broadcast_in_dim3A_529 = vector.broadcast %jit3A_528 : f32 to vector<64x192xf32>
    %select_n3A_530 = arith.select %and3A_474, %broadcast_in_dim3A_529, %select_n3A_458 : vector<64x192xi1>, vector<64x192xf32>
    %reduce_max3A_531 = arith.constant dense<0xFF800000> : vector<64xf32>
    %reduce_max3A_532 = vector.multi_reduction <maximumf>, %select_n3A_530, %reduce_max3A_531 [1] : vector<64x192xf32> to vector<64xf32>
    %broadcast_in_dim3A_533 = vector.shape_cast %reduce_max3A_532 : vector<64xf32> to vector<64x1xf32>
    %eq3A_534 = vector.broadcast %broadcast_in_dim3A_533 : vector<64x1xf32> to vector<64x192xf32>
    %eq3A_535 = arith.cmpf oeq, %select_n3A_530, %eq3A_534 : vector<64x192xf32>
    %jit3A_536 = arith.constant 2147483647 : i32
    %broadcast_in_dim3A_537 = vector.broadcast %jit3A_536 : i32 to vector<64x192xi32>
    %select_n3A_538 = arith.select %eq3A_535, %add3A, %broadcast_in_dim3A_537 : vector<64x192xi1>, vector<64x192xi32>
    %reduce_min3A_539 = arith.constant dense<2147483647> : vector<64xi32>
    %reduce_min3A_540 = vector.multi_reduction <minsi>, %select_n3A_538, %reduce_min3A_539 [1] : vector<64x192xi32> to vector<64xi32>
    %broadcast_in_dim3A_541 = vector.shape_cast %reduce_min3A_540 : vector<64xi32> to vector<64x1xi32>
    %eq3A_542 = vector.broadcast %broadcast_in_dim3A_533 : vector<64x1xf32> to vector<64x192xf32>
    %eq3A_543 = arith.cmpf oeq, %select_n3A_530, %eq3A_542 : vector<64x192xf32>
    %eq3A_544 = vector.broadcast %broadcast_in_dim3A_541 : vector<64x1xi32> to vector<64x192xi32>
    %eq3A_545 = arith.cmpi eq, %add3A, %eq3A_544 : vector<64x192xi32>
    %and3A_546 = arith.andi %eq3A_543, %eq3A_545 : vector<64x192xi1>
    %jit3A_547 = arith.constant 100000 : i32
    %div3A_548 = vector.broadcast %jit3A_547 : i32 to vector<64x1xi32>
    %div3A_549 = arith.divsi %broadcast_in_dim3A_541, %div3A_548 : vector<64x1xi32>
    %sign3A_550 = arith.constant 0 : i32
    %sign3A_551 = vector.broadcast %sign3A_550 : i32 to vector<64x1xi32>
    %sign3A_552 = arith.cmpi sgt, %broadcast_in_dim3A_541, %sign3A_551 : vector<64x1xi32>
    %sign3A_553 = arith.extui %sign3A_552 : vector<64x1xi1> to vector<64x1xi32>
    %sign3A_554 = arith.constant 0 : i32
    %sign3A_555 = vector.broadcast %sign3A_554 : i32 to vector<64x1xi32>
    %sign3A_556 = arith.cmpi slt, %broadcast_in_dim3A_541, %sign3A_555 : vector<64x1xi32>
    %sign3A_557 = arith.extui %sign3A_556 : vector<64x1xi1> to vector<64x1xi32>
    %sign3A_558 = arith.subi %sign3A_553, %sign3A_557 : vector<64x1xi32>
    %sign3A_559 = arith.constant 0 : i32
    %sign3A_560 = arith.cmpi sgt, %jit3A_547, %sign3A_559 : i32
    %sign3A_561 = arith.extui %sign3A_560 : i1 to i32
    %sign3A_562 = arith.constant 0 : i32
    %sign3A_563 = arith.cmpi slt, %jit3A_547, %sign3A_562 : i32
    %sign3A_564 = arith.extui %sign3A_563 : i1 to i32
    %sign3A_565 = arith.subi %sign3A_561, %sign3A_564 : i32
    %ne3A_566 = vector.broadcast %sign3A_565 : i32 to vector<64x1xi32>
    %ne3A_567 = arith.cmpi ne, %sign3A_558, %ne3A_566 : vector<64x1xi32>
    %rem3A_568 = vector.broadcast %jit3A_547 : i32 to vector<64x1xi32>
    %rem3A_569 = arith.remsi %broadcast_in_dim3A_541, %rem3A_568 : vector<64x1xi32>
    %ne3A_570 = arith.constant 0 : i32
    %ne3A_571 = vector.broadcast %ne3A_570 : i32 to vector<64x1xi32>
    %ne3A_572 = arith.cmpi ne, %rem3A_569, %ne3A_571 : vector<64x1xi32>
    %and3A_573 = arith.andi %ne3A_567, %ne3A_572 : vector<64x1xi1>
    %sub3A_574 = arith.constant 1 : i32
    %sub3A_575 = vector.broadcast %sub3A_574 : i32 to vector<64x1xi32>
    %sub3A_576 = arith.subi %div3A_549, %sub3A_575 : vector<64x1xi32>
    %select_n3A_577 = arith.select %and3A_573, %sub3A_576, %div3A_549 : vector<64x1xi1>, vector<64x1xi32>
    %mul3A_578 = arith.constant 100000 : i32
    %mul3A_579 = vector.broadcast %mul3A_578 : i32 to vector<64x1xi32>
    %mul3A_580 = arith.muli %select_n3A_577, %mul3A_579 : vector<64x1xi32>
    %sub3A_581 = arith.subi %broadcast_in_dim3A_541, %mul3A_580 : vector<64x1xi32>
    %jit3A_582 = arith.constant 0 : i32
    %broadcast_in_dim3A_583 = vector.broadcast %jit3A_582 : i32 to vector<64x192xi32>
    %select_n3A_584 = arith.select %and3A_546, %get3A_7, %broadcast_in_dim3A_583 : vector<64x192xi1>, vector<64x192xi32>
    %reduce_sum3A_585 = arith.constant dense<0> : vector<64xi32>
    %reduce_sum3A_586 = vector.multi_reduction <add>, %select_n3A_584, %reduce_sum3A_585 [1] : vector<64x192xi32> to vector<64xi32>
    %broadcast_in_dim3A_587 = vector.shape_cast %reduce_sum3A_586 : vector<64xi32> to vector<64x1xi32>
    %eq3A_588 = arith.constant 1 : i32
    %eq3A_589 = vector.broadcast %eq3A_588 : i32 to vector<64x1xi32>
    %eq3A_590 = arith.cmpi eq, %broadcast_in_dim3A_587, %eq3A_589 : vector<64x1xi32>
    %eq3A_591 = arith.constant 2 : i32
    %eq3A_592 = vector.broadcast %eq3A_591 : i32 to vector<64x1xi32>
    %eq3A_593 = arith.cmpi eq, %sub3A_581, %eq3A_592 : vector<64x1xi32>
    %or3A_594 = arith.ori %eq3A_590, %eq3A_593 : vector<64x1xi1>
    %jit3A_595 = arith.constant 1 : i32
    %jit3A_596 = arith.constant 0 : i32
    %broadcast_in_dim3A_597 = vector.broadcast %jit3A_595 : i32 to vector<64x1xi32>
    %broadcast_in_dim3A_598 = vector.broadcast %jit3A_596 : i32 to vector<64x1xi32>
    %select_n3A_599 = arith.select %or3A_594, %broadcast_in_dim3A_597, %broadcast_in_dim3A_598 : vector<64x1xi1>, vector<64x1xi32>
    %concatenate3A = tpu.concatenate %broadcast_in_dim3A, %broadcast_in_dim3A_101, %broadcast_in_dim3A_173, %broadcast_in_dim3A_245, %broadcast_in_dim3A_317, %broadcast_in_dim3A_389, %broadcast_in_dim3A_461, %broadcast_in_dim3A_533 in 1 : vector<64x1xf32>, vector<64x1xf32>, vector<64x1xf32>, vector<64x1xf32>, vector<64x1xf32>, vector<64x1xf32>, vector<64x1xf32>, vector<64x1xf32> -> vector<64x8xf32>
    %swap3A = arith.constant 0 : index
    %swap3A_600 = arith.constant 0 : index
    %swap3A_601 = vector.load %arg3[%swap3A, %swap3A_600] : memref<64x8xf32, #tpu.memory_space<vmem>>, vector<64x8xf32>
    tpu.vector_store %arg3[%swap3A, %swap3A_600], %concatenate3A {strides = array<i32>} : memref<64x8xf32, #tpu.memory_space<vmem>>, vector<64x8xf32>,
    %concatenate3A_602 = tpu.concatenate %sub3A_79, %sub3A_149, %sub3A_221, %sub3A_293, %sub3A_365, %sub3A_437, %sub3A_509, %sub3A_581 in 1 : vector<64x1xi32>, vector<64x1xi32>, vector<64x1xi32>, vector<64x1xi32>, vector<64x1xi32>, vector<64x1xi32>, vector<64x1xi32>, vector<64x1xi32> -> vector<64x8xi32>
    %swap3A_603 = arith.constant 0 : index
    %swap3A_604 = arith.constant 0 : index
    %swap3A_605 = vector.load %arg4[%swap3A_603, %swap3A_604] : memref<64x8xi32, #tpu.memory_space<vmem>>, vector<64x8xi32>
    tpu.vector_store %arg4[%swap3A_603, %swap3A_604], %concatenate3A_602 {strides = array<i32>} : memref<64x8xi32, #tpu.memory_space<vmem>>, vector<64x8xi32>,
    %concatenate3A_606 = tpu.concatenate %select_n3A_75, %select_n3A_145, %select_n3A_217, %select_n3A_289, %select_n3A_361, %select_n3A_433, %select_n3A_505, %select_n3A_577 in 1 : vector<64x1xi32>, vector<64x1xi32>, vector<64x1xi32>, vector<64x1xi32>, vector<64x1xi32>, vector<64x1xi32>, vector<64x1xi32>, vector<64x1xi32> -> vector<64x8xi32>
    %swap3A_607 = arith.constant 0 : index
    %swap3A_608 = arith.constant 0 : index
    %swap3A_609 = vector.load %arg5[%swap3A_607, %swap3A_608] : memref<64x8xi32, #tpu.memory_space<vmem>>, vector<64x8xi32>
    tpu.vector_store %arg5[%swap3A_607, %swap3A_608], %concatenate3A_606 {strides = array<i32>} : memref<64x8xi32, #tpu.memory_space<vmem>>, vector<64x8xi32>,
    %concatenate3A_610 = tpu.concatenate %select_n3A_95, %select_n3A_167, %select_n3A_239, %select_n3A_311, %select_n3A_383, %select_n3A_455, %select_n3A_527, %select_n3A_599 in 1 : vector<64x1xi32>, vector<64x1xi32>, vector<64x1xi32>, vector<64x1xi32>, vector<64x1xi32>, vector<64x1xi32>, vector<64x1xi32>, vector<64x1xi32> -> vector<64x8xi32>
    %swap3A_611 = arith.constant 0 : index
    %swap3A_612 = arith.constant 0 : index
    %swap3A_613 = vector.load %arg6[%swap3A_611, %swap3A_612] : memref<64x8xi32, #tpu.memory_space<vmem>>, vector<64x8xi32>
    tpu.vector_store %arg6[%swap3A_611, %swap3A_612], %concatenate3A_610 {strides = array<i32>} : memref<64x8xi32, #tpu.memory_space<vmem>>, vector<64x8xi32>,
    return
  }
}

</mosaic_0001>

<sc_bundles>
// kernel: kernel.6.cloned.1.call-start
scs
__scs_entry_jumppad:
0x0: {  	(pc) =	sbr.rel $0x88, $3  }
0x1: {  	(tag) =	ssettag $0x0;
	lr =	simm.s32 $0x1  }
0x2: {  	[smem:$0x3F9E] =	sst lr;
	_ =	strace $0xD0000000  }
0x3: {  	_ = 	snop  }
0x4: {  	_ = 	snop  }
0x5: {  	_ = 	snop  }
0x6: {  	_ = 	snop  }
0x7: {  	_ = 	snop  }
__scs_overlays_trampoline_lowered:
0x8: {  	[smem:$0x3FAD] =	sst s0  }
0x9: {  	[smem:$0x3FAE] =	sst s1  }
0xa: {  	[smem:$0x3FAF] =	sst s2  }
0xb: {  	[smem:$0x3FB0] =	sst s3  }
0xc: {  	[smem:$0x3FB1] =	sst s4  }
0xd: {  	[smem:$0x3FB2] =	sst s5  }
0xe: {  	[smem:$0x3FB3] =	sst s6  }
0xf: {  	[smem:$0x3FB4] =	sst s7  }
0x10: {  	[smem:$0x3FB5] =	sst s8  }
0x11: {  	[smem:$0x3FB6] =	sst s9;
	s0 =	simm.s32 @!p0 $0x0  }
0x12: {  	s1 =	sld [smem:$0x3F9C];
	s0 =	simm.s32 @p0 $0x1  }
0x13: {  	[smem:$0x3FB7] =	sst s0;
	s0 =	simm.s32 @!p1 $0x0  }
0x14: {  	s2 =	sld [smem:$0x3F9B];
	s0 =	simm.s32 @p1 $0x1  }
0x15: {  	[smem:$0x3FB8] =	sst s0;
	s0 =	simm.s32 @!p2 $0x0  }
0x16: {  	s3 =	sld [smem:$0x3FDB];
	s0 =	simm.s32 @p2 $0x1  }
0x17: {  	s4 =	simm.s32 $0x1BF5;
	[smem:$0x3FBA] =	sst s0  }
0x18: {  	s0 =	sld [smem:$0x3F9D];
	_ =	swait.ge [sflag:s4], $0x0  }
0x19: {  	s7 =	sld [smem:$0x3F9E]  }
0x1a: {  	s8 =	sadd.s32 $0xFFFFE003, lr  }
0x1b: {  	s9 =	sadd.s32 $0xFFFFFEF7, lr;
	s5 =	simm.s32 $0xFFFFFFFF;
	p2 =	slt.u32 s8, $0xFFFFF086  }
0x1c: {  	p1 =	slt.u32 s9, $0xF7A;
	s5 =	simm.s32 @!p2 $0x0  }
0x1d: {  	s5 =	simm.s32 @p1 $0x1;
	p0 =	seq.s32 s7, s2  }
0x1e: {  	s7 =	smul.u32 @!p0 $0xF7A, s2;
	p2 =	seq.s32 @!p0 s5, $0x0  }
0x1f: {  	s9 =	smul.u32 $0xF7A, s1;
	s8 =	simm.s32 @!p0 $0x1BF5;
	p2 =	por !p2, p0  }
0x20: {  	[sflag:s8] =	ssyncset.s32 @!p0 $0xFFFFF086;
	s6 =	sadd.s32 @!p0 s3, s7;
	s7 =	simm.s32 @!p0 $0x108  }
0x21: {  	s3 =	sadd.s32 s3, s9;
	s6 =	sadd.s32 @!p0 $0x88, s6;
	s7 =	simm.s32 @p2 $0x1082  }
0x22: {  	[simem:s7], [sflag:s8] =	dma.local @!p0 [hbm:s6], $0xF7A  }
0x23: {  	s9 =	sor.u32 $0xD0000000, s2;
	s6 =	simm.s32 $0x108;
	_ =	swait.ge @!p0 [sflag:s8], $0x0  }
0x24: {  	s3 =	sadd.s32 $0x88, s3;
	s6 =	simm.s32 @!p1 $0x1082;
	[sflag:s4] =	ssyncset.s32 $0xFFFFF086  }
0x25: {  	[simem:s6], [sflag:s4] =	dma.local [hbm:s3], $0xF7A  }
0x26: {  	[smem:$0x3F9E] =	sst s1;
	(tag) =	ssettag s2;
	_ =	strace s9  }
0x27: {  	s1 =	sld [smem:$0x3FAE]  }
0x28: {  	s2 =	sld [smem:$0x3FAF]  }
0x29: {  	s4 =	sld [smem:$0x3FB1]  }
0x2a: {  	p0 =	seq.s32 s5, $0x0;
	s5 =	sld [smem:$0x3FB2]  }
0x2b: {  	s6 =	sld [smem:$0x3FB3]  }
0x2c: {  	s7 =	sld [smem:$0x3FB4]  }
0x2d: {  	s3 =	simm.s32 $0x108;
	s8 =	sld [smem:$0x3FB5]  }
0x2e: {  	s3 =	simm.s32 @!p0 $0x1082;
	s9 =	sld [smem:$0x3FB6]  }
0x2f: {  	lr =	sadd.s32 s0, s3;
	s0 =	sld [smem:$0x3FAD]  }
0x30: {  	s3 =	sld [smem:$0x3FB0]  }
0x31: {  	[smem:$0x3FB9] =	sst s10  }
0x32: {  	s10 =	sld [smem:$0x3FB7];
	_ =	sdelay $0x3  }
0x33: {  	p0 =	seq.s32 s10, $0x1;
	s10 =	sld [smem:$0x3FB9];
	_ =	sdelay $0x3  }
0x34: {  	[smem:$0x3FB9] =	sst s10  }
0x35: {  	s10 =	sld [smem:$0x3FB8];
	_ =	sdelay $0x3  }
0x36: {  	p1 =	seq.s32 s10, $0x1;
	s10 =	sld [smem:$0x3FB9];
	_ =	sdelay $0x3  }
0x37: {  	[smem:$0x3FB9] =	sst s10  }
0x38: {  	s10 =	sld [smem:$0x3FBA]  }
0x39: {  	_ = 	snop;
	(pc) =	sbr.ind lr, $3  }
0x3a: {  	_ = 	snop  }
0x3b: {  	_ = 	snop  }
0x3c: {  	p2 =	seq.s32 s10, $0x1;
	s10 =	sld [smem:$0x3FB9]  }
0x3d: {  	_ =	shalt  }
0x3e: {  	_ =	shalt  }
0x3f: {  	_ =	shalt  }
0x40: {  	_ =	shalt  }
0x41: {  	_ =	shalt  }
0x42: {  	_ =	shalt  }
0x43: {  	_ =	shalt  }
0x44: {  	_ =	shalt  }
0x45: {  	_ =	shalt  }
0x46: {  	_ =	shalt  }
0x47: {  	_ =	shalt  }
0x48: {  	_ =	shalt  }
0x49: {  	_ =	shalt  }
0x4a: {  	_ =	shalt  }
0x4b: {  	_ =	shalt  }
0x4c: {  	_ =	shalt  }
0x4d: {  	_ =	shalt  }
0x4e: {  	_ =	shalt  }
0x4f: {  	_ =	shalt  }
0x50: {  	_ =	shalt  }
0x51: {  	_ =	shalt  }
0x52: {  	_ =	shalt  }
0x53: {  	_ =	shalt  }
0x54: {  	_ =	shalt  }
0x55: {  	_ =	shalt  }
0x56: {  	_ =	shalt  }
0x57: {  	_ =	shalt  }
0x58: {  	_ =	shalt  }
0x59: {  	_ =	shalt  }
0x5a: {  	_ =	shalt  }
0x5b: {  	_ =	shalt  }
0x5c: {  	_ =	shalt  }
0x5d: {  	_ =	shalt  }
0x5e: {  	_ =	shalt  }
0x5f: {  	_ =	shalt  }
0x60: {  	_ =	shalt  }
0x61: {  	_ =	shalt  }
0x62: {  	_ =	shalt  }
0x63: {  	_ =	shalt  }
0x64: {  	_ =	shalt  }
0x65: {  	_ =	shalt  }
0x66: {  	_ =	shalt  }
0x67: {  	_ =	shalt  }
0x68: {  	_ =	shalt  }
0x69: {  	_ =	shalt  }
0x6a: {  	_ =	shalt  }
0x6b: {  	_ =	shalt  }
0x6c: {  	_ =	shalt  }
0x6d: {  	_ =	shalt  }
0x6e: {  	_ =	shalt  }
0x6f: {  	_ =	shalt  }
0x70: {  	_ =	shalt  }
0x71: {  	_ =	shalt  }
0x72: {  	_ =	shalt  }
0x73: {  	_ =	shalt  }
0x74: {  	_ =	shalt  }
0x75: {  	_ =	shalt  }
0x76: {  	_ =	shalt  }
0x77: {  	_ =	shalt  }
0x78: {  	_ =	shalt  }
0x79: {  	_ =	shalt  }
0x7a: {  	_ =	shalt  }
0x7b: {  	_ =	shalt  }
0x7c: {  	_ =	shalt  }
0x7d: {  	_ =	shalt  }
0x7e: {  	_ =	shalt  }
0x7f: {  	_ =	shalt  }
0x80: {  	_ =	shalt  }
0x81: {  	_ =	shalt  }
0x82: {  	_ =	shalt  }
0x83: {  	_ =	shalt  }
0x84: {  	_ =	shalt  }
0x85: {  	_ =	shalt  }
0x86: {  	_ =	shalt  }
0x87: {  	_ =	shalt  }
.Lfunc_end0:
.L_simem_size_0:
called_computation_lowered:
.L_overlay_start_0:
0x88: {  	s2 =	sld [smem:$0x3FD9]  }
0x89: {  	s3 =	sld [smem:$0x3FFE];
	_ =	sdelay $0x1  }
0x8a: {  	s1 =	srdreg.scid  }
0x8b: {  	s0 =	sand.u32 $0x1, s1  }
0x8c: {  	s16 =	sshll.u32 s0, $0xA;
	s2 =	sadd.s32 s3, s2  }
0x8d: {  	s2 =	sadd.s32 s2, s16  }
0x8e: {  	[smem:$0x3FC5] =	sst s2  }
0x8f: {  	_ = 	snop  }
0x90: {  	(tm) =	ssettm $0x1  }
0x91: {  	s17 =	sld [smem:$0x3FFB];
	_ =	sdelay $0x3  }
0x92: {  	_ =	strace s17  }
0x93: {  	s2 =	sld [smem:$0x3FFC];
	_ =	sdelay $0x3  }
0x94: {  	_ =	strace s2  }
0x95: {  	s2 =	sld [smem:$0x3FFD];
	_ =	sdelay $0x3  }
0x96: {  	_ =	strace s2  }
0x97: {  	_ =	strace $0x8FFFFFFF  }
0x98: {  	s18 =	sld [smem:$0x3FDB];
	_ =	sdelay $0x1  }
0x99: {  	s19 =	simm.s32 $_scs_section_size  }
0x9a: {  	s4 =	simm.s32 $_size__tile_overlayer_lowered;
	s5 =	simm.s32 $_tile_overlayer_lowered  }
0x9b: {  	s22 =	simm.s32 $0x1BFF;
	s21 =	sshll.u32 s5, $0x1;
	s2 =	sadd.s32 s19, s18  }
0x9c: {  	s6 =	simm.s32 $0x0;
	s20 =	sshll.u32 s4, $0x1;
	s4 =	sadd.s32 s21, s2  }
0x9d: {  	[timem:s6], [sflag:s22] =	dma.local [hbm:s4], s20  }
0x9e: {  	_ =	swait.ge [sflag:s22], s20  }
0x9f: {  	s3 =	ssub.s32 $0x0, s20;
	[sflag:s22] =	ssyncset.done $0x0  }
0xa0: {  	[sflag:s22] =	ssyncadd.s32 s3;
	_ =	sdelay $0x1  }
0xa1: {  	s23 =	simm.s32 $0x1B8B  }
0xa2: {  	_ =	swait.ge [sflag:s23], $0x1  }
0xa3: {  	[sflag:s23] =	ssyncset.done $0x0  }
0xa4: {  	s25 =	simm.s32 $0x1B8E;
	s24 =	sld [smem:$0x3FFE];
	[sflag:s23] =	ssyncadd.s32 $0xFFFFFFFF  }
0xa5: {  	s26 =	simm.s32 $execute0_lowered;
	[smem:$0x3FD2] =	sst s25  }
0xa6: {  	s4 =	sshll.u32 s26, $0x1;
	_ =	strace $0x80000046;
	[dreg:$0x1] =	wrdreg $0xFFFFFFFF  }
0xa7: {  	s28 =	simm.s32 $_size_execute0_lowered;
	s2 =	sadd.s32 s2, s4;
	[dreg:$0x0] =	wrdreg $0x0  }
0xa8: {  	s4 =	sshll.u32 s28, $0x1;
	[dreg:$0x2] =	wrdreg s2  }
0xa9: {  	[dreg:$0x3] =	wrdreg s4  }
0xaa: {  	[dreg:$0x4] =	wrdreg $0xC0  }
0xab: {  	_ =	task [dreg:s6], $0x5FFFF  }
0xac: {  	[dreg:$0x1] =	wrdreg $0xFFFFFFFF  }
0xad: {  	[dreg:$0x0] =	wrdreg $0x60  }
0xae: {  	[dreg:$0x2] =	wrdreg s24  }
0xaf: {  	[dreg:$0x3] =	wrdreg $0x9  }
0xb0: {  	_ =	task.clear_ibuf [dreg:s6], $0x4FFFF;
	_ =	strace $0x90000046  }
0xb1: {  	s29 =	simm.s32 $0x9;
	_ =	strace $0x80000048  }
0xb2: {  	_ =	swait.ge [sflag:s29], $0x1  }
0xb3: {  	[sflag:s29] =	ssyncadd.s32 $0xFFFFFFFF  }
0xb4: {  	_ =	strace $0x90000048  }
0xb5: {  	_ =	sfence  }
0xb6: {  	s30 =	sld [smem:$0x0];
	_ =	sdelay $0x2  }
0xb7: {  	s31 =	sshll.u32 s1, $0xD;
	s1 =	sshrl.u32 s1, $0x2  }
0xb8: {  	s3 =	sand.u32 $0x4000, s31;
	s1 =	sadd.s32 s1, s30  }
0xb9: {  	s0 =	sor.u32 s3, s0;
	s1 =	sshll.u32 s1, $0x11  }
0xba: {  	s0 =	sor.u32 s1, s0  }
0xbb: {  	s0 =	sadd.s32 $0x8F2B, s0  }
0xbc: {  	[sflag:s0] =	ssyncadd.remote.s32 $0x1  }
0xbd: {  	_ =	sfence.sel $0xFFFF  }
0xbe: {  	[dreg:$0x0] =	wrdreg $0xFFFFFFFF;
	(pc) =	sbr.abs _section_cstart, $3  }
0xbf: {  	[dreg:$0x1] =	wrdreg $0xFFFFFFFF  }
0xc0: {  	_ =	task.clear_ibuf [dreg:s6], $0x2FFFF;
	_ =	strace $0x9FFFFFFF  }
0xc1: {  	(tm) =	ssettm $0x7FFFFFFF  }
tec
execute0_lowered:
.L_overlay_start_1:
0x0: {  	(tag) =	ssettag $0x1  }
0x1: {  	s1 =	srdreg.scid;
	s0 =	stileid.u32  }
0x2: {  	s4 =	rddreg [dreg:$0x0];
	s2 =	simm.s32 $0x0;
	s11 =	simm.s32 $0x6800  }
0x3: {  	s12 =	simm.s32 $0xC3800;
	s13 =	simm.s32 $0xD000;
	s14 =	simm.s32 $0x1  }
0x4: {  	s15 =	simm.s32 $0x2;
	s16 =	simm.s32 $0x1A000;
	s17 =	simm.s32 $0x3  }
0x5: {  	s18 =	simm.s32 $0x1A800;
	s19 =	simm.s32 $0x1B000;
	s20 =	simm.s32 $0x1B800  }
0x6: {  	s21 =	simm.s32 $0x0;
	s3 =	sand.u32 $0x1, s1;
	s5 =	sshll.u32 s0, $0x5  }
0x7: {  	[smem:$0x7FF] =	sst s2;
	s6 =	sshll.u32 s3, $0x4;
	s7 =	ssub.s32 $0x2, s3  }
0x8: {  	_ =	strace $0x80000047;
	s5 =	sor.u32 s6, s5;
	s8 =	sshrl.u32 s7, $0x1  }
.Ltmp0:
0x9: {  	s6 =	sshrl.u32 s5, $0x3;
	s5 =	sshll.u32 s5, $0x4;
	(pc) =	sbr.rel .LBB2_1-.Ltmp0, $4  }
0xa: {  	s10 =	ssub.s32 s7, s8;
	s6 =	smul.u32 $0xC3800, s6;
	s9 =	sadd.s32 s5, s4  }
0xb: {  	s3 =	sadd.s32 $0x1A00, s4;
	s10 =	smax.u32 s10, $0x1;
	s5 =	sadd.s32 $0x61DA00, s9  }
0xc: {  	s8 =	sadd.s32 $0x621A00, s9;
	s4 =	sadd.s32 $0xD000, s6;
	s31 =	sshrl.u32 s6, $0x3  }
0xd: {  	v0 =	vimm.f32 $-Inf;
	v1 =	vimm.s32 $0x0;
	v2 =	vimm.f32 $0.0e+00;
	s6 =	sadd.s32 $0x61FA00, s9;
	s9 =	sadd.s32 $0x623A00, s9;
	s7 =	sadd.s32 s3, s31  }
.LBB2_21:
0xe: {  	[hbm4b:s5+s2] =	stream.linear.scatter [tilespmem:s16], [sflag:$0x3], $0x800, $0x38;
	[tilespmem:$0x1C800] =	vst v63  }
0xf: {  	_ =	swait.ge [sflag:s17], $0x800  }
0x10: {  	[sflag:s17] =	ssyncset.done $0x0  }
0x11: {  	[sflag:s17] =	ssyncadd.s32 $0xFFFFF800  }
0x12: {  	[hbm4b:s6+s2] =	stream.linear.scatter [tilespmem:s18], [sflag:$0x3], $0x800, $0x38;
	[tilespmem:$0x1C800] =	vst v63  }
0x13: {  	_ =	swait.ge [sflag:s17], $0x800  }
0x14: {  	[sflag:s17] =	ssyncset.done $0x0  }
0x15: {  	[sflag:s17] =	ssyncadd.s32 $0xFFFFF800  }
0x16: {  	[hbm4b:s8+s2] =	stream.linear.scatter [tilespmem:s19], [sflag:$0x3], $0x800, $0x38;
	[tilespmem:$0x1C800] =	vst v63  }
0x17: {  	s21 =	sadd.s32 $0x1, s21;
	_ =	swait.ge [sflag:s17], $0x800  }
0x18: {  	p0 =	sne.s32 s21, s10;
	[sflag:s17] =	ssyncset.done $0x0  }
.Ltmp1:
0x19: {  	[sflag:s17] =	ssyncadd.s32 $0xFFFFF800;
	(pc) =	sbr.rel @!p0 .LBB2_22-.Ltmp1, $4  }
0x1a: {  	[hbm4b:s9+s2] =	stream.linear.scatter [tilespmem:s20], [sflag:$0x3], $0x800, $0x38;
	[tilespmem:$0x1C800] =	vst v63  }
0x1b: {  	_ =	swait.ge [sflag:s17], $0x800  }
0x1c: {  	[sflag:s17] =	ssyncset.done $0x0  }
0x1d: {  	[sflag:s17] =	ssyncadd.s32 $0xFFFFF800  }
.LBB2_1:
0x1e: {  	s23 =	simm.s32 $0x200;
	s22 =	simm.s32 $0x0  }
.LBB2_2:
0x1f: {  	p0 =	sne.s32 s23, $0x1E00;
	[tilespmem:s22+$0x1C000] =	vst v0;
	s24 =	smov.u32 s23;
	s23 =	sadd.s32 $0x200, s23  }
.Ltmp2:
0x20: {  	[tilespmem:s22+$0x1B800] =	vst v2;
	(pc) =	sbr.rel @p0 .LBB2_2-.Ltmp2, $4  }
0x21: {  	[tilespmem:s22+$0x1B000] =	vst v0  }
0x22: {  	[tilespmem:s22+$0x1A000] =	vst v0  }
0x23: {  	[tilespmem:s22+$0x1A800] =	vst v1  }
0x24: {  	s22 =	sshra.s32 s24, $0x2  }
0x25: {  	[tilespmem:s22+$0x1C000] =	vst v0  }
.Ltmp3:
0x26: {  	[tilespmem:s22+$0x1B800] =	vst v2;
	(pc) =	sbr.rel .LBB2_4-.Ltmp3, $4  }
0x27: {  	[tilespmem:s22+$0x1B000] =	vst v0  }
0x28: {  	[tilespmem:s22+$0x1A000] =	vst v0  }
0x29: {  	[tilespmem:s22+$0x1A800] =	vst v1;
	s22 =	simm.s32 $0x0;
	s23 =	simm.s32 $0xF0;
	s24 =	simm.s32 $0xDF0  }
0x2a: {  	[tilespmem:s22], [sflag:$0x1] =	stream.strided.gather [hbm4b:s7+s11], $0xD000, s12, s11, $0x38;
	[tilespmem:$0x1C800] =	vst v63  }
.LBB2_20:
0x2b: {  	s22 =	sadd.s32 $0x1, s22  }
0x2c: {  	p0 =	sne.s32 s22, $0xF  }
.Ltmp4:
0x2d: {  	_ = 	snop;
	(pc) =	sbr.rel @!p0 .LBB2_21-.Ltmp4, $2  }
0x2e: {  	_ =	sdelay $0x2  }
0x2f: {  	s23 =	sadd.s32 $0x1A00, s23;
	s24 =	sadd.s32 $0x1A00, s24  }
.LBB2_4:
0x30: {  	s25 =	smul.u32 $0x1A00, s22;
	_ =	sdelay $0x1  }
0x31: {  	s25 =	sadd.s32 s7, s25  }
.Ltmp5:
0x32: {  	s25 =	sadd.s32 $0xD00, s25;
	(pc) =	sbr.rel .LBB2_5-.Ltmp5, $4  }
0x33: {  	[tilespmem:s13], [sflag:$0x2] =	stream.strided.gather [hbm4b:s25+s11], $0xD000, s12, s11, $0x38;
	[tilespmem:$0x1C800] =	vst v63  }
0x34: {  	_ =	swait.ge [sflag:s14], $0xD000  }
0x35: {  	[sflag:s14] =	ssyncset.done $0x0  }
0x36: {  	s26 =	simm.s32 $0x0;
	s25 =	simm.s32 $0x0;
	[sflag:s14] =	ssyncadd.s32 $0xFFFF3000  }
.LBB2_11:
0x37: {  	s26 =	sadd.s32 $0x1, s26  }
0x38: {  	p0 =	sne.s32 s26, $0x10  }
.Ltmp6:
0x39: {  	[tilespmem:s28+$0x1B000] =	vst v13;
	(pc) =	sbr.rel @!p0 .LBB2_12-.Ltmp6, $4  }
0x3a: {  	[tilespmem:s28+$0x1B800] =	vst v3  }
0x3b: {  	[tilespmem:s28+$0x1A000] =	vst v16  }
0x3c: {  	[tilespmem:s28+$0x1A800] =	vst v15  }
0x3d: {  	[tilespmem:s28+$0x1C000] =	vst v27;
	s25 =	sadd.s32 $0x1, s25  }
.LBB2_5:
0x3e: {  	s29 =	sshrl.u32 s26, $0x3  }
0x3f: {  	s28 =	sshll.u32 s26, $0x7;
	s29 =	smul.u32 $0x1A000, s29  }
.Ltmp7:
0x40: {  	s30 =	sand.u32 $0x7, s25;
	v13 =	vld [tilespmem:s28+$0x1B000];
	(pc) =	sbr.rel .LBB2_6-.Ltmp7, $4  }
0x41: {  	s30 =	sshll.u32 s30, $0x9;
	v3 =	vld [tilespmem:s28+$0x1B800]  }
0x42: {  	v16 =	vld [tilespmem:s28+$0x1A000];
	s29 =	sor.u32 s30, s29  }
0x43: {  	v15 =	vld [tilespmem:s28+$0x1A800];
	s29 =	sshra.s32 s29, $0x2  }
0x44: {  	s31 =	smov.u32 s23;
	v27 =	vld [tilespmem:s28+$0x1C000];
	s30 =	simm.s32 $0xFFFFFFFE;
	s29 =	sor.u32 $0x400, s29  }
.LBB2_10:
0x45: {  	v4 =	vadd.f32 v5, v4;
	v5 =	vadd.f32 v7, v6  }
0x46: {  	v59 =	vadd.f32 v9, v8;
	v60 =	vadd.f32 v12, v11;
	_ =	sdelay $0x1  }
0x47: {  	v4 =	vadd.f32 v5, v4;
	v5 =	vadd.f32 v60, v59  }
0x48: {  	v61 =	vadd.f32 v20, v19  }
0x49: {  	v62 =	vadd.f32 v22, v21;
	v3 =	vmul.f32 v10, v3;
	v4 =	vadd.f32 v5, v4  }
0x4a: {  	v63 =	vadd.f32 v25, v24;
	s30 =	sadd.s32 $0x2, s30;
	v5 =	vadd.f32 v18, v14  }
0x4b: {  	p0 =	slt.u32 s30, $0x18;
	v3 =	vadd.f32 v4, v3  }
.Ltmp8:
0x4c: {  	v4 =	vadd.f32 v61, v5;
	v5 =	vadd.f32 v63, v62;
	(pc) =	sbr.rel @!p0 .LBB2_11-.Ltmp8, $3  }
0x4d: {  	_ = 	snop  }
0x4e: {  	v3 =	vmul.f32 v23, v3;
	v4 =	vadd.f32 v5, v4;
	_ =	sdelay $0x1  }
0x4f: {  	s31 =	sadd.s32 $0x100, s31;
	s29 =	sadd.s32 $0x800, s29;
	v3 =	vadd.f32 v4, v3  }
.LBB2_6:
0x50: {  	v24 =	vld [tilespmem:s29+$0xFFFFFC00]  }
0x51: {  	v23 =	vld [tilespmem:s29+$0xFFFFFC10]  }
0x52: {  	v22 =	vld [tilespmem:s29+$0xFFFFFC20]  }
0x53: {  	v21 =	vld [tilespmem:s29+$0xFFFFFC30]  }
0x54: {  	v20 =	vld [tilespmem:s29+$0xFFFFFC40]  }
0x55: {  	v19 =	vld [tilespmem:s29+$0xFFFFFC50]  }
0x56: {  	v18 =	vld [tilespmem:s29+$0xFFFFFC60]  }
0x57: {  	v17 =	vld [tilespmem:s29+$0xFFFFFC70];
	_ =	sdelay $0x3  }
0x58: {  	v4 =	vmax.f32 v24, v23  }
0x59: {  	v5 =	vmax.f32 v22, v21;
	v6 =	vmax.f32 v20, v19;
	v7 =	vmax.f32 v18, v17  }
0x5a: {  	v4 =	vmax.f32 v4, v5;
	v5 =	vmax.f32 v6, v7  }
0x5b: {  	v4 =	vmax.f32 v4, v5  }
0x5c: {  	vm0 =	vgt.f32 v4, v27  }
0x5d: {  	v5 =	vsel vm0, $0x3F800000, v2  }
0x5e: {  	(xrf0) =	vmax.scan.msk.f32 $0xffff, v5;
	_ =	sdelay $0x4  }
0x5f: {  	v14 =	vmax.f32 v13, v4  }
0x60: {  	v4 =	vsub.f32 v24, v14;
	v7, _, _ =	vpop (xrf0)  }
0x61: {  	v5 =	vsub.f32 v23, v14;
	(v2sf) =	vpush v7, $0xF  }
0x62: {  	v6 =	vsub.f32 v22, v14;
	v4 =	vmul.f32 $1.442695020e+00, v4  }
0x63: {  	v8 =	vsub.f32 v21, v14;
	v5 =	vmul.f32 $1.442695020e+00, v5  }
0x64: {  	(erf) = vpow2.f32 v4;
	v4 =	vmul.f32 $1.442695020e+00, v6;
	v6 =	vsub.f32 v20, v14  }
0x65: {  	(erf) = vpow2.f32 v5;
	v5 =	vmul.f32 $1.442695020e+00, v8;
	v7 =	vsub.f32 v19, v14  }
0x66: {  	(erf) = vpow2.f32 v4;
	v4 =	vmul.f32 $1.442695020e+00, v6;
	v6 =	vsub.f32 v18, v14  }
0x67: {  	(erf) = vpow2.f32 v5;
	v5 =	vmul.f32 $1.442695020e+00, v7;
	v7 =	vsub.f32 v17, v14  }
0x68: {  	(erf) = vpow2.f32 v4;
	v4 =	vmul.f32 $1.442695020e+00, v6;
	v6 =	vsub.f32 v13, v14  }
0x69: {  	(erf) = vpow2.f32 v5;
	v5 =	vmul.f32 $1.442695020e+00, v7  }
0x6a: {  	(erf) = vpow2.f32 v4;
	v4 =	vmul.f32 $1.442695020e+00, v6;
	_ =	sdelay $0x1  }
0x6b: {  	(erf) = vpow2.f32 v5  }
0x6c: {  	(erf) = vpow2.f32 v4  }
0x6d: {  	v4 =	vpop (erf)  }
0x6e: {  	v5 =	vpop (erf)  }
0x6f: {  	v6 =	vpop (erf);
	s1 =	spop (v2sf)  }
0x70: {  	v7 =	vpop (erf);
	p0 =	sgt.f32 s1, $0.0e+00  }
.Ltmp9:
0x71: {  	v8 =	vpop (erf);
	(pc) =	sbr.rel @!p0 .LBB2_8-.Ltmp9, $4  }
0x72: {  	v9 =	vpop (erf)  }
0x73: {  	v11 =	vpop (erf)  }
0x74: {  	v12 =	vpop (erf)  }
0x75: {  	v10 =	vpop (erf)  }
0x76: {  	vm0 =	vgt.f32 v24, v27  }
0x77: {  	v13 =	vsel vm0, $0x3F800000, v2  }
0x78: {  	(xrf0) =	vmax.scan.msk.f32 $0xffff, v13;
	_ =	sdelay $0x5  }
0x79: {  	v13, _, _ =	vpop (xrf0)  }
0x7a: {  	(v2sf) =	vpush v13, $0xF;
	_ =	sdelay $0xe  }
0x7b: {  	s1 =	spop (v2sf)  }
0x7c: {  	p1 =	sgt.f32 s1, $0.0e+00;
	_ =	sdelay $0x1  }
0x7d: {  	s1 =	sadd.s32 @p1 $0xFFFFFF10, s31;
	v13 =	vlaneseq.u32 @p1  }
0x7e: {  	v25 =	vor.u32 @p1 s1, v13  }
0x7f: {  	(xrf1) =	vsort.ascd.msk.f32 @p1 $0xffff, v24, v25;
	_ =	sdelay $0xb  }
0x80: {  	v13 =	vmul.u32 @p1 $0xFFFFFFFF, v13;
	_ =	sdelay $0x1  }
0x81: {  	v13 =	vadd.s32 @p1 $0xF, v13;
	v24, v25, _ =	vpop @p1 (xrf1)  }
0x82: {  	v24 =	vperm.xlane @p1 v24, v13  }
0x83: {  	v13 =	vperm.xlane @p1 v25, v13  }
0x84: {  	vm0 =	vge.f32 @p1 v16, v24  }
0x85: {  	v24 =	vsel @p1 vm0, v16, v24;
	v13 =	vsel @p1 vm0, v15, v13  }
0x86: {  	(xrf1) =	vsort.ascd.msk.f32 @p1 $0xffff, v24, v13;
	_ =	sdelay $0xd  }
0x87: {  	v13, v24, _ =	vpop @p1 (xrf1)  }
0x88: {  	v25 =	vbroadcast @p1 v13, $0x8;
	_ =	sdelay $0x1  }
0x89: {  	v25 =	vpsel p1, v25, v27  }
0x8a: {  	vm9 =	vgt.f32 v23, v25  }
0x8b: {  	v26 =	vsel vm9, $0x3F800000, v2  }
0x8c: {  	(xrf0) =	vmax.scan.msk.f32 $0xffff, v26;
	_ =	sdelay $0x5  }
0x8d: {  	v26, _, _ =	vpop (xrf0)  }
0x8e: {  	(v2sf) =	vpush v26, $0xF;
	_ =	sdelay $0xe  }
0x8f: {  	s1 =	spop (v2sf)  }
0x90: {  	p0 =	sgt.f32 s1, $0.0e+00;
	_ =	sdelay $0x1  }
0x91: {  	s1 =	sadd.s32 @p0 $0xFFFFFF20, s31;
	v26 =	vlaneseq.u32 @p0  }
0x92: {  	v27 =	vor.u32 @p0 s1, v26  }
0x93: {  	(xrf1) =	vsort.ascd.msk.f32 @p0 $0xffff, v23, v27;
	_ =	sdelay $0xb  }
0x94: {  	v23 =	vmul.u32 @p0 $0xFFFFFFFF, v26;
	_ =	sdelay $0x1  }
0x95: {  	v23 =	vadd.s32 @p0 $0xF, v23;
	v26, v27, _ =	vpop @p0 (xrf1)  }
0x96: {  	v26 =	vperm.xlane @p0 v26, v23  }
0x97: {  	v13 =	vpsel p1, v13, v16;
	v16 =	vperm.xlane @p0 v27, v23  }
0x98: {  	v15 =	vpsel p1, v24, v15;
	vm0 =	vge.f32 @p0 v13, v26  }
0x99: {  	v23 =	vsel @p0 vm0, v13, v26;
	v16 =	vsel @p0 vm0, v15, v16  }
0x9a: {  	(xrf1) =	vsort.ascd.msk.f32 @p0 $0xffff, v23, v16;
	_ =	sdelay $0xd  }
0x9b: {  	v16, v23, _ =	vpop @p0 (xrf1)  }
0x9c: {  	v24 =	vbroadcast @p0 v16, $0x8;
	_ =	sdelay $0x1  }
0x9d: {  	v24 =	vpsel p0, v24, v25  }
0x9e: {  	vm10 =	vgt.f32 v22, v24  }
0x9f: {  	v25 =	vsel vm10, $0x3F800000, v2  }
0xa0: {  	(xrf0) =	vmax.scan.msk.f32 $0xffff, v25;
	_ =	sdelay $0x5  }
0xa1: {  	v25, _, _ =	vpop (xrf0)  }
0xa2: {  	(v2sf) =	vpush v25, $0xF;
	_ =	sdelay $0xe  }
0xa3: {  	s1 =	spop (v2sf)  }
0xa4: {  	p1 =	sgt.f32 s1, $0.0e+00;
	_ =	sdelay $0x1  }
0xa5: {  	s1 =	sadd.s32 @p1 $0xFFFFFF30, s31;
	v25 =	vlaneseq.u32 @p1  }
0xa6: {  	v26 =	vor.u32 @p1 s1, v25  }
0xa7: {  	(xrf1) =	vsort.ascd.msk.f32 @p1 $0xffff, v22, v26;
	_ =	sdelay $0xb  }
0xa8: {  	v22 =	vmul.u32 @p1 $0xFFFFFFFF, v25;
	_ =	sdelay $0x1  }
0xa9: {  	v22 =	vadd.s32 @p1 $0xF, v22;
	v25, v26, _ =	vpop @p1 (xrf1)  }
0xaa: {  	v25 =	vperm.xlane @p1 v25, v22  }
0xab: {  	v13 =	vpsel p0, v16, v13;
	v16 =	vperm.xlane @p1 v26, v22  }
0xac: {  	v15 =	vpsel p0, v23, v15;
	vm0 =	vge.f32 @p1 v13, v25  }
0xad: {  	v22 =	vsel @p1 vm0, v13, v25;
	v16 =	vsel @p1 vm0, v15, v16  }
0xae: {  	(xrf1) =	vsort.ascd.msk.f32 @p1 $0xffff, v22, v16;
	_ =	sdelay $0xd  }
0xaf: {  	v16, v22, _ =	vpop @p1 (xrf1)  }
0xb0: {  	v23 =	vbroadcast @p1 v16, $0x8;
	_ =	sdelay $0x1  }
0xb1: {  	v23 =	vpsel p1, v23, v24  }
0xb2: {  	vm11 =	vgt.f32 v21, v23  }
0xb3: {  	v24 =	vsel vm11, $0x3F800000, v2  }
0xb4: {  	(xrf0) =	vmax.scan.msk.f32 $0xffff, v24;
	_ =	sdelay $0x5  }
0xb5: {  	v24, _, _ =	vpop (xrf0)  }
0xb6: {  	(v2sf) =	vpush v24, $0xF;
	_ =	sdelay $0xe  }
0xb7: {  	s1 =	spop (v2sf)  }
0xb8: {  	p0 =	sgt.f32 s1, $0.0e+00;
	_ =	sdelay $0x1  }
0xb9: {  	s1 =	sadd.s32 @p0 $0xFFFFFF40, s31;
	v24 =	vlaneseq.u32 @p0  }
0xba: {  	v25 =	vor.u32 @p0 s1, v24  }
0xbb: {  	(xrf1) =	vsort.ascd.msk.f32 @p0 $0xffff, v21, v25;
	_ =	sdelay $0xb  }
0xbc: {  	v21 =	vmul.u32 @p0 $0xFFFFFFFF, v24;
	_ =	sdelay $0x1  }
0xbd: {  	v21 =	vadd.s32 @p0 $0xF, v21;
	v24, v25, _ =	vpop @p0 (xrf1)  }
0xbe: {  	v24 =	vperm.xlane @p0 v24, v21  }
0xbf: {  	v13 =	vpsel p1, v16, v13;
	v16 =	vperm.xlane @p0 v25, v21  }
0xc0: {  	v15 =	vpsel p1, v22, v15;
	vm0 =	vge.f32 @p0 v13, v24  }
0xc1: {  	v21 =	vsel @p0 vm0, v13, v24;
	v16 =	vsel @p0 vm0, v15, v16  }
0xc2: {  	(xrf1) =	vsort.ascd.msk.f32 @p0 $0xffff, v21, v16;
	_ =	sdelay $0xd  }
0xc3: {  	v16, v21, _ =	vpop @p0 (xrf1)  }
0xc4: {  	v22 =	vbroadcast @p0 v16, $0x8;
	_ =	sdelay $0x1  }
0xc5: {  	v22 =	vpsel p0, v22, v23  }
0xc6: {  	vm12 =	vgt.f32 v20, v22  }
0xc7: {  	v60 =	vsel vm12, $0x3F800000, v2  }
0xc8: {  	(xrf0) =	vmax.scan.msk.f32 $0xffff, v60;
	_ =	sdelay $0x5  }
0xc9: {  	v23, _, _ =	vpop (xrf0)  }
0xca: {  	(v2sf) =	vpush v23, $0xF;
	_ =	sdelay $0xe  }
0xcb: {  	s1 =	spop (v2sf)  }
0xcc: {  	p1 =	sgt.f32 s1, $0.0e+00;
	_ =	sdelay $0x1  }
0xcd: {  	s1 =	sadd.s32 @p1 $0xFFFFFF50, s31;
	v23 =	vlaneseq.u32 @p1  }
0xce: {  	v24 =	vor.u32 @p1 s1, v23  }
0xcf: {  	(xrf1) =	vsort.ascd.msk.f32 @p1 $0xffff, v20, v24;
	_ =	sdelay $0xb  }
0xd0: {  	v20 =	vmul.u32 @p1 $0xFFFFFFFF, v23;
	_ =	sdelay $0x1  }
0xd1: {  	v20 =	vadd.s32 @p1 $0xF, v20;
	v23, v24, _ =	vpop @p1 (xrf1)  }
0xd2: {  	v23 =	vperm.xlane @p1 v23, v20  }
0xd3: {  	v13 =	vpsel p0, v16, v13;
	v16 =	vperm.xlane @p1 v24, v20  }
0xd4: {  	v15 =	vpsel p0, v21, v15;
	vm0 =	vge.f32 @p1 v13, v23  }
0xd5: {  	v20 =	vsel @p1 vm0, v13, v23;
	v16 =	vsel @p1 vm0, v15, v16  }
0xd6: {  	(xrf1) =	vsort.ascd.msk.f32 @p1 $0xffff, v20, v16;
	_ =	sdelay $0xd  }
0xd7: {  	v16, v20, _ =	vpop @p1 (xrf1)  }
0xd8: {  	v21 =	vbroadcast @p1 v16, $0x8;
	_ =	sdelay $0x1  }
0xd9: {  	v21 =	vpsel p1, v21, v22  }
0xda: {  	vm13 =	vgt.f32 v19, v21  }
0xdb: {  	v61 =	vsel vm13, $0x3F800000, v2  }
0xdc: {  	(xrf0) =	vmax.scan.msk.f32 $0xffff, v61;
	_ =	sdelay $0x5  }
0xdd: {  	v22, _, _ =	vpop (xrf0)  }
0xde: {  	(v2sf) =	vpush v22, $0xF;
	_ =	sdelay $0xe  }
0xdf: {  	s1 =	spop (v2sf)  }
0xe0: {  	p0 =	sgt.f32 s1, $0.0e+00;
	_ =	sdelay $0x1  }
0xe1: {  	s1 =	sadd.s32 @p0 $0xFFFFFF60, s31;
	v22 =	vlaneseq.u32 @p0  }
0xe2: {  	v23 =	vor.u32 @p0 s1, v22  }
0xe3: {  	(xrf1) =	vsort.ascd.msk.f32 @p0 $0xffff, v19, v23;
	_ =	sdelay $0xb  }
0xe4: {  	v19 =	vmul.u32 @p0 $0xFFFFFFFF, v22;
	_ =	sdelay $0x1  }
0xe5: {  	v19 =	vadd.s32 @p0 $0xF, v19;
	v22, v23, _ =	vpop @p0 (xrf1)  }
0xe6: {  	v22 =	vperm.xlane @p0 v22, v19  }
0xe7: {  	v13 =	vpsel p1, v16, v13;
	v16 =	vperm.xlane @p0 v23, v19  }
0xe8: {  	v15 =	vpsel p1, v20, v15;
	vm0 =	vge.f32 @p0 v13, v22  }
0xe9: {  	v19 =	vsel @p0 vm0, v13, v22;
	v16 =	vsel @p0 vm0, v15, v16  }
0xea: {  	(xrf1) =	vsort.ascd.msk.f32 @p0 $0xffff, v19, v16;
	_ =	sdelay $0xd  }
0xeb: {  	v16, v19, _ =	vpop @p0 (xrf1)  }
0xec: {  	v20 =	vbroadcast @p0 v16, $0x8;
	_ =	sdelay $0x1  }
0xed: {  	v20 =	vpsel p0, v20, v21  }
0xee: {  	vm14 =	vgt.f32 v18, v20  }
0xef: {  	v62 =	vsel vm14, $0x3F800000, v2  }
0xf0: {  	(xrf0) =	vmax.scan.msk.f32 $0xffff, v62;
	_ =	sdelay $0x5  }
0xf1: {  	v21, _, _ =	vpop (xrf0)  }
0xf2: {  	(v2sf) =	vpush v21, $0xF;
	_ =	sdelay $0xe  }
0xf3: {  	s1 =	spop (v2sf)  }
0xf4: {  	p1 =	sgt.f32 s1, $0.0e+00;
	_ =	sdelay $0x1  }
0xf5: {  	s1 =	sadd.s32 @p1 $0xFFFFFF70, s31;
	v21 =	vlaneseq.u32 @p1  }
0xf6: {  	v22 =	vor.u32 @p1 s1, v21  }
0xf7: {  	(xrf1) =	vsort.ascd.msk.f32 @p1 $0xffff, v18, v22;
	_ =	sdelay $0xb  }
0xf8: {  	v18 =	vmul.u32 @p1 $0xFFFFFFFF, v21;
	_ =	sdelay $0x1  }
0xf9: {  	v18 =	vadd.s32 @p1 $0xF, v18;
	v21, v22, _ =	vpop @p1 (xrf1)  }
0xfa: {  	v21 =	vperm.xlane @p1 v21, v18  }
0xfb: {  	v13 =	vpsel p0, v16, v13;
	v16 =	vperm.xlane @p1 v22, v18  }
0xfc: {  	v15 =	vpsel p0, v19, v15;
	vm0 =	vge.f32 @p1 v13, v21  }
0xfd: {  	v18 =	vsel @p1 vm0, v13, v21;
	v16 =	vsel @p1 vm0, v15, v16  }
0xfe: {  	(xrf1) =	vsort.ascd.msk.f32 @p1 $0xffff, v18, v16;
	_ =	sdelay $0xd  }
0xff: {  	v16, v18, _ =	vpop @p1 (xrf1)  }
0x100: {  	v19 =	vbroadcast @p1 v16, $0x8;
	_ =	sdelay $0x1  }
0x101: {  	v19 =	vpsel p1, v19, v20  }
0x102: {  	vm15 =	vgt.f32 v17, v19  }
0x103: {  	v63 =	vsel vm15, $0x3F800000, v2  }
0x104: {  	(xrf0) =	vmax.scan.msk.f32 $0xffff, v63;
	_ =	sdelay $0x5  }
0x105: {  	v20, _, _ =	vpop (xrf0)  }
0x106: {  	(v2sf) =	vpush v20, $0xF;
	_ =	sdelay $0xe  }
0x107: {  	s1 =	spop (v2sf)  }
0x108: {  	p0 =	sgt.f32 s1, $0.0e+00;
	_ =	sdelay $0x1  }
0x109: {  	s1 =	sadd.s32 @p0 $0xFFFFFF80, s31;
	v20 =	vlaneseq.u32 @p0  }
0x10a: {  	v21 =	vor.u32 @p0 s1, v20  }
0x10b: {  	(xrf1) =	vsort.ascd.msk.f32 @p0 $0xffff, v17, v21;
	_ =	sdelay $0xb  }
0x10c: {  	v17 =	vmul.u32 @p0 $0xFFFFFFFF, v20;
	_ =	sdelay $0x1  }
0x10d: {  	v17 =	vadd.s32 @p0 $0xF, v17;
	v20, v21, _ =	vpop @p0 (xrf1)  }
0x10e: {  	v20 =	vperm.xlane @p0 v20, v17  }
0x10f: {  	v13 =	vpsel p1, v16, v13;
	v16 =	vperm.xlane @p0 v21, v17  }
0x110: {  	v15 =	vpsel p1, v18, v15;
	vm0 =	vge.f32 @p0 v13, v20  }
0x111: {  	v17 =	vsel @p0 vm0, v13, v20;
	v16 =	vsel @p0 vm0, v15, v16  }
0x112: {  	(xrf1) =	vsort.ascd.msk.f32 @p0 $0xffff, v17, v16;
	_ =	sdelay $0xd  }
0x113: {  	v16, v17, _ =	vpop @p0 (xrf1)  }
0x114: {  	v18 =	vbroadcast @p0 v16, $0x8;
	_ =	sdelay $0x1  }
0x115: {  	v16 =	vpsel p0, v16, v13;
	v15 =	vpsel p0, v17, v15;
	v27 =	vpsel p0, v18, v19  }
.LBB2_8:
0x116: {  	v33 =	vld [tilespmem:s29+$0x0]  }
0x117: {  	v32 =	vld [tilespmem:s29+$0x10]  }
0x118: {  	v31 =	vld [tilespmem:s29+$0x20]  }
0x119: {  	v30 =	vld [tilespmem:s29+$0x30]  }
0x11a: {  	v29 =	vld [tilespmem:s29+$0x40]  }
0x11b: {  	v28 =	vld [tilespmem:s29+$0x50]  }
0x11c: {  	v26 =	vld [tilespmem:s29+$0x60]  }
0x11d: {  	v17 =	vld [tilespmem:s29+$0x70];
	_ =	sdelay $0x3  }
0x11e: {  	v13 =	vmax.f32 v33, v32  }
0x11f: {  	v18 =	vmax.f32 v31, v30;
	v19 =	vmax.f32 v29, v28;
	v20 =	vmax.f32 v26, v17  }
0x120: {  	v13 =	vmax.f32 v13, v18;
	v18 =	vmax.f32 v19, v20  }
0x121: {  	v13 =	vmax.f32 v13, v18  }
0x122: {  	vm0 =	vgt.f32 v13, v27  }
0x123: {  	v18 =	vsel vm0, $0x3F800000, v2  }
0x124: {  	(xrf0) =	vmax.scan.msk.f32 $0xffff, v18;
	_ =	sdelay $0x5  }
0x125: {  	v13 =	vmax.f32 v14, v13;
	v21, _, _ =	vpop (xrf0)  }
0x126: {  	v18 =	vsub.f32 v33, v13;
	(v2sf) =	vpush v21, $0xF  }
0x127: {  	v19 =	vsub.f32 v32, v13;
	v14 =	vsub.f32 v14, v13  }
0x128: {  	v20 =	vsub.f32 v31, v13;
	v18 =	vmul.f32 $1.442695020e+00, v18  }
0x129: {  	v22 =	vsub.f32 v30, v13;
	v19 =	vmul.f32 $1.442695020e+00, v19;
	v14 =	vmul.f32 $1.442695020e+00, v14  }
0x12a: {  	(erf) = vpow2.f32 v18;
	v18 =	vmul.f32 $1.442695020e+00, v20;
	v20 =	vsub.f32 v29, v13  }
0x12b: {  	(erf) = vpow2.f32 v19;
	v19 =	vmul.f32 $1.442695020e+00, v22;
	v21 =	vsub.f32 v28, v13  }
0x12c: {  	(erf) = vpow2.f32 v18;
	v18 =	vmul.f32 $1.442695020e+00, v20;
	v20 =	vsub.f32 v26, v13  }
0x12d: {  	(erf) = vpow2.f32 v19;
	v19 =	vmul.f32 $1.442695020e+00, v21;
	v21 =	vsub.f32 v17, v13  }
0x12e: {  	(erf) = vpow2.f32 v18;
	v18 =	vmul.f32 $1.442695020e+00, v20  }
0x12f: {  	(erf) = vpow2.f32 v19;
	v19 =	vmul.f32 $1.442695020e+00, v21  }
0x130: {  	(erf) = vpow2.f32 v18  }
0x131: {  	(erf) = vpow2.f32 v19  }
0x132: {  	(erf) = vpow2.f32 v14  }
0x133: {  	v14 =	vpop (erf)  }
0x134: {  	v18 =	vpop (erf)  }
0x135: {  	v19 =	vpop (erf);
	s1 =	spop (v2sf)  }
0x136: {  	v20 =	vpop (erf);
	p0 =	sgt.f32 s1, $0.0e+00  }
.Ltmp10:
0x137: {  	v21 =	vpop (erf);
	(pc) =	sbr.rel @!p0 .LBB2_10-.Ltmp10, $4  }
0x138: {  	v22 =	vpop (erf)  }
0x139: {  	v24 =	vpop (erf)  }
0x13a: {  	v25 =	vpop (erf)  }
0x13b: {  	v23 =	vpop (erf)  }
0x13c: {  	vm0 =	vgt.f32 v33, v27  }
0x13d: {  	v34 =	vsel vm0, $0x3F800000, v2  }
0x13e: {  	(xrf0) =	vmax.scan.msk.f32 $0xffff, v34;
	_ =	sdelay $0x5  }
0x13f: {  	v34, _, _ =	vpop (xrf0)  }
0x140: {  	(v2sf) =	vpush v34, $0xF;
	_ =	sdelay $0xe  }
0x141: {  	s1 =	spop (v2sf)  }
0x142: {  	p1 =	sgt.f32 s1, $0.0e+00;
	_ =	sdelay $0x1  }
0x143: {  	s1 =	sadd.s32 @p1 $0xFFFFFF90, s31;
	v34 =	vlaneseq.u32 @p1  }
0x144: {  	v35 =	vor.u32 @p1 s1, v34  }
0x145: {  	(xrf1) =	vsort.ascd.msk.f32 @p1 $0xffff, v33, v35;
	_ =	sdelay $0xb  }
0x146: {  	v33 =	vmul.u32 @p1 $0xFFFFFFFF, v34;
	_ =	sdelay $0x1  }
0x147: {  	v33 =	vadd.s32 @p1 $0xF, v33;
	v34, v35, _ =	vpop @p1 (xrf1)  }
0x148: {  	v34 =	vperm.xlane @p1 v34, v33  }
0x149: {  	v33 =	vperm.xlane @p1 v35, v33  }
0x14a: {  	vm0 =	vge.f32 @p1 v16, v34  }
0x14b: {  	v34 =	vsel @p1 vm0, v16, v34;
	v33 =	vsel @p1 vm0, v15, v33  }
0x14c: {  	(xrf1) =	vsort.ascd.msk.f32 @p1 $0xffff, v34, v33;
	_ =	sdelay $0xd  }
0x14d: {  	v33, v34, _ =	vpop @p1 (xrf1)  }
0x14e: {  	v35 =	vbroadcast @p1 v33, $0x8;
	_ =	sdelay $0x1  }
0x14f: {  	v27 =	vpsel p1, v35, v27  }
0x150: {  	vm9 =	vgt.f32 v32, v27  }
0x151: {  	v58 =	vsel vm9, $0x3F800000, v2  }
0x152: {  	(xrf0) =	vmax.scan.msk.f32 $0xffff, v58;
	_ =	sdelay $0x5  }
0x153: {  	v35, _, _ =	vpop (xrf0)  }
0x154: {  	(v2sf) =	vpush v35, $0xF;
	_ =	sdelay $0xe  }
0x155: {  	s1 =	spop (v2sf)  }
0x156: {  	p0 =	sgt.f32 s1, $0.0e+00;
	_ =	sdelay $0x1  }
0x157: {  	s1 =	sadd.s32 @p0 $0xFFFFFFA0, s31;
	v35 =	vlaneseq.u32 @p0  }
0x158: {  	v36 =	vor.u32 @p0 s1, v35  }
0x159: {  	(xrf1) =	vsort.ascd.msk.f32 @p0 $0xffff, v32, v36;
	_ =	sdelay $0xb  }
0x15a: {  	v32 =	vmul.u32 @p0 $0xFFFFFFFF, v35;
	_ =	sdelay $0x1  }
0x15b: {  	v32 =	vadd.s32 @p0 $0xF, v32;
	v35, v36, _ =	vpop @p0 (xrf1)  }
0x15c: {  	v35 =	vperm.xlane @p0 v35, v32  }
0x15d: {  	v16 =	vpsel p1, v33, v16;
	v32 =	vperm.xlane @p0 v36, v32  }
0x15e: {  	v15 =	vpsel p1, v34, v15;
	vm0 =	vge.f32 @p0 v16, v35  }
0x15f: {  	v33 =	vsel @p0 vm0, v16, v35;
	v32 =	vsel @p0 vm0, v15, v32  }
0x160: {  	(xrf1) =	vsort.ascd.msk.f32 @p0 $0xffff, v33, v32;
	_ =	sdelay $0xd  }
0x161: {  	v32, v33, _ =	vpop @p0 (xrf1)  }
0x162: {  	v34 =	vbroadcast @p0 v32, $0x8;
	_ =	sdelay $0x1  }
0x163: {  	v27 =	vpsel p0, v34, v27  }
0x164: {  	vm10 =	vgt.f32 v31, v27  }
0x165: {  	v59 =	vsel vm10, $0x3F800000, v2  }
0x166: {  	(xrf0) =	vmax.scan.msk.f32 $0xffff, v59;
	_ =	sdelay $0x5  }
0x167: {  	v34, _, _ =	vpop (xrf0)  }
0x168: {  	(v2sf) =	vpush v34, $0xF;
	_ =	sdelay $0xe  }
0x169: {  	s1 =	spop (v2sf)  }
0x16a: {  	p1 =	sgt.f32 s1, $0.0e+00;
	_ =	sdelay $0x1  }
0x16b: {  	s1 =	sadd.s32 @p1 $0xFFFFFFB0, s31;
	v34 =	vlaneseq.u32 @p1  }
0x16c: {  	v35 =	vor.u32 @p1 s1, v34  }
0x16d: {  	(xrf1) =	vsort.ascd.msk.f32 @p1 $0xffff, v31, v35;
	_ =	sdelay $0xb  }
0x16e: {  	v31 =	vmul.u32 @p1 $0xFFFFFFFF, v34;
	_ =	sdelay $0x1  }
0x16f: {  	v31 =	vadd.s32 @p1 $0xF, v31;
	v34, v35, _ =	vpop @p1 (xrf1)  }
0x170: {  	v34 =	vperm.xlane @p1 v34, v31  }
0x171: {  	v16 =	vpsel p0, v32, v16;
	v31 =	vperm.xlane @p1 v35, v31  }
0x172: {  	v15 =	vpsel p0, v33, v15;
	vm0 =	vge.f32 @p1 v16, v34  }
0x173: {  	v32 =	vsel @p1 vm0, v16, v34;
	v31 =	vsel @p1 vm0, v15, v31  }
0x174: {  	(xrf1) =	vsort.ascd.msk.f32 @p1 $0xffff, v32, v31;
	_ =	sdelay $0xd  }
0x175: {  	v31, v32, _ =	vpop @p1 (xrf1)  }
0x176: {  	v33 =	vbroadcast @p1 v31, $0x8;
	_ =	sdelay $0x1  }
0x177: {  	v27 =	vpsel p1, v33, v27  }
0x178: {  	vm11 =	vgt.f32 v30, v27  }
0x179: {  	v60 =	vsel vm11, $0x3F800000, v2  }
0x17a: {  	(xrf0) =	vmax.scan.msk.f32 $0xffff, v60;
	_ =	sdelay $0x5  }
0x17b: {  	v33, _, _ =	vpop (xrf0)  }
0x17c: {  	(v2sf) =	vpush v33, $0xF;
	_ =	sdelay $0xe  }
0x17d: {  	s1 =	spop (v2sf)  }
0x17e: {  	p0 =	sgt.f32 s1, $0.0e+00;
	_ =	sdelay $0x1  }
0x17f: {  	s1 =	sadd.s32 @p0 $0xFFFFFFC0, s31;
	v33 =	vlaneseq.u32 @p0  }
0x180: {  	v34 =	vor.u32 @p0 s1, v33  }
0x181: {  	(xrf1) =	vsort.ascd.msk.f32 @p0 $0xffff, v30, v34;
	_ =	sdelay $0xb  }
0x182: {  	v30 =	vmul.u32 @p0 $0xFFFFFFFF, v33;
	_ =	sdelay $0x1  }
0x183: {  	v30 =	vadd.s32 @p0 $0xF, v30;
	v33, v34, _ =	vpop @p0 (xrf1)  }
0x184: {  	v33 =	vperm.xlane @p0 v33, v30  }
0x185: {  	v16 =	vpsel p1, v31, v16;
	v30 =	vperm.xlane @p0 v34, v30  }
0x186: {  	v15 =	vpsel p1, v32, v15;
	vm0 =	vge.f32 @p0 v16, v33  }
0x187: {  	v31 =	vsel @p0 vm0, v16, v33;
	v30 =	vsel @p0 vm0, v15, v30  }
0x188: {  	(xrf1) =	vsort.ascd.msk.f32 @p0 $0xffff, v31, v30;
	_ =	sdelay $0xd  }
0x189: {  	v30, v31, _ =	vpop @p0 (xrf1)  }
0x18a: {  	v32 =	vbroadcast @p0 v30, $0x8;
	_ =	sdelay $0x1  }
0x18b: {  	v27 =	vpsel p0, v32, v27  }
0x18c: {  	vm12 =	vgt.f32 v29, v27  }
0x18d: {  	v61 =	vsel vm12, $0x3F800000, v2  }
0x18e: {  	(xrf0) =	vmax.scan.msk.f32 $0xffff, v61;
	_ =	sdelay $0x5  }
0x18f: {  	v32, _, _ =	vpop (xrf0)  }
0x190: {  	(v2sf) =	vpush v32, $0xF;
	_ =	sdelay $0xe  }
0x191: {  	s1 =	spop (v2sf)  }
0x192: {  	p1 =	sgt.f32 s1, $0.0e+00;
	_ =	sdelay $0x1  }
0x193: {  	s1 =	sadd.s32 @p1 $0xFFFFFFD0, s31;
	v32 =	vlaneseq.u32 @p1  }
0x194: {  	v33 =	vor.u32 @p1 s1, v32  }
0x195: {  	(xrf1) =	vsort.ascd.msk.f32 @p1 $0xffff, v29, v33;
	_ =	sdelay $0xb  }
0x196: {  	v29 =	vmul.u32 @p1 $0xFFFFFFFF, v32;
	_ =	sdelay $0x1  }
0x197: {  	v29 =	vadd.s32 @p1 $0xF, v29;
	v32, v33, _ =	vpop @p1 (xrf1)  }
0x198: {  	v32 =	vperm.xlane @p1 v32, v29  }
0x199: {  	v16 =	vpsel p0, v30, v16;
	v29 =	vperm.xlane @p1 v33, v29  }
0x19a: {  	v15 =	vpsel p0, v31, v15;
	vm0 =	vge.f32 @p1 v16, v32  }
0x19b: {  	v30 =	vsel @p1 vm0, v16, v32;
	v29 =	vsel @p1 vm0, v15, v29  }
0x19c: {  	(xrf1) =	vsort.ascd.msk.f32 @p1 $0xffff, v30, v29;
	_ =	sdelay $0xd  }
0x19d: {  	v29, v30, _ =	vpop @p1 (xrf1)  }
0x19e: {  	v31 =	vbroadcast @p1 v29, $0x8;
	_ =	sdelay $0x1  }
0x19f: {  	v27 =	vpsel p1, v31, v27  }
0x1a0: {  	vm13 =	vgt.f32 v28, v27  }
0x1a1: {  	v62 =	vsel vm13, $0x3F800000, v2  }
0x1a2: {  	(xrf0) =	vmax.scan.msk.f32 $0xffff, v62;
	_ =	sdelay $0x5  }
0x1a3: {  	v31, _, _ =	vpop (xrf0)  }
0x1a4: {  	(v2sf) =	vpush v31, $0xF;
	_ =	sdelay $0xe  }
0x1a5: {  	s1 =	spop (v2sf)  }
0x1a6: {  	p0 =	sgt.f32 s1, $0.0e+00;
	_ =	sdelay $0x1  }
0x1a7: {  	s1 =	sadd.s32 @p0 $0xFFFFFFE0, s31;
	v31 =	vlaneseq.u32 @p0  }
0x1a8: {  	v32 =	vor.u32 @p0 s1, v31  }
0x1a9: {  	(xrf1) =	vsort.ascd.msk.f32 @p0 $0xffff, v28, v32;
	_ =	sdelay $0xb  }
0x1aa: {  	v28 =	vmul.u32 @p0 $0xFFFFFFFF, v31;
	_ =	sdelay $0x1  }
0x1ab: {  	v28 =	vadd.s32 @p0 $0xF, v28;
	v31, v32, _ =	vpop @p0 (xrf1)  }
0x1ac: {  	v31 =	vperm.xlane @p0 v31, v28  }
0x1ad: {  	v16 =	vpsel p1, v29, v16;
	v28 =	vperm.xlane @p0 v32, v28  }
0x1ae: {  	v15 =	vpsel p1, v30, v15;
	vm0 =	vge.f32 @p0 v16, v31  }
0x1af: {  	v29 =	vsel @p0 vm0, v16, v31;
	v28 =	vsel @p0 vm0, v15, v28  }
0x1b0: {  	(xrf1) =	vsort.ascd.msk.f32 @p0 $0xffff, v29, v28;
	_ =	sdelay $0xd  }
0x1b1: {  	v28, v29, _ =	vpop @p0 (xrf1)  }
0x1b2: {  	v30 =	vbroadcast @p0 v28, $0x8;
	_ =	sdelay $0x1  }
0x1b3: {  	v27 =	vpsel p0, v30, v27  }
0x1b4: {  	vm14 =	vgt.f32 v26, v27  }
0x1b5: {  	v63 =	vsel vm14, $0x3F800000, v2  }
0x1b6: {  	(xrf0) =	vmax.scan.msk.f32 $0xffff, v63;
	_ =	sdelay $0x5  }
0x1b7: {  	v30, _, _ =	vpop (xrf0)  }
0x1b8: {  	(v2sf) =	vpush v30, $0xF;
	_ =	sdelay $0xe  }
0x1b9: {  	s1 =	spop (v2sf)  }
0x1ba: {  	p1 =	sgt.f32 s1, $0.0e+00;
	_ =	sdelay $0x1  }
0x1bb: {  	s1 =	sadd.s32 @p1 $0xFFFFFFF0, s31;
	v30 =	vlaneseq.u32 @p1  }
0x1bc: {  	v31 =	vor.u32 @p1 s1, v30  }
0x1bd: {  	(xrf1) =	vsort.ascd.msk.f32 @p1 $0xffff, v26, v31;
	_ =	sdelay $0xb  }
0x1be: {  	v26 =	vmul.u32 @p1 $0xFFFFFFFF, v30;
	_ =	sdelay $0x1  }
0x1bf: {  	v26 =	vadd.s32 @p1 $0xF, v26;
	v30, v31, _ =	vpop @p1 (xrf1)  }
0x1c0: {  	v30 =	vperm.xlane @p1 v30, v26  }
0x1c1: {  	v16 =	vpsel p0, v28, v16;
	v26 =	vperm.xlane @p1 v31, v26  }
0x1c2: {  	v15 =	vpsel p0, v29, v15;
	vm0 =	vge.f32 @p1 v16, v30  }
0x1c3: {  	v28 =	vsel @p1 vm0, v16, v30;
	v26 =	vsel @p1 vm0, v15, v26  }
0x1c4: {  	(xrf1) =	vsort.ascd.msk.f32 @p1 $0xffff, v28, v26;
	_ =	sdelay $0xd  }
0x1c5: {  	v26, v28, _ =	vpop @p1 (xrf1)  }
0x1c6: {  	v29 =	vbroadcast @p1 v26, $0x8;
	_ =	sdelay $0x1  }
0x1c7: {  	v27 =	vpsel p1, v29, v27  }
0x1c8: {  	vm15 =	vgt.f32 v17, v27  }
0x1c9: {  	v29 =	vsel vm15, $0x3F800000, v2  }
0x1ca: {  	(xrf0) =	vmax.scan.msk.f32 $0xffff, v29;
	_ =	sdelay $0x5  }
0x1cb: {  	v29, _, _ =	vpop (xrf0)  }
0x1cc: {  	(v2sf) =	vpush v29, $0xF;
	_ =	sdelay $0xe  }
0x1cd: {  	s1 =	spop (v2sf)  }
0x1ce: {  	p0 =	sgt.f32 s1, $0.0e+00;
	_ =	sdelay $0x1  }
0x1cf: {  	v29 =	vlaneseq.u32 @p0  }
0x1d0: {  	v30 =	vor.u32 @p0 s31, v29  }
0x1d1: {  	(xrf1) =	vsort.ascd.msk.f32 @p0 $0xffff, v17, v30;
	_ =	sdelay $0xb  }
0x1d2: {  	v17 =	vmul.u32 @p0 $0xFFFFFFFF, v29;
	_ =	sdelay $0x1  }
0x1d3: {  	v17 =	vadd.s32 @p0 $0xF, v17;
	v29, v30, _ =	vpop @p0 (xrf1)  }
0x1d4: {  	v29 =	vperm.xlane @p0 v29, v17  }
0x1d5: {  	v16 =	vpsel p1, v26, v16;
	v17 =	vperm.xlane @p0 v30, v17  }
0x1d6: {  	v15 =	vpsel p1, v28, v15;
	vm0 =	vge.f32 @p0 v16, v29  }
0x1d7: {  	v26 =	vsel @p0 vm0, v16, v29;
	v17 =	vsel @p0 vm0, v15, v17  }
0x1d8: {  	(xrf1) =	vsort.ascd.msk.f32 @p0 $0xffff, v26, v17;
	_ =	sdelay $0xc  }
.Ltmp11:
0x1d9: {  	_ = 	snop;
	(pc) =	sbr.rel .LBB2_10-.Ltmp11, $3  }
0x1da: {  	v17, v26, _ =	vpop @p0 (xrf1)  }
0x1db: {  	v28 =	vbroadcast @p0 v17, $0x8;
	_ =	sdelay $0x1  }
0x1dc: {  	v16 =	vpsel p0, v17, v16;
	v15 =	vpsel p0, v26, v15;
	v27 =	vpsel p0, v28, v27  }
.LBB2_12:
0x1dd: {  	p0 =	seq.s32 s22, $0xE  }
0x1de: {  	s1 =	smul.u32 @!p0 $0xD000, s22;
	_ =	sdelay $0x1  }
0x1df: {  	s1 =	sadd.s32 @!p0 s1, s4  }
0x1e0: {  	s25 =	simm.s32 @!p0 $0x6800;
	s26 =	simm.s32 @!p0 $0xC3800;
	s1 =	sshrl.u32 @!p0 s1, $0x3  }
.Ltmp12:
0x1e1: {  	s28 =	simm.s32 @!p0 $0x0;
	s1 =	sadd.s32 @!p0 s3, s1;
	(pc) =	sbr.rel .LBB2_13-.Ltmp12, $4  }
0x1e2: {  	[tilespmem:s28], [sflag:$0x1] =	stream.strided.gather @!p0 [hbm4b:s1+s25], $0xD000, s26, s25, $0x38;
	[tilespmem:$0x1C800] =	vst v63  }
0x1e3: {  	_ =	swait.ge [sflag:s15], $0xD000  }
0x1e4: {  	[sflag:s15] =	ssyncset.done $0x0  }
0x1e5: {  	s25 =	simm.s32 $0x0;
	s26 =	simm.s32 $0x0;
	[sflag:s15] =	ssyncadd.s32 $0xFFFF3000  }
.LBB2_19:
0x1e6: {  	s26 =	sadd.s32 $0x1, s26  }
0x1e7: {  	p0 =	sne.s32 s26, $0x10  }
.Ltmp13:
0x1e8: {  	[tilespmem:s28+$0x1B000] =	vst v13;
	(pc) =	sbr.rel @!p0 .LBB2_20-.Ltmp13, $4  }
0x1e9: {  	[tilespmem:s28+$0x1B800] =	vst v3  }
0x1ea: {  	[tilespmem:s28+$0x1A000] =	vst v16  }
0x1eb: {  	[tilespmem:s28+$0x1A800] =	vst v15  }
0x1ec: {  	[tilespmem:s28+$0x1C000] =	vst v27;
	s25 =	sadd.s32 $0x1, s25  }
.LBB2_13:
0x1ed: {  	s1 =	sshrl.u32 s26, $0x3  }
0x1ee: {  	s28 =	sshll.u32 s26, $0x7;
	s1 =	smul.u32 $0x1A000, s1  }
.Ltmp14:
0x1ef: {  	s29 =	sand.u32 $0x7, s25;
	v13 =	vld [tilespmem:s28+$0x1B000];
	(pc) =	sbr.rel .LBB2_14-.Ltmp14, $4  }
0x1f0: {  	s29 =	sshll.u32 s29, $0x9;
	v3 =	vld [tilespmem:s28+$0x1B800]  }
0x1f1: {  	v16 =	vld [tilespmem:s28+$0x1A000];
	s1 =	sor.u32 s29, s1  }
0x1f2: {  	v15 =	vld [tilespmem:s28+$0x1A800];
	s1 =	sshra.s32 s1, $0x2  }
0x1f3: {  	s30 =	simm.s32 $0xFFFFFFFE;
	s31 =	smov.u32 s24;
	v27 =	vld [tilespmem:s28+$0x1C000];
	s29 =	sadd.s32 $0xD400, s1  }
.LBB2_18:
0x1f4: {  	v4 =	vadd.f32 v5, v4;
	v5 =	vadd.f32 v7, v6  }
0x1f5: {  	v59 =	vadd.f32 v9, v8;
	v60 =	vadd.f32 v12, v11;
	_ =	sdelay $0x1  }
0x1f6: {  	v4 =	vadd.f32 v5, v4;
	v5 =	vadd.f32 v60, v59  }
0x1f7: {  	v61 =	vadd.f32 v20, v19  }
0x1f8: {  	v62 =	vadd.f32 v22, v21;
	v3 =	vmul.f32 v10, v3;
	v4 =	vadd.f32 v5, v4  }
0x1f9: {  	v63 =	vadd.f32 v25, v24;
	s30 =	sadd.s32 $0x2, s30;
	v5 =	vadd.f32 v18, v14  }
0x1fa: {  	p0 =	slt.u32 s30, $0x18;
	v3 =	vadd.f32 v4, v3  }
.Ltmp15:
0x1fb: {  	v4 =	vadd.f32 v61, v5;
	v5 =	vadd.f32 v63, v62;
	(pc) =	sbr.rel @!p0 .LBB2_19-.Ltmp15, $3  }
0x1fc: {  	_ = 	snop  }
0x1fd: {  	v3 =	vmul.f32 v23, v3;
	v4 =	vadd.f32 v5, v4;
	_ =	sdelay $0x1  }
0x1fe: {  	s31 =	sadd.s32 $0x100, s31;
	s29 =	sadd.s32 $0x800, s29;
	v3 =	vadd.f32 v4, v3  }
.LBB2_14:
0x1ff: {  	v24 =	vld [tilespmem:s29+$0xFFFFFC00]  }
0x200: {  	v23 =	vld [tilespmem:s29+$0xFFFFFC10]  }
0x201: {  	v22 =	vld [tilespmem:s29+$0xFFFFFC20]  }
0x202: {  	v21 =	vld [tilespmem:s29+$0xFFFFFC30]  }
0x203: {  	v20 =	vld [tilespmem:s29+$0xFFFFFC40]  }
0x204: {  	v19 =	vld [tilespmem:s29+$0xFFFFFC50]  }
0x205: {  	v18 =	vld [tilespmem:s29+$0xFFFFFC60]  }
0x206: {  	v17 =	vld [tilespmem:s29+$0xFFFFFC70];
	_ =	sdelay $0x3  }
0x207: {  	v4 =	vmax.f32 v24, v23  }
0x208: {  	v5 =	vmax.f32 v22, v21;
	v6 =	vmax.f32 v20, v19;
	v7 =	vmax.f32 v18, v17  }
0x209: {  	v4 =	vmax.f32 v4, v5;
	v5 =	vmax.f32 v6, v7  }
0x20a: {  	v4 =	vmax.f32 v4, v5  }
0x20b: {  	vm0 =	vgt.f32 v4, v27  }
0x20c: {  	v5 =	vsel vm0, $0x3F800000, v2  }
0x20d: {  	(xrf0) =	vmax.scan.msk.f32 $0xffff, v5;
	_ =	sdelay $0x4  }
0x20e: {  	v14 =	vmax.f32 v13, v4  }
0x20f: {  	v4 =	vsub.f32 v24, v14;
	v7, _, _ =	vpop (xrf0)  }
0x210: {  	v5 =	vsub.f32 v23, v14;
	(v2sf) =	vpush v7, $0xF  }
0x211: {  	v6 =	vsub.f32 v22, v14;
	v4 =	vmul.f32 $1.442695020e+00, v4  }
0x212: {  	v8 =	vsub.f32 v21, v14;
	v5 =	vmul.f32 $1.442695020e+00, v5  }
0x213: {  	(erf) = vpow2.f32 v4;
	v4 =	vmul.f32 $1.442695020e+00, v6;
	v6 =	vsub.f32 v20, v14  }
0x214: {  	(erf) = vpow2.f32 v5;
	v5 =	vmul.f32 $1.442695020e+00, v8;
	v7 =	vsub.f32 v19, v14  }
0x215: {  	(erf) = vpow2.f32 v4;
	v4 =	vmul.f32 $1.442695020e+00, v6;
	v6 =	vsub.f32 v18, v14  }
0x216: {  	(erf) = vpow2.f32 v5;
	v5 =	vmul.f32 $1.442695020e+00, v7;
	v7 =	vsub.f32 v17, v14  }
0x217: {  	(erf) = vpow2.f32 v4;
	v4 =	vmul.f32 $1.442695020e+00, v6;
	v6 =	vsub.f32 v13, v14  }
0x218: {  	(erf) = vpow2.f32 v5;
	v5 =	vmul.f32 $1.442695020e+00, v7  }
0x219: {  	(erf) = vpow2.f32 v4;
	v4 =	vmul.f32 $1.442695020e+00, v6;
	_ =	sdelay $0x1  }
0x21a: {  	(erf) = vpow2.f32 v5  }
0x21b: {  	(erf) = vpow2.f32 v4  }
0x21c: {  	v4 =	vpop (erf)  }
0x21d: {  	v5 =	vpop (erf)  }
0x21e: {  	v6 =	vpop (erf);
	s1 =	spop (v2sf)  }
0x21f: {  	v7 =	vpop (erf);
	p0 =	sgt.f32 s1, $0.0e+00  }
.Ltmp16:
0x220: {  	v8 =	vpop (erf);
	(pc) =	sbr.rel @!p0 .LBB2_16-.Ltmp16, $4  }
0x221: {  	v9 =	vpop (erf)  }
0x222: {  	v11 =	vpop (erf)  }
0x223: {  	v12 =	vpop (erf)  }
0x224: {  	v10 =	vpop (erf)  }
0x225: {  	vm0 =	vgt.f32 v24, v27  }
0x226: {  	v13 =	vsel vm0, $0x3F800000, v2  }
0x227: {  	(xrf0) =	vmax.scan.msk.f32 $0xffff, v13;
	_ =	sdelay $0x5  }
0x228: {  	v13, _, _ =	vpop (xrf0)  }
0x229: {  	(v2sf) =	vpush v13, $0xF;
	_ =	sdelay $0xe  }
0x22a: {  	s1 =	spop (v2sf)  }
0x22b: {  	p1 =	sgt.f32 s1, $0.0e+00;
	_ =	sdelay $0x1  }
0x22c: {  	s1 =	sadd.s32 @p1 $0xFFFFFF10, s31;
	v13 =	vlaneseq.u32 @p1  }
0x22d: {  	v25 =	vor.u32 @p1 s1, v13  }
0x22e: {  	(xrf1) =	vsort.ascd.msk.f32 @p1 $0xffff, v24, v25;
	_ =	sdelay $0xb  }
0x22f: {  	v13 =	vmul.u32 @p1 $0xFFFFFFFF, v13;
	_ =	sdelay $0x1  }
0x230: {  	v13 =	vadd.s32 @p1 $0xF, v13;
	v24, v25, _ =	vpop @p1 (xrf1)  }
0x231: {  	v24 =	vperm.xlane @p1 v24, v13  }
0x232: {  	v13 =	vperm.xlane @p1 v25, v13  }
0x233: {  	vm0 =	vge.f32 @p1 v16, v24  }
0x234: {  	v24 =	vsel @p1 vm0, v16, v24;
	v13 =	vsel @p1 vm0, v15, v13  }
0x235: {  	(xrf1) =	vsort.ascd.msk.f32 @p1 $0xffff, v24, v13;
	_ =	sdelay $0xd  }
0x236: {  	v13, v24, _ =	vpop @p1 (xrf1)  }
0x237: {  	v25 =	vbroadcast @p1 v13, $0x8;
	_ =	sdelay $0x1  }
0x238: {  	v25 =	vpsel p1, v25, v27  }
0x239: {  	vm9 =	vgt.f32 v23, v25  }
0x23a: {  	v26 =	vsel vm9, $0x3F800000, v2  }
0x23b: {  	(xrf0) =	vmax.scan.msk.f32 $0xffff, v26;
	_ =	sdelay $0x5  }
0x23c: {  	v26, _, _ =	vpop (xrf0)  }
0x23d: {  	(v2sf) =	vpush v26, $0xF;
	_ =	sdelay $0xe  }
0x23e: {  	s1 =	spop (v2sf)  }
0x23f: {  	p0 =	sgt.f32 s1, $0.0e+00;
	_ =	sdelay $0x1  }
0x240: {  	s1 =	sadd.s32 @p0 $0xFFFFFF20, s31;
	v26 =	vlaneseq.u32 @p0  }
0x241: {  	v27 =	vor.u32 @p0 s1, v26  }
0x242: {  	(xrf1) =	vsort.ascd.msk.f32 @p0 $0xffff, v23, v27;
	_ =	sdelay $0xb  }
0x243: {  	v23 =	vmul.u32 @p0 $0xFFFFFFFF, v26;
	_ =	sdelay $0x1  }
0x244: {  	v23 =	vadd.s32 @p0 $0xF, v23;
	v26, v27, _ =	vpop @p0 (xrf1)  }
0x245: {  	v26 =	vperm.xlane @p0 v26, v23  }
0x246: {  	v13 =	vpsel p1, v13, v16;
	v16 =	vperm.xlane @p0 v27, v23  }
0x247: {  	v15 =	vpsel p1, v24, v15;
	vm0 =	vge.f32 @p0 v13, v26  }
0x248: {  	v23 =	vsel @p0 vm0, v13, v26;
	v16 =	vsel @p0 vm0, v15, v16  }
0x249: {  	(xrf1) =	vsort.ascd.msk.f32 @p0 $0xffff, v23, v16;
	_ =	sdelay $0xd  }
0x24a: {  	v16, v23, _ =	vpop @p0 (xrf1)  }
0x24b: {  	v24 =	vbroadcast @p0 v16, $0x8;
	_ =	sdelay $0x1  }
0x24c: {  	v24 =	vpsel p0, v24, v25  }
0x24d: {  	vm10 =	vgt.f32 v22, v24  }
0x24e: {  	v25 =	vsel vm10, $0x3F800000, v2  }
0x24f: {  	(xrf0) =	vmax.scan.msk.f32 $0xffff, v25;
	_ =	sdelay $0x5  }
0x250: {  	v25, _, _ =	vpop (xrf0)  }
0x251: {  	(v2sf) =	vpush v25, $0xF;
	_ =	sdelay $0xe  }
0x252: {  	s1 =	spop (v2sf)  }
0x253: {  	p1 =	sgt.f32 s1, $0.0e+00;
	_ =	sdelay $0x1  }
0x254: {  	s1 =	sadd.s32 @p1 $0xFFFFFF30, s31;
	v25 =	vlaneseq.u32 @p1  }
0x255: {  	v26 =	vor.u32 @p1 s1, v25  }
0x256: {  	(xrf1) =	vsort.ascd.msk.f32 @p1 $0xffff, v22, v26;
	_ =	sdelay $0xb  }
0x257: {  	v22 =	vmul.u32 @p1 $0xFFFFFFFF, v25;
	_ =	sdelay $0x1  }
0x258: {  	v22 =	vadd.s32 @p1 $0xF, v22;
	v25, v26, _ =	vpop @p1 (xrf1)  }
0x259: {  	v25 =	vperm.xlane @p1 v25, v22  }
0x25a: {  	v13 =	vpsel p0, v16, v13;
	v16 =	vperm.xlane @p1 v26, v22  }
0x25b: {  	v15 =	vpsel p0, v23, v15;
	vm0 =	vge.f32 @p1 v13, v25  }
0x25c: {  	v22 =	vsel @p1 vm0, v13, v25;
	v16 =	vsel @p1 vm0, v15, v16  }
0x25d: {  	(xrf1) =	vsort.ascd.msk.f32 @p1 $0xffff, v22, v16;
	_ =	sdelay $0xd  }
0x25e: {  	v16, v22, _ =	vpop @p1 (xrf1)  }
0x25f: {  	v23 =	vbroadcast @p1 v16, $0x8;
	_ =	sdelay $0x1  }
0x260: {  	v23 =	vpsel p1, v23, v24  }
0x261: {  	vm11 =	vgt.f32 v21, v23  }
0x262: {  	v24 =	vsel vm11, $0x3F800000, v2  }
0x263: {  	(xrf0) =	vmax.scan.msk.f32 $0xffff, v24;
	_ =	sdelay $0x5  }
0x264: {  	v24, _, _ =	vpop (xrf0)  }
0x265: {  	(v2sf) =	vpush v24, $0xF;
	_ =	sdelay $0xe  }
0x266: {  	s1 =	spop (v2sf)  }
0x267: {  	p0 =	sgt.f32 s1, $0.0e+00;
	_ =	sdelay $0x1  }
0x268: {  	s1 =	sadd.s32 @p0 $0xFFFFFF40, s31;
	v24 =	vlaneseq.u32 @p0  }
0x269: {  	v25 =	vor.u32 @p0 s1, v24  }
0x26a: {  	(xrf1) =	vsort.ascd.msk.f32 @p0 $0xffff, v21, v25;
	_ =	sdelay $0xb  }
0x26b: {  	v21 =	vmul.u32 @p0 $0xFFFFFFFF, v24;
	_ =	sdelay $0x1  }
0x26c: {  	v21 =	vadd.s32 @p0 $0xF, v21;
	v24, v25, _ =	vpop @p0 (xrf1)  }
0x26d: {  	v24 =	vperm.xlane @p0 v24, v21  }
0x26e: {  	v13 =	vpsel p1, v16, v13;
	v16 =	vperm.xlane @p0 v25, v21  }
0x26f: {  	v15 =	vpsel p1, v22, v15;
	vm0 =	vge.f32 @p0 v13, v24  }
0x270: {  	v21 =	vsel @p0 vm0, v13, v24;
	v16 =	vsel @p0 vm0, v15, v16  }
0x271: {  	(xrf1) =	vsort.ascd.msk.f32 @p0 $0xffff, v21, v16;
	_ =	sdelay $0xd  }
0x272: {  	v16, v21, _ =	vpop @p0 (xrf1)  }
0x273: {  	v22 =	vbroadcast @p0 v16, $0x8;
	_ =	sdelay $0x1  }
0x274: {  	v22 =	vpsel p0, v22, v23  }
0x275: {  	vm12 =	vgt.f32 v20, v22  }
0x276: {  	v60 =	vsel vm12, $0x3F800000, v2  }
0x277: {  	(xrf0) =	vmax.scan.msk.f32 $0xffff, v60;
	_ =	sdelay $0x5  }
0x278: {  	v23, _, _ =	vpop (xrf0)  }
0x279: {  	(v2sf) =	vpush v23, $0xF;
	_ =	sdelay $0xe  }
0x27a: {  	s1 =	spop (v2sf)  }
0x27b: {  	p1 =	sgt.f32 s1, $0.0e+00;
	_ =	sdelay $0x1  }
0x27c: {  	s1 =	sadd.s32 @p1 $0xFFFFFF50, s31;
	v23 =	vlaneseq.u32 @p1  }
0x27d: {  	v24 =	vor.u32 @p1 s1, v23  }
0x27e: {  	(xrf1) =	vsort.ascd.msk.f32 @p1 $0xffff, v20, v24;
	_ =	sdelay $0xb  }
0x27f: {  	v20 =	vmul.u32 @p1 $0xFFFFFFFF, v23;
	_ =	sdelay $0x1  }
0x280: {  	v20 =	vadd.s32 @p1 $0xF, v20;
	v23, v24, _ =	vpop @p1 (xrf1)  }
0x281: {  	v23 =	vperm.xlane @p1 v23, v20  }
0x282: {  	v13 =	vpsel p0, v16, v13;
	v16 =	vperm.xlane @p1 v24, v20  }
0x283: {  	v15 =	vpsel p0, v21, v15;
	vm0 =	vge.f32 @p1 v13, v23  }
0x284: {  	v20 =	vsel @p1 vm0, v13, v23;
	v16 =	vsel @p1 vm0, v15, v16  }
0x285: {  	(xrf1) =	vsort.ascd.msk.f32 @p1 $0xffff, v20, v16;
	_ =	sdelay $0xd  }
0x286: {  	v16, v20, _ =	vpop @p1 (xrf1)  }
0x287: {  	v21 =	vbroadcast @p1 v16, $0x8;
	_ =	sdelay $0x1  }
0x288: {  	v21 =	vpsel p1, v21, v22  }
0x289: {  	vm13 =	vgt.f32 v19, v21  }
0x28a: {  	v61 =	vsel vm13, $0x3F800000, v2  }
0x28b: {  	(xrf0) =	vmax.scan.msk.f32 $0xffff, v61;
	_ =	sdelay $0x5  }
0x28c: {  	v22, _, _ =	vpop (xrf0)  }
0x28d: {  	(v2sf) =	vpush v22, $0xF;
	_ =	sdelay $0xe  }
0x28e: {  	s1 =	spop (v2sf)  }
0x28f: {  	p0 =	sgt.f32 s1, $0.0e+00;
	_ =	sdelay $0x1  }
0x290: {  	s1 =	sadd.s32 @p0 $0xFFFFFF60, s31;
	v22 =	vlaneseq.u32 @p0  }
0x291: {  	v23 =	vor.u32 @p0 s1, v22  }
0x292: {  	(xrf1) =	vsort.ascd.msk.f32 @p0 $0xffff, v19, v23;
	_ =	sdelay $0xb  }
0x293: {  	v19 =	vmul.u32 @p0 $0xFFFFFFFF, v22;
	_ =	sdelay $0x1  }
0x294: {  	v19 =	vadd.s32 @p0 $0xF, v19;
	v22, v23, _ =	vpop @p0 (xrf1)  }
0x295: {  	v22 =	vperm.xlane @p0 v22, v19  }
0x296: {  	v13 =	vpsel p1, v16, v13;
	v16 =	vperm.xlane @p0 v23, v19  }
0x297: {  	v15 =	vpsel p1, v20, v15;
	vm0 =	vge.f32 @p0 v13, v22  }
0x298: {  	v19 =	vsel @p0 vm0, v13, v22;
	v16 =	vsel @p0 vm0, v15, v16  }
0x299: {  	(xrf1) =	vsort.ascd.msk.f32 @p0 $0xffff, v19, v16;
	_ =	sdelay $0xd  }
0x29a: {  	v16, v19, _ =	vpop @p0 (xrf1)  }
0x29b: {  	v20 =	vbroadcast @p0 v16, $0x8;
	_ =	sdelay $0x1  }
0x29c: {  	v20 =	vpsel p0, v20, v21  }
0x29d: {  	vm14 =	vgt.f32 v18, v20  }
0x29e: {  	v62 =	vsel vm14, $0x3F800000, v2  }
0x29f: {  	(xrf0) =	vmax.scan.msk.f32 $0xffff, v62;
	_ =	sdelay $0x5  }
0x2a0: {  	v21, _, _ =	vpop (xrf0)  }
0x2a1: {  	(v2sf) =	vpush v21, $0xF;
	_ =	sdelay $0xe  }
0x2a2: {  	s1 =	spop (v2sf)  }
0x2a3: {  	p1 =	sgt.f32 s1, $0.0e+00;
	_ =	sdelay $0x1  }
0x2a4: {  	s1 =	sadd.s32 @p1 $0xFFFFFF70, s31;
	v21 =	vlaneseq.u32 @p1  }
0x2a5: {  	v22 =	vor.u32 @p1 s1, v21  }
0x2a6: {  	(xrf1) =	vsort.ascd.msk.f32 @p1 $0xffff, v18, v22;
	_ =	sdelay $0xb  }
0x2a7: {  	v18 =	vmul.u32 @p1 $0xFFFFFFFF, v21;
	_ =	sdelay $0x1  }
0x2a8: {  	v18 =	vadd.s32 @p1 $0xF, v18;
	v21, v22, _ =	vpop @p1 (xrf1)  }
0x2a9: {  	v21 =	vperm.xlane @p1 v21, v18  }
0x2aa: {  	v13 =	vpsel p0, v16, v13;
	v16 =	vperm.xlane @p1 v22, v18  }
0x2ab: {  	v15 =	vpsel p0, v19, v15;
	vm0 =	vge.f32 @p1 v13, v21  }
0x2ac: {  	v18 =	vsel @p1 vm0, v13, v21;
	v16 =	vsel @p1 vm0, v15, v16  }
0x2ad: {  	(xrf1) =	vsort.ascd.msk.f32 @p1 $0xffff, v18, v16;
	_ =	sdelay $0xd  }
0x2ae: {  	v16, v18, _ =	vpop @p1 (xrf1)  }
0x2af: {  	v19 =	vbroadcast @p1 v16, $0x8;
	_ =	sdelay $0x1  }
0x2b0: {  	v19 =	vpsel p1, v19, v20  }
0x2b1: {  	vm15 =	vgt.f32 v17, v19  }
0x2b2: {  	v63 =	vsel vm15, $0x3F800000, v2  }
0x2b3: {  	(xrf0) =	vmax.scan.msk.f32 $0xffff, v63;
	_ =	sdelay $0x5  }
0x2b4: {  	v20, _, _ =	vpop (xrf0)  }
0x2b5: {  	(v2sf) =	vpush v20, $0xF;
	_ =	sdelay $0xe  }
0x2b6: {  	s1 =	spop (v2sf)  }
0x2b7: {  	p0 =	sgt.f32 s1, $0.0e+00;
	_ =	sdelay $0x1  }
0x2b8: {  	s1 =	sadd.s32 @p0 $0xFFFFFF80, s31;
	v20 =	vlaneseq.u32 @p0  }
0x2b9: {  	v21 =	vor.u32 @p0 s1, v20  }
0x2ba: {  	(xrf1) =	vsort.ascd.msk.f32 @p0 $0xffff, v17, v21;
	_ =	sdelay $0xb  }
0x2bb: {  	v17 =	vmul.u32 @p0 $0xFFFFFFFF, v20;
	_ =	sdelay $0x1  }
0x2bc: {  	v17 =	vadd.s32 @p0 $0xF, v17;
	v20, v21, _ =	vpop @p0 (xrf1)  }
0x2bd: {  	v20 =	vperm.xlane @p0 v20, v17  }
0x2be: {  	v13 =	vpsel p1, v16, v13;
	v16 =	vperm.xlane @p0 v21, v17  }
0x2bf: {  	v15 =	vpsel p1, v18, v15;
	vm0 =	vge.f32 @p0 v13, v20  }
0x2c0: {  	v17 =	vsel @p0 vm0, v13, v20;
	v16 =	vsel @p0 vm0, v15, v16  }
0x2c1: {  	(xrf1) =	vsort.ascd.msk.f32 @p0 $0xffff, v17, v16;
	_ =	sdelay $0xd  }
0x2c2: {  	v16, v17, _ =	vpop @p0 (xrf1)  }
0x2c3: {  	v18 =	vbroadcast @p0 v16, $0x8;
	_ =	sdelay $0x1  }
0x2c4: {  	v16 =	vpsel p0, v16, v13;
	v15 =	vpsel p0, v17, v15;
	v27 =	vpsel p0, v18, v19  }
.LBB2_16:
0x2c5: {  	v33 =	vld [tilespmem:s29+$0x0]  }
0x2c6: {  	v32 =	vld [tilespmem:s29+$0x10]  }
0x2c7: {  	v31 =	vld [tilespmem:s29+$0x20]  }
0x2c8: {  	v30 =	vld [tilespmem:s29+$0x30]  }
0x2c9: {  	v29 =	vld [tilespmem:s29+$0x40]  }
0x2ca: {  	v28 =	vld [tilespmem:s29+$0x50]  }
0x2cb: {  	v26 =	vld [tilespmem:s29+$0x60]  }
0x2cc: {  	v17 =	vld [tilespmem:s29+$0x70];
	_ =	sdelay $0x3  }
0x2cd: {  	v13 =	vmax.f32 v33, v32  }
0x2ce: {  	v18 =	vmax.f32 v31, v30;
	v19 =	vmax.f32 v29, v28;
	v20 =	vmax.f32 v26, v17  }
0x2cf: {  	v13 =	vmax.f32 v13, v18;
	v18 =	vmax.f32 v19, v20  }
0x2d0: {  	v13 =	vmax.f32 v13, v18  }
0x2d1: {  	vm0 =	vgt.f32 v13, v27  }
0x2d2: {  	v18 =	vsel vm0, $0x3F800000, v2  }
0x2d3: {  	(xrf0) =	vmax.scan.msk.f32 $0xffff, v18;
	_ =	sdelay $0x5  }
0x2d4: {  	v13 =	vmax.f32 v14, v13;
	v21, _, _ =	vpop (xrf0)  }
0x2d5: {  	v18 =	vsub.f32 v33, v13;
	(v2sf) =	vpush v21, $0xF  }
0x2d6: {  	v19 =	vsub.f32 v32, v13;
	v14 =	vsub.f32 v14, v13  }
0x2d7: {  	v20 =	vsub.f32 v31, v13;
	v18 =	vmul.f32 $1.442695020e+00, v18  }
0x2d8: {  	v22 =	vsub.f32 v30, v13;
	v19 =	vmul.f32 $1.442695020e+00, v19;
	v14 =	vmul.f32 $1.442695020e+00, v14  }
0x2d9: {  	(erf) = vpow2.f32 v18;
	v18 =	vmul.f32 $1.442695020e+00, v20;
	v20 =	vsub.f32 v29, v13  }
0x2da: {  	(erf) = vpow2.f32 v19;
	v19 =	vmul.f32 $1.442695020e+00, v22;
	v21 =	vsub.f32 v28, v13  }
0x2db: {  	(erf) = vpow2.f32 v18;
	v18 =	vmul.f32 $1.442695020e+00, v20;
	v20 =	vsub.f32 v26, v13  }
0x2dc: {  	(erf) = vpow2.f32 v19;
	v19 =	vmul.f32 $1.442695020e+00, v21;
	v21 =	vsub.f32 v17, v13  }
0x2dd: {  	(erf) = vpow2.f32 v18;
	v18 =	vmul.f32 $1.442695020e+00, v20  }
0x2de: {  	(erf) = vpow2.f32 v19;
	v19 =	vmul.f32 $1.442695020e+00, v21  }
0x2df: {  	(erf) = vpow2.f32 v18  }
0x2e0: {  	(erf) = vpow2.f32 v19  }
0x2e1: {  	(erf) = vpow2.f32 v14  }
0x2e2: {  	v14 =	vpop (erf)  }
0x2e3: {  	v18 =	vpop (erf)  }
0x2e4: {  	v19 =	vpop (erf);
	s1 =	spop (v2sf)  }
0x2e5: {  	v20 =	vpop (erf);
	p0 =	sgt.f32 s1, $0.0e+00  }
.Ltmp17:
0x2e6: {  	v21 =	vpop (erf);
	(pc) =	sbr.rel @!p0 .LBB2_18-.Ltmp17, $4  }
0x2e7: {  	v22 =	vpop (erf)  }
0x2e8: {  	v24 =	vpop (erf)  }
0x2e9: {  	v25 =	vpop (erf)  }
0x2ea: {  	v23 =	vpop (erf)  }
0x2eb: {  	vm0 =	vgt.f32 v33, v27  }
0x2ec: {  	v34 =	vsel vm0, $0x3F800000, v2  }
0x2ed: {  	(xrf0) =	vmax.scan.msk.f32 $0xffff, v34;
	_ =	sdelay $0x5  }
0x2ee: {  	v34, _, _ =	vpop (xrf0)  }
0x2ef: {  	(v2sf) =	vpush v34, $0xF;
	_ =	sdelay $0xe  }
0x2f0: {  	s1 =	spop (v2sf)  }
0x2f1: {  	p1 =	sgt.f32 s1, $0.0e+00;
	_ =	sdelay $0x1  }
0x2f2: {  	s1 =	sadd.s32 @p1 $0xFFFFFF90, s31;
	v34 =	vlaneseq.u32 @p1  }
0x2f3: {  	v35 =	vor.u32 @p1 s1, v34  }
0x2f4: {  	(xrf1) =	vsort.ascd.msk.f32 @p1 $0xffff, v33, v35;
	_ =	sdelay $0xb  }
0x2f5: {  	v33 =	vmul.u32 @p1 $0xFFFFFFFF, v34;
	_ =	sdelay $0x1  }
0x2f6: {  	v33 =	vadd.s32 @p1 $0xF, v33;
	v34, v35, _ =	vpop @p1 (xrf1)  }
0x2f7: {  	v34 =	vperm.xlane @p1 v34, v33  }
0x2f8: {  	v33 =	vperm.xlane @p1 v35, v33  }
0x2f9: {  	vm0 =	vge.f32 @p1 v16, v34  }
0x2fa: {  	v34 =	vsel @p1 vm0, v16, v34;
	v33 =	vsel @p1 vm0, v15, v33  }
0x2fb: {  	(xrf1) =	vsort.ascd.msk.f32 @p1 $0xffff, v34, v33;
	_ =	sdelay $0xd  }
0x2fc: {  	v33, v34, _ =	vpop @p1 (xrf1)  }
0x2fd: {  	v35 =	vbroadcast @p1 v33, $0x8;
	_ =	sdelay $0x1  }
0x2fe: {  	v27 =	vpsel p1, v35, v27  }
0x2ff: {  	vm9 =	vgt.f32 v32, v27  }
0x300: {  	v58 =	vsel vm9, $0x3F800000, v2  }
0x301: {  	(xrf0) =	vmax.scan.msk.f32 $0xffff, v58;
	_ =	sdelay $0x5  }
0x302: {  	v35, _, _ =	vpop (xrf0)  }
0x303: {  	(v2sf) =	vpush v35, $0xF;
	_ =	sdelay $0xe  }
0x304: {  	s1 =	spop (v2sf)  }
0x305: {  	p0 =	sgt.f32 s1, $0.0e+00;
	_ =	sdelay $0x1  }
0x306: {  	s1 =	sadd.s32 @p0 $0xFFFFFFA0, s31;
	v35 =	vlaneseq.u32 @p0  }
0x307: {  	v36 =	vor.u32 @p0 s1, v35  }
0x308: {  	(xrf1) =	vsort.ascd.msk.f32 @p0 $0xffff, v32, v36;
	_ =	sdelay $0xb  }
0x309: {  	v32 =	vmul.u32 @p0 $0xFFFFFFFF, v35;
	_ =	sdelay $0x1  }
0x30a: {  	v32 =	vadd.s32 @p0 $0xF, v32;
	v35, v36, _ =	vpop @p0 (xrf1)  }
0x30b: {  	v35 =	vperm.xlane @p0 v35, v32  }
0x30c: {  	v16 =	vpsel p1, v33, v16;
	v32 =	vperm.xlane @p0 v36, v32  }
0x30d: {  	v15 =	vpsel p1, v34, v15;
	vm0 =	vge.f32 @p0 v16, v35  }
0x30e: {  	v33 =	vsel @p0 vm0, v16, v35;
	v32 =	vsel @p0 vm0, v15, v32  }
0x30f: {  	(xrf1) =	vsort.ascd.msk.f32 @p0 $0xffff, v33, v32;
	_ =	sdelay $0xd  }
0x310: {  	v32, v33, _ =	vpop @p0 (xrf1)  }
0x311: {  	v34 =	vbroadcast @p0 v32, $0x8;
	_ =	sdelay $0x1  }
0x312: {  	v27 =	vpsel p0, v34, v27  }
0x313: {  	vm10 =	vgt.f32 v31, v27  }
0x314: {  	v59 =	vsel vm10, $0x3F800000, v2  }
0x315: {  	(xrf0) =	vmax.scan.msk.f32 $0xffff, v59;
	_ =	sdelay $0x5  }
0x316: {  	v34, _, _ =	vpop (xrf0)  }
0x317: {  	(v2sf) =	vpush v34, $0xF;
	_ =	sdelay $0xe  }
0x318: {  	s1 =	spop (v2sf)  }
0x319: {  	p1 =	sgt.f32 s1, $0.0e+00;
	_ =	sdelay $0x1  }
0x31a: {  	s1 =	sadd.s32 @p1 $0xFFFFFFB0, s31;
	v34 =	vlaneseq.u32 @p1  }
0x31b: {  	v35 =	vor.u32 @p1 s1, v34  }
0x31c: {  	(xrf1) =	vsort.ascd.msk.f32 @p1 $0xffff, v31, v35;
	_ =	sdelay $0xb  }
0x31d: {  	v31 =	vmul.u32 @p1 $0xFFFFFFFF, v34;
	_ =	sdelay $0x1  }
0x31e: {  	v31 =	vadd.s32 @p1 $0xF, v31;
	v34, v35, _ =	vpop @p1 (xrf1)  }
0x31f: {  	v34 =	vperm.xlane @p1 v34, v31  }
0x320: {  	v16 =	vpsel p0, v32, v16;
	v31 =	vperm.xlane @p1 v35, v31  }
0x321: {  	v15 =	vpsel p0, v33, v15;
	vm0 =	vge.f32 @p1 v16, v34  }
0x322: {  	v32 =	vsel @p1 vm0, v16, v34;
	v31 =	vsel @p1 vm0, v15, v31  }
0x323: {  	(xrf1) =	vsort.ascd.msk.f32 @p1 $0xffff, v32, v31;
	_ =	sdelay $0xd  }
0x324: {  	v31, v32, _ =	vpop @p1 (xrf1)  }
0x325: {  	v33 =	vbroadcast @p1 v31, $0x8;
	_ =	sdelay $0x1  }
0x326: {  	v27 =	vpsel p1, v33, v27  }
0x327: {  	vm11 =	vgt.f32 v30, v27  }
0x328: {  	v60 =	vsel vm11, $0x3F800000, v2  }
0x329: {  	(xrf0) =	vmax.scan.msk.f32 $0xffff, v60;
	_ =	sdelay $0x5  }
0x32a: {  	v33, _, _ =	vpop (xrf0)  }
0x32b: {  	(v2sf) =	vpush v33, $0xF;
	_ =	sdelay $0xe  }
0x32c: {  	s1 =	spop (v2sf)  }
0x32d: {  	p0 =	sgt.f32 s1, $0.0e+00;
	_ =	sdelay $0x1  }
0x32e: {  	s1 =	sadd.s32 @p0 $0xFFFFFFC0, s31;
	v33 =	vlaneseq.u32 @p0  }
0x32f: {  	v34 =	vor.u32 @p0 s1, v33  }
0x330: {  	(xrf1) =	vsort.ascd.msk.f32 @p0 $0xffff, v30, v34;
	_ =	sdelay $0xb  }
0x331: {  	v30 =	vmul.u32 @p0 $0xFFFFFFFF, v33;
	_ =	sdelay $0x1  }
0x332: {  	v30 =	vadd.s32 @p0 $0xF, v30;
	v33, v34, _ =	vpop @p0 (xrf1)  }
0x333: {  	v33 =	vperm.xlane @p0 v33, v30  }
0x334: {  	v16 =	vpsel p1, v31, v16;
	v30 =	vperm.xlane @p0 v34, v30  }
0x335: {  	v15 =	vpsel p1, v32, v15;
	vm0 =	vge.f32 @p0 v16, v33  }
0x336: {  	v31 =	vsel @p0 vm0, v16, v33;
	v30 =	vsel @p0 vm0, v15, v30  }
0x337: {  	(xrf1) =	vsort.ascd.msk.f32 @p0 $0xffff, v31, v30;
	_ =	sdelay $0xd  }
0x338: {  	v30, v31, _ =	vpop @p0 (xrf1)  }
0x339: {  	v32 =	vbroadcast @p0 v30, $0x8;
	_ =	sdelay $0x1  }
0x33a: {  	v27 =	vpsel p0, v32, v27  }
0x33b: {  	vm12 =	vgt.f32 v29, v27  }
0x33c: {  	v61 =	vsel vm12, $0x3F800000, v2  }
0x33d: {  	(xrf0) =	vmax.scan.msk.f32 $0xffff, v61;
	_ =	sdelay $0x5  }
0x33e: {  	v32, _, _ =	vpop (xrf0)  }
0x33f: {  	(v2sf) =	vpush v32, $0xF;
	_ =	sdelay $0xe  }
0x340: {  	s1 =	spop (v2sf)  }
0x341: {  	p1 =	sgt.f32 s1, $0.0e+00;
	_ =	sdelay $0x1  }
0x342: {  	s1 =	sadd.s32 @p1 $0xFFFFFFD0, s31;
	v32 =	vlaneseq.u32 @p1  }
0x343: {  	v33 =	vor.u32 @p1 s1, v32  }
0x344: {  	(xrf1) =	vsort.ascd.msk.f32 @p1 $0xffff, v29, v33;
	_ =	sdelay $0xb  }
0x345: {  	v29 =	vmul.u32 @p1 $0xFFFFFFFF, v32;
	_ =	sdelay $0x1  }
0x346: {  	v29 =	vadd.s32 @p1 $0xF, v29;
	v32, v33, _ =	vpop @p1 (xrf1)  }
0x347: {  	v32 =	vperm.xlane @p1 v32, v29  }
0x348: {  	v16 =	vpsel p0, v30, v16;
	v29 =	vperm.xlane @p1 v33, v29  }
0x349: {  	v15 =	vpsel p0, v31, v15;
	vm0 =	vge.f32 @p1 v16, v32  }
0x34a: {  	v30 =	vsel @p1 vm0, v16, v32;
	v29 =	vsel @p1 vm0, v15, v29  }
0x34b: {  	(xrf1) =	vsort.ascd.msk.f32 @p1 $0xffff, v30, v29;
	_ =	sdelay $0xd  }
0x34c: {  	v29, v30, _ =	vpop @p1 (xrf1)  }
0x34d: {  	v31 =	vbroadcast @p1 v29, $0x8;
	_ =	sdelay $0x1  }
0x34e: {  	v27 =	vpsel p1, v31, v27  }
0x34f: {  	vm13 =	vgt.f32 v28, v27  }
0x350: {  	v62 =	vsel vm13, $0x3F800000, v2  }
0x351: {  	(xrf0) =	vmax.scan.msk.f32 $0xffff, v62;
	_ =	sdelay $0x5  }
0x352: {  	v31, _, _ =	vpop (xrf0)  }
0x353: {  	(v2sf) =	vpush v31, $0xF;
	_ =	sdelay $0xe  }
0x354: {  	s1 =	spop (v2sf)  }
0x355: {  	p0 =	sgt.f32 s1, $0.0e+00;
	_ =	sdelay $0x1  }
0x356: {  	s1 =	sadd.s32 @p0 $0xFFFFFFE0, s31;
	v31 =	vlaneseq.u32 @p0  }
0x357: {  	v32 =	vor.u32 @p0 s1, v31  }
0x358: {  	(xrf1) =	vsort.ascd.msk.f32 @p0 $0xffff, v28, v32;
	_ =	sdelay $0xb  }
0x359: {  	v28 =	vmul.u32 @p0 $0xFFFFFFFF, v31;
	_ =	sdelay $0x1  }
0x35a: {  	v28 =	vadd.s32 @p0 $0xF, v28;
	v31, v32, _ =	vpop @p0 (xrf1)  }
0x35b: {  	v31 =	vperm.xlane @p0 v31, v28  }
0x35c: {  	v16 =	vpsel p1, v29, v16;
	v28 =	vperm.xlane @p0 v32, v28  }
0x35d: {  	v15 =	vpsel p1, v30, v15;
	vm0 =	vge.f32 @p0 v16, v31  }
0x35e: {  	v29 =	vsel @p0 vm0, v16, v31;
	v28 =	vsel @p0 vm0, v15, v28  }
0x35f: {  	(xrf1) =	vsort.ascd.msk.f32 @p0 $0xffff, v29, v28;
	_ =	sdelay $0xd  }
0x360: {  	v28, v29, _ =	vpop @p0 (xrf1)  }
0x361: {  	v30 =	vbroadcast @p0 v28, $0x8;
	_ =	sdelay $0x1  }
0x362: {  	v27 =	vpsel p0, v30, v27  }
0x363: {  	vm14 =	vgt.f32 v26, v27  }
0x364: {  	v63 =	vsel vm14, $0x3F800000, v2  }
0x365: {  	(xrf0) =	vmax.scan.msk.f32 $0xffff, v63;
	_ =	sdelay $0x5  }
0x366: {  	v30, _, _ =	vpop (xrf0)  }
0x367: {  	(v2sf) =	vpush v30, $0xF;
	_ =	sdelay $0xe  }
0x368: {  	s1 =	spop (v2sf)  }
0x369: {  	p1 =	sgt.f32 s1, $0.0e+00;
	_ =	sdelay $0x1  }
0x36a: {  	s1 =	sadd.s32 @p1 $0xFFFFFFF0, s31;
	v30 =	vlaneseq.u32 @p1  }
0x36b: {  	v31 =	vor.u32 @p1 s1, v30  }
0x36c: {  	(xrf1) =	vsort.ascd.msk.f32 @p1 $0xffff, v26, v31;
	_ =	sdelay $0xb  }
0x36d: {  	v26 =	vmul.u32 @p1 $0xFFFFFFFF, v30;
	_ =	sdelay $0x1  }
0x36e: {  	v26 =	vadd.s32 @p1 $0xF, v26;
	v30, v31, _ =	vpop @p1 (xrf1)  }
0x36f: {  	v30 =	vperm.xlane @p1 v30, v26  }
0x370: {  	v16 =	vpsel p0, v28, v16;
	v26 =	vperm.xlane @p1 v31, v26  }
0x371: {  	v15 =	vpsel p0, v29, v15;
	vm0 =	vge.f32 @p1 v16, v30  }
0x372: {  	v28 =	vsel @p1 vm0, v16, v30;
	v26 =	vsel @p1 vm0, v15, v26  }
0x373: {  	(xrf1) =	vsort.ascd.msk.f32 @p1 $0xffff, v28, v26;
	_ =	sdelay $0xd  }
0x374: {  	v26, v28, _ =	vpop @p1 (xrf1)  }
0x375: {  	v29 =	vbroadcast @p1 v26, $0x8;
	_ =	sdelay $0x1  }
0x376: {  	v27 =	vpsel p1, v29, v27  }
0x377: {  	vm15 =	vgt.f32 v17, v27  }
0x378: {  	v29 =	vsel vm15, $0x3F800000, v2  }
0x379: {  	(xrf0) =	vmax.scan.msk.f32 $0xffff, v29;
	_ =	sdelay $0x5  }
0x37a: {  	v29, _, _ =	vpop (xrf0)  }
0x37b: {  	(v2sf) =	vpush v29, $0xF;
	_ =	sdelay $0xe  }
0x37c: {  	s1 =	spop (v2sf)  }
0x37d: {  	p0 =	sgt.f32 s1, $0.0e+00;
	_ =	sdelay $0x1  }
0x37e: {  	v29 =	vlaneseq.u32 @p0  }
0x37f: {  	v30 =	vor.u32 @p0 s31, v29  }
0x380: {  	(xrf1) =	vsort.ascd.msk.f32 @p0 $0xffff, v17, v30;
	_ =	sdelay $0xb  }
0x381: {  	v17 =	vmul.u32 @p0 $0xFFFFFFFF, v29;
	_ =	sdelay $0x1  }
0x382: {  	v17 =	vadd.s32 @p0 $0xF, v17;
	v29, v30, _ =	vpop @p0 (xrf1)  }
0x383: {  	v29 =	vperm.xlane @p0 v29, v17  }
0x384: {  	v16 =	vpsel p1, v26, v16;
	v17 =	vperm.xlane @p0 v30, v17  }
0x385: {  	v15 =	vpsel p1, v28, v15;
	vm0 =	vge.f32 @p0 v16, v29  }
0x386: {  	v26 =	vsel @p0 vm0, v16, v29;
	v17 =	vsel @p0 vm0, v15, v17  }
0x387: {  	(xrf1) =	vsort.ascd.msk.f32 @p0 $0xffff, v26, v17;
	_ =	sdelay $0xc  }
.Ltmp18:
0x388: {  	_ = 	snop;
	(pc) =	sbr.rel .LBB2_18-.Ltmp18, $3  }
0x389: {  	v17, v26, _ =	vpop @p0 (xrf1)  }
0x38a: {  	v28 =	vbroadcast @p0 v17, $0x8;
	_ =	sdelay $0x1  }
0x38b: {  	v16 =	vpsel p0, v17, v16;
	v15 =	vpsel p0, v26, v15;
	v27 =	vpsel p0, v28, v27  }
.LBB2_22:
0x38c: {  	_ =	sfence.sel $0x180000  }
0x38d: {  	[bflag:$0x0] =	sbarrier.arrive $0xFFFF  }
0x38e: {  	_ =	strace $0x90000047  }
0x38f: {  	[bflag:$0x2] =	sbarrier.arrive $0xFFFF  }
0x390: {  	p0 =	sne.s32 s0, $0x0;
	s0 =	rddreg [dreg:$0x1]  }
0x391: {  	s0 =	sadd.s32 @!p0 $0x100000, s0  }
0x392: {  	[sflag:s0] =	ssyncadd.tile.s32 @!p0 $0x1;
	_ =	shalt  }
.Lfunc_end2:
_tile_overlayer_lowered:
.L_overlay_start_2:
0x393: {  	(tag) =	ssettag $0x2  }
0x394: {  	s0 =	rddreg [dreg:$0x0];
	s2 =	stileid.u32  }
0x395: {  	s1 =	rddreg [dreg:$0x1];
	p0 =	sne.s32 s2, $0x0  }
0x396: {  	s3 =	rddreg [dreg:$0x2];
	[bflag:$0x3] =	sbarrier.arrive $0xFFFF;
	s2 =	simm.s32 @!p0 $0x1C03  }
0x397: {  	[timem:s3], [sflag:s2] =	dma.local @!p0 [hbm:s0], s1  }
0x398: {  	s0 =	simm.s32 @!p0 $0x3  }
0x399: {  	_ =	swait.ge @!p0 [sflag:s0], s1  }
0x39a: {  	s1 =	ssub.s32 @!p0 $0x0, s1;
	[sflag:s0] =	ssyncset.done @!p0 $0x0  }
0x39b: {  	[sflag:s0] =	ssyncadd.s32 @!p0 s1  }
0x39c: {  	[bflag:$0x3] =	sbarrier.arrive $0xFFFF  }
0x39d: {  	_ =	shalt  }

</sc_bundles>
